<compile_context>
chip_gen: v7x
topology: tpu7x:2x2x1
jax: 0.10.2.dev20260603
libtpu: 0.0.44.dev20260713+nightly
codegen_flags: <defaults>
</compile_context>

<pallas_src>
import functools

import jax
import jax.numpy as jnp
from jax import lax
from jax.experimental import pallas as pl
from jax.experimental.pallas import tpu as pltpu
from jax.experimental.pallas import tpu_sc as plsc

CAP_FACTOR = 0.5
AUX_W = 0.01
EPS = 1e-9

STC = 3584
TC_CHUNK = 1792
SC_TB = 16
SC_WORKERS_PER_B = 8


def _tc_logits_body(h_ref, w_ref, out_ref):
    x = h_ref[0].astype(jnp.bfloat16).astype(jnp.float32)
    w = w_ref[...].astype(jnp.bfloat16).astype(jnp.float32)
    out_ref[0, 0, :] = jnp.sum(x * w, axis=-1)


def _bf16_round(x):
    u = lax.bitcast_convert_type(x, jnp.int32)
    lsb = lax.shift_right_logical(u, 16) & jnp.int32(1)
    u = (u + jnp.int32(0x7FFF) + lsb) & jnp.int32(~0xFFFF)
    return lax.bitcast_convert_type(u, jnp.float32)


def _sc_logits_body(h_ref, w_ref, out_ref, xbuf0, xbuf1, wbuf, obuf, rbuf,
                    sem0, sem1, *, sdim, d, stc, ssc, seg, tb):
    wid = lax.axis_index("s") * 2 + lax.axis_index("c")
    bidx = wid // SC_WORKERS_PER_B
    jidx = wid % SC_WORKERS_PER_B
    row0 = bidx * sdim + stc + jidx * seg
    obase = bidx * ssc + jidx * seg

    pltpu.sync_copy(w_ref, wbuf)

    def _wround(j, carry):
        wv = wbuf[pl.ds(j * 16, 16)]
        wbuf[pl.ds(j * 16, 16)] = _bf16_round(wv)
        return carry

    lax.fori_loop(0, d // 16, _wround, 0)

    bufs = (xbuf0, xbuf1)
    sems = (sem0, sem1)
    nblk = seg // tb

    def _copy(blk):
        slot = blk % 2
        src = h_ref.at[pl.ds(row0 + blk * tb, tb)]
        return pltpu.make_async_copy(src, bufs[slot], sems[slot])

    lane_iota = lax.iota(jnp.int32, 16)

    def _lane_total(x):
        for sh in (8, 4, 2, 1):
            rbuf[...] = x
            idx = jnp.bitwise_and(lane_iota + sh, 15)
            x = x + plsc.load_gather(rbuf, [idx])
        return x

    def _compute_block(buf, blk):
        def gbody(g, sums):
            t0 = g * 4

            def jbody(jj, accs):
                a0, a1, a2, a3 = accs
                for u in range(4):
                    off = jj * 64 + u * 16
                    wv = wbuf[pl.ds(off, 16)]
                    xs = []
                    for t in range(4):
                        xv = _bf16_round(buf[t0 + t, pl.ds(off, 16)])
                        xs.append(xv * wv)
                    a0 += xs[0]
                    a1 += xs[1]
                    a2 += xs[2]
                    a3 += xs[3]
                return (a0, a1, a2, a3)

            z = jnp.zeros((16,), jnp.float32)
            accs = lax.fori_loop(0, d // 64, jbody, (z, z, z, z))
            for t in range(4):
                tot = _lane_total(accs[t])
                sums = jnp.where(lane_iota == t0 + t, tot, sums)
            return sums

        sums = lax.fori_loop(0, tb // 4, gbody, jnp.zeros((16,), jnp.float32))
        obuf[pl.ds(blk * tb, 16)] = sums

    _copy(0).start()
    for blk in range(nblk):
        if blk + 1 < nblk:
            _copy(blk + 1).start()
        _copy(blk).wait()
        _compute_block(bufs[blk % 2], blk)

    pltpu.sync_copy(obuf, out_ref.at[pl.ds(obase, seg)])


def _select_body(lt_ref, ls_ref, b_ref, probs_ref, mask_ref, aux_ref, *, k, s):
    lt = lt_ref[:, 0, :]
    ls = ls_ref[...]
    logits = jnp.concatenate([lt, ls], axis=1) + b_ref[0, 0]
    nb = logits.shape[0]

    ibits = lax.bitcast_convert_type(logits, jnp.int32)
    skey = jnp.where(ibits < 0, ibits ^ jnp.int32(0x7FFFFFFF), ibits)
    ukey = lax.bitcast_convert_type(skey, jnp.uint32) ^ jnp.uint32(0x80000000)

    def _bit_step(t, T):
        cand = T | lax.shift_left(jnp.uint32(1), jnp.uint32(31 - t))
        cnt = jnp.sum((ukey >= cand).astype(jnp.int32), axis=1, keepdims=True)
        return jnp.where(cnt >= k, cand, T)

    T = lax.fori_loop(0, 32, _bit_step, jnp.zeros((nb, 1), jnp.uint32))

    gt = ukey > T
    eq = ukey == T
    r = k - jnp.sum(gt.astype(jnp.int32), axis=1, keepdims=True)
    idx = lax.broadcasted_iota(jnp.int32, logits.shape, 1)

    def _lb_step(_, lo_hi):
        lo, hi = lo_hi
        mid = (lo + hi) // 2
        cnt = jnp.sum((eq & (idx < mid)).astype(jnp.int32), axis=1,
                      keepdims=True)
        take_hi = cnt >= r
        return (jnp.where(take_hi, lo, mid + 1), jnp.where(take_hi, mid, hi))

    _, m = lax.fori_loop(0, 13, _lb_step,
                         (jnp.zeros((nb, 1), jnp.int32),
                          jnp.full((nb, 1), s, jnp.int32)))

    sel = gt | (eq & (idx < m))
    mask_f = sel.astype(jnp.float32)
    probs = jax.nn.sigmoid(logits)
    bce = -(mask_f * jnp.log(probs + EPS)
            + (1.0 - mask_f) * jnp.log(1.0 - probs + EPS))
    aux = AUX_W * jnp.mean(bce, axis=1)
    probs_ref[...] = probs
    mask_ref[...] = mask_f
    aux_ref[...] = jnp.broadcast_to(aux[:, None], aux_ref.shape)


@jax.jit
def kernel(hidden, router_weight, router_bias):
    b, s, d = hidden.shape
    k = int(s * CAP_FACTOR)
    stc = STC
    ssc = s - stc
    seg = ssc // SC_WORKERS_PER_B
    tb = SC_TB

    w1 = router_weight.astype(jnp.float32)
    w2 = w1.reshape(1, d)
    b2 = jnp.asarray(router_bias, jnp.float32).reshape(1, 1)
    h2 = hidden.reshape(b * s, d)

    mesh = plsc.VectorSubcoreMesh(core_axis_name="c", subcore_axis_name="s",
                                  num_cores=2, num_subcores=16)
    sc_logits = pl.kernel(
        functools.partial(_sc_logits_body, sdim=s, d=d, stc=stc, ssc=ssc,
                          seg=seg, tb=tb),
        out_type=jax.ShapeDtypeStruct((b * ssc,), jnp.float32),
        mesh=mesh,
        scratch_types=[
            pltpu.VMEM((tb, d), jnp.float32),
            pltpu.VMEM((tb, d), jnp.float32),
            pltpu.VMEM((d,), jnp.float32),
            pltpu.VMEM((seg,), jnp.float32),
            pltpu.VMEM((16,), jnp.float32),
            pltpu.SemaphoreType.DMA,
            pltpu.SemaphoreType.DMA,
        ],
        compiler_params=pltpu.CompilerParams(needs_layout_passes=False),
    )
    ls = sc_logits(h2, w1).reshape(b, ssc)

    lt = pl.pallas_call(
        _tc_logits_body,
        grid=(b, stc // TC_CHUNK),
        in_specs=[
            pl.BlockSpec((1, TC_CHUNK, d), lambda i, c: (i, c, 0)),
            pl.BlockSpec((1, d), lambda i, c: (0, 0)),
        ],
        out_specs=pl.BlockSpec((1, 1, TC_CHUNK), lambda i, c: (i, 0, c)),
        out_shape=jax.ShapeDtypeStruct((b, 1, stc), jnp.float32),
        compiler_params=pltpu.CompilerParams(
            dimension_semantics=("arbitrary", "arbitrary")),
    )(hidden, w2)

    probs, mask, aux2 = pl.pallas_call(
        functools.partial(_select_body, k=k, s=s),
        out_shape=[
            jax.ShapeDtypeStruct((b, s), jnp.float32),
            jax.ShapeDtypeStruct((b, s), jnp.float32),
            jax.ShapeDtypeStruct((b, 128), jnp.float32),
        ],
    )(lt, ls, b2)

    return probs, mask, aux2[:, 0]

# --- scband reference (transcript-rebuilt; emitter-appended) ---
"""Pipeline reference for scband-mo-drouter-18356690223154 (READ-ONLY COPY).

The authoritative reference and input builder live on the scoring server;
editing this copy changes nothing except your own understanding.
"""

import jax, jax.numpy as jnp
import numpy as np

CAPACITY_FACTOR = 0.5
USE_AUXILIARY_LOSS = True
AUX_LOSS_WEIGHT = 0.01
B, S, D = 4, 4096, 2048


def setup_inputs(seed: int = 0) -> dict:
    key = jax.random.key(seed)
    k1, k2 = jax.random.split(key)
    hidden = jax.random.normal(k1, (B, S, D), dtype=jnp.float32)
    # glorot_uniform for shape (D,): fan_in=D, fan_out=1
    limit = float(np.sqrt(6.0 / (D + 1)))
    router_weight = jax.random.uniform(k2, (D,), minval=-limit, maxval=limit, dtype=jnp.float32)
    router_bias = jnp.zeros((), dtype=jnp.float32)
    return {"hidden": hidden, "router_weight": router_weight, "router_bias": router_bias}


def reference(hidden, router_weight, router_bias):
    # Router logits: per-token scalar score
    logits = jnp.einsum('bsd,d->bs', hidden, router_weight) + router_bias  # [B, S]
    router_probs = jax.nn.sigmoid(logits)  # [B, S]

    # Capacity budget: select top-k tokens per sequence
    seq_len = hidden.shape[1]
    k = int(seq_len * CAPACITY_FACTOR)
    _, top_idx = jax.lax.top_k(router_probs, k)  # [B, k]

    # Build binary selection mask via scatter-overwrite
    mask0 = jnp.zeros(router_probs.shape, dtype=hidden.dtype)
    selected_mask = jax.vmap(lambda m, i: m.at[i].set(1.0))(mask0, top_idx)  # [B, S]

    if USE_AUXILIARY_LOSS:
        # Load-balancing / router auxiliary BCE loss against the selection mask,
        # one scalar per batch element.
        eps = 1e-9
        tgt = jax.lax.stop_gradient(selected_mask)
        bce = -(tgt * jnp.log(router_probs + eps) + (1.0 - tgt) * jnp.log(1.0 - router_probs + eps))
        auxiliary_loss = AUX_LOSS_WEIGHT * jnp.mean(bce, axis=1)  # [B]
    else:
        auxiliary_loss = jnp.zeros((hidden.shape[0],), dtype=hidden.dtype)

    return router_probs, selected_mask, auxiliary_loss

if __name__ == "__main__":
    import jax
    _d = setup_inputs()
    print(jax.jit(kernel)(*tuple(_d.values())))

</pallas_src>

<mosaic_0001>
#map = affine_map<(d0, d1) -> (0, 0)>
#map1 = affine_map<(d0, d1) -> (0)>
module attributes {stable_mosaic.version = 14 : i64} {
  func.func @_sc_logits_body(%arg0: i32, %arg1: i32, %arg2: memref<16384x2048xf32, #tpu.memory_space<hbm>>, %arg3: memref<2048xf32, #tpu.memory_space<hbm>>, %arg4: memref<2048xf32, #tpu.memory_space<hbm>>, %arg5: memref<16x2048xf32, #tpu.memory_space<vmem>>, %arg6: memref<16x2048xf32, #tpu.memory_space<vmem>>, %arg7: memref<2048xf32, #tpu.memory_space<vmem>>, %arg8: memref<64xf32, #tpu.memory_space<vmem>>, %arg9: memref<16xf32, #tpu.memory_space<vmem>>, %arg10: memref<!tpu.dma_semaphore, #tpu.memory_space<semaphore_mem>>, %arg11: memref<!tpu.dma_semaphore, #tpu.memory_space<semaphore_mem>>) attributes {dimension_semantics = [#tpu.dimension_semantics<core_parallel>, #tpu.dimension_semantics<subcore_parallel>], iteration_bounds = array<i64: 2, 16>, scalar_prefetch = 0 : i64, scratch_operands = 7 : i64, tpu.core_type = #tpu.core_type<sc_vector_subcore>, window_params = [{transform_indices = #map}, {transform_indices = #map1}, {transform_indices = #map1}]} {
    %mul3A = arith.constant 2 : i32
    %mul3A_0 = arith.muli %arg1, %mul3A : i32
    %add3A = arith.addi %mul3A_0, %arg0 : i32
    %jit3A = arith.constant 8 : i32
    %div3A = arith.divsi %add3A, %jit3A : i32
    %sign3A = arith.constant 0 : i32
    %sign3A_1 = arith.cmpi sgt, %add3A, %sign3A : i32
    %sign3A_2 = arith.extui %sign3A_1 : i1 to i32
    %sign3A_3 = arith.constant 0 : i32
    %sign3A_4 = arith.cmpi slt, %add3A, %sign3A_3 : i32
    %sign3A_5 = arith.extui %sign3A_4 : i1 to i32
    %sign3A_6 = arith.subi %sign3A_2, %sign3A_5 : i32
    %sign3A_7 = arith.constant 0 : i32
    %sign3A_8 = arith.cmpi sgt, %jit3A, %sign3A_7 : i32
    %sign3A_9 = arith.extui %sign3A_8 : i1 to i32
    %sign3A_10 = arith.constant 0 : i32
    %sign3A_11 = arith.cmpi slt, %jit3A, %sign3A_10 : i32
    %sign3A_12 = arith.extui %sign3A_11 : i1 to i32
    %sign3A_13 = arith.subi %sign3A_9, %sign3A_12 : i32
    %ne3A = arith.cmpi ne, %sign3A_6, %sign3A_13 : i32
    %rem3A = arith.remsi %add3A, %jit3A : i32
    %ne3A_14 = arith.constant 0 : i32
    %ne3A_15 = arith.cmpi ne, %rem3A, %ne3A_14 : i32
    %and3A = arith.andi %ne3A, %ne3A_15 : i1
    %sub3A = arith.constant 1 : i32
    %sub3A_16 = arith.subi %div3A, %sub3A : i32
    %select_n3A = arith.select %and3A, %sub3A_16, %div3A : i32
    %jit3A_17 = arith.constant 8 : i32
    %eq3A = arith.constant 0 : i32
    %eq3A_18 = arith.cmpi eq, %jit3A_17, %eq3A : i32
    %jit3A_19 = arith.constant 1 : i32
    %select_n3A_20 = arith.select %eq3A_18, %jit3A_19, %jit3A_17 : i32
    %rem3A_21 = arith.remsi %add3A, %select_n3A_20 : i32
    %ne3A_22 = arith.constant 0 : i32
    %ne3A_23 = arith.cmpi ne, %rem3A_21, %ne3A_22 : i32
    %lt3A = arith.constant 0 : i32
    %lt3A_24 = arith.cmpi slt, %rem3A_21, %lt3A : i32
    %lt3A_25 = arith.constant 0 : i32
    %lt3A_26 = arith.cmpi slt, %select_n3A_20, %lt3A_25 : i32
    %ne3A_27 = arith.xori %lt3A_24, %lt3A_26 : i1
    %and3A_28 = arith.andi %ne3A_27, %ne3A_23 : i1
    %add3A_29 = arith.addi %rem3A_21, %select_n3A_20 : i32
    %select_n3A_30 = arith.select %and3A_28, %add3A_29, %rem3A_21 : i32
    %mul3A_31 = arith.constant 4096 : i32
    %mul3A_32 = arith.muli %select_n3A, %mul3A_31 : i32
    %add3A_33 = arith.constant 3584 : i32
    %add3A_34 = arith.addi %mul3A_32, %add3A_33 : i32
    %mul3A_35 = arith.constant 64 : i32
    %mul3A_36 = arith.muli %select_n3A_30, %mul3A_35 : i32
    %add3A_37 = arith.addi %add3A_34, %mul3A_36 : i32
    %mul3A_38 = arith.constant 512 : i32
    %mul3A_39 = arith.muli %select_n3A, %mul3A_38 : i32
    %mul3A_40 = arith.constant 64 : i32
    %mul3A_41 = arith.muli %select_n3A_30, %mul3A_40 : i32
    %add3A_42 = arith.addi %mul3A_39, %mul3A_41 : i32
    "tpu.region"() ({
      %run_scoped3A = tpu.sem_alloc : memref<!tpu.dma_semaphore, #tpu.memory_space<semaphore_mem>>
      tpu.enqueue_dma source(%arg3 : memref<2048xf32, #tpu.memory_space<hbm>>) target(%arg7 : memref<2048xf32, #tpu.memory_space<vmem>>) target_semaphore(%run_scoped3A : memref<!tpu.dma_semaphore, #tpu.memory_space<semaphore_mem>>)
      tpu.wait_dma2 semaphore(%run_scoped3A : memref<!tpu.dma_semaphore, #tpu.memory_space<semaphore_mem>>) src(%arg3 : memref<2048xf32, #tpu.memory_space<hbm>>) dst(%arg7 : memref<2048xf32, #tpu.memory_space<vmem>>)
      tpu.yield
    }) : () -> ()
    %scan3A = arith.constant 0 : i32
    %scan3A_43 = arith.constant 0 : i32
    %scan3A_44 = arith.constant 128 : i32
    %scan3A_45 = arith.addi %scan3A_43, %scan3A_44 : i32
    %scan3A_46 = arith.constant 1 : i32
    scf.for %scan3A_132 = %scan3A_43 to %scan3A_45 step %scan3A_46  : i32 {
      %mul3A_133 = arith.constant 16 : i32
      %mul3A_134 = arith.muli %scan3A_132, %mul3A_133 : i32
      %get3A = arith.index_cast %mul3A_134 : i32 to index
      %get3A_135 = tpu.vector_load %arg7[%get3A] {strides = array<i32>} : memref<2048xf32, #tpu.memory_space<vmem>>, vector<16xf32>,
      %bitcast_convert_type3A = tpu.bitcast %get3A_135 : vector<16xf32> -> vector<16xi32>
      %shift_right_logical3A = arith.constant 16 : i32
      %shift_right_logical3A_136 = vector.broadcast %shift_right_logical3A : i32 to vector<16xi32>
      %shift_right_logical3A_137 = arith.shrui %bitcast_convert_type3A, %shift_right_logical3A_136 : vector<16xi32>
      %and3A_138 = arith.constant 1 : i32
      %and3A_139 = vector.broadcast %and3A_138 : i32 to vector<16xi32>
      %and3A_140 = arith.andi %shift_right_logical3A_137, %and3A_139 : vector<16xi32>
      %add3A_141 = arith.constant 32767 : i32
      %add3A_142 = vector.broadcast %add3A_141 : i32 to vector<16xi32>
      %add3A_143 = arith.addi %bitcast_convert_type3A, %add3A_142 : vector<16xi32>
      %add3A_144 = arith.addi %add3A_143, %and3A_140 : vector<16xi32>
      %and3A_145 = arith.constant -65536 : i32
      %and3A_146 = vector.broadcast %and3A_145 : i32 to vector<16xi32>
      %and3A_147 = arith.andi %add3A_144, %and3A_146 : vector<16xi32>
      %bitcast_convert_type3A_148 = tpu.bitcast %and3A_147 : vector<16xi32> -> vector<16xf32>
      %mul3A_149 = arith.constant 16 : i32
      %mul3A_150 = arith.muli %scan3A_132, %mul3A_149 : i32
      %swap3A_151 = arith.index_cast %mul3A_150 : i32 to index
      %swap3A_152 = tpu.vector_load %arg7[%swap3A_151] {strides = array<i32>} : memref<2048xf32, #tpu.memory_space<vmem>>, vector<16xf32>,
      tpu.vector_store %arg7[%swap3A_151], %bitcast_convert_type3A_148 {strides = array<i32>} : memref<2048xf32, #tpu.memory_space<vmem>>, vector<16xf32>,
    }
    %scan3A_47 = arith.constant 128 : i32
    %iota3A = tpu.iota {dimensions = array<i32: 0>} : vector<16xi32>
    %add3A_48 = arith.constant 0 : i32
    %add3A_49 = arith.addi %add3A_37, %add3A_48 : i32
    %dma_start3A = arith.constant 0 : i32
    %dma_start3A_50 = tpu.memref_slice %arg2[%add3A_49, %dma_start3A] : memref<16384x2048xf32, #tpu.memory_space<hbm>> -> memref<16x2048xf32, #tpu.memory_space<hbm>>
    %dma_start3A_51 = arith.constant 0 : i32
    %dma_start3A_52 = tpu.memref_slice %arg2[%add3A_49, %dma_start3A_51] : memref<16384x2048xf32, #tpu.memory_space<hbm>> -> memref<16x2048xf32, #tpu.memory_space<hbm>>
    tpu.enqueue_dma source(%dma_start3A_52 : memref<16x2048xf32, #tpu.memory_space<hbm>>) target(%arg5 : memref<16x2048xf32, #tpu.memory_space<vmem>>) target_semaphore(%arg10 : memref<!tpu.dma_semaphore, #tpu.memory_space<semaphore_mem>>)
    %add3A_53 = arith.constant 16 : i32
    %add3A_54 = arith.addi %add3A_37, %add3A_53 : i32
    %dma_start3A_55 = arith.constant 0 : i32
    %dma_start3A_56 = tpu.memref_slice %arg2[%add3A_54, %dma_start3A_55] : memref<16384x2048xf32, #tpu.memory_space<hbm>> -> memref<16x2048xf32, #tpu.memory_space<hbm>>
    %dma_start3A_57 = arith.constant 0 : i32
    %dma_start3A_58 = tpu.memref_slice %arg2[%add3A_54, %dma_start3A_57] : memref<16384x2048xf32, #tpu.memory_space<hbm>> -> memref<16x2048xf32, #tpu.memory_space<hbm>>
    tpu.enqueue_dma source(%dma_start3A_58 : memref<16x2048xf32, #tpu.memory_space<hbm>>) target(%arg6 : memref<16x2048xf32, #tpu.memory_space<vmem>>) target_semaphore(%arg11 : memref<!tpu.dma_semaphore, #tpu.memory_space<semaphore_mem>>)
    %add3A_59 = arith.constant 0 : i32
    %add3A_60 = arith.addi %add3A_37, %add3A_59 : i32
    %dma_wait3A = arith.constant 0 : i32
    %dma_wait3A_61 = tpu.memref_slice %arg2[%add3A_60, %dma_wait3A] : memref<16384x2048xf32, #tpu.memory_space<hbm>> -> memref<16x2048xf32, #tpu.memory_space<hbm>>
    %dma_wait3A_62 = arith.constant 0 : i32
    %dma_wait3A_63 = tpu.memref_slice %arg2[%add3A_60, %dma_wait3A_62] : memref<16384x2048xf32, #tpu.memory_space<hbm>> -> memref<16x2048xf32, #tpu.memory_space<hbm>>
    tpu.wait_dma2 semaphore(%arg10 : memref<!tpu.dma_semaphore, #tpu.memory_space<semaphore_mem>>) src(%dma_wait3A_63 : memref<16x2048xf32, #tpu.memory_space<hbm>>) dst(%arg5 : memref<16x2048xf32, #tpu.memory_space<vmem>>)
    %broadcast_in_dim3A = arith.constant 0.000000e+00 : f32
    %broadcast_in_dim3A_64 = vector.broadcast %broadcast_in_dim3A : f32 to vector<16xf32>
    %scan3A_65 = arith.constant 0 : i32
    %scan3A_66 = arith.constant 4 : i32
    %scan3A_67 = arith.addi %scan3A_65, %scan3A_66 : i32
    %scan3A_68 = arith.constant 1 : i32
    %scan3A_69 = scf.for %scan3A_132 = %scan3A_65 to %scan3A_67 step %scan3A_68 iter_args(%scan3A_133 = %broadcast_in_dim3A_64) -> (vector<16xf32>)  : i32 {
      %mul3A_134 = arith.constant 4 : i32
      %mul3A_135 = arith.muli %scan3A_132, %mul3A_134 : i32
      %broadcast_in_dim3A_136 = arith.constant 0.000000e+00 : f32
      %broadcast_in_dim3A_137 = vector.broadcast %broadcast_in_dim3A_136 : f32 to vector<16xf32>
      %scan3A_138 = arith.constant 0 : i32
      %scan3A_139 = arith.constant 32 : i32
      %scan3A_140 = arith.addi %scan3A_138, %scan3A_139 : i32
      %scan3A_141 = arith.constant 1 : i32
      %scan3A_142:4 = scf.for %scan3A_323 = %scan3A_138 to %scan3A_140 step %scan3A_141 iter_args(%scan3A_324 = %broadcast_in_dim3A_137, %scan3A_325 = %broadcast_in_dim3A_137, %scan3A_326 = %broadcast_in_dim3A_137, %scan3A_327 = %broadcast_in_dim3A_137) -> (vector<16xf32>, vector<16xf32>, vector<16xf32>, vector<16xf32>)  : i32 {
        %mul3A_328 = arith.constant 64 : i32
        %mul3A_329 = arith.muli %scan3A_323, %mul3A_328 : i32
        %add3A_330 = arith.constant 0 : i32
        %add3A_331 = arith.addi %mul3A_329, %add3A_330 : i32
        %get3A = arith.index_cast %add3A_331 : i32 to index
        %get3A_332 = tpu.vector_load %arg7[%get3A] {strides = array<i32>} : memref<2048xf32, #tpu.memory_space<vmem>>, vector<16xf32>,
        %add3A_333 = arith.constant 0 : i32
        %add3A_334 = arith.addi %mul3A_135, %add3A_333 : i32
        %get3A_335 = arith.index_cast %add3A_334 : i32 to index
        %get3A_336 = arith.index_cast %add3A_331 : i32 to index
        %get3A_337 = tpu.vector_load %arg5[%get3A_335, %get3A_336] {strides = array<i32>} : memref<16x2048xf32, #tpu.memory_space<vmem>>, vector<16xf32>,
        %bitcast_convert_type3A = tpu.bitcast %get3A_337 : vector<16xf32> -> vector<16xi32>
        %shift_right_logical3A = arith.constant 16 : i32
        %shift_right_logical3A_338 = vector.broadcast %shift_right_logical3A : i32 to vector<16xi32>
        %shift_right_logical3A_339 = arith.shrui %bitcast_convert_type3A, %shift_right_logical3A_338 : vector<16xi32>
        %and3A_340 = arith.constant 1 : i32
        %and3A_341 = vector.broadcast %and3A_340 : i32 to vector<16xi32>
        %and3A_342 = arith.andi %shift_right_logical3A_339, %and3A_341 : vector<16xi32>
        %add3A_343 = arith.constant 32767 : i32
        %add3A_344 = vector.broadcast %add3A_343 : i32 to vector<16xi32>
        %add3A_345 = arith.addi %bitcast_convert_type3A, %add3A_344 : vector<16xi32>
        %add3A_346 = arith.addi %add3A_345, %and3A_342 : vector<16xi32>
        %and3A_347 = arith.constant -65536 : i32
        %and3A_348 = vector.broadcast %and3A_347 : i32 to vector<16xi32>
        %and3A_349 = arith.andi %add3A_346, %and3A_348 : vector<16xi32>
        %bitcast_convert_type3A_350 = tpu.bitcast %and3A_349 : vector<16xi32> -> vector<16xf32>
        %mul3A_351 = arith.mulf %bitcast_convert_type3A_350, %get3A_332 : vector<16xf32>
        %add3A_352 = arith.constant 1 : i32
        %add3A_353 = arith.addi %mul3A_135, %add3A_352 : i32
        %get3A_354 = arith.index_cast %add3A_353 : i32 to index
        %get3A_355 = arith.index_cast %add3A_331 : i32 to index
        %get3A_356 = tpu.vector_load %arg5[%get3A_354, %get3A_355] {strides = array<i32>} : memref<16x2048xf32, #tpu.memory_space<vmem>>, vector<16xf32>,
        %bitcast_convert_type3A_357 = tpu.bitcast %get3A_356 : vector<16xf32> -> vector<16xi32>
        %shift_right_logical3A_358 = arith.constant 16 : i32
        %shift_right_logical3A_359 = vector.broadcast %shift_right_logical3A_358 : i32 to vector<16xi32>
        %shift_right_logical3A_360 = arith.shrui %bitcast_convert_type3A_357, %shift_right_logical3A_359 : vector<16xi32>
        %and3A_361 = arith.constant 1 : i32
        %and3A_362 = vector.broadcast %and3A_361 : i32 to vector<16xi32>
        %and3A_363 = arith.andi %shift_right_logical3A_360, %and3A_362 : vector<16xi32>
        %add3A_364 = arith.constant 32767 : i32
        %add3A_365 = vector.broadcast %add3A_364 : i32 to vector<16xi32>
        %add3A_366 = arith.addi %bitcast_convert_type3A_357, %add3A_365 : vector<16xi32>
        %add3A_367 = arith.addi %add3A_366, %and3A_363 : vector<16xi32>
        %and3A_368 = arith.constant -65536 : i32
        %and3A_369 = vector.broadcast %and3A_368 : i32 to vector<16xi32>
        %and3A_370 = arith.andi %add3A_367, %and3A_369 : vector<16xi32>
        %bitcast_convert_type3A_371 = tpu.bitcast %and3A_370 : vector<16xi32> -> vector<16xf32>
        %mul3A_372 = arith.mulf %bitcast_convert_type3A_371, %get3A_332 : vector<16xf32>
        %add3A_373 = arith.constant 2 : i32
        %add3A_374 = arith.addi %mul3A_135, %add3A_373 : i32
        %get3A_375 = arith.index_cast %add3A_374 : i32 to index
        %get3A_376 = arith.index_cast %add3A_331 : i32 to index
        %get3A_377 = tpu.vector_load %arg5[%get3A_375, %get3A_376] {strides = array<i32>} : memref<16x2048xf32, #tpu.memory_space<vmem>>, vector<16xf32>,
        %bitcast_convert_type3A_378 = tpu.bitcast %get3A_377 : vector<16xf32> -> vector<16xi32>
        %shift_right_logical3A_379 = arith.constant 16 : i32
        %shift_right_logical3A_380 = vector.broadcast %shift_right_logical3A_379 : i32 to vector<16xi32>
        %shift_right_logical3A_381 = arith.shrui %bitcast_convert_type3A_378, %shift_right_logical3A_380 : vector<16xi32>
        %and3A_382 = arith.constant 1 : i32
        %and3A_383 = vector.broadcast %and3A_382 : i32 to vector<16xi32>
        %and3A_384 = arith.andi %shift_right_logical3A_381, %and3A_383 : vector<16xi32>
        %add3A_385 = arith.constant 32767 : i32
        %add3A_386 = vector.broadcast %add3A_385 : i32 to vector<16xi32>
        %add3A_387 = arith.addi %bitcast_convert_type3A_378, %add3A_386 : vector<16xi32>
        %add3A_388 = arith.addi %add3A_387, %and3A_384 : vector<16xi32>
        %and3A_389 = arith.constant -65536 : i32
        %and3A_390 = vector.broadcast %and3A_389 : i32 to vector<16xi32>
        %and3A_391 = arith.andi %add3A_388, %and3A_390 : vector<16xi32>
        %bitcast_convert_type3A_392 = tpu.bitcast %and3A_391 : vector<16xi32> -> vector<16xf32>
        %mul3A_393 = arith.mulf %bitcast_convert_type3A_392, %get3A_332 : vector<16xf32>
        %add3A_394 = arith.constant 3 : i32
        %add3A_395 = arith.addi %mul3A_135, %add3A_394 : i32
        %get3A_396 = arith.index_cast %add3A_395 : i32 to index
        %get3A_397 = arith.index_cast %add3A_331 : i32 to index
        %get3A_398 = tpu.vector_load %arg5[%get3A_396, %get3A_397] {strides = array<i32>} : memref<16x2048xf32, #tpu.memory_space<vmem>>, vector<16xf32>,
        %bitcast_convert_type3A_399 = tpu.bitcast %get3A_398 : vector<16xf32> -> vector<16xi32>
        %shift_right_logical3A_400 = arith.constant 16 : i32
        %shift_right_logical3A_401 = vector.broadcast %shift_right_logical3A_400 : i32 to vector<16xi32>
        %shift_right_logical3A_402 = arith.shrui %bitcast_convert_type3A_399, %shift_right_logical3A_401 : vector<16xi32>
        %and3A_403 = arith.constant 1 : i32
        %and3A_404 = vector.broadcast %and3A_403 : i32 to vector<16xi32>
        %and3A_405 = arith.andi %shift_right_logical3A_402, %and3A_404 : vector<16xi32>
        %add3A_406 = arith.constant 32767 : i32
        %add3A_407 = vector.broadcast %add3A_406 : i32 to vector<16xi32>
        %add3A_408 = arith.addi %bitcast_convert_type3A_399, %add3A_407 : vector<16xi32>
        %add3A_409 = arith.addi %add3A_408, %and3A_405 : vector<16xi32>
        %and3A_410 = arith.constant -65536 : i32
        %and3A_411 = vector.broadcast %and3A_410 : i32 to vector<16xi32>
        %and3A_412 = arith.andi %add3A_409, %and3A_411 : vector<16xi32>
        %bitcast_convert_type3A_413 = tpu.bitcast %and3A_412 : vector<16xi32> -> vector<16xf32>
        %mul3A_414 = arith.mulf %bitcast_convert_type3A_413, %get3A_332 : vector<16xf32>
        %add3A_415 = arith.addf %scan3A_324, %mul3A_351 : vector<16xf32>
        %add3A_416 = arith.addf %scan3A_325, %mul3A_372 : vector<16xf32>
        %add3A_417 = arith.addf %scan3A_326, %mul3A_393 : vector<16xf32>
        %add3A_418 = arith.addf %scan3A_327, %mul3A_414 : vector<16xf32>
        %mul3A_419 = arith.constant 64 : i32
        %mul3A_420 = arith.muli %scan3A_323, %mul3A_419 : i32
        %add3A_421 = arith.constant 16 : i32
        %add3A_422 = arith.addi %mul3A_420, %add3A_421 : i32
        %get3A_423 = arith.index_cast %add3A_422 : i32 to index
        %get3A_424 = tpu.vector_load %arg7[%get3A_423] {strides = array<i32>} : memref<2048xf32, #tpu.memory_space<vmem>>, vector<16xf32>,
        %add3A_425 = arith.constant 0 : i32
        %add3A_426 = arith.addi %mul3A_135, %add3A_425 : i32
        %get3A_427 = arith.index_cast %add3A_426 : i32 to index
        %get3A_428 = arith.index_cast %add3A_422 : i32 to index
        %get3A_429 = tpu.vector_load %arg5[%get3A_427, %get3A_428] {strides = array<i32>} : memref<16x2048xf32, #tpu.memory_space<vmem>>, vector<16xf32>,
        %bitcast_convert_type3A_430 = tpu.bitcast %get3A_429 : vector<16xf32> -> vector<16xi32>
        %shift_right_logical3A_431 = arith.constant 16 : i32
        %shift_right_logical3A_432 = vector.broadcast %shift_right_logical3A_431 : i32 to vector<16xi32>
        %shift_right_logical3A_433 = arith.shrui %bitcast_convert_type3A_430, %shift_right_logical3A_432 : vector<16xi32>
        %and3A_434 = arith.constant 1 : i32
        %and3A_435 = vector.broadcast %and3A_434 : i32 to vector<16xi32>
        %and3A_436 = arith.andi %shift_right_logical3A_433, %and3A_435 : vector<16xi32>
        %add3A_437 = arith.constant 32767 : i32
        %add3A_438 = vector.broadcast %add3A_437 : i32 to vector<16xi32>
        %add3A_439 = arith.addi %bitcast_convert_type3A_430, %add3A_438 : vector<16xi32>
        %add3A_440 = arith.addi %add3A_439, %and3A_436 : vector<16xi32>
        %and3A_441 = arith.constant -65536 : i32
        %and3A_442 = vector.broadcast %and3A_441 : i32 to vector<16xi32>
        %and3A_443 = arith.andi %add3A_440, %and3A_442 : vector<16xi32>
        %bitcast_convert_type3A_444 = tpu.bitcast %and3A_443 : vector<16xi32> -> vector<16xf32>
        %mul3A_445 = arith.mulf %bitcast_convert_type3A_444, %get3A_424 : vector<16xf32>
        %add3A_446 = arith.constant 1 : i32
        %add3A_447 = arith.addi %mul3A_135, %add3A_446 : i32
        %get3A_448 = arith.index_cast %add3A_447 : i32 to index
        %get3A_449 = arith.index_cast %add3A_422 : i32 to index
        %get3A_450 = tpu.vector_load %arg5[%get3A_448, %get3A_449] {strides = array<i32>} : memref<16x2048xf32, #tpu.memory_space<vmem>>, vector<16xf32>,
        %bitcast_convert_type3A_451 = tpu.bitcast %get3A_450 : vector<16xf32> -> vector<16xi32>
        %shift_right_logical3A_452 = arith.constant 16 : i32
        %shift_right_logical3A_453 = vector.broadcast %shift_right_logical3A_452 : i32 to vector<16xi32>
        %shift_right_logical3A_454 = arith.shrui %bitcast_convert_type3A_451, %shift_right_logical3A_453 : vector<16xi32>
        %and3A_455 = arith.constant 1 : i32
        %and3A_456 = vector.broadcast %and3A_455 : i32 to vector<16xi32>
        %and3A_457 = arith.andi %shift_right_logical3A_454, %and3A_456 : vector<16xi32>
        %add3A_458 = arith.constant 32767 : i32
        %add3A_459 = vector.broadcast %add3A_458 : i32 to vector<16xi32>
        %add3A_460 = arith.addi %bitcast_convert_type3A_451, %add3A_459 : vector<16xi32>
        %add3A_461 = arith.addi %add3A_460, %and3A_457 : vector<16xi32>
        %and3A_462 = arith.constant -65536 : i32
        %and3A_463 = vector.broadcast %and3A_462 : i32 to vector<16xi32>
        %and3A_464 = arith.andi %add3A_461, %and3A_463 : vector<16xi32>
        %bitcast_convert_type3A_465 = tpu.bitcast %and3A_464 : vector<16xi32> -> vector<16xf32>
        %mul3A_466 = arith.mulf %bitcast_convert_type3A_465, %get3A_424 : vector<16xf32>
        %add3A_467 = arith.constant 2 : i32
        %add3A_468 = arith.addi %mul3A_135, %add3A_467 : i32
        %get3A_469 = arith.index_cast %add3A_468 : i32 to index
        %get3A_470 = arith.index_cast %add3A_422 : i32 to index
        %get3A_471 = tpu.vector_load %arg5[%get3A_469, %get3A_470] {strides = array<i32>} : memref<16x2048xf32, #tpu.memory_space<vmem>>, vector<16xf32>,
        %bitcast_convert_type3A_472 = tpu.bitcast %get3A_471 : vector<16xf32> -> vector<16xi32>
        %shift_right_logical3A_473 = arith.constant 16 : i32
        %shift_right_logical3A_474 = vector.broadcast %shift_right_logical3A_473 : i32 to vector<16xi32>
        %shift_right_logical3A_475 = arith.shrui %bitcast_convert_type3A_472, %shift_right_logical3A_474 : vector<16xi32>
        %and3A_476 = arith.constant 1 : i32
        %and3A_477 = vector.broadcast %and3A_476 : i32 to vector<16xi32>
        %and3A_478 = arith.andi %shift_right_logical3A_475, %and3A_477 : vector<16xi32>
        %add3A_479 = arith.constant 32767 : i32
        %add3A_480 = vector.broadcast %add3A_479 : i32 to vector<16xi32>
        %add3A_481 = arith.addi %bitcast_convert_type3A_472, %add3A_480 : vector<16xi32>
        %add3A_482 = arith.addi %add3A_481, %and3A_478 : vector<16xi32>
        %and3A_483 = arith.constant -65536 : i32
        %and3A_484 = vector.broadcast %and3A_483 : i32 to vector<16xi32>
        %and3A_485 = arith.andi %add3A_482, %and3A_484 : vector<16xi32>
        %bitcast_convert_type3A_486 = tpu.bitcast %and3A_485 : vector<16xi32> -> vector<16xf32>
        %mul3A_487 = arith.mulf %bitcast_convert_type3A_486, %get3A_424 : vector<16xf32>
        %add3A_488 = arith.constant 3 : i32
        %add3A_489 = arith.addi %mul3A_135, %add3A_488 : i32
        %get3A_490 = arith.index_cast %add3A_489 : i32 to index
        %get3A_491 = arith.index_cast %add3A_422 : i32 to index
        %get3A_492 = tpu.vector_load %arg5[%get3A_490, %get3A_491] {strides = array<i32>} : memref<16x2048xf32, #tpu.memory_space<vmem>>, vector<16xf32>,
        %bitcast_convert_type3A_493 = tpu.bitcast %get3A_492 : vector<16xf32> -> vector<16xi32>
        %shift_right_logical3A_494 = arith.constant 16 : i32
        %shift_right_logical3A_495 = vector.broadcast %shift_right_logical3A_494 : i32 to vector<16xi32>
        %shift_right_logical3A_496 = arith.shrui %bitcast_convert_type3A_493, %shift_right_logical3A_495 : vector<16xi32>
        %and3A_497 = arith.constant 1 : i32
        %and3A_498 = vector.broadcast %and3A_497 : i32 to vector<16xi32>
        %and3A_499 = arith.andi %shift_right_logical3A_496, %and3A_498 : vector<16xi32>
        %add3A_500 = arith.constant 32767 : i32
        %add3A_501 = vector.broadcast %add3A_500 : i32 to vector<16xi32>
        %add3A_502 = arith.addi %bitcast_convert_type3A_493, %add3A_501 : vector<16xi32>
        %add3A_503 = arith.addi %add3A_502, %and3A_499 : vector<16xi32>
        %and3A_504 = arith.constant -65536 : i32
        %and3A_505 = vector.broadcast %and3A_504 : i32 to vector<16xi32>
        %and3A_506 = arith.andi %add3A_503, %and3A_505 : vector<16xi32>
        %bitcast_convert_type3A_507 = tpu.bitcast %and3A_506 : vector<16xi32> -> vector<16xf32>
        %mul3A_508 = arith.mulf %bitcast_convert_type3A_507, %get3A_424 : vector<16xf32>
        %add3A_509 = arith.addf %add3A_415, %mul3A_445 : vector<16xf32>
        %add3A_510 = arith.addf %add3A_416, %mul3A_466 : vector<16xf32>
        %add3A_511 = arith.addf %add3A_417, %mul3A_487 : vector<16xf32>
        %add3A_512 = arith.addf %add3A_418, %mul3A_508 : vector<16xf32>
        %mul3A_513 = arith.constant 64 : i32
        %mul3A_514 = arith.muli %scan3A_323, %mul3A_513 : i32
        %add3A_515 = arith.constant 32 : i32
        %add3A_516 = arith.addi %mul3A_514, %add3A_515 : i32
        %get3A_517 = arith.index_cast %add3A_516 : i32 to index
        %get3A_518 = tpu.vector_load %arg7[%get3A_517] {strides = array<i32>} : memref<2048xf32, #tpu.memory_space<vmem>>, vector<16xf32>,
        %add3A_519 = arith.constant 0 : i32
        %add3A_520 = arith.addi %mul3A_135, %add3A_519 : i32
        %get3A_521 = arith.index_cast %add3A_520 : i32 to index
        %get3A_522 = arith.index_cast %add3A_516 : i32 to index
        %get3A_523 = tpu.vector_load %arg5[%get3A_521, %get3A_522] {strides = array<i32>} : memref<16x2048xf32, #tpu.memory_space<vmem>>, vector<16xf32>,
        %bitcast_convert_type3A_524 = tpu.bitcast %get3A_523 : vector<16xf32> -> vector<16xi32>
        %shift_right_logical3A_525 = arith.constant 16 : i32
        %shift_right_logical3A_526 = vector.broadcast %shift_right_logical3A_525 : i32 to vector<16xi32>
        %shift_right_logical3A_527 = arith.shrui %bitcast_convert_type3A_524, %shift_right_logical3A_526 : vector<16xi32>
        %and3A_528 = arith.constant 1 : i32
        %and3A_529 = vector.broadcast %and3A_528 : i32 to vector<16xi32>
        %and3A_530 = arith.andi %shift_right_logical3A_527, %and3A_529 : vector<16xi32>
        %add3A_531 = arith.constant 32767 : i32
        %add3A_532 = vector.broadcast %add3A_531 : i32 to vector<16xi32>
        %add3A_533 = arith.addi %bitcast_convert_type3A_524, %add3A_532 : vector<16xi32>
        %add3A_534 = arith.addi %add3A_533, %and3A_530 : vector<16xi32>
        %and3A_535 = arith.constant -65536 : i32
        %and3A_536 = vector.broadcast %and3A_535 : i32 to vector<16xi32>
        %and3A_537 = arith.andi %add3A_534, %and3A_536 : vector<16xi32>
        %bitcast_convert_type3A_538 = tpu.bitcast %and3A_537 : vector<16xi32> -> vector<16xf32>
        %mul3A_539 = arith.mulf %bitcast_convert_type3A_538, %get3A_518 : vector<16xf32>
        %add3A_540 = arith.constant 1 : i32
        %add3A_541 = arith.addi %mul3A_135, %add3A_540 : i32
        %get3A_542 = arith.index_cast %add3A_541 : i32 to index
        %get3A_543 = arith.index_cast %add3A_516 : i32 to index
        %get3A_544 = tpu.vector_load %arg5[%get3A_542, %get3A_543] {strides = array<i32>} : memref<16x2048xf32, #tpu.memory_space<vmem>>, vector<16xf32>,
        %bitcast_convert_type3A_545 = tpu.bitcast %get3A_544 : vector<16xf32> -> vector<16xi32>
        %shift_right_logical3A_546 = arith.constant 16 : i32
        %shift_right_logical3A_547 = vector.broadcast %shift_right_logical3A_546 : i32 to vector<16xi32>
        %shift_right_logical3A_548 = arith.shrui %bitcast_convert_type3A_545, %shift_right_logical3A_547 : vector<16xi32>
        %and3A_549 = arith.constant 1 : i32
        %and3A_550 = vector.broadcast %and3A_549 : i32 to vector<16xi32>
        %and3A_551 = arith.andi %shift_right_logical3A_548, %and3A_550 : vector<16xi32>
        %add3A_552 = arith.constant 32767 : i32
        %add3A_553 = vector.broadcast %add3A_552 : i32 to vector<16xi32>
        %add3A_554 = arith.addi %bitcast_convert_type3A_545, %add3A_553 : vector<16xi32>
        %add3A_555 = arith.addi %add3A_554, %and3A_551 : vector<16xi32>
        %and3A_556 = arith.constant -65536 : i32
        %and3A_557 = vector.broadcast %and3A_556 : i32 to vector<16xi32>
        %and3A_558 = arith.andi %add3A_555, %and3A_557 : vector<16xi32>
        %bitcast_convert_type3A_559 = tpu.bitcast %and3A_558 : vector<16xi32> -> vector<16xf32>
        %mul3A_560 = arith.mulf %bitcast_convert_type3A_559, %get3A_518 : vector<16xf32>
        %add3A_561 = arith.constant 2 : i32
        %add3A_562 = arith.addi %mul3A_135, %add3A_561 : i32
        %get3A_563 = arith.index_cast %add3A_562 : i32 to index
        %get3A_564 = arith.index_cast %add3A_516 : i32 to index
        %get3A_565 = tpu.vector_load %arg5[%get3A_563, %get3A_564] {strides = array<i32>} : memref<16x2048xf32, #tpu.memory_space<vmem>>, vector<16xf32>,
        %bitcast_convert_type3A_566 = tpu.bitcast %get3A_565 : vector<16xf32> -> vector<16xi32>
        %shift_right_logical3A_567 = arith.constant 16 : i32
        %shift_right_logical3A_568 = vector.broadcast %shift_right_logical3A_567 : i32 to vector<16xi32>
        %shift_right_logical3A_569 = arith.shrui %bitcast_convert_type3A_566, %shift_right_logical3A_568 : vector<16xi32>
        %and3A_570 = arith.constant 1 : i32
        %and3A_571 = vector.broadcast %and3A_570 : i32 to vector<16xi32>
        %and3A_572 = arith.andi %shift_right_logical3A_569, %and3A_571 : vector<16xi32>
        %add3A_573 = arith.constant 32767 : i32
        %add3A_574 = vector.broadcast %add3A_573 : i32 to vector<16xi32>
        %add3A_575 = arith.addi %bitcast_convert_type3A_566, %add3A_574 : vector<16xi32>
        %add3A_576 = arith.addi %add3A_575, %and3A_572 : vector<16xi32>
        %and3A_577 = arith.constant -65536 : i32
        %and3A_578 = vector.broadcast %and3A_577 : i32 to vector<16xi32>
        %and3A_579 = arith.andi %add3A_576, %and3A_578 : vector<16xi32>
        %bitcast_convert_type3A_580 = tpu.bitcast %and3A_579 : vector<16xi32> -> vector<16xf32>
        %mul3A_581 = arith.mulf %bitcast_convert_type3A_580, %get3A_518 : vector<16xf32>
        %add3A_582 = arith.constant 3 : i32
        %add3A_583 = arith.addi %mul3A_135, %add3A_582 : i32
        %get3A_584 = arith.index_cast %add3A_583 : i32 to index
        %get3A_585 = arith.index_cast %add3A_516 : i32 to index
        %get3A_586 = tpu.vector_load %arg5[%get3A_584, %get3A_585] {strides = array<i32>} : memref<16x2048xf32, #tpu.memory_space<vmem>>, vector<16xf32>,
        %bitcast_convert_type3A_587 = tpu.bitcast %get3A_586 : vector<16xf32> -> vector<16xi32>
        %shift_right_logical3A_588 = arith.constant 16 : i32
        %shift_right_logical3A_589 = vector.broadcast %shift_right_logical3A_588 : i32 to vector<16xi32>
        %shift_right_logical3A_590 = arith.shrui %bitcast_convert_type3A_587, %shift_right_logical3A_589 : vector<16xi32>
        %and3A_591 = arith.constant 1 : i32
        %and3A_592 = vector.broadcast %and3A_591 : i32 to vector<16xi32>
        %and3A_593 = arith.andi %shift_right_logical3A_590, %and3A_592 : vector<16xi32>
        %add3A_594 = arith.constant 32767 : i32
        %add3A_595 = vector.broadcast %add3A_594 : i32 to vector<16xi32>
        %add3A_596 = arith.addi %bitcast_convert_type3A_587, %add3A_595 : vector<16xi32>
        %add3A_597 = arith.addi %add3A_596, %and3A_593 : vector<16xi32>
        %and3A_598 = arith.constant -65536 : i32
        %and3A_599 = vector.broadcast %and3A_598 : i32 to vector<16xi32>
        %and3A_600 = arith.andi %add3A_597, %and3A_599 : vector<16xi32>
        %bitcast_convert_type3A_601 = tpu.bitcast %and3A_600 : vector<16xi32> -> vector<16xf32>
        %mul3A_602 = arith.mulf %bitcast_convert_type3A_601, %get3A_518 : vector<16xf32>
        %add3A_603 = arith.addf %add3A_509, %mul3A_539 : vector<16xf32>
        %add3A_604 = arith.addf %add3A_510, %mul3A_560 : vector<16xf32>
        %add3A_605 = arith.addf %add3A_511, %mul3A_581 : vector<16xf32>
        %add3A_606 = arith.addf %add3A_512, %mul3A_602 : vector<16xf32>
        %mul3A_607 = arith.constant 64 : i32
        %mul3A_608 = arith.muli %scan3A_323, %mul3A_607 : i32
        %add3A_609 = arith.constant 48 : i32
        %add3A_610 = arith.addi %mul3A_608, %add3A_609 : i32
        %get3A_611 = arith.index_cast %add3A_610 : i32 to index
        %get3A_612 = tpu.vector_load %arg7[%get3A_611] {strides = array<i32>} : memref<2048xf32, #tpu.memory_space<vmem>>, vector<16xf32>,
        %add3A_613 = arith.constant 0 : i32
        %add3A_614 = arith.addi %mul3A_135, %add3A_613 : i32
        %get3A_615 = arith.index_cast %add3A_614 : i32 to index
        %get3A_616 = arith.index_cast %add3A_610 : i32 to index
        %get3A_617 = tpu.vector_load %arg5[%get3A_615, %get3A_616] {strides = array<i32>} : memref<16x2048xf32, #tpu.memory_space<vmem>>, vector<16xf32>,
        %bitcast_convert_type3A_618 = tpu.bitcast %get3A_617 : vector<16xf32> -> vector<16xi32>
        %shift_right_logical3A_619 = arith.constant 16 : i32
        %shift_right_logical3A_620 = vector.broadcast %shift_right_logical3A_619 : i32 to vector<16xi32>
        %shift_right_logical3A_621 = arith.shrui %bitcast_convert_type3A_618, %shift_right_logical3A_620 : vector<16xi32>
        %and3A_622 = arith.constant 1 : i32
        %and3A_623 = vector.broadcast %and3A_622 : i32 to vector<16xi32>
        %and3A_624 = arith.andi %shift_right_logical3A_621, %and3A_623 : vector<16xi32>
        %add3A_625 = arith.constant 32767 : i32
        %add3A_626 = vector.broadcast %add3A_625 : i32 to vector<16xi32>
        %add3A_627 = arith.addi %bitcast_convert_type3A_618, %add3A_626 : vector<16xi32>
        %add3A_628 = arith.addi %add3A_627, %and3A_624 : vector<16xi32>
        %and3A_629 = arith.constant -65536 : i32
        %and3A_630 = vector.broadcast %and3A_629 : i32 to vector<16xi32>
        %and3A_631 = arith.andi %add3A_628, %and3A_630 : vector<16xi32>
        %bitcast_convert_type3A_632 = tpu.bitcast %and3A_631 : vector<16xi32> -> vector<16xf32>
        %mul3A_633 = arith.mulf %bitcast_convert_type3A_632, %get3A_612 : vector<16xf32>
        %add3A_634 = arith.constant 1 : i32
        %add3A_635 = arith.addi %mul3A_135, %add3A_634 : i32
        %get3A_636 = arith.index_cast %add3A_635 : i32 to index
        %get3A_637 = arith.index_cast %add3A_610 : i32 to index
        %get3A_638 = tpu.vector_load %arg5[%get3A_636, %get3A_637] {strides = array<i32>} : memref<16x2048xf32, #tpu.memory_space<vmem>>, vector<16xf32>,
        %bitcast_convert_type3A_639 = tpu.bitcast %get3A_638 : vector<16xf32> -> vector<16xi32>
        %shift_right_logical3A_640 = arith.constant 16 : i32
        %shift_right_logical3A_641 = vector.broadcast %shift_right_logical3A_640 : i32 to vector<16xi32>
        %shift_right_logical3A_642 = arith.shrui %bitcast_convert_type3A_639, %shift_right_logical3A_641 : vector<16xi32>
        %and3A_643 = arith.constant 1 : i32
        %and3A_644 = vector.broadcast %and3A_643 : i32 to vector<16xi32>
        %and3A_645 = arith.andi %shift_right_logical3A_642, %and3A_644 : vector<16xi32>
        %add3A_646 = arith.constant 32767 : i32
        %add3A_647 = vector.broadcast %add3A_646 : i32 to vector<16xi32>
        %add3A_648 = arith.addi %bitcast_convert_type3A_639, %add3A_647 : vector<16xi32>
        %add3A_649 = arith.addi %add3A_648, %and3A_645 : vector<16xi32>
        %and3A_650 = arith.constant -65536 : i32
        %and3A_651 = vector.broadcast %and3A_650 : i32 to vector<16xi32>
        %and3A_652 = arith.andi %add3A_649, %and3A_651 : vector<16xi32>
        %bitcast_convert_type3A_653 = tpu.bitcast %and3A_652 : vector<16xi32> -> vector<16xf32>
        %mul3A_654 = arith.mulf %bitcast_convert_type3A_653, %get3A_612 : vector<16xf32>
        %add3A_655 = arith.constant 2 : i32
        %add3A_656 = arith.addi %mul3A_135, %add3A_655 : i32
        %get3A_657 = arith.index_cast %add3A_656 : i32 to index
        %get3A_658 = arith.index_cast %add3A_610 : i32 to index
        %get3A_659 = tpu.vector_load %arg5[%get3A_657, %get3A_658] {strides = array<i32>} : memref<16x2048xf32, #tpu.memory_space<vmem>>, vector<16xf32>,
        %bitcast_convert_type3A_660 = tpu.bitcast %get3A_659 : vector<16xf32> -> vector<16xi32>
        %shift_right_logical3A_661 = arith.constant 16 : i32
        %shift_right_logical3A_662 = vector.broadcast %shift_right_logical3A_661 : i32 to vector<16xi32>
        %shift_right_logical3A_663 = arith.shrui %bitcast_convert_type3A_660, %shift_right_logical3A_662 : vector<16xi32>
        %and3A_664 = arith.constant 1 : i32
        %and3A_665 = vector.broadcast %and3A_664 : i32 to vector<16xi32>
        %and3A_666 = arith.andi %shift_right_logical3A_663, %and3A_665 : vector<16xi32>
        %add3A_667 = arith.constant 32767 : i32
        %add3A_668 = vector.broadcast %add3A_667 : i32 to vector<16xi32>
        %add3A_669 = arith.addi %bitcast_convert_type3A_660, %add3A_668 : vector<16xi32>
        %add3A_670 = arith.addi %add3A_669, %and3A_666 : vector<16xi32>
        %and3A_671 = arith.constant -65536 : i32
        %and3A_672 = vector.broadcast %and3A_671 : i32 to vector<16xi32>
        %and3A_673 = arith.andi %add3A_670, %and3A_672 : vector<16xi32>
        %bitcast_convert_type3A_674 = tpu.bitcast %and3A_673 : vector<16xi32> -> vector<16xf32>
        %mul3A_675 = arith.mulf %bitcast_convert_type3A_674, %get3A_612 : vector<16xf32>
        %add3A_676 = arith.constant 3 : i32
        %add3A_677 = arith.addi %mul3A_135, %add3A_676 : i32
        %get3A_678 = arith.index_cast %add3A_677 : i32 to index
        %get3A_679 = arith.index_cast %add3A_610 : i32 to index
        %get3A_680 = tpu.vector_load %arg5[%get3A_678, %get3A_679] {strides = array<i32>} : memref<16x2048xf32, #tpu.memory_space<vmem>>, vector<16xf32>,
        %bitcast_convert_type3A_681 = tpu.bitcast %get3A_680 : vector<16xf32> -> vector<16xi32>
        %shift_right_logical3A_682 = arith.constant 16 : i32
        %shift_right_logical3A_683 = vector.broadcast %shift_right_logical3A_682 : i32 to vector<16xi32>
        %shift_right_logical3A_684 = arith.shrui %bitcast_convert_type3A_681, %shift_right_logical3A_683 : vector<16xi32>
        %and3A_685 = arith.constant 1 : i32
        %and3A_686 = vector.broadcast %and3A_685 : i32 to vector<16xi32>
        %and3A_687 = arith.andi %shift_right_logical3A_684, %and3A_686 : vector<16xi32>
        %add3A_688 = arith.constant 32767 : i32
        %add3A_689 = vector.broadcast %add3A_688 : i32 to vector<16xi32>
        %add3A_690 = arith.addi %bitcast_convert_type3A_681, %add3A_689 : vector<16xi32>
        %add3A_691 = arith.addi %add3A_690, %and3A_687 : vector<16xi32>
        %and3A_692 = arith.constant -65536 : i32
        %and3A_693 = vector.broadcast %and3A_692 : i32 to vector<16xi32>
        %and3A_694 = arith.andi %add3A_691, %and3A_693 : vector<16xi32>
        %bitcast_convert_type3A_695 = tpu.bitcast %and3A_694 : vector<16xi32> -> vector<16xf32>
        %mul3A_696 = arith.mulf %bitcast_convert_type3A_695, %get3A_612 : vector<16xf32>
        %add3A_697 = arith.addf %add3A_603, %mul3A_633 : vector<16xf32>
        %add3A_698 = arith.addf %add3A_604, %mul3A_654 : vector<16xf32>
        %add3A_699 = arith.addf %add3A_605, %mul3A_675 : vector<16xf32>
        %add3A_700 = arith.addf %add3A_606, %mul3A_696 : vector<16xf32>
        scf.yield %add3A_697, %add3A_698, %add3A_699, %add3A_700 : vector<16xf32>, vector<16xf32>, vector<16xf32>, vector<16xf32>
      }
      %scan3A_143 = arith.constant 32 : i32
      %swap3A_144 = arith.constant 0 : index
      %swap3A_145 = tpu.vector_load %arg9[%swap3A_144] {strides = array<i32>} : memref<16xf32, #tpu.memory_space<vmem>>, vector<16xf32>,
      tpu.vector_store %arg9[%swap3A_144], %scan3A_142#0 {strides = array<i32>} : memref<16xf32, #tpu.memory_space<vmem>>, vector<16xf32>,
      %add3A_146 = arith.constant 8 : i32
      %add3A_147 = vector.broadcast %add3A_146 : i32 to vector<16xi32>
      %add3A_148 = arith.addi %iota3A, %add3A_147 : vector<16xi32>
      %and3A_149 = arith.constant 15 : i32
      %and3A_150 = vector.broadcast %and3A_149 : i32 to vector<16xi32>
      %and3A_151 = arith.andi %add3A_148, %and3A_150 : vector<16xi32>
      %gather3A = tpu.vector_load_idx %arg9[%and3A_151] : memref<16xf32, #tpu.memory_space<vmem>>[vector<16xi32>], vector<16xf32>,
      %add3A_152 = arith.addf %scan3A_142#0, %gather3A : vector<16xf32>
      %swap3A_153 = arith.constant 0 : index
      %swap3A_154 = tpu.vector_load %arg9[%swap3A_153] {strides = array<i32>} : memref<16xf32, #tpu.memory_space<vmem>>, vector<16xf32>,
      tpu.vector_store %arg9[%swap3A_153], %add3A_152 {strides = array<i32>} : memref<16xf32, #tpu.memory_space<vmem>>, vector<16xf32>,
      %add3A_155 = arith.constant 4 : i32
      %add3A_156 = vector.broadcast %add3A_155 : i32 to vector<16xi32>
      %add3A_157 = arith.addi %iota3A, %add3A_156 : vector<16xi32>
      %and3A_158 = arith.constant 15 : i32
      %and3A_159 = vector.broadcast %and3A_158 : i32 to vector<16xi32>
      %and3A_160 = arith.andi %add3A_157, %and3A_159 : vector<16xi32>
      %gather3A_161 = tpu.vector_load_idx %arg9[%and3A_160] : memref<16xf32, #tpu.memory_space<vmem>>[vector<16xi32>], vector<16xf32>,
      %add3A_162 = arith.addf %add3A_152, %gather3A_161 : vector<16xf32>
      %swap3A_163 = arith.constant 0 : index
      %swap3A_164 = tpu.vector_load %arg9[%swap3A_163] {strides = array<i32>} : memref<16xf32, #tpu.memory_space<vmem>>, vector<16xf32>,
      tpu.vector_store %arg9[%swap3A_163], %add3A_162 {strides = array<i32>} : memref<16xf32, #tpu.memory_space<vmem>>, vector<16xf32>,
      %add3A_165 = arith.constant 2 : i32
      %add3A_166 = vector.broadcast %add3A_165 : i32 to vector<16xi32>
      %add3A_167 = arith.addi %iota3A, %add3A_166 : vector<16xi32>
      %and3A_168 = arith.constant 15 : i32
      %and3A_169 = vector.broadcast %and3A_168 : i32 to vector<16xi32>
      %and3A_170 = arith.andi %add3A_167, %and3A_169 : vector<16xi32>
      %gather3A_171 = tpu.vector_load_idx %arg9[%and3A_170] : memref<16xf32, #tpu.memory_space<vmem>>[vector<16xi32>], vector<16xf32>,
      %add3A_172 = arith.addf %add3A_162, %gather3A_171 : vector<16xf32>
      %swap3A_173 = arith.constant 0 : index
      %swap3A_174 = tpu.vector_load %arg9[%swap3A_173] {strides = array<i32>} : memref<16xf32, #tpu.memory_space<vmem>>, vector<16xf32>,
      tpu.vector_store %arg9[%swap3A_173], %add3A_172 {strides = array<i32>} : memref<16xf32, #tpu.memory_space<vmem>>, vector<16xf32>,
      %add3A_175 = arith.constant 1 : i32
      %add3A_176 = vector.broadcast %add3A_175 : i32 to vector<16xi32>
      %add3A_177 = arith.addi %iota3A, %add3A_176 : vector<16xi32>
      %and3A_178 = arith.constant 15 : i32
      %and3A_179 = vector.broadcast %and3A_178 : i32 to vector<16xi32>
      %and3A_180 = arith.andi %add3A_177, %and3A_179 : vector<16xi32>
      %gather3A_181 = tpu.vector_load_idx %arg9[%and3A_180] : memref<16xf32, #tpu.memory_space<vmem>>[vector<16xi32>], vector<16xf32>,
      %add3A_182 = arith.addf %add3A_172, %gather3A_181 : vector<16xf32>
      %add3A_183 = arith.constant 0 : i32
      %add3A_184 = arith.addi %mul3A_135, %add3A_183 : i32
      %eq3A_185 = vector.broadcast %add3A_184 : i32 to vector<16xi32>
      %eq3A_186 = arith.cmpi eq, %iota3A, %eq3A_185 : vector<16xi32>
      %select_n3A_187 = arith.select %eq3A_186, %add3A_182, %scan3A_133 : vector<16xi1>, vector<16xf32>
      %swap3A_188 = arith.constant 0 : index
      %swap3A_189 = tpu.vector_load %arg9[%swap3A_188] {strides = array<i32>} : memref<16xf32, #tpu.memory_space<vmem>>, vector<16xf32>,
      tpu.vector_store %arg9[%swap3A_188], %scan3A_142#1 {strides = array<i32>} : memref<16xf32, #tpu.memory_space<vmem>>, vector<16xf32>,
      %add3A_190 = arith.constant 8 : i32
      %add3A_191 = vector.broadcast %add3A_190 : i32 to vector<16xi32>
      %add3A_192 = arith.addi %iota3A, %add3A_191 : vector<16xi32>
      %and3A_193 = arith.constant 15 : i32
      %and3A_194 = vector.broadcast %and3A_193 : i32 to vector<16xi32>
      %and3A_195 = arith.andi %add3A_192, %and3A_194 : vector<16xi32>
      %gather3A_196 = tpu.vector_load_idx %arg9[%and3A_195] : memref<16xf32, #tpu.memory_space<vmem>>[vector<16xi32>], vector<16xf32>,
      %add3A_197 = arith.addf %scan3A_142#1, %gather3A_196 : vector<16xf32>
      %swap3A_198 = arith.constant 0 : index
      %swap3A_199 = tpu.vector_load %arg9[%swap3A_198] {strides = array<i32>} : memref<16xf32, #tpu.memory_space<vmem>>, vector<16xf32>,
      tpu.vector_store %arg9[%swap3A_198], %add3A_197 {strides = array<i32>} : memref<16xf32, #tpu.memory_space<vmem>>, vector<16xf32>,
      %add3A_200 = arith.constant 4 : i32
      %add3A_201 = vector.broadcast %add3A_200 : i32 to vector<16xi32>
      %add3A_202 = arith.addi %iota3A, %add3A_201 : vector<16xi32>
      %and3A_203 = arith.constant 15 : i32
      %and3A_204 = vector.broadcast %and3A_203 : i32 to vector<16xi32>
      %and3A_205 = arith.andi %add3A_202, %and3A_204 : vector<16xi32>
      %gather3A_206 = tpu.vector_load_idx %arg9[%and3A_205] : memref<16xf32, #tpu.memory_space<vmem>>[vector<16xi32>], vector<16xf32>,
      %add3A_207 = arith.addf %add3A_197, %gather3A_206 : vector<16xf32>
      %swap3A_208 = arith.constant 0 : index
      %swap3A_209 = tpu.vector_load %arg9[%swap3A_208] {strides = array<i32>} : memref<16xf32, #tpu.memory_space<vmem>>, vector<16xf32>,
      tpu.vector_store %arg9[%swap3A_208], %add3A_207 {strides = array<i32>} : memref<16xf32, #tpu.memory_space<vmem>>, vector<16xf32>,
      %add3A_210 = arith.constant 2 : i32
      %add3A_211 = vector.broadcast %add3A_210 : i32 to vector<16xi32>
      %add3A_212 = arith.addi %iota3A, %add3A_211 : vector<16xi32>
      %and3A_213 = arith.constant 15 : i32
      %and3A_214 = vector.broadcast %and3A_213 : i32 to vector<16xi32>
      %and3A_215 = arith.andi %add3A_212, %and3A_214 : vector<16xi32>
      %gather3A_216 = tpu.vector_load_idx %arg9[%and3A_215] : memref<16xf32, #tpu.memory_space<vmem>>[vector<16xi32>], vector<16xf32>,
      %add3A_217 = arith.addf %add3A_207, %gather3A_216 : vector<16xf32>
      %swap3A_218 = arith.constant 0 : index
      %swap3A_219 = tpu.vector_load %arg9[%swap3A_218] {strides = array<i32>} : memref<16xf32, #tpu.memory_space<vmem>>, vector<16xf32>,
      tpu.vector_store %arg9[%swap3A_218], %add3A_217 {strides = array<i32>} : memref<16xf32, #tpu.memory_space<vmem>>, vector<16xf32>,
      %add3A_220 = arith.constant 1 : i32
      %add3A_221 = vector.broadcast %add3A_220 : i32 to vector<16xi32>
      %add3A_222 = arith.addi %iota3A, %add3A_221 : vector<16xi32>
      %and3A_223 = arith.constant 15 : i32
      %and3A_224 = vector.broadcast %and3A_223 : i32 to vector<16xi32>
      %and3A_225 = arith.andi %add3A_222, %and3A_224 : vector<16xi32>
      %gather3A_226 = tpu.vector_load_idx %arg9[%and3A_225] : memref<16xf32, #tpu.memory_space<vmem>>[vector<16xi32>], vector<16xf32>,
      %add3A_227 = arith.addf %add3A_217, %gather3A_226 : vector<16xf32>
      %add3A_228 = arith.constant 1 : i32
      %add3A_229 = arith.addi %mul3A_135, %add3A_228 : i32
      %eq3A_230 = vector.broadcast %add3A_229 : i32 to vector<16xi32>
      %eq3A_231 = arith.cmpi eq, %iota3A, %eq3A_230 : vector<16xi32>
      %select_n3A_232 = arith.select %eq3A_231, %add3A_227, %select_n3A_187 : vector<16xi1>, vector<16xf32>
      %swap3A_233 = arith.constant 0 : index
      %swap3A_234 = tpu.vector_load %arg9[%swap3A_233] {strides = array<i32>} : memref<16xf32, #tpu.memory_space<vmem>>, vector<16xf32>,
      tpu.vector_store %arg9[%swap3A_233], %scan3A_142#2 {strides = array<i32>} : memref<16xf32, #tpu.memory_space<vmem>>, vector<16xf32>,
      %add3A_235 = arith.constant 8 : i32
      %add3A_236 = vector.broadcast %add3A_235 : i32 to vector<16xi32>
      %add3A_237 = arith.addi %iota3A, %add3A_236 : vector<16xi32>
      %and3A_238 = arith.constant 15 : i32
      %and3A_239 = vector.broadcast %and3A_238 : i32 to vector<16xi32>
      %and3A_240 = arith.andi %add3A_237, %and3A_239 : vector<16xi32>
      %gather3A_241 = tpu.vector_load_idx %arg9[%and3A_240] : memref<16xf32, #tpu.memory_space<vmem>>[vector<16xi32>], vector<16xf32>,
      %add3A_242 = arith.addf %scan3A_142#2, %gather3A_241 : vector<16xf32>
      %swap3A_243 = arith.constant 0 : index
      %swap3A_244 = tpu.vector_load %arg9[%swap3A_243] {strides = array<i32>} : memref<16xf32, #tpu.memory_space<vmem>>, vector<16xf32>,
      tpu.vector_store %arg9[%swap3A_243], %add3A_242 {strides = array<i32>} : memref<16xf32, #tpu.memory_space<vmem>>, vector<16xf32>,
      %add3A_245 = arith.constant 4 : i32
      %add3A_246 = vector.broadcast %add3A_245 : i32 to vector<16xi32>
      %add3A_247 = arith.addi %iota3A, %add3A_246 : vector<16xi32>
      %and3A_248 = arith.constant 15 : i32
      %and3A_249 = vector.broadcast %and3A_248 : i32 to vector<16xi32>
      %and3A_250 = arith.andi %add3A_247, %and3A_249 : vector<16xi32>
      %gather3A_251 = tpu.vector_load_idx %arg9[%and3A_250] : memref<16xf32, #tpu.memory_space<vmem>>[vector<16xi32>], vector<16xf32>,
      %add3A_252 = arith.addf %add3A_242, %gather3A_251 : vector<16xf32>
      %swap3A_253 = arith.constant 0 : index
      %swap3A_254 = tpu.vector_load %arg9[%swap3A_253] {strides = array<i32>} : memref<16xf32, #tpu.memory_space<vmem>>, vector<16xf32>,
      tpu.vector_store %arg9[%swap3A_253], %add3A_252 {strides = array<i32>} : memref<16xf32, #tpu.memory_space<vmem>>, vector<16xf32>,
      %add3A_255 = arith.constant 2 : i32
      %add3A_256 = vector.broadcast %add3A_255 : i32 to vector<16xi32>
      %add3A_257 = arith.addi %iota3A, %add3A_256 : vector<16xi32>
      %and3A_258 = arith.constant 15 : i32
      %and3A_259 = vector.broadcast %and3A_258 : i32 to vector<16xi32>
      %and3A_260 = arith.andi %add3A_257, %and3A_259 : vector<16xi32>
      %gather3A_261 = tpu.vector_load_idx %arg9[%and3A_260] : memref<16xf32, #tpu.memory_space<vmem>>[vector<16xi32>], vector<16xf32>,
      %add3A_262 = arith.addf %add3A_252, %gather3A_261 : vector<16xf32>
      %swap3A_263 = arith.constant 0 : index
      %swap3A_264 = tpu.vector_load %arg9[%swap3A_263] {strides = array<i32>} : memref<16xf32, #tpu.memory_space<vmem>>, vector<16xf32>,
      tpu.vector_store %arg9[%swap3A_263], %add3A_262 {strides = array<i32>} : memref<16xf32, #tpu.memory_space<vmem>>, vector<16xf32>,
      %add3A_265 = arith.constant 1 : i32
      %add3A_266 = vector.broadcast %add3A_265 : i32 to vector<16xi32>
      %add3A_267 = arith.addi %iota3A, %add3A_266 : vector<16xi32>
      %and3A_268 = arith.constant 15 : i32
      %and3A_269 = vector.broadcast %and3A_268 : i32 to vector<16xi32>
      %and3A_270 = arith.andi %add3A_267, %and3A_269 : vector<16xi32>
      %gather3A_271 = tpu.vector_load_idx %arg9[%and3A_270] : memref<16xf32, #tpu.memory_space<vmem>>[vector<16xi32>], vector<16xf32>,
      %add3A_272 = arith.addf %add3A_262, %gather3A_271 : vector<16xf32>
      %add3A_273 = arith.constant 2 : i32
      %add3A_274 = arith.addi %mul3A_135, %add3A_273 : i32
      %eq3A_275 = vector.broadcast %add3A_274 : i32 to vector<16xi32>
      %eq3A_276 = arith.cmpi eq, %iota3A, %eq3A_275 : vector<16xi32>
      %select_n3A_277 = arith.select %eq3A_276, %add3A_272, %select_n3A_232 : vector<16xi1>, vector<16xf32>
      %swap3A_278 = arith.constant 0 : index
      %swap3A_279 = tpu.vector_load %arg9[%swap3A_278] {strides = array<i32>} : memref<16xf32, #tpu.memory_space<vmem>>, vector<16xf32>,
      tpu.vector_store %arg9[%swap3A_278], %scan3A_142#3 {strides = array<i32>} : memref<16xf32, #tpu.memory_space<vmem>>, vector<16xf32>,
      %add3A_280 = arith.constant 8 : i32
      %add3A_281 = vector.broadcast %add3A_280 : i32 to vector<16xi32>
      %add3A_282 = arith.addi %iota3A, %add3A_281 : vector<16xi32>
      %and3A_283 = arith.constant 15 : i32
      %and3A_284 = vector.broadcast %and3A_283 : i32 to vector<16xi32>
      %and3A_285 = arith.andi %add3A_282, %and3A_284 : vector<16xi32>
      %gather3A_286 = tpu.vector_load_idx %arg9[%and3A_285] : memref<16xf32, #tpu.memory_space<vmem>>[vector<16xi32>], vector<16xf32>,
      %add3A_287 = arith.addf %scan3A_142#3, %gather3A_286 : vector<16xf32>
      %swap3A_288 = arith.constant 0 : index
      %swap3A_289 = tpu.vector_load %arg9[%swap3A_288] {strides = array<i32>} : memref<16xf32, #tpu.memory_space<vmem>>, vector<16xf32>,
      tpu.vector_store %arg9[%swap3A_288], %add3A_287 {strides = array<i32>} : memref<16xf32, #tpu.memory_space<vmem>>, vector<16xf32>,
      %add3A_290 = arith.constant 4 : i32
      %add3A_291 = vector.broadcast %add3A_290 : i32 to vector<16xi32>
      %add3A_292 = arith.addi %iota3A, %add3A_291 : vector<16xi32>
      %and3A_293 = arith.constant 15 : i32
      %and3A_294 = vector.broadcast %and3A_293 : i32 to vector<16xi32>
      %and3A_295 = arith.andi %add3A_292, %and3A_294 : vector<16xi32>
      %gather3A_296 = tpu.vector_load_idx %arg9[%and3A_295] : memref<16xf32, #tpu.memory_space<vmem>>[vector<16xi32>], vector<16xf32>,
      %add3A_297 = arith.addf %add3A_287, %gather3A_296 : vector<16xf32>
      %swap3A_298 = arith.constant 0 : index
      %swap3A_299 = tpu.vector_load %arg9[%swap3A_298] {strides = array<i32>} : memref<16xf32, #tpu.memory_space<vmem>>, vector<16xf32>,
      tpu.vector_store %arg9[%swap3A_298], %add3A_297 {strides = array<i32>} : memref<16xf32, #tpu.memory_space<vmem>>, vector<16xf32>,
      %add3A_300 = arith.constant 2 : i32
      %add3A_301 = vector.broadcast %add3A_300 : i32 to vector<16xi32>
      %add3A_302 = arith.addi %iota3A, %add3A_301 : vector<16xi32>
      %and3A_303 = arith.constant 15 : i32
      %and3A_304 = vector.broadcast %and3A_303 : i32 to vector<16xi32>
      %and3A_305 = arith.andi %add3A_302, %and3A_304 : vector<16xi32>
      %gather3A_306 = tpu.vector_load_idx %arg9[%and3A_305] : memref<16xf32, #tpu.memory_space<vmem>>[vector<16xi32>], vector<16xf32>,
      %add3A_307 = arith.addf %add3A_297, %gather3A_306 : vector<16xf32>
      %swap3A_308 = arith.constant 0 : index
      %swap3A_309 = tpu.vector_load %arg9[%swap3A_308] {strides = array<i32>} : memref<16xf32, #tpu.memory_space<vmem>>, vector<16xf32>,
      tpu.vector_store %arg9[%swap3A_308], %add3A_307 {strides = array<i32>} : memref<16xf32, #tpu.memory_space<vmem>>, vector<16xf32>,
      %add3A_310 = arith.constant 1 : i32
      %add3A_311 = vector.broadcast %add3A_310 : i32 to vector<16xi32>
      %add3A_312 = arith.addi %iota3A, %add3A_311 : vector<16xi32>
      %and3A_313 = arith.constant 15 : i32
      %and3A_314 = vector.broadcast %and3A_313 : i32 to vector<16xi32>
      %and3A_315 = arith.andi %add3A_312, %and3A_314 : vector<16xi32>
      %gather3A_316 = tpu.vector_load_idx %arg9[%and3A_315] : memref<16xf32, #tpu.memory_space<vmem>>[vector<16xi32>], vector<16xf32>,
      %add3A_317 = arith.addf %add3A_307, %gather3A_316 : vector<16xf32>
      %add3A_318 = arith.constant 3 : i32
      %add3A_319 = arith.addi %mul3A_135, %add3A_318 : i32
      %eq3A_320 = vector.broadcast %add3A_319 : i32 to vector<16xi32>
      %eq3A_321 = arith.cmpi eq, %iota3A, %eq3A_320 : vector<16xi32>
      %select_n3A_322 = arith.select %eq3A_321, %add3A_317, %select_n3A_277 : vector<16xi1>, vector<16xf32>
      scf.yield %select_n3A_322 : vector<16xf32>
    }
    %scan3A_70 = arith.constant 4 : i32
    %swap3A = arith.constant 0 : index
    %swap3A_71 = tpu.vector_load %arg8[%swap3A] {strides = array<i32>} : memref<64xf32, #tpu.memory_space<vmem>>, vector<16xf32>,
    tpu.vector_store %arg8[%swap3A], %scan3A_69 {strides = array<i32>} : memref<64xf32, #tpu.memory_space<vmem>>, vector<16xf32>,
    %add3A_72 = arith.constant 32 : i32
    %add3A_73 = arith.addi %add3A_37, %add3A_72 : i32
    %dma_start3A_74 = arith.constant 0 : i32
    %dma_start3A_75 = tpu.memref_slice %arg2[%add3A_73, %dma_start3A_74] : memref<16384x2048xf32, #tpu.memory_space<hbm>> -> memref<16x2048xf32, #tpu.memory_space<hbm>>
    %dma_start3A_76 = arith.constant 0 : i32
    %dma_start3A_77 = tpu.memref_slice %arg2[%add3A_73, %dma_start3A_76] : memref<16384x2048xf32, #tpu.memory_space<hbm>> -> memref<16x2048xf32, #tpu.memory_space<hbm>>
    tpu.enqueue_dma source(%dma_start3A_77 : memref<16x2048xf32, #tpu.memory_space<hbm>>) target(%arg5 : memref<16x2048xf32, #tpu.memory_space<vmem>>) target_semaphore(%arg10 : memref<!tpu.dma_semaphore, #tpu.memory_space<semaphore_mem>>)
    %add3A_78 = arith.constant 16 : i32
    %add3A_79 = arith.addi %add3A_37, %add3A_78 : i32
    %dma_wait3A_80 = arith.constant 0 : i32
    %dma_wait3A_81 = tpu.memref_slice %arg2[%add3A_79, %dma_wait3A_80] : memref<16384x2048xf32, #tpu.memory_space<hbm>> -> memref<16x2048xf32, #tpu.memory_space<hbm>>
    %dma_wait3A_82 = arith.constant 0 : i32
    %dma_wait3A_83 = tpu.memref_slice %arg2[%add3A_79, %dma_wait3A_82] : memref<16384x2048xf32, #tpu.memory_space<hbm>> -> memref<16x2048xf32, #tpu.memory_space<hbm>>
    tpu.wait_dma2 semaphore(%arg11 : memref<!tpu.dma_semaphore, #tpu.memory_space<semaphore_mem>>) src(%dma_wait3A_83 : memref<16x2048xf32, #tpu.memory_space<hbm>>) dst(%arg6 : memref<16x2048xf32, #tpu.memory_space<vmem>>)
    %broadcast_in_dim3A_84 = arith.constant 0.000000e+00 : f32
    %broadcast_in_dim3A_85 = vector.broadcast %broadcast_in_dim3A_84 : f32 to vector<16xf32>
    %scan3A_86 = arith.constant 0 : i32
    %scan3A_87 = arith.constant 4 : i32
    %scan3A_88 = arith.addi %scan3A_86, %scan3A_87 : i32
    %scan3A_89 = arith.constant 1 : i32
    %scan3A_90 = scf.for %scan3A_132 = %scan3A_86 to %scan3A_88 step %scan3A_89 iter_args(%scan3A_133 = %broadcast_in_dim3A_85) -> (vector<16xf32>)  : i32 {
      %mul3A_134 = arith.constant 4 : i32
      %mul3A_135 = arith.muli %scan3A_132, %mul3A_134 : i32
      %broadcast_in_dim3A_136 = arith.constant 0.000000e+00 : f32
      %broadcast_in_dim3A_137 = vector.broadcast %broadcast_in_dim3A_136 : f32 to vector<16xf32>
      %scan3A_138 = arith.constant 0 : i32
      %scan3A_139 = arith.constant 32 : i32
      %scan3A_140 = arith.addi %scan3A_138, %scan3A_139 : i32
      %scan3A_141 = arith.constant 1 : i32
      %scan3A_142:4 = scf.for %scan3A_323 = %scan3A_138 to %scan3A_140 step %scan3A_141 iter_args(%scan3A_324 = %broadcast_in_dim3A_137, %scan3A_325 = %broadcast_in_dim3A_137, %scan3A_326 = %broadcast_in_dim3A_137, %scan3A_327 = %broadcast_in_dim3A_137) -> (vector<16xf32>, vector<16xf32>, vector<16xf32>, vector<16xf32>)  : i32 {
        %mul3A_328 = arith.constant 64 : i32
        %mul3A_329 = arith.muli %scan3A_323, %mul3A_328 : i32
        %add3A_330 = arith.constant 0 : i32
        %add3A_331 = arith.addi %mul3A_329, %add3A_330 : i32
        %get3A = arith.index_cast %add3A_331 : i32 to index
        %get3A_332 = tpu.vector_load %arg7[%get3A] {strides = array<i32>} : memref<2048xf32, #tpu.memory_space<vmem>>, vector<16xf32>,
        %add3A_333 = arith.constant 0 : i32
        %add3A_334 = arith.addi %mul3A_135, %add3A_333 : i32
        %get3A_335 = arith.index_cast %add3A_334 : i32 to index
        %get3A_336 = arith.index_cast %add3A_331 : i32 to index
        %get3A_337 = tpu.vector_load %arg6[%get3A_335, %get3A_336] {strides = array<i32>} : memref<16x2048xf32, #tpu.memory_space<vmem>>, vector<16xf32>,
        %bitcast_convert_type3A = tpu.bitcast %get3A_337 : vector<16xf32> -> vector<16xi32>
        %shift_right_logical3A = arith.constant 16 : i32
        %shift_right_logical3A_338 = vector.broadcast %shift_right_logical3A : i32 to vector<16xi32>
        %shift_right_logical3A_339 = arith.shrui %bitcast_convert_type3A, %shift_right_logical3A_338 : vector<16xi32>
        %and3A_340 = arith.constant 1 : i32
        %and3A_341 = vector.broadcast %and3A_340 : i32 to vector<16xi32>
        %and3A_342 = arith.andi %shift_right_logical3A_339, %and3A_341 : vector<16xi32>
        %add3A_343 = arith.constant 32767 : i32
        %add3A_344 = vector.broadcast %add3A_343 : i32 to vector<16xi32>
        %add3A_345 = arith.addi %bitcast_convert_type3A, %add3A_344 : vector<16xi32>
        %add3A_346 = arith.addi %add3A_345, %and3A_342 : vector<16xi32>
        %and3A_347 = arith.constant -65536 : i32
        %and3A_348 = vector.broadcast %and3A_347 : i32 to vector<16xi32>
        %and3A_349 = arith.andi %add3A_346, %and3A_348 : vector<16xi32>
        %bitcast_convert_type3A_350 = tpu.bitcast %and3A_349 : vector<16xi32> -> vector<16xf32>
        %mul3A_351 = arith.mulf %bitcast_convert_type3A_350, %get3A_332 : vector<16xf32>
        %add3A_352 = arith.constant 1 : i32
        %add3A_353 = arith.addi %mul3A_135, %add3A_352 : i32
        %get3A_354 = arith.index_cast %add3A_353 : i32 to index
        %get3A_355 = arith.index_cast %add3A_331 : i32 to index
        %get3A_356 = tpu.vector_load %arg6[%get3A_354, %get3A_355] {strides = array<i32>} : memref<16x2048xf32, #tpu.memory_space<vmem>>, vector<16xf32>,
        %bitcast_convert_type3A_357 = tpu.bitcast %get3A_356 : vector<16xf32> -> vector<16xi32>
        %shift_right_logical3A_358 = arith.constant 16 : i32
        %shift_right_logical3A_359 = vector.broadcast %shift_right_logical3A_358 : i32 to vector<16xi32>
        %shift_right_logical3A_360 = arith.shrui %bitcast_convert_type3A_357, %shift_right_logical3A_359 : vector<16xi32>
        %and3A_361 = arith.constant 1 : i32
        %and3A_362 = vector.broadcast %and3A_361 : i32 to vector<16xi32>
        %and3A_363 = arith.andi %shift_right_logical3A_360, %and3A_362 : vector<16xi32>
        %add3A_364 = arith.constant 32767 : i32
        %add3A_365 = vector.broadcast %add3A_364 : i32 to vector<16xi32>
        %add3A_366 = arith.addi %bitcast_convert_type3A_357, %add3A_365 : vector<16xi32>
        %add3A_367 = arith.addi %add3A_366, %and3A_363 : vector<16xi32>
        %and3A_368 = arith.constant -65536 : i32
        %and3A_369 = vector.broadcast %and3A_368 : i32 to vector<16xi32>
        %and3A_370 = arith.andi %add3A_367, %and3A_369 : vector<16xi32>
        %bitcast_convert_type3A_371 = tpu.bitcast %and3A_370 : vector<16xi32> -> vector<16xf32>
        %mul3A_372 = arith.mulf %bitcast_convert_type3A_371, %get3A_332 : vector<16xf32>
        %add3A_373 = arith.constant 2 : i32
        %add3A_374 = arith.addi %mul3A_135, %add3A_373 : i32
        %get3A_375 = arith.index_cast %add3A_374 : i32 to index
        %get3A_376 = arith.index_cast %add3A_331 : i32 to index
        %get3A_377 = tpu.vector_load %arg6[%get3A_375, %get3A_376] {strides = array<i32>} : memref<16x2048xf32, #tpu.memory_space<vmem>>, vector<16xf32>,
        %bitcast_convert_type3A_378 = tpu.bitcast %get3A_377 : vector<16xf32> -> vector<16xi32>
        %shift_right_logical3A_379 = arith.constant 16 : i32
        %shift_right_logical3A_380 = vector.broadcast %shift_right_logical3A_379 : i32 to vector<16xi32>
        %shift_right_logical3A_381 = arith.shrui %bitcast_convert_type3A_378, %shift_right_logical3A_380 : vector<16xi32>
        %and3A_382 = arith.constant 1 : i32
        %and3A_383 = vector.broadcast %and3A_382 : i32 to vector<16xi32>
        %and3A_384 = arith.andi %shift_right_logical3A_381, %and3A_383 : vector<16xi32>
        %add3A_385 = arith.constant 32767 : i32
        %add3A_386 = vector.broadcast %add3A_385 : i32 to vector<16xi32>
        %add3A_387 = arith.addi %bitcast_convert_type3A_378, %add3A_386 : vector<16xi32>
        %add3A_388 = arith.addi %add3A_387, %and3A_384 : vector<16xi32>
        %and3A_389 = arith.constant -65536 : i32
        %and3A_390 = vector.broadcast %and3A_389 : i32 to vector<16xi32>
        %and3A_391 = arith.andi %add3A_388, %and3A_390 : vector<16xi32>
        %bitcast_convert_type3A_392 = tpu.bitcast %and3A_391 : vector<16xi32> -> vector<16xf32>
        %mul3A_393 = arith.mulf %bitcast_convert_type3A_392, %get3A_332 : vector<16xf32>
        %add3A_394 = arith.constant 3 : i32
        %add3A_395 = arith.addi %mul3A_135, %add3A_394 : i32
        %get3A_396 = arith.index_cast %add3A_395 : i32 to index
        %get3A_397 = arith.index_cast %add3A_331 : i32 to index
        %get3A_398 = tpu.vector_load %arg6[%get3A_396, %get3A_397] {strides = array<i32>} : memref<16x2048xf32, #tpu.memory_space<vmem>>, vector<16xf32>,
        %bitcast_convert_type3A_399 = tpu.bitcast %get3A_398 : vector<16xf32> -> vector<16xi32>
        %shift_right_logical3A_400 = arith.constant 16 : i32
        %shift_right_logical3A_401 = vector.broadcast %shift_right_logical3A_400 : i32 to vector<16xi32>
        %shift_right_logical3A_402 = arith.shrui %bitcast_convert_type3A_399, %shift_right_logical3A_401 : vector<16xi32>
        %and3A_403 = arith.constant 1 : i32
        %and3A_404 = vector.broadcast %and3A_403 : i32 to vector<16xi32>
        %and3A_405 = arith.andi %shift_right_logical3A_402, %and3A_404 : vector<16xi32>
        %add3A_406 = arith.constant 32767 : i32
        %add3A_407 = vector.broadcast %add3A_406 : i32 to vector<16xi32>
        %add3A_408 = arith.addi %bitcast_convert_type3A_399, %add3A_407 : vector<16xi32>
        %add3A_409 = arith.addi %add3A_408, %and3A_405 : vector<16xi32>
        %and3A_410 = arith.constant -65536 : i32
        %and3A_411 = vector.broadcast %and3A_410 : i32 to vector<16xi32>
        %and3A_412 = arith.andi %add3A_409, %and3A_411 : vector<16xi32>
        %bitcast_convert_type3A_413 = tpu.bitcast %and3A_412 : vector<16xi32> -> vector<16xf32>
        %mul3A_414 = arith.mulf %bitcast_convert_type3A_413, %get3A_332 : vector<16xf32>
        %add3A_415 = arith.addf %scan3A_324, %mul3A_351 : vector<16xf32>
        %add3A_416 = arith.addf %scan3A_325, %mul3A_372 : vector<16xf32>
        %add3A_417 = arith.addf %scan3A_326, %mul3A_393 : vector<16xf32>
        %add3A_418 = arith.addf %scan3A_327, %mul3A_414 : vector<16xf32>
        %mul3A_419 = arith.constant 64 : i32
        %mul3A_420 = arith.muli %scan3A_323, %mul3A_419 : i32
        %add3A_421 = arith.constant 16 : i32
        %add3A_422 = arith.addi %mul3A_420, %add3A_421 : i32
        %get3A_423 = arith.index_cast %add3A_422 : i32 to index
        %get3A_424 = tpu.vector_load %arg7[%get3A_423] {strides = array<i32>} : memref<2048xf32, #tpu.memory_space<vmem>>, vector<16xf32>,
        %add3A_425 = arith.constant 0 : i32
        %add3A_426 = arith.addi %mul3A_135, %add3A_425 : i32
        %get3A_427 = arith.index_cast %add3A_426 : i32 to index
        %get3A_428 = arith.index_cast %add3A_422 : i32 to index
        %get3A_429 = tpu.vector_load %arg6[%get3A_427, %get3A_428] {strides = array<i32>} : memref<16x2048xf32, #tpu.memory_space<vmem>>, vector<16xf32>,
        %bitcast_convert_type3A_430 = tpu.bitcast %get3A_429 : vector<16xf32> -> vector<16xi32>
        %shift_right_logical3A_431 = arith.constant 16 : i32
        %shift_right_logical3A_432 = vector.broadcast %shift_right_logical3A_431 : i32 to vector<16xi32>
        %shift_right_logical3A_433 = arith.shrui %bitcast_convert_type3A_430, %shift_right_logical3A_432 : vector<16xi32>
        %and3A_434 = arith.constant 1 : i32
        %and3A_435 = vector.broadcast %and3A_434 : i32 to vector<16xi32>
        %and3A_436 = arith.andi %shift_right_logical3A_433, %and3A_435 : vector<16xi32>
        %add3A_437 = arith.constant 32767 : i32
        %add3A_438 = vector.broadcast %add3A_437 : i32 to vector<16xi32>
        %add3A_439 = arith.addi %bitcast_convert_type3A_430, %add3A_438 : vector<16xi32>
        %add3A_440 = arith.addi %add3A_439, %and3A_436 : vector<16xi32>
        %and3A_441 = arith.constant -65536 : i32
        %and3A_442 = vector.broadcast %and3A_441 : i32 to vector<16xi32>
        %and3A_443 = arith.andi %add3A_440, %and3A_442 : vector<16xi32>
        %bitcast_convert_type3A_444 = tpu.bitcast %and3A_443 : vector<16xi32> -> vector<16xf32>
        %mul3A_445 = arith.mulf %bitcast_convert_type3A_444, %get3A_424 : vector<16xf32>
        %add3A_446 = arith.constant 1 : i32
        %add3A_447 = arith.addi %mul3A_135, %add3A_446 : i32
        %get3A_448 = arith.index_cast %add3A_447 : i32 to index
        %get3A_449 = arith.index_cast %add3A_422 : i32 to index
        %get3A_450 = tpu.vector_load %arg6[%get3A_448, %get3A_449] {strides = array<i32>} : memref<16x2048xf32, #tpu.memory_space<vmem>>, vector<16xf32>,
        %bitcast_convert_type3A_451 = tpu.bitcast %get3A_450 : vector<16xf32> -> vector<16xi32>
        %shift_right_logical3A_452 = arith.constant 16 : i32
        %shift_right_logical3A_453 = vector.broadcast %shift_right_logical3A_452 : i32 to vector<16xi32>
        %shift_right_logical3A_454 = arith.shrui %bitcast_convert_type3A_451, %shift_right_logical3A_453 : vector<16xi32>
        %and3A_455 = arith.constant 1 : i32
        %and3A_456 = vector.broadcast %and3A_455 : i32 to vector<16xi32>
        %and3A_457 = arith.andi %shift_right_logical3A_454, %and3A_456 : vector<16xi32>
        %add3A_458 = arith.constant 32767 : i32
        %add3A_459 = vector.broadcast %add3A_458 : i32 to vector<16xi32>
        %add3A_460 = arith.addi %bitcast_convert_type3A_451, %add3A_459 : vector<16xi32>
        %add3A_461 = arith.addi %add3A_460, %and3A_457 : vector<16xi32>
        %and3A_462 = arith.constant -65536 : i32
        %and3A_463 = vector.broadcast %and3A_462 : i32 to vector<16xi32>
        %and3A_464 = arith.andi %add3A_461, %and3A_463 : vector<16xi32>
        %bitcast_convert_type3A_465 = tpu.bitcast %and3A_464 : vector<16xi32> -> vector<16xf32>
        %mul3A_466 = arith.mulf %bitcast_convert_type3A_465, %get3A_424 : vector<16xf32>
        %add3A_467 = arith.constant 2 : i32
        %add3A_468 = arith.addi %mul3A_135, %add3A_467 : i32
        %get3A_469 = arith.index_cast %add3A_468 : i32 to index
        %get3A_470 = arith.index_cast %add3A_422 : i32 to index
        %get3A_471 = tpu.vector_load %arg6[%get3A_469, %get3A_470] {strides = array<i32>} : memref<16x2048xf32, #tpu.memory_space<vmem>>, vector<16xf32>,
        %bitcast_convert_type3A_472 = tpu.bitcast %get3A_471 : vector<16xf32> -> vector<16xi32>
        %shift_right_logical3A_473 = arith.constant 16 : i32
        %shift_right_logical3A_474 = vector.broadcast %shift_right_logical3A_473 : i32 to vector<16xi32>
        %shift_right_logical3A_475 = arith.shrui %bitcast_convert_type3A_472, %shift_right_logical3A_474 : vector<16xi32>
        %and3A_476 = arith.constant 1 : i32
        %and3A_477 = vector.broadcast %and3A_476 : i32 to vector<16xi32>
        %and3A_478 = arith.andi %shift_right_logical3A_475, %and3A_477 : vector<16xi32>
        %add3A_479 = arith.constant 32767 : i32
        %add3A_480 = vector.broadcast %add3A_479 : i32 to vector<16xi32>
        %add3A_481 = arith.addi %bitcast_convert_type3A_472, %add3A_480 : vector<16xi32>
        %add3A_482 = arith.addi %add3A_481, %and3A_478 : vector<16xi32>
        %and3A_483 = arith.constant -65536 : i32
        %and3A_484 = vector.broadcast %and3A_483 : i32 to vector<16xi32>
        %and3A_485 = arith.andi %add3A_482, %and3A_484 : vector<16xi32>
        %bitcast_convert_type3A_486 = tpu.bitcast %and3A_485 : vector<16xi32> -> vector<16xf32>
        %mul3A_487 = arith.mulf %bitcast_convert_type3A_486, %get3A_424 : vector<16xf32>
        %add3A_488 = arith.constant 3 : i32
        %add3A_489 = arith.addi %mul3A_135, %add3A_488 : i32
        %get3A_490 = arith.index_cast %add3A_489 : i32 to index
        %get3A_491 = arith.index_cast %add3A_422 : i32 to index
        %get3A_492 = tpu.vector_load %arg6[%get3A_490, %get3A_491] {strides = array<i32>} : memref<16x2048xf32, #tpu.memory_space<vmem>>, vector<16xf32>,
        %bitcast_convert_type3A_493 = tpu.bitcast %get3A_492 : vector<16xf32> -> vector<16xi32>
        %shift_right_logical3A_494 = arith.constant 16 : i32
        %shift_right_logical3A_495 = vector.broadcast %shift_right_logical3A_494 : i32 to vector<16xi32>
        %shift_right_logical3A_496 = arith.shrui %bitcast_convert_type3A_493, %shift_right_logical3A_495 : vector<16xi32>
        %and3A_497 = arith.constant 1 : i32
        %and3A_498 = vector.broadcast %and3A_497 : i32 to vector<16xi32>
        %and3A_499 = arith.andi %shift_right_logical3A_496, %and3A_498 : vector<16xi32>
        %add3A_500 = arith.constant 32767 : i32
        %add3A_501 = vector.broadcast %add3A_500 : i32 to vector<16xi32>
        %add3A_502 = arith.addi %bitcast_convert_type3A_493, %add3A_501 : vector<16xi32>
        %add3A_503 = arith.addi %add3A_502, %and3A_499 : vector<16xi32>
        %and3A_504 = arith.constant -65536 : i32
        %and3A_505 = vector.broadcast %and3A_504 : i32 to vector<16xi32>
        %and3A_506 = arith.andi %add3A_503, %and3A_505 : vector<16xi32>
        %bitcast_convert_type3A_507 = tpu.bitcast %and3A_506 : vector<16xi32> -> vector<16xf32>
        %mul3A_508 = arith.mulf %bitcast_convert_type3A_507, %get3A_424 : vector<16xf32>
        %add3A_509 = arith.addf %add3A_415, %mul3A_445 : vector<16xf32>
        %add3A_510 = arith.addf %add3A_416, %mul3A_466 : vector<16xf32>
        %add3A_511 = arith.addf %add3A_417, %mul3A_487 : vector<16xf32>
        %add3A_512 = arith.addf %add3A_418, %mul3A_508 : vector<16xf32>
        %mul3A_513 = arith.constant 64 : i32
        %mul3A_514 = arith.muli %scan3A_323, %mul3A_513 : i32
        %add3A_515 = arith.constant 32 : i32
        %add3A_516 = arith.addi %mul3A_514, %add3A_515 : i32
        %get3A_517 = arith.index_cast %add3A_516 : i32 to index
        %get3A_518 = tpu.vector_load %arg7[%get3A_517] {strides = array<i32>} : memref<2048xf32, #tpu.memory_space<vmem>>, vector<16xf32>,
        %add3A_519 = arith.constant 0 : i32
        %add3A_520 = arith.addi %mul3A_135, %add3A_519 : i32
        %get3A_521 = arith.index_cast %add3A_520 : i32 to index
        %get3A_522 = arith.index_cast %add3A_516 : i32 to index
        %get3A_523 = tpu.vector_load %arg6[%get3A_521, %get3A_522] {strides = array<i32>} : memref<16x2048xf32, #tpu.memory_space<vmem>>, vector<16xf32>,
        %bitcast_convert_type3A_524 = tpu.bitcast %get3A_523 : vector<16xf32> -> vector<16xi32>
        %shift_right_logical3A_525 = arith.constant 16 : i32
        %shift_right_logical3A_526 = vector.broadcast %shift_right_logical3A_525 : i32 to vector<16xi32>
        %shift_right_logical3A_527 = arith.shrui %bitcast_convert_type3A_524, %shift_right_logical3A_526 : vector<16xi32>
        %and3A_528 = arith.constant 1 : i32
        %and3A_529 = vector.broadcast %and3A_528 : i32 to vector<16xi32>
        %and3A_530 = arith.andi %shift_right_logical3A_527, %and3A_529 : vector<16xi32>
        %add3A_531 = arith.constant 32767 : i32
        %add3A_532 = vector.broadcast %add3A_531 : i32 to vector<16xi32>
        %add3A_533 = arith.addi %bitcast_convert_type3A_524, %add3A_532 : vector<16xi32>
        %add3A_534 = arith.addi %add3A_533, %and3A_530 : vector<16xi32>
        %and3A_535 = arith.constant -65536 : i32
        %and3A_536 = vector.broadcast %and3A_535 : i32 to vector<16xi32>
        %and3A_537 = arith.andi %add3A_534, %and3A_536 : vector<16xi32>
        %bitcast_convert_type3A_538 = tpu.bitcast %and3A_537 : vector<16xi32> -> vector<16xf32>
        %mul3A_539 = arith.mulf %bitcast_convert_type3A_538, %get3A_518 : vector<16xf32>
        %add3A_540 = arith.constant 1 : i32
        %add3A_541 = arith.addi %mul3A_135, %add3A_540 : i32
        %get3A_542 = arith.index_cast %add3A_541 : i32 to index
        %get3A_543 = arith.index_cast %add3A_516 : i32 to index
        %get3A_544 = tpu.vector_load %arg6[%get3A_542, %get3A_543] {strides = array<i32>} : memref<16x2048xf32, #tpu.memory_space<vmem>>, vector<16xf32>,
        %bitcast_convert_type3A_545 = tpu.bitcast %get3A_544 : vector<16xf32> -> vector<16xi32>
        %shift_right_logical3A_546 = arith.constant 16 : i32
        %shift_right_logical3A_547 = vector.broadcast %shift_right_logical3A_546 : i32 to vector<16xi32>
        %shift_right_logical3A_548 = arith.shrui %bitcast_convert_type3A_545, %shift_right_logical3A_547 : vector<16xi32>
        %and3A_549 = arith.constant 1 : i32
        %and3A_550 = vector.broadcast %and3A_549 : i32 to vector<16xi32>
        %and3A_551 = arith.andi %shift_right_logical3A_548, %and3A_550 : vector<16xi32>
        %add3A_552 = arith.constant 32767 : i32
        %add3A_553 = vector.broadcast %add3A_552 : i32 to vector<16xi32>
        %add3A_554 = arith.addi %bitcast_convert_type3A_545, %add3A_553 : vector<16xi32>
        %add3A_555 = arith.addi %add3A_554, %and3A_551 : vector<16xi32>
        %and3A_556 = arith.constant -65536 : i32
        %and3A_557 = vector.broadcast %and3A_556 : i32 to vector<16xi32>
        %and3A_558 = arith.andi %add3A_555, %and3A_557 : vector<16xi32>
        %bitcast_convert_type3A_559 = tpu.bitcast %and3A_558 : vector<16xi32> -> vector<16xf32>
        %mul3A_560 = arith.mulf %bitcast_convert_type3A_559, %get3A_518 : vector<16xf32>
        %add3A_561 = arith.constant 2 : i32
        %add3A_562 = arith.addi %mul3A_135, %add3A_561 : i32
        %get3A_563 = arith.index_cast %add3A_562 : i32 to index
        %get3A_564 = arith.index_cast %add3A_516 : i32 to index
        %get3A_565 = tpu.vector_load %arg6[%get3A_563, %get3A_564] {strides = array<i32>} : memref<16x2048xf32, #tpu.memory_space<vmem>>, vector<16xf32>,
        %bitcast_convert_type3A_566 = tpu.bitcast %get3A_565 : vector<16xf32> -> vector<16xi32>
        %shift_right_logical3A_567 = arith.constant 16 : i32
        %shift_right_logical3A_568 = vector.broadcast %shift_right_logical3A_567 : i32 to vector<16xi32>
        %shift_right_logical3A_569 = arith.shrui %bitcast_convert_type3A_566, %shift_right_logical3A_568 : vector<16xi32>
        %and3A_570 = arith.constant 1 : i32
        %and3A_571 = vector.broadcast %and3A_570 : i32 to vector<16xi32>
        %and3A_572 = arith.andi %shift_right_logical3A_569, %and3A_571 : vector<16xi32>
        %add3A_573 = arith.constant 32767 : i32
        %add3A_574 = vector.broadcast %add3A_573 : i32 to vector<16xi32>
        %add3A_575 = arith.addi %bitcast_convert_type3A_566, %add3A_574 : vector<16xi32>
        %add3A_576 = arith.addi %add3A_575, %and3A_572 : vector<16xi32>
        %and3A_577 = arith.constant -65536 : i32
        %and3A_578 = vector.broadcast %and3A_577 : i32 to vector<16xi32>
        %and3A_579 = arith.andi %add3A_576, %and3A_578 : vector<16xi32>
        %bitcast_convert_type3A_580 = tpu.bitcast %and3A_579 : vector<16xi32> -> vector<16xf32>
        %mul3A_581 = arith.mulf %bitcast_convert_type3A_580, %get3A_518 : vector<16xf32>
        %add3A_582 = arith.constant 3 : i32
        %add3A_583 = arith.addi %mul3A_135, %add3A_582 : i32
        %get3A_584 = arith.index_cast %add3A_583 : i32 to index
        %get3A_585 = arith.index_cast %add3A_516 : i32 to index
        %get3A_586 = tpu.vector_load %arg6[%get3A_584, %get3A_585] {strides = array<i32>} : memref<16x2048xf32, #tpu.memory_space<vmem>>, vector<16xf32>,
        %bitcast_convert_type3A_587 = tpu.bitcast %get3A_586 : vector<16xf32> -> vector<16xi32>
        %shift_right_logical3A_588 = arith.constant 16 : i32
        %shift_right_logical3A_589 = vector.broadcast %shift_right_logical3A_588 : i32 to vector<16xi32>
        %shift_right_logical3A_590 = arith.shrui %bitcast_convert_type3A_587, %shift_right_logical3A_589 : vector<16xi32>
        %and3A_591 = arith.constant 1 : i32
        %and3A_592 = vector.broadcast %and3A_591 : i32 to vector<16xi32>
        %and3A_593 = arith.andi %shift_right_logical3A_590, %and3A_592 : vector<16xi32>
        %add3A_594 = arith.constant 32767 : i32
        %add3A_595 = vector.broadcast %add3A_594 : i32 to vector<16xi32>
        %add3A_596 = arith.addi %bitcast_convert_type3A_587, %add3A_595 : vector<16xi32>
        %add3A_597 = arith.addi %add3A_596, %and3A_593 : vector<16xi32>
        %and3A_598 = arith.constant -65536 : i32
        %and3A_599 = vector.broadcast %and3A_598 : i32 to vector<16xi32>
        %and3A_600 = arith.andi %add3A_597, %and3A_599 : vector<16xi32>
        %bitcast_convert_type3A_601 = tpu.bitcast %and3A_600 : vector<16xi32> -> vector<16xf32>
        %mul3A_602 = arith.mulf %bitcast_convert_type3A_601, %get3A_518 : vector<16xf32>
        %add3A_603 = arith.addf %add3A_509, %mul3A_539 : vector<16xf32>
        %add3A_604 = arith.addf %add3A_510, %mul3A_560 : vector<16xf32>
        %add3A_605 = arith.addf %add3A_511, %mul3A_581 : vector<16xf32>
        %add3A_606 = arith.addf %add3A_512, %mul3A_602 : vector<16xf32>
        %mul3A_607 = arith.constant 64 : i32
        %mul3A_608 = arith.muli %scan3A_323, %mul3A_607 : i32
        %add3A_609 = arith.constant 48 : i32
        %add3A_610 = arith.addi %mul3A_608, %add3A_609 : i32
        %get3A_611 = arith.index_cast %add3A_610 : i32 to index
        %get3A_612 = tpu.vector_load %arg7[%get3A_611] {strides = array<i32>} : memref<2048xf32, #tpu.memory_space<vmem>>, vector<16xf32>,
        %add3A_613 = arith.constant 0 : i32
        %add3A_614 = arith.addi %mul3A_135, %add3A_613 : i32
        %get3A_615 = arith.index_cast %add3A_614 : i32 to index
        %get3A_616 = arith.index_cast %add3A_610 : i32 to index
        %get3A_617 = tpu.vector_load %arg6[%get3A_615, %get3A_616] {strides = array<i32>} : memref<16x2048xf32, #tpu.memory_space<vmem>>, vector<16xf32>,
        %bitcast_convert_type3A_618 = tpu.bitcast %get3A_617 : vector<16xf32> -> vector<16xi32>
        %shift_right_logical3A_619 = arith.constant 16 : i32
        %shift_right_logical3A_620 = vector.broadcast %shift_right_logical3A_619 : i32 to vector<16xi32>
        %shift_right_logical3A_621 = arith.shrui %bitcast_convert_type3A_618, %shift_right_logical3A_620 : vector<16xi32>
        %and3A_622 = arith.constant 1 : i32
        %and3A_623 = vector.broadcast %and3A_622 : i32 to vector<16xi32>
        %and3A_624 = arith.andi %shift_right_logical3A_621, %and3A_623 : vector<16xi32>
        %add3A_625 = arith.constant 32767 : i32
        %add3A_626 = vector.broadcast %add3A_625 : i32 to vector<16xi32>
        %add3A_627 = arith.addi %bitcast_convert_type3A_618, %add3A_626 : vector<16xi32>
        %add3A_628 = arith.addi %add3A_627, %and3A_624 : vector<16xi32>
        %and3A_629 = arith.constant -65536 : i32
        %and3A_630 = vector.broadcast %and3A_629 : i32 to vector<16xi32>
        %and3A_631 = arith.andi %add3A_628, %and3A_630 : vector<16xi32>
        %bitcast_convert_type3A_632 = tpu.bitcast %and3A_631 : vector<16xi32> -> vector<16xf32>
        %mul3A_633 = arith.mulf %bitcast_convert_type3A_632, %get3A_612 : vector<16xf32>
        %add3A_634 = arith.constant 1 : i32
        %add3A_635 = arith.addi %mul3A_135, %add3A_634 : i32
        %get3A_636 = arith.index_cast %add3A_635 : i32 to index
        %get3A_637 = arith.index_cast %add3A_610 : i32 to index
        %get3A_638 = tpu.vector_load %arg6[%get3A_636, %get3A_637] {strides = array<i32>} : memref<16x2048xf32, #tpu.memory_space<vmem>>, vector<16xf32>,
        %bitcast_convert_type3A_639 = tpu.bitcast %get3A_638 : vector<16xf32> -> vector<16xi32>
        %shift_right_logical3A_640 = arith.constant 16 : i32
        %shift_right_logical3A_641 = vector.broadcast %shift_right_logical3A_640 : i32 to vector<16xi32>
        %shift_right_logical3A_642 = arith.shrui %bitcast_convert_type3A_639, %shift_right_logical3A_641 : vector<16xi32>
        %and3A_643 = arith.constant 1 : i32
        %and3A_644 = vector.broadcast %and3A_643 : i32 to vector<16xi32>
        %and3A_645 = arith.andi %shift_right_logical3A_642, %and3A_644 : vector<16xi32>
        %add3A_646 = arith.constant 32767 : i32
        %add3A_647 = vector.broadcast %add3A_646 : i32 to vector<16xi32>
        %add3A_648 = arith.addi %bitcast_convert_type3A_639, %add3A_647 : vector<16xi32>
        %add3A_649 = arith.addi %add3A_648, %and3A_645 : vector<16xi32>
        %and3A_650 = arith.constant -65536 : i32
        %and3A_651 = vector.broadcast %and3A_650 : i32 to vector<16xi32>
        %and3A_652 = arith.andi %add3A_649, %and3A_651 : vector<16xi32>
        %bitcast_convert_type3A_653 = tpu.bitcast %and3A_652 : vector<16xi32> -> vector<16xf32>
        %mul3A_654 = arith.mulf %bitcast_convert_type3A_653, %get3A_612 : vector<16xf32>
        %add3A_655 = arith.constant 2 : i32
        %add3A_656 = arith.addi %mul3A_135, %add3A_655 : i32
        %get3A_657 = arith.index_cast %add3A_656 : i32 to index
        %get3A_658 = arith.index_cast %add3A_610 : i32 to index
        %get3A_659 = tpu.vector_load %arg6[%get3A_657, %get3A_658] {strides = array<i32>} : memref<16x2048xf32, #tpu.memory_space<vmem>>, vector<16xf32>,
        %bitcast_convert_type3A_660 = tpu.bitcast %get3A_659 : vector<16xf32> -> vector<16xi32>
        %shift_right_logical3A_661 = arith.constant 16 : i32
        %shift_right_logical3A_662 = vector.broadcast %shift_right_logical3A_661 : i32 to vector<16xi32>
        %shift_right_logical3A_663 = arith.shrui %bitcast_convert_type3A_660, %shift_right_logical3A_662 : vector<16xi32>
        %and3A_664 = arith.constant 1 : i32
        %and3A_665 = vector.broadcast %and3A_664 : i32 to vector<16xi32>
        %and3A_666 = arith.andi %shift_right_logical3A_663, %and3A_665 : vector<16xi32>
        %add3A_667 = arith.constant 32767 : i32
        %add3A_668 = vector.broadcast %add3A_667 : i32 to vector<16xi32>
        %add3A_669 = arith.addi %bitcast_convert_type3A_660, %add3A_668 : vector<16xi32>
        %add3A_670 = arith.addi %add3A_669, %and3A_666 : vector<16xi32>
        %and3A_671 = arith.constant -65536 : i32
        %and3A_672 = vector.broadcast %and3A_671 : i32 to vector<16xi32>
        %and3A_673 = arith.andi %add3A_670, %and3A_672 : vector<16xi32>
        %bitcast_convert_type3A_674 = tpu.bitcast %and3A_673 : vector<16xi32> -> vector<16xf32>
        %mul3A_675 = arith.mulf %bitcast_convert_type3A_674, %get3A_612 : vector<16xf32>
        %add3A_676 = arith.constant 3 : i32
        %add3A_677 = arith.addi %mul3A_135, %add3A_676 : i32
        %get3A_678 = arith.index_cast %add3A_677 : i32 to index
        %get3A_679 = arith.index_cast %add3A_610 : i32 to index
        %get3A_680 = tpu.vector_load %arg6[%get3A_678, %get3A_679] {strides = array<i32>} : memref<16x2048xf32, #tpu.memory_space<vmem>>, vector<16xf32>,
        %bitcast_convert_type3A_681 = tpu.bitcast %get3A_680 : vector<16xf32> -> vector<16xi32>
        %shift_right_logical3A_682 = arith.constant 16 : i32
        %shift_right_logical3A_683 = vector.broadcast %shift_right_logical3A_682 : i32 to vector<16xi32>
        %shift_right_logical3A_684 = arith.shrui %bitcast_convert_type3A_681, %shift_right_logical3A_683 : vector<16xi32>
        %and3A_685 = arith.constant 1 : i32
        %and3A_686 = vector.broadcast %and3A_685 : i32 to vector<16xi32>
        %and3A_687 = arith.andi %shift_right_logical3A_684, %and3A_686 : vector<16xi32>
        %add3A_688 = arith.constant 32767 : i32
        %add3A_689 = vector.broadcast %add3A_688 : i32 to vector<16xi32>
        %add3A_690 = arith.addi %bitcast_convert_type3A_681, %add3A_689 : vector<16xi32>
        %add3A_691 = arith.addi %add3A_690, %and3A_687 : vector<16xi32>
        %and3A_692 = arith.constant -65536 : i32
        %and3A_693 = vector.broadcast %and3A_692 : i32 to vector<16xi32>
        %and3A_694 = arith.andi %add3A_691, %and3A_693 : vector<16xi32>
        %bitcast_convert_type3A_695 = tpu.bitcast %and3A_694 : vector<16xi32> -> vector<16xf32>
        %mul3A_696 = arith.mulf %bitcast_convert_type3A_695, %get3A_612 : vector<16xf32>
        %add3A_697 = arith.addf %add3A_603, %mul3A_633 : vector<16xf32>
        %add3A_698 = arith.addf %add3A_604, %mul3A_654 : vector<16xf32>
        %add3A_699 = arith.addf %add3A_605, %mul3A_675 : vector<16xf32>
        %add3A_700 = arith.addf %add3A_606, %mul3A_696 : vector<16xf32>
        scf.yield %add3A_697, %add3A_698, %add3A_699, %add3A_700 : vector<16xf32>, vector<16xf32>, vector<16xf32>, vector<16xf32>
      }
      %scan3A_143 = arith.constant 32 : i32
      %swap3A_144 = arith.constant 0 : index
      %swap3A_145 = tpu.vector_load %arg9[%swap3A_144] {strides = array<i32>} : memref<16xf32, #tpu.memory_space<vmem>>, vector<16xf32>,
      tpu.vector_store %arg9[%swap3A_144], %scan3A_142#0 {strides = array<i32>} : memref<16xf32, #tpu.memory_space<vmem>>, vector<16xf32>,
      %add3A_146 = arith.constant 8 : i32
      %add3A_147 = vector.broadcast %add3A_146 : i32 to vector<16xi32>
      %add3A_148 = arith.addi %iota3A, %add3A_147 : vector<16xi32>
      %and3A_149 = arith.constant 15 : i32
      %and3A_150 = vector.broadcast %and3A_149 : i32 to vector<16xi32>
      %and3A_151 = arith.andi %add3A_148, %and3A_150 : vector<16xi32>
      %gather3A = tpu.vector_load_idx %arg9[%and3A_151] : memref<16xf32, #tpu.memory_space<vmem>>[vector<16xi32>], vector<16xf32>,
      %add3A_152 = arith.addf %scan3A_142#0, %gather3A : vector<16xf32>
      %swap3A_153 = arith.constant 0 : index
      %swap3A_154 = tpu.vector_load %arg9[%swap3A_153] {strides = array<i32>} : memref<16xf32, #tpu.memory_space<vmem>>, vector<16xf32>,
      tpu.vector_store %arg9[%swap3A_153], %add3A_152 {strides = array<i32>} : memref<16xf32, #tpu.memory_space<vmem>>, vector<16xf32>,
      %add3A_155 = arith.constant 4 : i32
      %add3A_156 = vector.broadcast %add3A_155 : i32 to vector<16xi32>
      %add3A_157 = arith.addi %iota3A, %add3A_156 : vector<16xi32>
      %and3A_158 = arith.constant 15 : i32
      %and3A_159 = vector.broadcast %and3A_158 : i32 to vector<16xi32>
      %and3A_160 = arith.andi %add3A_157, %and3A_159 : vector<16xi32>
      %gather3A_161 = tpu.vector_load_idx %arg9[%and3A_160] : memref<16xf32, #tpu.memory_space<vmem>>[vector<16xi32>], vector<16xf32>,
      %add3A_162 = arith.addf %add3A_152, %gather3A_161 : vector<16xf32>
      %swap3A_163 = arith.constant 0 : index
      %swap3A_164 = tpu.vector_load %arg9[%swap3A_163] {strides = array<i32>} : memref<16xf32, #tpu.memory_space<vmem>>, vector<16xf32>,
      tpu.vector_store %arg9[%swap3A_163], %add3A_162 {strides = array<i32>} : memref<16xf32, #tpu.memory_space<vmem>>, vector<16xf32>,
      %add3A_165 = arith.constant 2 : i32
      %add3A_166 = vector.broadcast %add3A_165 : i32 to vector<16xi32>
      %add3A_167 = arith.addi %iota3A, %add3A_166 : vector<16xi32>
      %and3A_168 = arith.constant 15 : i32
      %and3A_169 = vector.broadcast %and3A_168 : i32 to vector<16xi32>
      %and3A_170 = arith.andi %add3A_167, %and3A_169 : vector<16xi32>
      %gather3A_171 = tpu.vector_load_idx %arg9[%and3A_170] : memref<16xf32, #tpu.memory_space<vmem>>[vector<16xi32>], vector<16xf32>,
      %add3A_172 = arith.addf %add3A_162, %gather3A_171 : vector<16xf32>
      %swap3A_173 = arith.constant 0 : index
      %swap3A_174 = tpu.vector_load %arg9[%swap3A_173] {strides = array<i32>} : memref<16xf32, #tpu.memory_space<vmem>>, vector<16xf32>,
      tpu.vector_store %arg9[%swap3A_173], %add3A_172 {strides = array<i32>} : memref<16xf32, #tpu.memory_space<vmem>>, vector<16xf32>,
      %add3A_175 = arith.constant 1 : i32
      %add3A_176 = vector.broadcast %add3A_175 : i32 to vector<16xi32>
      %add3A_177 = arith.addi %iota3A, %add3A_176 : vector<16xi32>
      %and3A_178 = arith.constant 15 : i32
      %and3A_179 = vector.broadcast %and3A_178 : i32 to vector<16xi32>
      %and3A_180 = arith.andi %add3A_177, %and3A_179 : vector<16xi32>
      %gather3A_181 = tpu.vector_load_idx %arg9[%and3A_180] : memref<16xf32, #tpu.memory_space<vmem>>[vector<16xi32>], vector<16xf32>,
      %add3A_182 = arith.addf %add3A_172, %gather3A_181 : vector<16xf32>
      %add3A_183 = arith.constant 0 : i32
      %add3A_184 = arith.addi %mul3A_135, %add3A_183 : i32
      %eq3A_185 = vector.broadcast %add3A_184 : i32 to vector<16xi32>
      %eq3A_186 = arith.cmpi eq, %iota3A, %eq3A_185 : vector<16xi32>
      %select_n3A_187 = arith.select %eq3A_186, %add3A_182, %scan3A_133 : vector<16xi1>, vector<16xf32>
      %swap3A_188 = arith.constant 0 : index
      %swap3A_189 = tpu.vector_load %arg9[%swap3A_188] {strides = array<i32>} : memref<16xf32, #tpu.memory_space<vmem>>, vector<16xf32>,
      tpu.vector_store %arg9[%swap3A_188], %scan3A_142#1 {strides = array<i32>} : memref<16xf32, #tpu.memory_space<vmem>>, vector<16xf32>,
      %add3A_190 = arith.constant 8 : i32
      %add3A_191 = vector.broadcast %add3A_190 : i32 to vector<16xi32>
      %add3A_192 = arith.addi %iota3A, %add3A_191 : vector<16xi32>
      %and3A_193 = arith.constant 15 : i32
      %and3A_194 = vector.broadcast %and3A_193 : i32 to vector<16xi32>
      %and3A_195 = arith.andi %add3A_192, %and3A_194 : vector<16xi32>
      %gather3A_196 = tpu.vector_load_idx %arg9[%and3A_195] : memref<16xf32, #tpu.memory_space<vmem>>[vector<16xi32>], vector<16xf32>,
      %add3A_197 = arith.addf %scan3A_142#1, %gather3A_196 : vector<16xf32>
      %swap3A_198 = arith.constant 0 : index
      %swap3A_199 = tpu.vector_load %arg9[%swap3A_198] {strides = array<i32>} : memref<16xf32, #tpu.memory_space<vmem>>, vector<16xf32>,
      tpu.vector_store %arg9[%swap3A_198], %add3A_197 {strides = array<i32>} : memref<16xf32, #tpu.memory_space<vmem>>, vector<16xf32>,
      %add3A_200 = arith.constant 4 : i32
      %add3A_201 = vector.broadcast %add3A_200 : i32 to vector<16xi32>
      %add3A_202 = arith.addi %iota3A, %add3A_201 : vector<16xi32>
      %and3A_203 = arith.constant 15 : i32
      %and3A_204 = vector.broadcast %and3A_203 : i32 to vector<16xi32>
      %and3A_205 = arith.andi %add3A_202, %and3A_204 : vector<16xi32>
      %gather3A_206 = tpu.vector_load_idx %arg9[%and3A_205] : memref<16xf32, #tpu.memory_space<vmem>>[vector<16xi32>], vector<16xf32>,
      %add3A_207 = arith.addf %add3A_197, %gather3A_206 : vector<16xf32>
      %swap3A_208 = arith.constant 0 : index
      %swap3A_209 = tpu.vector_load %arg9[%swap3A_208] {strides = array<i32>} : memref<16xf32, #tpu.memory_space<vmem>>, vector<16xf32>,
      tpu.vector_store %arg9[%swap3A_208], %add3A_207 {strides = array<i32>} : memref<16xf32, #tpu.memory_space<vmem>>, vector<16xf32>,
      %add3A_210 = arith.constant 2 : i32
      %add3A_211 = vector.broadcast %add3A_210 : i32 to vector<16xi32>
      %add3A_212 = arith.addi %iota3A, %add3A_211 : vector<16xi32>
      %and3A_213 = arith.constant 15 : i32
      %and3A_214 = vector.broadcast %and3A_213 : i32 to vector<16xi32>
      %and3A_215 = arith.andi %add3A_212, %and3A_214 : vector<16xi32>
      %gather3A_216 = tpu.vector_load_idx %arg9[%and3A_215] : memref<16xf32, #tpu.memory_space<vmem>>[vector<16xi32>], vector<16xf32>,
      %add3A_217 = arith.addf %add3A_207, %gather3A_216 : vector<16xf32>
      %swap3A_218 = arith.constant 0 : index
      %swap3A_219 = tpu.vector_load %arg9[%swap3A_218] {strides = array<i32>} : memref<16xf32, #tpu.memory_space<vmem>>, vector<16xf32>,
      tpu.vector_store %arg9[%swap3A_218], %add3A_217 {strides = array<i32>} : memref<16xf32, #tpu.memory_space<vmem>>, vector<16xf32>,
      %add3A_220 = arith.constant 1 : i32
      %add3A_221 = vector.broadcast %add3A_220 : i32 to vector<16xi32>
      %add3A_222 = arith.addi %iota3A, %add3A_221 : vector<16xi32>
      %and3A_223 = arith.constant 15 : i32
      %and3A_224 = vector.broadcast %and3A_223 : i32 to vector<16xi32>
      %and3A_225 = arith.andi %add3A_222, %and3A_224 : vector<16xi32>
      %gather3A_226 = tpu.vector_load_idx %arg9[%and3A_225] : memref<16xf32, #tpu.memory_space<vmem>>[vector<16xi32>], vector<16xf32>,
      %add3A_227 = arith.addf %add3A_217, %gather3A_226 : vector<16xf32>
      %add3A_228 = arith.constant 1 : i32
      %add3A_229 = arith.addi %mul3A_135, %add3A_228 : i32
      %eq3A_230 = vector.broadcast %add3A_229 : i32 to vector<16xi32>
      %eq3A_231 = arith.cmpi eq, %iota3A, %eq3A_230 : vector<16xi32>
      %select_n3A_232 = arith.select %eq3A_231, %add3A_227, %select_n3A_187 : vector<16xi1>, vector<16xf32>
      %swap3A_233 = arith.constant 0 : index
      %swap3A_234 = tpu.vector_load %arg9[%swap3A_233] {strides = array<i32>} : memref<16xf32, #tpu.memory_space<vmem>>, vector<16xf32>,
      tpu.vector_store %arg9[%swap3A_233], %scan3A_142#2 {strides = array<i32>} : memref<16xf32, #tpu.memory_space<vmem>>, vector<16xf32>,
      %add3A_235 = arith.constant 8 : i32
      %add3A_236 = vector.broadcast %add3A_235 : i32 to vector<16xi32>
      %add3A_237 = arith.addi %iota3A, %add3A_236 : vector<16xi32>
      %and3A_238 = arith.constant 15 : i32
      %and3A_239 = vector.broadcast %and3A_238 : i32 to vector<16xi32>
      %and3A_240 = arith.andi %add3A_237, %and3A_239 : vector<16xi32>
      %gather3A_241 = tpu.vector_load_idx %arg9[%and3A_240] : memref<16xf32, #tpu.memory_space<vmem>>[vector<16xi32>], vector<16xf32>,
      %add3A_242 = arith.addf %scan3A_142#2, %gather3A_241 : vector<16xf32>
      %swap3A_243 = arith.constant 0 : index
      %swap3A_244 = tpu.vector_load %arg9[%swap3A_243] {strides = array<i32>} : memref<16xf32, #tpu.memory_space<vmem>>, vector<16xf32>,
      tpu.vector_store %arg9[%swap3A_243], %add3A_242 {strides = array<i32>} : memref<16xf32, #tpu.memory_space<vmem>>, vector<16xf32>,
      %add3A_245 = arith.constant 4 : i32
      %add3A_246 = vector.broadcast %add3A_245 : i32 to vector<16xi32>
      %add3A_247 = arith.addi %iota3A, %add3A_246 : vector<16xi32>
      %and3A_248 = arith.constant 15 : i32
      %and3A_249 = vector.broadcast %and3A_248 : i32 to vector<16xi32>
      %and3A_250 = arith.andi %add3A_247, %and3A_249 : vector<16xi32>
      %gather3A_251 = tpu.vector_load_idx %arg9[%and3A_250] : memref<16xf32, #tpu.memory_space<vmem>>[vector<16xi32>], vector<16xf32>,
      %add3A_252 = arith.addf %add3A_242, %gather3A_251 : vector<16xf32>
      %swap3A_253 = arith.constant 0 : index
      %swap3A_254 = tpu.vector_load %arg9[%swap3A_253] {strides = array<i32>} : memref<16xf32, #tpu.memory_space<vmem>>, vector<16xf32>,
      tpu.vector_store %arg9[%swap3A_253], %add3A_252 {strides = array<i32>} : memref<16xf32, #tpu.memory_space<vmem>>, vector<16xf32>,
      %add3A_255 = arith.constant 2 : i32
      %add3A_256 = vector.broadcast %add3A_255 : i32 to vector<16xi32>
      %add3A_257 = arith.addi %iota3A, %add3A_256 : vector<16xi32>
      %and3A_258 = arith.constant 15 : i32
      %and3A_259 = vector.broadcast %and3A_258 : i32 to vector<16xi32>
      %and3A_260 = arith.andi %add3A_257, %and3A_259 : vector<16xi32>
      %gather3A_261 = tpu.vector_load_idx %arg9[%and3A_260] : memref<16xf32, #tpu.memory_space<vmem>>[vector<16xi32>], vector<16xf32>,
      %add3A_262 = arith.addf %add3A_252, %gather3A_261 : vector<16xf32>
      %swap3A_263 = arith.constant 0 : index
      %swap3A_264 = tpu.vector_load %arg9[%swap3A_263] {strides = array<i32>} : memref<16xf32, #tpu.memory_space<vmem>>, vector<16xf32>,
      tpu.vector_store %arg9[%swap3A_263], %add3A_262 {strides = array<i32>} : memref<16xf32, #tpu.memory_space<vmem>>, vector<16xf32>,
      %add3A_265 = arith.constant 1 : i32
      %add3A_266 = vector.broadcast %add3A_265 : i32 to vector<16xi32>
      %add3A_267 = arith.addi %iota3A, %add3A_266 : vector<16xi32>
      %and3A_268 = arith.constant 15 : i32
      %and3A_269 = vector.broadcast %and3A_268 : i32 to vector<16xi32>
      %and3A_270 = arith.andi %add3A_267, %and3A_269 : vector<16xi32>
      %gather3A_271 = tpu.vector_load_idx %arg9[%and3A_270] : memref<16xf32, #tpu.memory_space<vmem>>[vector<16xi32>], vector<16xf32>,
      %add3A_272 = arith.addf %add3A_262, %gather3A_271 : vector<16xf32>
      %add3A_273 = arith.constant 2 : i32
      %add3A_274 = arith.addi %mul3A_135, %add3A_273 : i32
      %eq3A_275 = vector.broadcast %add3A_274 : i32 to vector<16xi32>
      %eq3A_276 = arith.cmpi eq, %iota3A, %eq3A_275 : vector<16xi32>
      %select_n3A_277 = arith.select %eq3A_276, %add3A_272, %select_n3A_232 : vector<16xi1>, vector<16xf32>
      %swap3A_278 = arith.constant 0 : index
      %swap3A_279 = tpu.vector_load %arg9[%swap3A_278] {strides = array<i32>} : memref<16xf32, #tpu.memory_space<vmem>>, vector<16xf32>,
      tpu.vector_store %arg9[%swap3A_278], %scan3A_142#3 {strides = array<i32>} : memref<16xf32, #tpu.memory_space<vmem>>, vector<16xf32>,
      %add3A_280 = arith.constant 8 : i32
      %add3A_281 = vector.broadcast %add3A_280 : i32 to vector<16xi32>
      %add3A_282 = arith.addi %iota3A, %add3A_281 : vector<16xi32>
      %and3A_283 = arith.constant 15 : i32
      %and3A_284 = vector.broadcast %and3A_283 : i32 to vector<16xi32>
      %and3A_285 = arith.andi %add3A_282, %and3A_284 : vector<16xi32>
      %gather3A_286 = tpu.vector_load_idx %arg9[%and3A_285] : memref<16xf32, #tpu.memory_space<vmem>>[vector<16xi32>], vector<16xf32>,
      %add3A_287 = arith.addf %scan3A_142#3, %gather3A_286 : vector<16xf32>
      %swap3A_288 = arith.constant 0 : index
      %swap3A_289 = tpu.vector_load %arg9[%swap3A_288] {strides = array<i32>} : memref<16xf32, #tpu.memory_space<vmem>>, vector<16xf32>,
      tpu.vector_store %arg9[%swap3A_288], %add3A_287 {strides = array<i32>} : memref<16xf32, #tpu.memory_space<vmem>>, vector<16xf32>,
      %add3A_290 = arith.constant 4 : i32
      %add3A_291 = vector.broadcast %add3A_290 : i32 to vector<16xi32>
      %add3A_292 = arith.addi %iota3A, %add3A_291 : vector<16xi32>
      %and3A_293 = arith.constant 15 : i32
      %and3A_294 = vector.broadcast %and3A_293 : i32 to vector<16xi32>
      %and3A_295 = arith.andi %add3A_292, %and3A_294 : vector<16xi32>
      %gather3A_296 = tpu.vector_load_idx %arg9[%and3A_295] : memref<16xf32, #tpu.memory_space<vmem>>[vector<16xi32>], vector<16xf32>,
      %add3A_297 = arith.addf %add3A_287, %gather3A_296 : vector<16xf32>
      %swap3A_298 = arith.constant 0 : index
      %swap3A_299 = tpu.vector_load %arg9[%swap3A_298] {strides = array<i32>} : memref<16xf32, #tpu.memory_space<vmem>>, vector<16xf32>,
      tpu.vector_store %arg9[%swap3A_298], %add3A_297 {strides = array<i32>} : memref<16xf32, #tpu.memory_space<vmem>>, vector<16xf32>,
      %add3A_300 = arith.constant 2 : i32
      %add3A_301 = vector.broadcast %add3A_300 : i32 to vector<16xi32>
      %add3A_302 = arith.addi %iota3A, %add3A_301 : vector<16xi32>
      %and3A_303 = arith.constant 15 : i32
      %and3A_304 = vector.broadcast %and3A_303 : i32 to vector<16xi32>
      %and3A_305 = arith.andi %add3A_302, %and3A_304 : vector<16xi32>
      %gather3A_306 = tpu.vector_load_idx %arg9[%and3A_305] : memref<16xf32, #tpu.memory_space<vmem>>[vector<16xi32>], vector<16xf32>,
      %add3A_307 = arith.addf %add3A_297, %gather3A_306 : vector<16xf32>
      %swap3A_308 = arith.constant 0 : index
      %swap3A_309 = tpu.vector_load %arg9[%swap3A_308] {strides = array<i32>} : memref<16xf32, #tpu.memory_space<vmem>>, vector<16xf32>,
      tpu.vector_store %arg9[%swap3A_308], %add3A_307 {strides = array<i32>} : memref<16xf32, #tpu.memory_space<vmem>>, vector<16xf32>,
      %add3A_310 = arith.constant 1 : i32
      %add3A_311 = vector.broadcast %add3A_310 : i32 to vector<16xi32>
      %add3A_312 = arith.addi %iota3A, %add3A_311 : vector<16xi32>
      %and3A_313 = arith.constant 15 : i32
      %and3A_314 = vector.broadcast %and3A_313 : i32 to vector<16xi32>
      %and3A_315 = arith.andi %add3A_312, %and3A_314 : vector<16xi32>
      %gather3A_316 = tpu.vector_load_idx %arg9[%and3A_315] : memref<16xf32, #tpu.memory_space<vmem>>[vector<16xi32>], vector<16xf32>,
      %add3A_317 = arith.addf %add3A_307, %gather3A_316 : vector<16xf32>
      %add3A_318 = arith.constant 3 : i32
      %add3A_319 = arith.addi %mul3A_135, %add3A_318 : i32
      %eq3A_320 = vector.broadcast %add3A_319 : i32 to vector<16xi32>
      %eq3A_321 = arith.cmpi eq, %iota3A, %eq3A_320 : vector<16xi32>
      %select_n3A_322 = arith.select %eq3A_321, %add3A_317, %select_n3A_277 : vector<16xi1>, vector<16xf32>
      scf.yield %select_n3A_322 : vector<16xf32>
    }
    %scan3A_91 = arith.constant 4 : i32
    %swap3A_92 = arith.constant 16 : index
    %swap3A_93 = tpu.vector_load %arg8[%swap3A_92] {strides = array<i32>} : memref<64xf32, #tpu.memory_space<vmem>>, vector<16xf32>,
    tpu.vector_store %arg8[%swap3A_92], %scan3A_90 {strides = array<i32>} : memref<64xf32, #tpu.memory_space<vmem>>, vector<16xf32>,
    %add3A_94 = arith.constant 48 : i32
    %add3A_95 = arith.addi %add3A_37, %add3A_94 : i32
    %dma_start3A_96 = arith.constant 0 : i32
    %dma_start3A_97 = tpu.memref_slice %arg2[%add3A_95, %dma_start3A_96] : memref<16384x2048xf32, #tpu.memory_space<hbm>> -> memref<16x2048xf32, #tpu.memory_space<hbm>>
    %dma_start3A_98 = arith.constant 0 : i32
    %dma_start3A_99 = tpu.memref_slice %arg2[%add3A_95, %dma_start3A_98] : memref<16384x2048xf32, #tpu.memory_space<hbm>> -> memref<16x2048xf32, #tpu.memory_space<hbm>>
    tpu.enqueue_dma source(%dma_start3A_99 : memref<16x2048xf32, #tpu.memory_space<hbm>>) target(%arg6 : memref<16x2048xf32, #tpu.memory_space<vmem>>) target_semaphore(%arg11 : memref<!tpu.dma_semaphore, #tpu.memory_space<semaphore_mem>>)
    %add3A_100 = arith.constant 32 : i32
    %add3A_101 = arith.addi %add3A_37, %add3A_100 : i32
    %dma_wait3A_102 = arith.constant 0 : i32
    %dma_wait3A_103 = tpu.memref_slice %arg2[%add3A_101, %dma_wait3A_102] : memref<16384x2048xf32, #tpu.memory_space<hbm>> -> memref<16x2048xf32, #tpu.memory_space<hbm>>
    %dma_wait3A_104 = arith.constant 0 : i32
    %dma_wait3A_105 = tpu.memref_slice %arg2[%add3A_101, %dma_wait3A_104] : memref<16384x2048xf32, #tpu.memory_space<hbm>> -> memref<16x2048xf32, #tpu.memory_space<hbm>>
    tpu.wait_dma2 semaphore(%arg10 : memref<!tpu.dma_semaphore, #tpu.memory_space<semaphore_mem>>) src(%dma_wait3A_105 : memref<16x2048xf32, #tpu.memory_space<hbm>>) dst(%arg5 : memref<16x2048xf32, #tpu.memory_space<vmem>>)
    %broadcast_in_dim3A_106 = arith.constant 0.000000e+00 : f32
    %broadcast_in_dim3A_107 = vector.broadcast %broadcast_in_dim3A_106 : f32 to vector<16xf32>
    %scan3A_108 = arith.constant 0 : i32
    %scan3A_109 = arith.constant 4 : i32
    %scan3A_110 = arith.addi %scan3A_108, %scan3A_109 : i32
    %scan3A_111 = arith.constant 1 : i32
    %scan3A_112 = scf.for %scan3A_132 = %scan3A_108 to %scan3A_110 step %scan3A_111 iter_args(%scan3A_133 = %broadcast_in_dim3A_107) -> (vector<16xf32>)  : i32 {
      %mul3A_134 = arith.constant 4 : i32
      %mul3A_135 = arith.muli %scan3A_132, %mul3A_134 : i32
      %broadcast_in_dim3A_136 = arith.constant 0.000000e+00 : f32
      %broadcast_in_dim3A_137 = vector.broadcast %broadcast_in_dim3A_136 : f32 to vector<16xf32>
      %scan3A_138 = arith.constant 0 : i32
      %scan3A_139 = arith.constant 32 : i32
      %scan3A_140 = arith.addi %scan3A_138, %scan3A_139 : i32
      %scan3A_141 = arith.constant 1 : i32
      %scan3A_142:4 = scf.for %scan3A_323 = %scan3A_138 to %scan3A_140 step %scan3A_141 iter_args(%scan3A_324 = %broadcast_in_dim3A_137, %scan3A_325 = %broadcast_in_dim3A_137, %scan3A_326 = %broadcast_in_dim3A_137, %scan3A_327 = %broadcast_in_dim3A_137) -> (vector<16xf32>, vector<16xf32>, vector<16xf32>, vector<16xf32>)  : i32 {
        %mul3A_328 = arith.constant 64 : i32
        %mul3A_329 = arith.muli %scan3A_323, %mul3A_328 : i32
        %add3A_330 = arith.constant 0 : i32
        %add3A_331 = arith.addi %mul3A_329, %add3A_330 : i32
        %get3A = arith.index_cast %add3A_331 : i32 to index
        %get3A_332 = tpu.vector_load %arg7[%get3A] {strides = array<i32>} : memref<2048xf32, #tpu.memory_space<vmem>>, vector<16xf32>,
        %add3A_333 = arith.constant 0 : i32
        %add3A_334 = arith.addi %mul3A_135, %add3A_333 : i32
        %get3A_335 = arith.index_cast %add3A_334 : i32 to index
        %get3A_336 = arith.index_cast %add3A_331 : i32 to index
        %get3A_337 = tpu.vector_load %arg5[%get3A_335, %get3A_336] {strides = array<i32>} : memref<16x2048xf32, #tpu.memory_space<vmem>>, vector<16xf32>,
        %bitcast_convert_type3A = tpu.bitcast %get3A_337 : vector<16xf32> -> vector<16xi32>
        %shift_right_logical3A = arith.constant 16 : i32
        %shift_right_logical3A_338 = vector.broadcast %shift_right_logical3A : i32 to vector<16xi32>
        %shift_right_logical3A_339 = arith.shrui %bitcast_convert_type3A, %shift_right_logical3A_338 : vector<16xi32>
        %and3A_340 = arith.constant 1 : i32
        %and3A_341 = vector.broadcast %and3A_340 : i32 to vector<16xi32>
        %and3A_342 = arith.andi %shift_right_logical3A_339, %and3A_341 : vector<16xi32>
        %add3A_343 = arith.constant 32767 : i32
        %add3A_344 = vector.broadcast %add3A_343 : i32 to vector<16xi32>
        %add3A_345 = arith.addi %bitcast_convert_type3A, %add3A_344 : vector<16xi32>
        %add3A_346 = arith.addi %add3A_345, %and3A_342 : vector<16xi32>
        %and3A_347 = arith.constant -65536 : i32
        %and3A_348 = vector.broadcast %and3A_347 : i32 to vector<16xi32>
        %and3A_349 = arith.andi %add3A_346, %and3A_348 : vector<16xi32>
        %bitcast_convert_type3A_350 = tpu.bitcast %and3A_349 : vector<16xi32> -> vector<16xf32>
        %mul3A_351 = arith.mulf %bitcast_convert_type3A_350, %get3A_332 : vector<16xf32>
        %add3A_352 = arith.constant 1 : i32
        %add3A_353 = arith.addi %mul3A_135, %add3A_352 : i32
        %get3A_354 = arith.index_cast %add3A_353 : i32 to index
        %get3A_355 = arith.index_cast %add3A_331 : i32 to index
        %get3A_356 = tpu.vector_load %arg5[%get3A_354, %get3A_355] {strides = array<i32>} : memref<16x2048xf32, #tpu.memory_space<vmem>>, vector<16xf32>,
        %bitcast_convert_type3A_357 = tpu.bitcast %get3A_356 : vector<16xf32> -> vector<16xi32>
        %shift_right_logical3A_358 = arith.constant 16 : i32
        %shift_right_logical3A_359 = vector.broadcast %shift_right_logical3A_358 : i32 to vector<16xi32>
        %shift_right_logical3A_360 = arith.shrui %bitcast_convert_type3A_357, %shift_right_logical3A_359 : vector<16xi32>
        %and3A_361 = arith.constant 1 : i32
        %and3A_362 = vector.broadcast %and3A_361 : i32 to vector<16xi32>
        %and3A_363 = arith.andi %shift_right_logical3A_360, %and3A_362 : vector<16xi32>
        %add3A_364 = arith.constant 32767 : i32
        %add3A_365 = vector.broadcast %add3A_364 : i32 to vector<16xi32>
        %add3A_366 = arith.addi %bitcast_convert_type3A_357, %add3A_365 : vector<16xi32>
        %add3A_367 = arith.addi %add3A_366, %and3A_363 : vector<16xi32>
        %and3A_368 = arith.constant -65536 : i32
        %and3A_369 = vector.broadcast %and3A_368 : i32 to vector<16xi32>
        %and3A_370 = arith.andi %add3A_367, %and3A_369 : vector<16xi32>
        %bitcast_convert_type3A_371 = tpu.bitcast %and3A_370 : vector<16xi32> -> vector<16xf32>
        %mul3A_372 = arith.mulf %bitcast_convert_type3A_371, %get3A_332 : vector<16xf32>
        %add3A_373 = arith.constant 2 : i32
        %add3A_374 = arith.addi %mul3A_135, %add3A_373 : i32
        %get3A_375 = arith.index_cast %add3A_374 : i32 to index
        %get3A_376 = arith.index_cast %add3A_331 : i32 to index
        %get3A_377 = tpu.vector_load %arg5[%get3A_375, %get3A_376] {strides = array<i32>} : memref<16x2048xf32, #tpu.memory_space<vmem>>, vector<16xf32>,
        %bitcast_convert_type3A_378 = tpu.bitcast %get3A_377 : vector<16xf32> -> vector<16xi32>
        %shift_right_logical3A_379 = arith.constant 16 : i32
        %shift_right_logical3A_380 = vector.broadcast %shift_right_logical3A_379 : i32 to vector<16xi32>
        %shift_right_logical3A_381 = arith.shrui %bitcast_convert_type3A_378, %shift_right_logical3A_380 : vector<16xi32>
        %and3A_382 = arith.constant 1 : i32
        %and3A_383 = vector.broadcast %and3A_382 : i32 to vector<16xi32>
        %and3A_384 = arith.andi %shift_right_logical3A_381, %and3A_383 : vector<16xi32>
        %add3A_385 = arith.constant 32767 : i32
        %add3A_386 = vector.broadcast %add3A_385 : i32 to vector<16xi32>
        %add3A_387 = arith.addi %bitcast_convert_type3A_378, %add3A_386 : vector<16xi32>
        %add3A_388 = arith.addi %add3A_387, %and3A_384 : vector<16xi32>
        %and3A_389 = arith.constant -65536 : i32
        %and3A_390 = vector.broadcast %and3A_389 : i32 to vector<16xi32>
        %and3A_391 = arith.andi %add3A_388, %and3A_390 : vector<16xi32>
        %bitcast_convert_type3A_392 = tpu.bitcast %and3A_391 : vector<16xi32> -> vector<16xf32>
        %mul3A_393 = arith.mulf %bitcast_convert_type3A_392, %get3A_332 : vector<16xf32>
        %add3A_394 = arith.constant 3 : i32
        %add3A_395 = arith.addi %mul3A_135, %add3A_394 : i32
        %get3A_396 = arith.index_cast %add3A_395 : i32 to index
        %get3A_397 = arith.index_cast %add3A_331 : i32 to index
        %get3A_398 = tpu.vector_load %arg5[%get3A_396, %get3A_397] {strides = array<i32>} : memref<16x2048xf32, #tpu.memory_space<vmem>>, vector<16xf32>,
        %bitcast_convert_type3A_399 = tpu.bitcast %get3A_398 : vector<16xf32> -> vector<16xi32>
        %shift_right_logical3A_400 = arith.constant 16 : i32
        %shift_right_logical3A_401 = vector.broadcast %shift_right_logical3A_400 : i32 to vector<16xi32>
        %shift_right_logical3A_402 = arith.shrui %bitcast_convert_type3A_399, %shift_right_logical3A_401 : vector<16xi32>
        %and3A_403 = arith.constant 1 : i32
        %and3A_404 = vector.broadcast %and3A_403 : i32 to vector<16xi32>
        %and3A_405 = arith.andi %shift_right_logical3A_402, %and3A_404 : vector<16xi32>
        %add3A_406 = arith.constant 32767 : i32
        %add3A_407 = vector.broadcast %add3A_406 : i32 to vector<16xi32>
        %add3A_408 = arith.addi %bitcast_convert_type3A_399, %add3A_407 : vector<16xi32>
        %add3A_409 = arith.addi %add3A_408, %and3A_405 : vector<16xi32>
        %and3A_410 = arith.constant -65536 : i32
        %and3A_411 = vector.broadcast %and3A_410 : i32 to vector<16xi32>
        %and3A_412 = arith.andi %add3A_409, %and3A_411 : vector<16xi32>
        %bitcast_convert_type3A_413 = tpu.bitcast %and3A_412 : vector<16xi32> -> vector<16xf32>
        %mul3A_414 = arith.mulf %bitcast_convert_type3A_413, %get3A_332 : vector<16xf32>
        %add3A_415 = arith.addf %scan3A_324, %mul3A_351 : vector<16xf32>
        %add3A_416 = arith.addf %scan3A_325, %mul3A_372 : vector<16xf32>
        %add3A_417 = arith.addf %scan3A_326, %mul3A_393 : vector<16xf32>
        %add3A_418 = arith.addf %scan3A_327, %mul3A_414 : vector<16xf32>
        %mul3A_419 = arith.constant 64 : i32
        %mul3A_420 = arith.muli %scan3A_323, %mul3A_419 : i32
        %add3A_421 = arith.constant 16 : i32
        %add3A_422 = arith.addi %mul3A_420, %add3A_421 : i32
        %get3A_423 = arith.index_cast %add3A_422 : i32 to index
        %get3A_424 = tpu.vector_load %arg7[%get3A_423] {strides = array<i32>} : memref<2048xf32, #tpu.memory_space<vmem>>, vector<16xf32>,
        %add3A_425 = arith.constant 0 : i32
        %add3A_426 = arith.addi %mul3A_135, %add3A_425 : i32
        %get3A_427 = arith.index_cast %add3A_426 : i32 to index
        %get3A_428 = arith.index_cast %add3A_422 : i32 to index
        %get3A_429 = tpu.vector_load %arg5[%get3A_427, %get3A_428] {strides = array<i32>} : memref<16x2048xf32, #tpu.memory_space<vmem>>, vector<16xf32>,
        %bitcast_convert_type3A_430 = tpu.bitcast %get3A_429 : vector<16xf32> -> vector<16xi32>
        %shift_right_logical3A_431 = arith.constant 16 : i32
        %shift_right_logical3A_432 = vector.broadcast %shift_right_logical3A_431 : i32 to vector<16xi32>
        %shift_right_logical3A_433 = arith.shrui %bitcast_convert_type3A_430, %shift_right_logical3A_432 : vector<16xi32>
        %and3A_434 = arith.constant 1 : i32
        %and3A_435 = vector.broadcast %and3A_434 : i32 to vector<16xi32>
        %and3A_436 = arith.andi %shift_right_logical3A_433, %and3A_435 : vector<16xi32>
        %add3A_437 = arith.constant 32767 : i32
        %add3A_438 = vector.broadcast %add3A_437 : i32 to vector<16xi32>
        %add3A_439 = arith.addi %bitcast_convert_type3A_430, %add3A_438 : vector<16xi32>
        %add3A_440 = arith.addi %add3A_439, %and3A_436 : vector<16xi32>
        %and3A_441 = arith.constant -65536 : i32
        %and3A_442 = vector.broadcast %and3A_441 : i32 to vector<16xi32>
        %and3A_443 = arith.andi %add3A_440, %and3A_442 : vector<16xi32>
        %bitcast_convert_type3A_444 = tpu.bitcast %and3A_443 : vector<16xi32> -> vector<16xf32>
        %mul3A_445 = arith.mulf %bitcast_convert_type3A_444, %get3A_424 : vector<16xf32>
        %add3A_446 = arith.constant 1 : i32
        %add3A_447 = arith.addi %mul3A_135, %add3A_446 : i32
        %get3A_448 = arith.index_cast %add3A_447 : i32 to index
        %get3A_449 = arith.index_cast %add3A_422 : i32 to index
        %get3A_450 = tpu.vector_load %arg5[%get3A_448, %get3A_449] {strides = array<i32>} : memref<16x2048xf32, #tpu.memory_space<vmem>>, vector<16xf32>,
        %bitcast_convert_type3A_451 = tpu.bitcast %get3A_450 : vector<16xf32> -> vector<16xi32>
        %shift_right_logical3A_452 = arith.constant 16 : i32
        %shift_right_logical3A_453 = vector.broadcast %shift_right_logical3A_452 : i32 to vector<16xi32>
        %shift_right_logical3A_454 = arith.shrui %bitcast_convert_type3A_451, %shift_right_logical3A_453 : vector<16xi32>
        %and3A_455 = arith.constant 1 : i32
        %and3A_456 = vector.broadcast %and3A_455 : i32 to vector<16xi32>
        %and3A_457 = arith.andi %shift_right_logical3A_454, %and3A_456 : vector<16xi32>
        %add3A_458 = arith.constant 32767 : i32
        %add3A_459 = vector.broadcast %add3A_458 : i32 to vector<16xi32>
        %add3A_460 = arith.addi %bitcast_convert_type3A_451, %add3A_459 : vector<16xi32>
        %add3A_461 = arith.addi %add3A_460, %and3A_457 : vector<16xi32>
        %and3A_462 = arith.constant -65536 : i32
        %and3A_463 = vector.broadcast %and3A_462 : i32 to vector<16xi32>
        %and3A_464 = arith.andi %add3A_461, %and3A_463 : vector<16xi32>
        %bitcast_convert_type3A_465 = tpu.bitcast %and3A_464 : vector<16xi32> -> vector<16xf32>
        %mul3A_466 = arith.mulf %bitcast_convert_type3A_465, %get3A_424 : vector<16xf32>
        %add3A_467 = arith.constant 2 : i32
        %add3A_468 = arith.addi %mul3A_135, %add3A_467 : i32
        %get3A_469 = arith.index_cast %add3A_468 : i32 to index
        %get3A_470 = arith.index_cast %add3A_422 : i32 to index
        %get3A_471 = tpu.vector_load %arg5[%get3A_469, %get3A_470] {strides = array<i32>} : memref<16x2048xf32, #tpu.memory_space<vmem>>, vector<16xf32>,
        %bitcast_convert_type3A_472 = tpu.bitcast %get3A_471 : vector<16xf32> -> vector<16xi32>
        %shift_right_logical3A_473 = arith.constant 16 : i32
        %shift_right_logical3A_474 = vector.broadcast %shift_right_logical3A_473 : i32 to vector<16xi32>
        %shift_right_logical3A_475 = arith.shrui %bitcast_convert_type3A_472, %shift_right_logical3A_474 : vector<16xi32>
        %and3A_476 = arith.constant 1 : i32
        %and3A_477 = vector.broadcast %and3A_476 : i32 to vector<16xi32>
        %and3A_478 = arith.andi %shift_right_logical3A_475, %and3A_477 : vector<16xi32>
        %add3A_479 = arith.constant 32767 : i32
        %add3A_480 = vector.broadcast %add3A_479 : i32 to vector<16xi32>
        %add3A_481 = arith.addi %bitcast_convert_type3A_472, %add3A_480 : vector<16xi32>
        %add3A_482 = arith.addi %add3A_481, %and3A_478 : vector<16xi32>
        %and3A_483 = arith.constant -65536 : i32
        %and3A_484 = vector.broadcast %and3A_483 : i32 to vector<16xi32>
        %and3A_485 = arith.andi %add3A_482, %and3A_484 : vector<16xi32>
        %bitcast_convert_type3A_486 = tpu.bitcast %and3A_485 : vector<16xi32> -> vector<16xf32>
        %mul3A_487 = arith.mulf %bitcast_convert_type3A_486, %get3A_424 : vector<16xf32>
        %add3A_488 = arith.constant 3 : i32
        %add3A_489 = arith.addi %mul3A_135, %add3A_488 : i32
        %get3A_490 = arith.index_cast %add3A_489 : i32 to index
        %get3A_491 = arith.index_cast %add3A_422 : i32 to index
        %get3A_492 = tpu.vector_load %arg5[%get3A_490, %get3A_491] {strides = array<i32>} : memref<16x2048xf32, #tpu.memory_space<vmem>>, vector<16xf32>,
        %bitcast_convert_type3A_493 = tpu.bitcast %get3A_492 : vector<16xf32> -> vector<16xi32>
        %shift_right_logical3A_494 = arith.constant 16 : i32
        %shift_right_logical3A_495 = vector.broadcast %shift_right_logical3A_494 : i32 to vector<16xi32>
        %shift_right_logical3A_496 = arith.shrui %bitcast_convert_type3A_493, %shift_right_logical3A_495 : vector<16xi32>
        %and3A_497 = arith.constant 1 : i32
        %and3A_498 = vector.broadcast %and3A_497 : i32 to vector<16xi32>
        %and3A_499 = arith.andi %shift_right_logical3A_496, %and3A_498 : vector<16xi32>
        %add3A_500 = arith.constant 32767 : i32
        %add3A_501 = vector.broadcast %add3A_500 : i32 to vector<16xi32>
        %add3A_502 = arith.addi %bitcast_convert_type3A_493, %add3A_501 : vector<16xi32>
        %add3A_503 = arith.addi %add3A_502, %and3A_499 : vector<16xi32>
        %and3A_504 = arith.constant -65536 : i32
        %and3A_505 = vector.broadcast %and3A_504 : i32 to vector<16xi32>
        %and3A_506 = arith.andi %add3A_503, %and3A_505 : vector<16xi32>
        %bitcast_convert_type3A_507 = tpu.bitcast %and3A_506 : vector<16xi32> -> vector<16xf32>
        %mul3A_508 = arith.mulf %bitcast_convert_type3A_507, %get3A_424 : vector<16xf32>
        %add3A_509 = arith.addf %add3A_415, %mul3A_445 : vector<16xf32>
        %add3A_510 = arith.addf %add3A_416, %mul3A_466 : vector<16xf32>
        %add3A_511 = arith.addf %add3A_417, %mul3A_487 : vector<16xf32>
        %add3A_512 = arith.addf %add3A_418, %mul3A_508 : vector<16xf32>
        %mul3A_513 = arith.constant 64 : i32
        %mul3A_514 = arith.muli %scan3A_323, %mul3A_513 : i32
        %add3A_515 = arith.constant 32 : i32
        %add3A_516 = arith.addi %mul3A_514, %add3A_515 : i32
        %get3A_517 = arith.index_cast %add3A_516 : i32 to index
        %get3A_518 = tpu.vector_load %arg7[%get3A_517] {strides = array<i32>} : memref<2048xf32, #tpu.memory_space<vmem>>, vector<16xf32>,
        %add3A_519 = arith.constant 0 : i32
        %add3A_520 = arith.addi %mul3A_135, %add3A_519 : i32
        %get3A_521 = arith.index_cast %add3A_520 : i32 to index
        %get3A_522 = arith.index_cast %add3A_516 : i32 to index
        %get3A_523 = tpu.vector_load %arg5[%get3A_521, %get3A_522] {strides = array<i32>} : memref<16x2048xf32, #tpu.memory_space<vmem>>, vector<16xf32>,
        %bitcast_convert_type3A_524 = tpu.bitcast %get3A_523 : vector<16xf32> -> vector<16xi32>
        %shift_right_logical3A_525 = arith.constant 16 : i32
        %shift_right_logical3A_526 = vector.broadcast %shift_right_logical3A_525 : i32 to vector<16xi32>
        %shift_right_logical3A_527 = arith.shrui %bitcast_convert_type3A_524, %shift_right_logical3A_526 : vector<16xi32>
        %and3A_528 = arith.constant 1 : i32
        %and3A_529 = vector.broadcast %and3A_528 : i32 to vector<16xi32>
        %and3A_530 = arith.andi %shift_right_logical3A_527, %and3A_529 : vector<16xi32>
        %add3A_531 = arith.constant 32767 : i32
        %add3A_532 = vector.broadcast %add3A_531 : i32 to vector<16xi32>
        %add3A_533 = arith.addi %bitcast_convert_type3A_524, %add3A_532 : vector<16xi32>
        %add3A_534 = arith.addi %add3A_533, %and3A_530 : vector<16xi32>
        %and3A_535 = arith.constant -65536 : i32
        %and3A_536 = vector.broadcast %and3A_535 : i32 to vector<16xi32>
        %and3A_537 = arith.andi %add3A_534, %and3A_536 : vector<16xi32>
        %bitcast_convert_type3A_538 = tpu.bitcast %and3A_537 : vector<16xi32> -> vector<16xf32>
        %mul3A_539 = arith.mulf %bitcast_convert_type3A_538, %get3A_518 : vector<16xf32>
        %add3A_540 = arith.constant 1 : i32
        %add3A_541 = arith.addi %mul3A_135, %add3A_540 : i32
        %get3A_542 = arith.index_cast %add3A_541 : i32 to index
        %get3A_543 = arith.index_cast %add3A_516 : i32 to index
        %get3A_544 = tpu.vector_load %arg5[%get3A_542, %get3A_543] {strides = array<i32>} : memref<16x2048xf32, #tpu.memory_space<vmem>>, vector<16xf32>,
        %bitcast_convert_type3A_545 = tpu.bitcast %get3A_544 : vector<16xf32> -> vector<16xi32>
        %shift_right_logical3A_546 = arith.constant 16 : i32
        %shift_right_logical3A_547 = vector.broadcast %shift_right_logical3A_546 : i32 to vector<16xi32>
        %shift_right_logical3A_548 = arith.shrui %bitcast_convert_type3A_545, %shift_right_logical3A_547 : vector<16xi32>
        %and3A_549 = arith.constant 1 : i32
        %and3A_550 = vector.broadcast %and3A_549 : i32 to vector<16xi32>
        %and3A_551 = arith.andi %shift_right_logical3A_548, %and3A_550 : vector<16xi32>
        %add3A_552 = arith.constant 32767 : i32
        %add3A_553 = vector.broadcast %add3A_552 : i32 to vector<16xi32>
        %add3A_554 = arith.addi %bitcast_convert_type3A_545, %add3A_553 : vector<16xi32>
        %add3A_555 = arith.addi %add3A_554, %and3A_551 : vector<16xi32>
        %and3A_556 = arith.constant -65536 : i32
        %and3A_557 = vector.broadcast %and3A_556 : i32 to vector<16xi32>
        %and3A_558 = arith.andi %add3A_555, %and3A_557 : vector<16xi32>
        %bitcast_convert_type3A_559 = tpu.bitcast %and3A_558 : vector<16xi32> -> vector<16xf32>
        %mul3A_560 = arith.mulf %bitcast_convert_type3A_559, %get3A_518 : vector<16xf32>
        %add3A_561 = arith.constant 2 : i32
        %add3A_562 = arith.addi %mul3A_135, %add3A_561 : i32
        %get3A_563 = arith.index_cast %add3A_562 : i32 to index
        %get3A_564 = arith.index_cast %add3A_516 : i32 to index
        %get3A_565 = tpu.vector_load %arg5[%get3A_563, %get3A_564] {strides = array<i32>} : memref<16x2048xf32, #tpu.memory_space<vmem>>, vector<16xf32>,
        %bitcast_convert_type3A_566 = tpu.bitcast %get3A_565 : vector<16xf32> -> vector<16xi32>
        %shift_right_logical3A_567 = arith.constant 16 : i32
        %shift_right_logical3A_568 = vector.broadcast %shift_right_logical3A_567 : i32 to vector<16xi32>
        %shift_right_logical3A_569 = arith.shrui %bitcast_convert_type3A_566, %shift_right_logical3A_568 : vector<16xi32>
        %and3A_570 = arith.constant 1 : i32
        %and3A_571 = vector.broadcast %and3A_570 : i32 to vector<16xi32>
        %and3A_572 = arith.andi %shift_right_logical3A_569, %and3A_571 : vector<16xi32>
        %add3A_573 = arith.constant 32767 : i32
        %add3A_574 = vector.broadcast %add3A_573 : i32 to vector<16xi32>
        %add3A_575 = arith.addi %bitcast_convert_type3A_566, %add3A_574 : vector<16xi32>
        %add3A_576 = arith.addi %add3A_575, %and3A_572 : vector<16xi32>
        %and3A_577 = arith.constant -65536 : i32
        %and3A_578 = vector.broadcast %and3A_577 : i32 to vector<16xi32>
        %and3A_579 = arith.andi %add3A_576, %and3A_578 : vector<16xi32>
        %bitcast_convert_type3A_580 = tpu.bitcast %and3A_579 : vector<16xi32> -> vector<16xf32>
        %mul3A_581 = arith.mulf %bitcast_convert_type3A_580, %get3A_518 : vector<16xf32>
        %add3A_582 = arith.constant 3 : i32
        %add3A_583 = arith.addi %mul3A_135, %add3A_582 : i32
        %get3A_584 = arith.index_cast %add3A_583 : i32 to index
        %get3A_585 = arith.index_cast %add3A_516 : i32 to index
        %get3A_586 = tpu.vector_load %arg5[%get3A_584, %get3A_585] {strides = array<i32>} : memref<16x2048xf32, #tpu.memory_space<vmem>>, vector<16xf32>,
        %bitcast_convert_type3A_587 = tpu.bitcast %get3A_586 : vector<16xf32> -> vector<16xi32>
        %shift_right_logical3A_588 = arith.constant 16 : i32
        %shift_right_logical3A_589 = vector.broadcast %shift_right_logical3A_588 : i32 to vector<16xi32>
        %shift_right_logical3A_590 = arith.shrui %bitcast_convert_type3A_587, %shift_right_logical3A_589 : vector<16xi32>
        %and3A_591 = arith.constant 1 : i32
        %and3A_592 = vector.broadcast %and3A_591 : i32 to vector<16xi32>
        %and3A_593 = arith.andi %shift_right_logical3A_590, %and3A_592 : vector<16xi32>
        %add3A_594 = arith.constant 32767 : i32
        %add3A_595 = vector.broadcast %add3A_594 : i32 to vector<16xi32>
        %add3A_596 = arith.addi %bitcast_convert_type3A_587, %add3A_595 : vector<16xi32>
        %add3A_597 = arith.addi %add3A_596, %and3A_593 : vector<16xi32>
        %and3A_598 = arith.constant -65536 : i32
        %and3A_599 = vector.broadcast %and3A_598 : i32 to vector<16xi32>
        %and3A_600 = arith.andi %add3A_597, %and3A_599 : vector<16xi32>
        %bitcast_convert_type3A_601 = tpu.bitcast %and3A_600 : vector<16xi32> -> vector<16xf32>
        %mul3A_602 = arith.mulf %bitcast_convert_type3A_601, %get3A_518 : vector<16xf32>
        %add3A_603 = arith.addf %add3A_509, %mul3A_539 : vector<16xf32>
        %add3A_604 = arith.addf %add3A_510, %mul3A_560 : vector<16xf32>
        %add3A_605 = arith.addf %add3A_511, %mul3A_581 : vector<16xf32>
        %add3A_606 = arith.addf %add3A_512, %mul3A_602 : vector<16xf32>
        %mul3A_607 = arith.constant 64 : i32
        %mul3A_608 = arith.muli %scan3A_323, %mul3A_607 : i32
        %add3A_609 = arith.constant 48 : i32
        %add3A_610 = arith.addi %mul3A_608, %add3A_609 : i32
        %get3A_611 = arith.index_cast %add3A_610 : i32 to index
        %get3A_612 = tpu.vector_load %arg7[%get3A_611] {strides = array<i32>} : memref<2048xf32, #tpu.memory_space<vmem>>, vector<16xf32>,
        %add3A_613 = arith.constant 0 : i32
        %add3A_614 = arith.addi %mul3A_135, %add3A_613 : i32
        %get3A_615 = arith.index_cast %add3A_614 : i32 to index
        %get3A_616 = arith.index_cast %add3A_610 : i32 to index
        %get3A_617 = tpu.vector_load %arg5[%get3A_615, %get3A_616] {strides = array<i32>} : memref<16x2048xf32, #tpu.memory_space<vmem>>, vector<16xf32>,
        %bitcast_convert_type3A_618 = tpu.bitcast %get3A_617 : vector<16xf32> -> vector<16xi32>
        %shift_right_logical3A_619 = arith.constant 16 : i32
        %shift_right_logical3A_620 = vector.broadcast %shift_right_logical3A_619 : i32 to vector<16xi32>
        %shift_right_logical3A_621 = arith.shrui %bitcast_convert_type3A_618, %shift_right_logical3A_620 : vector<16xi32>
        %and3A_622 = arith.constant 1 : i32
        %and3A_623 = vector.broadcast %and3A_622 : i32 to vector<16xi32>
        %and3A_624 = arith.andi %shift_right_logical3A_621, %and3A_623 : vector<16xi32>
        %add3A_625 = arith.constant 32767 : i32
        %add3A_626 = vector.broadcast %add3A_625 : i32 to vector<16xi32>
        %add3A_627 = arith.addi %bitcast_convert_type3A_618, %add3A_626 : vector<16xi32>
        %add3A_628 = arith.addi %add3A_627, %and3A_624 : vector<16xi32>
        %and3A_629 = arith.constant -65536 : i32
        %and3A_630 = vector.broadcast %and3A_629 : i32 to vector<16xi32>
        %and3A_631 = arith.andi %add3A_628, %and3A_630 : vector<16xi32>
        %bitcast_convert_type3A_632 = tpu.bitcast %and3A_631 : vector<16xi32> -> vector<16xf32>
        %mul3A_633 = arith.mulf %bitcast_convert_type3A_632, %get3A_612 : vector<16xf32>
        %add3A_634 = arith.constant 1 : i32
        %add3A_635 = arith.addi %mul3A_135, %add3A_634 : i32
        %get3A_636 = arith.index_cast %add3A_635 : i32 to index
        %get3A_637 = arith.index_cast %add3A_610 : i32 to index
        %get3A_638 = tpu.vector_load %arg5[%get3A_636, %get3A_637] {strides = array<i32>} : memref<16x2048xf32, #tpu.memory_space<vmem>>, vector<16xf32>,
        %bitcast_convert_type3A_639 = tpu.bitcast %get3A_638 : vector<16xf32> -> vector<16xi32>
        %shift_right_logical3A_640 = arith.constant 16 : i32
        %shift_right_logical3A_641 = vector.broadcast %shift_right_logical3A_640 : i32 to vector<16xi32>
        %shift_right_logical3A_642 = arith.shrui %bitcast_convert_type3A_639, %shift_right_logical3A_641 : vector<16xi32>
        %and3A_643 = arith.constant 1 : i32
        %and3A_644 = vector.broadcast %and3A_643 : i32 to vector<16xi32>
        %and3A_645 = arith.andi %shift_right_logical3A_642, %and3A_644 : vector<16xi32>
        %add3A_646 = arith.constant 32767 : i32
        %add3A_647 = vector.broadcast %add3A_646 : i32 to vector<16xi32>
        %add3A_648 = arith.addi %bitcast_convert_type3A_639, %add3A_647 : vector<16xi32>
        %add3A_649 = arith.addi %add3A_648, %and3A_645 : vector<16xi32>
        %and3A_650 = arith.constant -65536 : i32
        %and3A_651 = vector.broadcast %and3A_650 : i32 to vector<16xi32>
        %and3A_652 = arith.andi %add3A_649, %and3A_651 : vector<16xi32>
        %bitcast_convert_type3A_653 = tpu.bitcast %and3A_652 : vector<16xi32> -> vector<16xf32>
        %mul3A_654 = arith.mulf %bitcast_convert_type3A_653, %get3A_612 : vector<16xf32>
        %add3A_655 = arith.constant 2 : i32
        %add3A_656 = arith.addi %mul3A_135, %add3A_655 : i32
        %get3A_657 = arith.index_cast %add3A_656 : i32 to index
        %get3A_658 = arith.index_cast %add3A_610 : i32 to index
        %get3A_659 = tpu.vector_load %arg5[%get3A_657, %get3A_658] {strides = array<i32>} : memref<16x2048xf32, #tpu.memory_space<vmem>>, vector<16xf32>,
        %bitcast_convert_type3A_660 = tpu.bitcast %get3A_659 : vector<16xf32> -> vector<16xi32>
        %shift_right_logical3A_661 = arith.constant 16 : i32
        %shift_right_logical3A_662 = vector.broadcast %shift_right_logical3A_661 : i32 to vector<16xi32>
        %shift_right_logical3A_663 = arith.shrui %bitcast_convert_type3A_660, %shift_right_logical3A_662 : vector<16xi32>
        %and3A_664 = arith.constant 1 : i32
        %and3A_665 = vector.broadcast %and3A_664 : i32 to vector<16xi32>
        %and3A_666 = arith.andi %shift_right_logical3A_663, %and3A_665 : vector<16xi32>
        %add3A_667 = arith.constant 32767 : i32
        %add3A_668 = vector.broadcast %add3A_667 : i32 to vector<16xi32>
        %add3A_669 = arith.addi %bitcast_convert_type3A_660, %add3A_668 : vector<16xi32>
        %add3A_670 = arith.addi %add3A_669, %and3A_666 : vector<16xi32>
        %and3A_671 = arith.constant -65536 : i32
        %and3A_672 = vector.broadcast %and3A_671 : i32 to vector<16xi32>
        %and3A_673 = arith.andi %add3A_670, %and3A_672 : vector<16xi32>
        %bitcast_convert_type3A_674 = tpu.bitcast %and3A_673 : vector<16xi32> -> vector<16xf32>
        %mul3A_675 = arith.mulf %bitcast_convert_type3A_674, %get3A_612 : vector<16xf32>
        %add3A_676 = arith.constant 3 : i32
        %add3A_677 = arith.addi %mul3A_135, %add3A_676 : i32
        %get3A_678 = arith.index_cast %add3A_677 : i32 to index
        %get3A_679 = arith.index_cast %add3A_610 : i32 to index
        %get3A_680 = tpu.vector_load %arg5[%get3A_678, %get3A_679] {strides = array<i32>} : memref<16x2048xf32, #tpu.memory_space<vmem>>, vector<16xf32>,
        %bitcast_convert_type3A_681 = tpu.bitcast %get3A_680 : vector<16xf32> -> vector<16xi32>
        %shift_right_logical3A_682 = arith.constant 16 : i32
        %shift_right_logical3A_683 = vector.broadcast %shift_right_logical3A_682 : i32 to vector<16xi32>
        %shift_right_logical3A_684 = arith.shrui %bitcast_convert_type3A_681, %shift_right_logical3A_683 : vector<16xi32>
        %and3A_685 = arith.constant 1 : i32
        %and3A_686 = vector.broadcast %and3A_685 : i32 to vector<16xi32>
        %and3A_687 = arith.andi %shift_right_logical3A_684, %and3A_686 : vector<16xi32>
        %add3A_688 = arith.constant 32767 : i32
        %add3A_689 = vector.broadcast %add3A_688 : i32 to vector<16xi32>
        %add3A_690 = arith.addi %bitcast_convert_type3A_681, %add3A_689 : vector<16xi32>
        %add3A_691 = arith.addi %add3A_690, %and3A_687 : vector<16xi32>
        %and3A_692 = arith.constant -65536 : i32
        %and3A_693 = vector.broadcast %and3A_692 : i32 to vector<16xi32>
        %and3A_694 = arith.andi %add3A_691, %and3A_693 : vector<16xi32>
        %bitcast_convert_type3A_695 = tpu.bitcast %and3A_694 : vector<16xi32> -> vector<16xf32>
        %mul3A_696 = arith.mulf %bitcast_convert_type3A_695, %get3A_612 : vector<16xf32>
        %add3A_697 = arith.addf %add3A_603, %mul3A_633 : vector<16xf32>
        %add3A_698 = arith.addf %add3A_604, %mul3A_654 : vector<16xf32>
        %add3A_699 = arith.addf %add3A_605, %mul3A_675 : vector<16xf32>
        %add3A_700 = arith.addf %add3A_606, %mul3A_696 : vector<16xf32>
        scf.yield %add3A_697, %add3A_698, %add3A_699, %add3A_700 : vector<16xf32>, vector<16xf32>, vector<16xf32>, vector<16xf32>
      }
      %scan3A_143 = arith.constant 32 : i32
      %swap3A_144 = arith.constant 0 : index
      %swap3A_145 = tpu.vector_load %arg9[%swap3A_144] {strides = array<i32>} : memref<16xf32, #tpu.memory_space<vmem>>, vector<16xf32>,
      tpu.vector_store %arg9[%swap3A_144], %scan3A_142#0 {strides = array<i32>} : memref<16xf32, #tpu.memory_space<vmem>>, vector<16xf32>,
      %add3A_146 = arith.constant 8 : i32
      %add3A_147 = vector.broadcast %add3A_146 : i32 to vector<16xi32>
      %add3A_148 = arith.addi %iota3A, %add3A_147 : vector<16xi32>
      %and3A_149 = arith.constant 15 : i32
      %and3A_150 = vector.broadcast %and3A_149 : i32 to vector<16xi32>
      %and3A_151 = arith.andi %add3A_148, %and3A_150 : vector<16xi32>
      %gather3A = tpu.vector_load_idx %arg9[%and3A_151] : memref<16xf32, #tpu.memory_space<vmem>>[vector<16xi32>], vector<16xf32>,
      %add3A_152 = arith.addf %scan3A_142#0, %gather3A : vector<16xf32>
      %swap3A_153 = arith.constant 0 : index
      %swap3A_154 = tpu.vector_load %arg9[%swap3A_153] {strides = array<i32>} : memref<16xf32, #tpu.memory_space<vmem>>, vector<16xf32>,
      tpu.vector_store %arg9[%swap3A_153], %add3A_152 {strides = array<i32>} : memref<16xf32, #tpu.memory_space<vmem>>, vector<16xf32>,
      %add3A_155 = arith.constant 4 : i32
      %add3A_156 = vector.broadcast %add3A_155 : i32 to vector<16xi32>
      %add3A_157 = arith.addi %iota3A, %add3A_156 : vector<16xi32>
      %and3A_158 = arith.constant 15 : i32
      %and3A_159 = vector.broadcast %and3A_158 : i32 to vector<16xi32>
      %and3A_160 = arith.andi %add3A_157, %and3A_159 : vector<16xi32>
      %gather3A_161 = tpu.vector_load_idx %arg9[%and3A_160] : memref<16xf32, #tpu.memory_space<vmem>>[vector<16xi32>], vector<16xf32>,
      %add3A_162 = arith.addf %add3A_152, %gather3A_161 : vector<16xf32>
      %swap3A_163 = arith.constant 0 : index
      %swap3A_164 = tpu.vector_load %arg9[%swap3A_163] {strides = array<i32>} : memref<16xf32, #tpu.memory_space<vmem>>, vector<16xf32>,
      tpu.vector_store %arg9[%swap3A_163], %add3A_162 {strides = array<i32>} : memref<16xf32, #tpu.memory_space<vmem>>, vector<16xf32>,
      %add3A_165 = arith.constant 2 : i32
      %add3A_166 = vector.broadcast %add3A_165 : i32 to vector<16xi32>
      %add3A_167 = arith.addi %iota3A, %add3A_166 : vector<16xi32>
      %and3A_168 = arith.constant 15 : i32
      %and3A_169 = vector.broadcast %and3A_168 : i32 to vector<16xi32>
      %and3A_170 = arith.andi %add3A_167, %and3A_169 : vector<16xi32>
      %gather3A_171 = tpu.vector_load_idx %arg9[%and3A_170] : memref<16xf32, #tpu.memory_space<vmem>>[vector<16xi32>], vector<16xf32>,
      %add3A_172 = arith.addf %add3A_162, %gather3A_171 : vector<16xf32>
      %swap3A_173 = arith.constant 0 : index
      %swap3A_174 = tpu.vector_load %arg9[%swap3A_173] {strides = array<i32>} : memref<16xf32, #tpu.memory_space<vmem>>, vector<16xf32>,
      tpu.vector_store %arg9[%swap3A_173], %add3A_172 {strides = array<i32>} : memref<16xf32, #tpu.memory_space<vmem>>, vector<16xf32>,
      %add3A_175 = arith.constant 1 : i32
      %add3A_176 = vector.broadcast %add3A_175 : i32 to vector<16xi32>
      %add3A_177 = arith.addi %iota3A, %add3A_176 : vector<16xi32>
      %and3A_178 = arith.constant 15 : i32
      %and3A_179 = vector.broadcast %and3A_178 : i32 to vector<16xi32>
      %and3A_180 = arith.andi %add3A_177, %and3A_179 : vector<16xi32>
      %gather3A_181 = tpu.vector_load_idx %arg9[%and3A_180] : memref<16xf32, #tpu.memory_space<vmem>>[vector<16xi32>], vector<16xf32>,
      %add3A_182 = arith.addf %add3A_172, %gather3A_181 : vector<16xf32>
      %add3A_183 = arith.constant 0 : i32
      %add3A_184 = arith.addi %mul3A_135, %add3A_183 : i32
      %eq3A_185 = vector.broadcast %add3A_184 : i32 to vector<16xi32>
      %eq3A_186 = arith.cmpi eq, %iota3A, %eq3A_185 : vector<16xi32>
      %select_n3A_187 = arith.select %eq3A_186, %add3A_182, %scan3A_133 : vector<16xi1>, vector<16xf32>
      %swap3A_188 = arith.constant 0 : index
      %swap3A_189 = tpu.vector_load %arg9[%swap3A_188] {strides = array<i32>} : memref<16xf32, #tpu.memory_space<vmem>>, vector<16xf32>,
      tpu.vector_store %arg9[%swap3A_188], %scan3A_142#1 {strides = array<i32>} : memref<16xf32, #tpu.memory_space<vmem>>, vector<16xf32>,
      %add3A_190 = arith.constant 8 : i32
      %add3A_191 = vector.broadcast %add3A_190 : i32 to vector<16xi32>
      %add3A_192 = arith.addi %iota3A, %add3A_191 : vector<16xi32>
      %and3A_193 = arith.constant 15 : i32
      %and3A_194 = vector.broadcast %and3A_193 : i32 to vector<16xi32>
      %and3A_195 = arith.andi %add3A_192, %and3A_194 : vector<16xi32>
      %gather3A_196 = tpu.vector_load_idx %arg9[%and3A_195] : memref<16xf32, #tpu.memory_space<vmem>>[vector<16xi32>], vector<16xf32>,
      %add3A_197 = arith.addf %scan3A_142#1, %gather3A_196 : vector<16xf32>
      %swap3A_198 = arith.constant 0 : index
      %swap3A_199 = tpu.vector_load %arg9[%swap3A_198] {strides = array<i32>} : memref<16xf32, #tpu.memory_space<vmem>>, vector<16xf32>,
      tpu.vector_store %arg9[%swap3A_198], %add3A_197 {strides = array<i32>} : memref<16xf32, #tpu.memory_space<vmem>>, vector<16xf32>,
      %add3A_200 = arith.constant 4 : i32
      %add3A_201 = vector.broadcast %add3A_200 : i32 to vector<16xi32>
      %add3A_202 = arith.addi %iota3A, %add3A_201 : vector<16xi32>
      %and3A_203 = arith.constant 15 : i32
      %and3A_204 = vector.broadcast %and3A_203 : i32 to vector<16xi32>
      %and3A_205 = arith.andi %add3A_202, %and3A_204 : vector<16xi32>
      %gather3A_206 = tpu.vector_load_idx %arg9[%and3A_205] : memref<16xf32, #tpu.memory_space<vmem>>[vector<16xi32>], vector<16xf32>,
      %add3A_207 = arith.addf %add3A_197, %gather3A_206 : vector<16xf32>
      %swap3A_208 = arith.constant 0 : index
      %swap3A_209 = tpu.vector_load %arg9[%swap3A_208] {strides = array<i32>} : memref<16xf32, #tpu.memory_space<vmem>>, vector<16xf32>,
      tpu.vector_store %arg9[%swap3A_208], %add3A_207 {strides = array<i32>} : memref<16xf32, #tpu.memory_space<vmem>>, vector<16xf32>,
      %add3A_210 = arith.constant 2 : i32
      %add3A_211 = vector.broadcast %add3A_210 : i32 to vector<16xi32>
      %add3A_212 = arith.addi %iota3A, %add3A_211 : vector<16xi32>
      %and3A_213 = arith.constant 15 : i32
      %and3A_214 = vector.broadcast %and3A_213 : i32 to vector<16xi32>
      %and3A_215 = arith.andi %add3A_212, %and3A_214 : vector<16xi32>
      %gather3A_216 = tpu.vector_load_idx %arg9[%and3A_215] : memref<16xf32, #tpu.memory_space<vmem>>[vector<16xi32>], vector<16xf32>,
      %add3A_217 = arith.addf %add3A_207, %gather3A_216 : vector<16xf32>
      %swap3A_218 = arith.constant 0 : index
      %swap3A_219 = tpu.vector_load %arg9[%swap3A_218] {strides = array<i32>} : memref<16xf32, #tpu.memory_space<vmem>>, vector<16xf32>,
      tpu.vector_store %arg9[%swap3A_218], %add3A_217 {strides = array<i32>} : memref<16xf32, #tpu.memory_space<vmem>>, vector<16xf32>,
      %add3A_220 = arith.constant 1 : i32
      %add3A_221 = vector.broadcast %add3A_220 : i32 to vector<16xi32>
      %add3A_222 = arith.addi %iota3A, %add3A_221 : vector<16xi32>
      %and3A_223 = arith.constant 15 : i32
      %and3A_224 = vector.broadcast %and3A_223 : i32 to vector<16xi32>
      %and3A_225 = arith.andi %add3A_222, %and3A_224 : vector<16xi32>
      %gather3A_226 = tpu.vector_load_idx %arg9[%and3A_225] : memref<16xf32, #tpu.memory_space<vmem>>[vector<16xi32>], vector<16xf32>,
      %add3A_227 = arith.addf %add3A_217, %gather3A_226 : vector<16xf32>
      %add3A_228 = arith.constant 1 : i32
      %add3A_229 = arith.addi %mul3A_135, %add3A_228 : i32
      %eq3A_230 = vector.broadcast %add3A_229 : i32 to vector<16xi32>
      %eq3A_231 = arith.cmpi eq, %iota3A, %eq3A_230 : vector<16xi32>
      %select_n3A_232 = arith.select %eq3A_231, %add3A_227, %select_n3A_187 : vector<16xi1>, vector<16xf32>
      %swap3A_233 = arith.constant 0 : index
      %swap3A_234 = tpu.vector_load %arg9[%swap3A_233] {strides = array<i32>} : memref<16xf32, #tpu.memory_space<vmem>>, vector<16xf32>,
      tpu.vector_store %arg9[%swap3A_233], %scan3A_142#2 {strides = array<i32>} : memref<16xf32, #tpu.memory_space<vmem>>, vector<16xf32>,
      %add3A_235 = arith.constant 8 : i32
      %add3A_236 = vector.broadcast %add3A_235 : i32 to vector<16xi32>
      %add3A_237 = arith.addi %iota3A, %add3A_236 : vector<16xi32>
      %and3A_238 = arith.constant 15 : i32
      %and3A_239 = vector.broadcast %and3A_238 : i32 to vector<16xi32>
      %and3A_240 = arith.andi %add3A_237, %and3A_239 : vector<16xi32>
      %gather3A_241 = tpu.vector_load_idx %arg9[%and3A_240] : memref<16xf32, #tpu.memory_space<vmem>>[vector<16xi32>], vector<16xf32>,
      %add3A_242 = arith.addf %scan3A_142#2, %gather3A_241 : vector<16xf32>
      %swap3A_243 = arith.constant 0 : index
      %swap3A_244 = tpu.vector_load %arg9[%swap3A_243] {strides = array<i32>} : memref<16xf32, #tpu.memory_space<vmem>>, vector<16xf32>,
      tpu.vector_store %arg9[%swap3A_243], %add3A_242 {strides = array<i32>} : memref<16xf32, #tpu.memory_space<vmem>>, vector<16xf32>,
      %add3A_245 = arith.constant 4 : i32
      %add3A_246 = vector.broadcast %add3A_245 : i32 to vector<16xi32>
      %add3A_247 = arith.addi %iota3A, %add3A_246 : vector<16xi32>
      %and3A_248 = arith.constant 15 : i32
      %and3A_249 = vector.broadcast %and3A_248 : i32 to vector<16xi32>
      %and3A_250 = arith.andi %add3A_247, %and3A_249 : vector<16xi32>
      %gather3A_251 = tpu.vector_load_idx %arg9[%and3A_250] : memref<16xf32, #tpu.memory_space<vmem>>[vector<16xi32>], vector<16xf32>,
      %add3A_252 = arith.addf %add3A_242, %gather3A_251 : vector<16xf32>
      %swap3A_253 = arith.constant 0 : index
      %swap3A_254 = tpu.vector_load %arg9[%swap3A_253] {strides = array<i32>} : memref<16xf32, #tpu.memory_space<vmem>>, vector<16xf32>,
      tpu.vector_store %arg9[%swap3A_253], %add3A_252 {strides = array<i32>} : memref<16xf32, #tpu.memory_space<vmem>>, vector<16xf32>,
      %add3A_255 = arith.constant 2 : i32
      %add3A_256 = vector.broadcast %add3A_255 : i32 to vector<16xi32>
      %add3A_257 = arith.addi %iota3A, %add3A_256 : vector<16xi32>
      %and3A_258 = arith.constant 15 : i32
      %and3A_259 = vector.broadcast %and3A_258 : i32 to vector<16xi32>
      %and3A_260 = arith.andi %add3A_257, %and3A_259 : vector<16xi32>
      %gather3A_261 = tpu.vector_load_idx %arg9[%and3A_260] : memref<16xf32, #tpu.memory_space<vmem>>[vector<16xi32>], vector<16xf32>,
      %add3A_262 = arith.addf %add3A_252, %gather3A_261 : vector<16xf32>
      %swap3A_263 = arith.constant 0 : index
      %swap3A_264 = tpu.vector_load %arg9[%swap3A_263] {strides = array<i32>} : memref<16xf32, #tpu.memory_space<vmem>>, vector<16xf32>,
      tpu.vector_store %arg9[%swap3A_263], %add3A_262 {strides = array<i32>} : memref<16xf32, #tpu.memory_space<vmem>>, vector<16xf32>,
      %add3A_265 = arith.constant 1 : i32
      %add3A_266 = vector.broadcast %add3A_265 : i32 to vector<16xi32>
      %add3A_267 = arith.addi %iota3A, %add3A_266 : vector<16xi32>
      %and3A_268 = arith.constant 15 : i32
      %and3A_269 = vector.broadcast %and3A_268 : i32 to vector<16xi32>
      %and3A_270 = arith.andi %add3A_267, %and3A_269 : vector<16xi32>
      %gather3A_271 = tpu.vector_load_idx %arg9[%and3A_270] : memref<16xf32, #tpu.memory_space<vmem>>[vector<16xi32>], vector<16xf32>,
      %add3A_272 = arith.addf %add3A_262, %gather3A_271 : vector<16xf32>
      %add3A_273 = arith.constant 2 : i32
      %add3A_274 = arith.addi %mul3A_135, %add3A_273 : i32
      %eq3A_275 = vector.broadcast %add3A_274 : i32 to vector<16xi32>
      %eq3A_276 = arith.cmpi eq, %iota3A, %eq3A_275 : vector<16xi32>
      %select_n3A_277 = arith.select %eq3A_276, %add3A_272, %select_n3A_232 : vector<16xi1>, vector<16xf32>
      %swap3A_278 = arith.constant 0 : index
      %swap3A_279 = tpu.vector_load %arg9[%swap3A_278] {strides = array<i32>} : memref<16xf32, #tpu.memory_space<vmem>>, vector<16xf32>,
      tpu.vector_store %arg9[%swap3A_278], %scan3A_142#3 {strides = array<i32>} : memref<16xf32, #tpu.memory_space<vmem>>, vector<16xf32>,
      %add3A_280 = arith.constant 8 : i32
      %add3A_281 = vector.broadcast %add3A_280 : i32 to vector<16xi32>
      %add3A_282 = arith.addi %iota3A, %add3A_281 : vector<16xi32>
      %and3A_283 = arith.constant 15 : i32
      %and3A_284 = vector.broadcast %and3A_283 : i32 to vector<16xi32>
      %and3A_285 = arith.andi %add3A_282, %and3A_284 : vector<16xi32>
      %gather3A_286 = tpu.vector_load_idx %arg9[%and3A_285] : memref<16xf32, #tpu.memory_space<vmem>>[vector<16xi32>], vector<16xf32>,
      %add3A_287 = arith.addf %scan3A_142#3, %gather3A_286 : vector<16xf32>
      %swap3A_288 = arith.constant 0 : index
      %swap3A_289 = tpu.vector_load %arg9[%swap3A_288] {strides = array<i32>} : memref<16xf32, #tpu.memory_space<vmem>>, vector<16xf32>,
      tpu.vector_store %arg9[%swap3A_288], %add3A_287 {strides = array<i32>} : memref<16xf32, #tpu.memory_space<vmem>>, vector<16xf32>,
      %add3A_290 = arith.constant 4 : i32
      %add3A_291 = vector.broadcast %add3A_290 : i32 to vector<16xi32>
      %add3A_292 = arith.addi %iota3A, %add3A_291 : vector<16xi32>
      %and3A_293 = arith.constant 15 : i32
      %and3A_294 = vector.broadcast %and3A_293 : i32 to vector<16xi32>
      %and3A_295 = arith.andi %add3A_292, %and3A_294 : vector<16xi32>
      %gather3A_296 = tpu.vector_load_idx %arg9[%and3A_295] : memref<16xf32, #tpu.memory_space<vmem>>[vector<16xi32>], vector<16xf32>,
      %add3A_297 = arith.addf %add3A_287, %gather3A_296 : vector<16xf32>
      %swap3A_298 = arith.constant 0 : index
      %swap3A_299 = tpu.vector_load %arg9[%swap3A_298] {strides = array<i32>} : memref<16xf32, #tpu.memory_space<vmem>>, vector<16xf32>,
      tpu.vector_store %arg9[%swap3A_298], %add3A_297 {strides = array<i32>} : memref<16xf32, #tpu.memory_space<vmem>>, vector<16xf32>,
      %add3A_300 = arith.constant 2 : i32
      %add3A_301 = vector.broadcast %add3A_300 : i32 to vector<16xi32>
      %add3A_302 = arith.addi %iota3A, %add3A_301 : vector<16xi32>
      %and3A_303 = arith.constant 15 : i32
      %and3A_304 = vector.broadcast %and3A_303 : i32 to vector<16xi32>
      %and3A_305 = arith.andi %add3A_302, %and3A_304 : vector<16xi32>
      %gather3A_306 = tpu.vector_load_idx %arg9[%and3A_305] : memref<16xf32, #tpu.memory_space<vmem>>[vector<16xi32>], vector<16xf32>,
      %add3A_307 = arith.addf %add3A_297, %gather3A_306 : vector<16xf32>
      %swap3A_308 = arith.constant 0 : index
      %swap3A_309 = tpu.vector_load %arg9[%swap3A_308] {strides = array<i32>} : memref<16xf32, #tpu.memory_space<vmem>>, vector<16xf32>,
      tpu.vector_store %arg9[%swap3A_308], %add3A_307 {strides = array<i32>} : memref<16xf32, #tpu.memory_space<vmem>>, vector<16xf32>,
      %add3A_310 = arith.constant 1 : i32
      %add3A_311 = vector.broadcast %add3A_310 : i32 to vector<16xi32>
      %add3A_312 = arith.addi %iota3A, %add3A_311 : vector<16xi32>
      %and3A_313 = arith.constant 15 : i32
      %and3A_314 = vector.broadcast %and3A_313 : i32 to vector<16xi32>
      %and3A_315 = arith.andi %add3A_312, %and3A_314 : vector<16xi32>
      %gather3A_316 = tpu.vector_load_idx %arg9[%and3A_315] : memref<16xf32, #tpu.memory_space<vmem>>[vector<16xi32>], vector<16xf32>,
      %add3A_317 = arith.addf %add3A_307, %gather3A_316 : vector<16xf32>
      %add3A_318 = arith.constant 3 : i32
      %add3A_319 = arith.addi %mul3A_135, %add3A_318 : i32
      %eq3A_320 = vector.broadcast %add3A_319 : i32 to vector<16xi32>
      %eq3A_321 = arith.cmpi eq, %iota3A, %eq3A_320 : vector<16xi32>
      %select_n3A_322 = arith.select %eq3A_321, %add3A_317, %select_n3A_277 : vector<16xi1>, vector<16xf32>
      scf.yield %select_n3A_322 : vector<16xf32>
    }
    %scan3A_113 = arith.constant 4 : i32
    %swap3A_114 = arith.constant 32 : index
    %swap3A_115 = tpu.vector_load %arg8[%swap3A_114] {strides = array<i32>} : memref<64xf32, #tpu.memory_space<vmem>>, vector<16xf32>,
    tpu.vector_store %arg8[%swap3A_114], %scan3A_112 {strides = array<i32>} : memref<64xf32, #tpu.memory_space<vmem>>, vector<16xf32>,
    %add3A_116 = arith.constant 48 : i32
    %add3A_117 = arith.addi %add3A_37, %add3A_116 : i32
    %dma_wait3A_118 = arith.constant 0 : i32
    %dma_wait3A_119 = tpu.memref_slice %arg2[%add3A_117, %dma_wait3A_118] : memref<16384x2048xf32, #tpu.memory_space<hbm>> -> memref<16x2048xf32, #tpu.memory_space<hbm>>
    %dma_wait3A_120 = arith.constant 0 : i32
    %dma_wait3A_121 = tpu.memref_slice %arg2[%add3A_117, %dma_wait3A_120] : memref<16384x2048xf32, #tpu.memory_space<hbm>> -> memref<16x2048xf32, #tpu.memory_space<hbm>>
    tpu.wait_dma2 semaphore(%arg11 : memref<!tpu.dma_semaphore, #tpu.memory_space<semaphore_mem>>) src(%dma_wait3A_121 : memref<16x2048xf32, #tpu.memory_space<hbm>>) dst(%arg6 : memref<16x2048xf32, #tpu.memory_space<vmem>>)
    %broadcast_in_dim3A_122 = arith.constant 0.000000e+00 : f32
    %broadcast_in_dim3A_123 = vector.broadcast %broadcast_in_dim3A_122 : f32 to vector<16xf32>
    %scan3A_124 = arith.constant 0 : i32
    %scan3A_125 = arith.constant 4 : i32
    %scan3A_126 = arith.addi %scan3A_124, %scan3A_125 : i32
    %scan3A_127 = arith.constant 1 : i32
    %scan3A_128 = scf.for %scan3A_132 = %scan3A_124 to %scan3A_126 step %scan3A_127 iter_args(%scan3A_133 = %broadcast_in_dim3A_123) -> (vector<16xf32>)  : i32 {
      %mul3A_134 = arith.constant 4 : i32
      %mul3A_135 = arith.muli %scan3A_132, %mul3A_134 : i32
      %broadcast_in_dim3A_136 = arith.constant 0.000000e+00 : f32
      %broadcast_in_dim3A_137 = vector.broadcast %broadcast_in_dim3A_136 : f32 to vector<16xf32>
      %scan3A_138 = arith.constant 0 : i32
      %scan3A_139 = arith.constant 32 : i32
      %scan3A_140 = arith.addi %scan3A_138, %scan3A_139 : i32
      %scan3A_141 = arith.constant 1 : i32
      %scan3A_142:4 = scf.for %scan3A_323 = %scan3A_138 to %scan3A_140 step %scan3A_141 iter_args(%scan3A_324 = %broadcast_in_dim3A_137, %scan3A_325 = %broadcast_in_dim3A_137, %scan3A_326 = %broadcast_in_dim3A_137, %scan3A_327 = %broadcast_in_dim3A_137) -> (vector<16xf32>, vector<16xf32>, vector<16xf32>, vector<16xf32>)  : i32 {
        %mul3A_328 = arith.constant 64 : i32
        %mul3A_329 = arith.muli %scan3A_323, %mul3A_328 : i32
        %add3A_330 = arith.constant 0 : i32
        %add3A_331 = arith.addi %mul3A_329, %add3A_330 : i32
        %get3A = arith.index_cast %add3A_331 : i32 to index
        %get3A_332 = tpu.vector_load %arg7[%get3A] {strides = array<i32>} : memref<2048xf32, #tpu.memory_space<vmem>>, vector<16xf32>,
        %add3A_333 = arith.constant 0 : i32
        %add3A_334 = arith.addi %mul3A_135, %add3A_333 : i32
        %get3A_335 = arith.index_cast %add3A_334 : i32 to index
        %get3A_336 = arith.index_cast %add3A_331 : i32 to index
        %get3A_337 = tpu.vector_load %arg6[%get3A_335, %get3A_336] {strides = array<i32>} : memref<16x2048xf32, #tpu.memory_space<vmem>>, vector<16xf32>,
        %bitcast_convert_type3A = tpu.bitcast %get3A_337 : vector<16xf32> -> vector<16xi32>
        %shift_right_logical3A = arith.constant 16 : i32
        %shift_right_logical3A_338 = vector.broadcast %shift_right_logical3A : i32 to vector<16xi32>
        %shift_right_logical3A_339 = arith.shrui %bitcast_convert_type3A, %shift_right_logical3A_338 : vector<16xi32>
        %and3A_340 = arith.constant 1 : i32
        %and3A_341 = vector.broadcast %and3A_340 : i32 to vector<16xi32>
        %and3A_342 = arith.andi %shift_right_logical3A_339, %and3A_341 : vector<16xi32>
        %add3A_343 = arith.constant 32767 : i32
        %add3A_344 = vector.broadcast %add3A_343 : i32 to vector<16xi32>
        %add3A_345 = arith.addi %bitcast_convert_type3A, %add3A_344 : vector<16xi32>
        %add3A_346 = arith.addi %add3A_345, %and3A_342 : vector<16xi32>
        %and3A_347 = arith.constant -65536 : i32
        %and3A_348 = vector.broadcast %and3A_347 : i32 to vector<16xi32>
        %and3A_349 = arith.andi %add3A_346, %and3A_348 : vector<16xi32>
        %bitcast_convert_type3A_350 = tpu.bitcast %and3A_349 : vector<16xi32> -> vector<16xf32>
        %mul3A_351 = arith.mulf %bitcast_convert_type3A_350, %get3A_332 : vector<16xf32>
        %add3A_352 = arith.constant 1 : i32
        %add3A_353 = arith.addi %mul3A_135, %add3A_352 : i32
        %get3A_354 = arith.index_cast %add3A_353 : i32 to index
        %get3A_355 = arith.index_cast %add3A_331 : i32 to index
        %get3A_356 = tpu.vector_load %arg6[%get3A_354, %get3A_355] {strides = array<i32>} : memref<16x2048xf32, #tpu.memory_space<vmem>>, vector<16xf32>,
        %bitcast_convert_type3A_357 = tpu.bitcast %get3A_356 : vector<16xf32> -> vector<16xi32>
        %shift_right_logical3A_358 = arith.constant 16 : i32
        %shift_right_logical3A_359 = vector.broadcast %shift_right_logical3A_358 : i32 to vector<16xi32>
        %shift_right_logical3A_360 = arith.shrui %bitcast_convert_type3A_357, %shift_right_logical3A_359 : vector<16xi32>
        %and3A_361 = arith.constant 1 : i32
        %and3A_362 = vector.broadcast %and3A_361 : i32 to vector<16xi32>
        %and3A_363 = arith.andi %shift_right_logical3A_360, %and3A_362 : vector<16xi32>
        %add3A_364 = arith.constant 32767 : i32
        %add3A_365 = vector.broadcast %add3A_364 : i32 to vector<16xi32>
        %add3A_366 = arith.addi %bitcast_convert_type3A_357, %add3A_365 : vector<16xi32>
        %add3A_367 = arith.addi %add3A_366, %and3A_363 : vector<16xi32>
        %and3A_368 = arith.constant -65536 : i32
        %and3A_369 = vector.broadcast %and3A_368 : i32 to vector<16xi32>
        %and3A_370 = arith.andi %add3A_367, %and3A_369 : vector<16xi32>
        %bitcast_convert_type3A_371 = tpu.bitcast %and3A_370 : vector<16xi32> -> vector<16xf32>
        %mul3A_372 = arith.mulf %bitcast_convert_type3A_371, %get3A_332 : vector<16xf32>
        %add3A_373 = arith.constant 2 : i32
        %add3A_374 = arith.addi %mul3A_135, %add3A_373 : i32
        %get3A_375 = arith.index_cast %add3A_374 : i32 to index
        %get3A_376 = arith.index_cast %add3A_331 : i32 to index
        %get3A_377 = tpu.vector_load %arg6[%get3A_375, %get3A_376] {strides = array<i32>} : memref<16x2048xf32, #tpu.memory_space<vmem>>, vector<16xf32>,
        %bitcast_convert_type3A_378 = tpu.bitcast %get3A_377 : vector<16xf32> -> vector<16xi32>
        %shift_right_logical3A_379 = arith.constant 16 : i32
        %shift_right_logical3A_380 = vector.broadcast %shift_right_logical3A_379 : i32 to vector<16xi32>
        %shift_right_logical3A_381 = arith.shrui %bitcast_convert_type3A_378, %shift_right_logical3A_380 : vector<16xi32>
        %and3A_382 = arith.constant 1 : i32
        %and3A_383 = vector.broadcast %and3A_382 : i32 to vector<16xi32>
        %and3A_384 = arith.andi %shift_right_logical3A_381, %and3A_383 : vector<16xi32>
        %add3A_385 = arith.constant 32767 : i32
        %add3A_386 = vector.broadcast %add3A_385 : i32 to vector<16xi32>
        %add3A_387 = arith.addi %bitcast_convert_type3A_378, %add3A_386 : vector<16xi32>
        %add3A_388 = arith.addi %add3A_387, %and3A_384 : vector<16xi32>
        %and3A_389 = arith.constant -65536 : i32
        %and3A_390 = vector.broadcast %and3A_389 : i32 to vector<16xi32>
        %and3A_391 = arith.andi %add3A_388, %and3A_390 : vector<16xi32>
        %bitcast_convert_type3A_392 = tpu.bitcast %and3A_391 : vector<16xi32> -> vector<16xf32>
        %mul3A_393 = arith.mulf %bitcast_convert_type3A_392, %get3A_332 : vector<16xf32>
        %add3A_394 = arith.constant 3 : i32
        %add3A_395 = arith.addi %mul3A_135, %add3A_394 : i32
        %get3A_396 = arith.index_cast %add3A_395 : i32 to index
        %get3A_397 = arith.index_cast %add3A_331 : i32 to index
        %get3A_398 = tpu.vector_load %arg6[%get3A_396, %get3A_397] {strides = array<i32>} : memref<16x2048xf32, #tpu.memory_space<vmem>>, vector<16xf32>,
        %bitcast_convert_type3A_399 = tpu.bitcast %get3A_398 : vector<16xf32> -> vector<16xi32>
        %shift_right_logical3A_400 = arith.constant 16 : i32
        %shift_right_logical3A_401 = vector.broadcast %shift_right_logical3A_400 : i32 to vector<16xi32>
        %shift_right_logical3A_402 = arith.shrui %bitcast_convert_type3A_399, %shift_right_logical3A_401 : vector<16xi32>
        %and3A_403 = arith.constant 1 : i32
        %and3A_404 = vector.broadcast %and3A_403 : i32 to vector<16xi32>
        %and3A_405 = arith.andi %shift_right_logical3A_402, %and3A_404 : vector<16xi32>
        %add3A_406 = arith.constant 32767 : i32
        %add3A_407 = vector.broadcast %add3A_406 : i32 to vector<16xi32>
        %add3A_408 = arith.addi %bitcast_convert_type3A_399, %add3A_407 : vector<16xi32>
        %add3A_409 = arith.addi %add3A_408, %and3A_405 : vector<16xi32>
        %and3A_410 = arith.constant -65536 : i32
        %and3A_411 = vector.broadcast %and3A_410 : i32 to vector<16xi32>
        %and3A_412 = arith.andi %add3A_409, %and3A_411 : vector<16xi32>
        %bitcast_convert_type3A_413 = tpu.bitcast %and3A_412 : vector<16xi32> -> vector<16xf32>
        %mul3A_414 = arith.mulf %bitcast_convert_type3A_413, %get3A_332 : vector<16xf32>
        %add3A_415 = arith.addf %scan3A_324, %mul3A_351 : vector<16xf32>
        %add3A_416 = arith.addf %scan3A_325, %mul3A_372 : vector<16xf32>
        %add3A_417 = arith.addf %scan3A_326, %mul3A_393 : vector<16xf32>
        %add3A_418 = arith.addf %scan3A_327, %mul3A_414 : vector<16xf32>
        %mul3A_419 = arith.constant 64 : i32
        %mul3A_420 = arith.muli %scan3A_323, %mul3A_419 : i32
        %add3A_421 = arith.constant 16 : i32
        %add3A_422 = arith.addi %mul3A_420, %add3A_421 : i32
        %get3A_423 = arith.index_cast %add3A_422 : i32 to index
        %get3A_424 = tpu.vector_load %arg7[%get3A_423] {strides = array<i32>} : memref<2048xf32, #tpu.memory_space<vmem>>, vector<16xf32>,
        %add3A_425 = arith.constant 0 : i32
        %add3A_426 = arith.addi %mul3A_135, %add3A_425 : i32
        %get3A_427 = arith.index_cast %add3A_426 : i32 to index
        %get3A_428 = arith.index_cast %add3A_422 : i32 to index
        %get3A_429 = tpu.vector_load %arg6[%get3A_427, %get3A_428] {strides = array<i32>} : memref<16x2048xf32, #tpu.memory_space<vmem>>, vector<16xf32>,
        %bitcast_convert_type3A_430 = tpu.bitcast %get3A_429 : vector<16xf32> -> vector<16xi32>
        %shift_right_logical3A_431 = arith.constant 16 : i32
        %shift_right_logical3A_432 = vector.broadcast %shift_right_logical3A_431 : i32 to vector<16xi32>
        %shift_right_logical3A_433 = arith.shrui %bitcast_convert_type3A_430, %shift_right_logical3A_432 : vector<16xi32>
        %and3A_434 = arith.constant 1 : i32
        %and3A_435 = vector.broadcast %and3A_434 : i32 to vector<16xi32>
        %and3A_436 = arith.andi %shift_right_logical3A_433, %and3A_435 : vector<16xi32>
        %add3A_437 = arith.constant 32767 : i32
        %add3A_438 = vector.broadcast %add3A_437 : i32 to vector<16xi32>
        %add3A_439 = arith.addi %bitcast_convert_type3A_430, %add3A_438 : vector<16xi32>
        %add3A_440 = arith.addi %add3A_439, %and3A_436 : vector<16xi32>
        %and3A_441 = arith.constant -65536 : i32
        %and3A_442 = vector.broadcast %and3A_441 : i32 to vector<16xi32>
        %and3A_443 = arith.andi %add3A_440, %and3A_442 : vector<16xi32>
        %bitcast_convert_type3A_444 = tpu.bitcast %and3A_443 : vector<16xi32> -> vector<16xf32>
        %mul3A_445 = arith.mulf %bitcast_convert_type3A_444, %get3A_424 : vector<16xf32>
        %add3A_446 = arith.constant 1 : i32
        %add3A_447 = arith.addi %mul3A_135, %add3A_446 : i32
        %get3A_448 = arith.index_cast %add3A_447 : i32 to index
        %get3A_449 = arith.index_cast %add3A_422 : i32 to index
        %get3A_450 = tpu.vector_load %arg6[%get3A_448, %get3A_449] {strides = array<i32>} : memref<16x2048xf32, #tpu.memory_space<vmem>>, vector<16xf32>,
        %bitcast_convert_type3A_451 = tpu.bitcast %get3A_450 : vector<16xf32> -> vector<16xi32>
        %shift_right_logical3A_452 = arith.constant 16 : i32
        %shift_right_logical3A_453 = vector.broadcast %shift_right_logical3A_452 : i32 to vector<16xi32>
        %shift_right_logical3A_454 = arith.shrui %bitcast_convert_type3A_451, %shift_right_logical3A_453 : vector<16xi32>
        %and3A_455 = arith.constant 1 : i32
        %and3A_456 = vector.broadcast %and3A_455 : i32 to vector<16xi32>
        %and3A_457 = arith.andi %shift_right_logical3A_454, %and3A_456 : vector<16xi32>
        %add3A_458 = arith.constant 32767 : i32
        %add3A_459 = vector.broadcast %add3A_458 : i32 to vector<16xi32>
        %add3A_460 = arith.addi %bitcast_convert_type3A_451, %add3A_459 : vector<16xi32>
        %add3A_461 = arith.addi %add3A_460, %and3A_457 : vector<16xi32>
        %and3A_462 = arith.constant -65536 : i32
        %and3A_463 = vector.broadcast %and3A_462 : i32 to vector<16xi32>
        %and3A_464 = arith.andi %add3A_461, %and3A_463 : vector<16xi32>
        %bitcast_convert_type3A_465 = tpu.bitcast %and3A_464 : vector<16xi32> -> vector<16xf32>
        %mul3A_466 = arith.mulf %bitcast_convert_type3A_465, %get3A_424 : vector<16xf32>
        %add3A_467 = arith.constant 2 : i32
        %add3A_468 = arith.addi %mul3A_135, %add3A_467 : i32
        %get3A_469 = arith.index_cast %add3A_468 : i32 to index
        %get3A_470 = arith.index_cast %add3A_422 : i32 to index
        %get3A_471 = tpu.vector_load %arg6[%get3A_469, %get3A_470] {strides = array<i32>} : memref<16x2048xf32, #tpu.memory_space<vmem>>, vector<16xf32>,
        %bitcast_convert_type3A_472 = tpu.bitcast %get3A_471 : vector<16xf32> -> vector<16xi32>
        %shift_right_logical3A_473 = arith.constant 16 : i32
        %shift_right_logical3A_474 = vector.broadcast %shift_right_logical3A_473 : i32 to vector<16xi32>
        %shift_right_logical3A_475 = arith.shrui %bitcast_convert_type3A_472, %shift_right_logical3A_474 : vector<16xi32>
        %and3A_476 = arith.constant 1 : i32
        %and3A_477 = vector.broadcast %and3A_476 : i32 to vector<16xi32>
        %and3A_478 = arith.andi %shift_right_logical3A_475, %and3A_477 : vector<16xi32>
        %add3A_479 = arith.constant 32767 : i32
        %add3A_480 = vector.broadcast %add3A_479 : i32 to vector<16xi32>
        %add3A_481 = arith.addi %bitcast_convert_type3A_472, %add3A_480 : vector<16xi32>
        %add3A_482 = arith.addi %add3A_481, %and3A_478 : vector<16xi32>
        %and3A_483 = arith.constant -65536 : i32
        %and3A_484 = vector.broadcast %and3A_483 : i32 to vector<16xi32>
        %and3A_485 = arith.andi %add3A_482, %and3A_484 : vector<16xi32>
        %bitcast_convert_type3A_486 = tpu.bitcast %and3A_485 : vector<16xi32> -> vector<16xf32>
        %mul3A_487 = arith.mulf %bitcast_convert_type3A_486, %get3A_424 : vector<16xf32>
        %add3A_488 = arith.constant 3 : i32
        %add3A_489 = arith.addi %mul3A_135, %add3A_488 : i32
        %get3A_490 = arith.index_cast %add3A_489 : i32 to index
        %get3A_491 = arith.index_cast %add3A_422 : i32 to index
        %get3A_492 = tpu.vector_load %arg6[%get3A_490, %get3A_491] {strides = array<i32>} : memref<16x2048xf32, #tpu.memory_space<vmem>>, vector<16xf32>,
        %bitcast_convert_type3A_493 = tpu.bitcast %get3A_492 : vector<16xf32> -> vector<16xi32>
        %shift_right_logical3A_494 = arith.constant 16 : i32
        %shift_right_logical3A_495 = vector.broadcast %shift_right_logical3A_494 : i32 to vector<16xi32>
        %shift_right_logical3A_496 = arith.shrui %bitcast_convert_type3A_493, %shift_right_logical3A_495 : vector<16xi32>
        %and3A_497 = arith.constant 1 : i32
        %and3A_498 = vector.broadcast %and3A_497 : i32 to vector<16xi32>
        %and3A_499 = arith.andi %shift_right_logical3A_496, %and3A_498 : vector<16xi32>
        %add3A_500 = arith.constant 32767 : i32
        %add3A_501 = vector.broadcast %add3A_500 : i32 to vector<16xi32>
        %add3A_502 = arith.addi %bitcast_convert_type3A_493, %add3A_501 : vector<16xi32>
        %add3A_503 = arith.addi %add3A_502, %and3A_499 : vector<16xi32>
        %and3A_504 = arith.constant -65536 : i32
        %and3A_505 = vector.broadcast %and3A_504 : i32 to vector<16xi32>
        %and3A_506 = arith.andi %add3A_503, %and3A_505 : vector<16xi32>
        %bitcast_convert_type3A_507 = tpu.bitcast %and3A_506 : vector<16xi32> -> vector<16xf32>
        %mul3A_508 = arith.mulf %bitcast_convert_type3A_507, %get3A_424 : vector<16xf32>
        %add3A_509 = arith.addf %add3A_415, %mul3A_445 : vector<16xf32>
        %add3A_510 = arith.addf %add3A_416, %mul3A_466 : vector<16xf32>
        %add3A_511 = arith.addf %add3A_417, %mul3A_487 : vector<16xf32>
        %add3A_512 = arith.addf %add3A_418, %mul3A_508 : vector<16xf32>
        %mul3A_513 = arith.constant 64 : i32
        %mul3A_514 = arith.muli %scan3A_323, %mul3A_513 : i32
        %add3A_515 = arith.constant 32 : i32
        %add3A_516 = arith.addi %mul3A_514, %add3A_515 : i32
        %get3A_517 = arith.index_cast %add3A_516 : i32 to index
        %get3A_518 = tpu.vector_load %arg7[%get3A_517] {strides = array<i32>} : memref<2048xf32, #tpu.memory_space<vmem>>, vector<16xf32>,
        %add3A_519 = arith.constant 0 : i32
        %add3A_520 = arith.addi %mul3A_135, %add3A_519 : i32
        %get3A_521 = arith.index_cast %add3A_520 : i32 to index
        %get3A_522 = arith.index_cast %add3A_516 : i32 to index
        %get3A_523 = tpu.vector_load %arg6[%get3A_521, %get3A_522] {strides = array<i32>} : memref<16x2048xf32, #tpu.memory_space<vmem>>, vector<16xf32>,
        %bitcast_convert_type3A_524 = tpu.bitcast %get3A_523 : vector<16xf32> -> vector<16xi32>
        %shift_right_logical3A_525 = arith.constant 16 : i32
        %shift_right_logical3A_526 = vector.broadcast %shift_right_logical3A_525 : i32 to vector<16xi32>
        %shift_right_logical3A_527 = arith.shrui %bitcast_convert_type3A_524, %shift_right_logical3A_526 : vector<16xi32>
        %and3A_528 = arith.constant 1 : i32
        %and3A_529 = vector.broadcast %and3A_528 : i32 to vector<16xi32>
        %and3A_530 = arith.andi %shift_right_logical3A_527, %and3A_529 : vector<16xi32>
        %add3A_531 = arith.constant 32767 : i32
        %add3A_532 = vector.broadcast %add3A_531 : i32 to vector<16xi32>
        %add3A_533 = arith.addi %bitcast_convert_type3A_524, %add3A_532 : vector<16xi32>
        %add3A_534 = arith.addi %add3A_533, %and3A_530 : vector<16xi32>
        %and3A_535 = arith.constant -65536 : i32
        %and3A_536 = vector.broadcast %and3A_535 : i32 to vector<16xi32>
        %and3A_537 = arith.andi %add3A_534, %and3A_536 : vector<16xi32>
        %bitcast_convert_type3A_538 = tpu.bitcast %and3A_537 : vector<16xi32> -> vector<16xf32>
        %mul3A_539 = arith.mulf %bitcast_convert_type3A_538, %get3A_518 : vector<16xf32>
        %add3A_540 = arith.constant 1 : i32
        %add3A_541 = arith.addi %mul3A_135, %add3A_540 : i32
        %get3A_542 = arith.index_cast %add3A_541 : i32 to index
        %get3A_543 = arith.index_cast %add3A_516 : i32 to index
        %get3A_544 = tpu.vector_load %arg6[%get3A_542, %get3A_543] {strides = array<i32>} : memref<16x2048xf32, #tpu.memory_space<vmem>>, vector<16xf32>,
        %bitcast_convert_type3A_545 = tpu.bitcast %get3A_544 : vector<16xf32> -> vector<16xi32>
        %shift_right_logical3A_546 = arith.constant 16 : i32
        %shift_right_logical3A_547 = vector.broadcast %shift_right_logical3A_546 : i32 to vector<16xi32>
        %shift_right_logical3A_548 = arith.shrui %bitcast_convert_type3A_545, %shift_right_logical3A_547 : vector<16xi32>
        %and3A_549 = arith.constant 1 : i32
        %and3A_550 = vector.broadcast %and3A_549 : i32 to vector<16xi32>
        %and3A_551 = arith.andi %shift_right_logical3A_548, %and3A_550 : vector<16xi32>
        %add3A_552 = arith.constant 32767 : i32
        %add3A_553 = vector.broadcast %add3A_552 : i32 to vector<16xi32>
        %add3A_554 = arith.addi %bitcast_convert_type3A_545, %add3A_553 : vector<16xi32>
        %add3A_555 = arith.addi %add3A_554, %and3A_551 : vector<16xi32>
        %and3A_556 = arith.constant -65536 : i32
        %and3A_557 = vector.broadcast %and3A_556 : i32 to vector<16xi32>
        %and3A_558 = arith.andi %add3A_555, %and3A_557 : vector<16xi32>
        %bitcast_convert_type3A_559 = tpu.bitcast %and3A_558 : vector<16xi32> -> vector<16xf32>
        %mul3A_560 = arith.mulf %bitcast_convert_type3A_559, %get3A_518 : vector<16xf32>
        %add3A_561 = arith.constant 2 : i32
        %add3A_562 = arith.addi %mul3A_135, %add3A_561 : i32
        %get3A_563 = arith.index_cast %add3A_562 : i32 to index
        %get3A_564 = arith.index_cast %add3A_516 : i32 to index
        %get3A_565 = tpu.vector_load %arg6[%get3A_563, %get3A_564] {strides = array<i32>} : memref<16x2048xf32, #tpu.memory_space<vmem>>, vector<16xf32>,
        %bitcast_convert_type3A_566 = tpu.bitcast %get3A_565 : vector<16xf32> -> vector<16xi32>
        %shift_right_logical3A_567 = arith.constant 16 : i32
        %shift_right_logical3A_568 = vector.broadcast %shift_right_logical3A_567 : i32 to vector<16xi32>
        %shift_right_logical3A_569 = arith.shrui %bitcast_convert_type3A_566, %shift_right_logical3A_568 : vector<16xi32>
        %and3A_570 = arith.constant 1 : i32
        %and3A_571 = vector.broadcast %and3A_570 : i32 to vector<16xi32>
        %and3A_572 = arith.andi %shift_right_logical3A_569, %and3A_571 : vector<16xi32>
        %add3A_573 = arith.constant 32767 : i32
        %add3A_574 = vector.broadcast %add3A_573 : i32 to vector<16xi32>
        %add3A_575 = arith.addi %bitcast_convert_type3A_566, %add3A_574 : vector<16xi32>
        %add3A_576 = arith.addi %add3A_575, %and3A_572 : vector<16xi32>
        %and3A_577 = arith.constant -65536 : i32
        %and3A_578 = vector.broadcast %and3A_577 : i32 to vector<16xi32>
        %and3A_579 = arith.andi %add3A_576, %and3A_578 : vector<16xi32>
        %bitcast_convert_type3A_580 = tpu.bitcast %and3A_579 : vector<16xi32> -> vector<16xf32>
        %mul3A_581 = arith.mulf %bitcast_convert_type3A_580, %get3A_518 : vector<16xf32>
        %add3A_582 = arith.constant 3 : i32
        %add3A_583 = arith.addi %mul3A_135, %add3A_582 : i32
        %get3A_584 = arith.index_cast %add3A_583 : i32 to index
        %get3A_585 = arith.index_cast %add3A_516 : i32 to index
        %get3A_586 = tpu.vector_load %arg6[%get3A_584, %get3A_585] {strides = array<i32>} : memref<16x2048xf32, #tpu.memory_space<vmem>>, vector<16xf32>,
        %bitcast_convert_type3A_587 = tpu.bitcast %get3A_586 : vector<16xf32> -> vector<16xi32>
        %shift_right_logical3A_588 = arith.constant 16 : i32
        %shift_right_logical3A_589 = vector.broadcast %shift_right_logical3A_588 : i32 to vector<16xi32>
        %shift_right_logical3A_590 = arith.shrui %bitcast_convert_type3A_587, %shift_right_logical3A_589 : vector<16xi32>
        %and3A_591 = arith.constant 1 : i32
        %and3A_592 = vector.broadcast %and3A_591 : i32 to vector<16xi32>
        %and3A_593 = arith.andi %shift_right_logical3A_590, %and3A_592 : vector<16xi32>
        %add3A_594 = arith.constant 32767 : i32
        %add3A_595 = vector.broadcast %add3A_594 : i32 to vector<16xi32>
        %add3A_596 = arith.addi %bitcast_convert_type3A_587, %add3A_595 : vector<16xi32>
        %add3A_597 = arith.addi %add3A_596, %and3A_593 : vector<16xi32>
        %and3A_598 = arith.constant -65536 : i32
        %and3A_599 = vector.broadcast %and3A_598 : i32 to vector<16xi32>
        %and3A_600 = arith.andi %add3A_597, %and3A_599 : vector<16xi32>
        %bitcast_convert_type3A_601 = tpu.bitcast %and3A_600 : vector<16xi32> -> vector<16xf32>
        %mul3A_602 = arith.mulf %bitcast_convert_type3A_601, %get3A_518 : vector<16xf32>
        %add3A_603 = arith.addf %add3A_509, %mul3A_539 : vector<16xf32>
        %add3A_604 = arith.addf %add3A_510, %mul3A_560 : vector<16xf32>
        %add3A_605 = arith.addf %add3A_511, %mul3A_581 : vector<16xf32>
        %add3A_606 = arith.addf %add3A_512, %mul3A_602 : vector<16xf32>
        %mul3A_607 = arith.constant 64 : i32
        %mul3A_608 = arith.muli %scan3A_323, %mul3A_607 : i32
        %add3A_609 = arith.constant 48 : i32
        %add3A_610 = arith.addi %mul3A_608, %add3A_609 : i32
        %get3A_611 = arith.index_cast %add3A_610 : i32 to index
        %get3A_612 = tpu.vector_load %arg7[%get3A_611] {strides = array<i32>} : memref<2048xf32, #tpu.memory_space<vmem>>, vector<16xf32>,
        %add3A_613 = arith.constant 0 : i32
        %add3A_614 = arith.addi %mul3A_135, %add3A_613 : i32
        %get3A_615 = arith.index_cast %add3A_614 : i32 to index
        %get3A_616 = arith.index_cast %add3A_610 : i32 to index
        %get3A_617 = tpu.vector_load %arg6[%get3A_615, %get3A_616] {strides = array<i32>} : memref<16x2048xf32, #tpu.memory_space<vmem>>, vector<16xf32>,
        %bitcast_convert_type3A_618 = tpu.bitcast %get3A_617 : vector<16xf32> -> vector<16xi32>
        %shift_right_logical3A_619 = arith.constant 16 : i32
        %shift_right_logical3A_620 = vector.broadcast %shift_right_logical3A_619 : i32 to vector<16xi32>
        %shift_right_logical3A_621 = arith.shrui %bitcast_convert_type3A_618, %shift_right_logical3A_620 : vector<16xi32>
        %and3A_622 = arith.constant 1 : i32
        %and3A_623 = vector.broadcast %and3A_622 : i32 to vector<16xi32>
        %and3A_624 = arith.andi %shift_right_logical3A_621, %and3A_623 : vector<16xi32>
        %add3A_625 = arith.constant 32767 : i32
        %add3A_626 = vector.broadcast %add3A_625 : i32 to vector<16xi32>
        %add3A_627 = arith.addi %bitcast_convert_type3A_618, %add3A_626 : vector<16xi32>
        %add3A_628 = arith.addi %add3A_627, %and3A_624 : vector<16xi32>
        %and3A_629 = arith.constant -65536 : i32
        %and3A_630 = vector.broadcast %and3A_629 : i32 to vector<16xi32>
        %and3A_631 = arith.andi %add3A_628, %and3A_630 : vector<16xi32>
        %bitcast_convert_type3A_632 = tpu.bitcast %and3A_631 : vector<16xi32> -> vector<16xf32>
        %mul3A_633 = arith.mulf %bitcast_convert_type3A_632, %get3A_612 : vector<16xf32>
        %add3A_634 = arith.constant 1 : i32
        %add3A_635 = arith.addi %mul3A_135, %add3A_634 : i32
        %get3A_636 = arith.index_cast %add3A_635 : i32 to index
        %get3A_637 = arith.index_cast %add3A_610 : i32 to index
        %get3A_638 = tpu.vector_load %arg6[%get3A_636, %get3A_637] {strides = array<i32>} : memref<16x2048xf32, #tpu.memory_space<vmem>>, vector<16xf32>,
        %bitcast_convert_type3A_639 = tpu.bitcast %get3A_638 : vector<16xf32> -> vector<16xi32>
        %shift_right_logical3A_640 = arith.constant 16 : i32
        %shift_right_logical3A_641 = vector.broadcast %shift_right_logical3A_640 : i32 to vector<16xi32>
        %shift_right_logical3A_642 = arith.shrui %bitcast_convert_type3A_639, %shift_right_logical3A_641 : vector<16xi32>
        %and3A_643 = arith.constant 1 : i32
        %and3A_644 = vector.broadcast %and3A_643 : i32 to vector<16xi32>
        %and3A_645 = arith.andi %shift_right_logical3A_642, %and3A_644 : vector<16xi32>
        %add3A_646 = arith.constant 32767 : i32
        %add3A_647 = vector.broadcast %add3A_646 : i32 to vector<16xi32>
        %add3A_648 = arith.addi %bitcast_convert_type3A_639, %add3A_647 : vector<16xi32>
        %add3A_649 = arith.addi %add3A_648, %and3A_645 : vector<16xi32>
        %and3A_650 = arith.constant -65536 : i32
        %and3A_651 = vector.broadcast %and3A_650 : i32 to vector<16xi32>
        %and3A_652 = arith.andi %add3A_649, %and3A_651 : vector<16xi32>
        %bitcast_convert_type3A_653 = tpu.bitcast %and3A_652 : vector<16xi32> -> vector<16xf32>
        %mul3A_654 = arith.mulf %bitcast_convert_type3A_653, %get3A_612 : vector<16xf32>
        %add3A_655 = arith.constant 2 : i32
        %add3A_656 = arith.addi %mul3A_135, %add3A_655 : i32
        %get3A_657 = arith.index_cast %add3A_656 : i32 to index
        %get3A_658 = arith.index_cast %add3A_610 : i32 to index
        %get3A_659 = tpu.vector_load %arg6[%get3A_657, %get3A_658] {strides = array<i32>} : memref<16x2048xf32, #tpu.memory_space<vmem>>, vector<16xf32>,
        %bitcast_convert_type3A_660 = tpu.bitcast %get3A_659 : vector<16xf32> -> vector<16xi32>
        %shift_right_logical3A_661 = arith.constant 16 : i32
        %shift_right_logical3A_662 = vector.broadcast %shift_right_logical3A_661 : i32 to vector<16xi32>
        %shift_right_logical3A_663 = arith.shrui %bitcast_convert_type3A_660, %shift_right_logical3A_662 : vector<16xi32>
        %and3A_664 = arith.constant 1 : i32
        %and3A_665 = vector.broadcast %and3A_664 : i32 to vector<16xi32>
        %and3A_666 = arith.andi %shift_right_logical3A_663, %and3A_665 : vector<16xi32>
        %add3A_667 = arith.constant 32767 : i32
        %add3A_668 = vector.broadcast %add3A_667 : i32 to vector<16xi32>
        %add3A_669 = arith.addi %bitcast_convert_type3A_660, %add3A_668 : vector<16xi32>
        %add3A_670 = arith.addi %add3A_669, %and3A_666 : vector<16xi32>
        %and3A_671 = arith.constant -65536 : i32
        %and3A_672 = vector.broadcast %and3A_671 : i32 to vector<16xi32>
        %and3A_673 = arith.andi %add3A_670, %and3A_672 : vector<16xi32>
        %bitcast_convert_type3A_674 = tpu.bitcast %and3A_673 : vector<16xi32> -> vector<16xf32>
        %mul3A_675 = arith.mulf %bitcast_convert_type3A_674, %get3A_612 : vector<16xf32>
        %add3A_676 = arith.constant 3 : i32
        %add3A_677 = arith.addi %mul3A_135, %add3A_676 : i32
        %get3A_678 = arith.index_cast %add3A_677 : i32 to index
        %get3A_679 = arith.index_cast %add3A_610 : i32 to index
        %get3A_680 = tpu.vector_load %arg6[%get3A_678, %get3A_679] {strides = array<i32>} : memref<16x2048xf32, #tpu.memory_space<vmem>>, vector<16xf32>,
        %bitcast_convert_type3A_681 = tpu.bitcast %get3A_680 : vector<16xf32> -> vector<16xi32>
        %shift_right_logical3A_682 = arith.constant 16 : i32
        %shift_right_logical3A_683 = vector.broadcast %shift_right_logical3A_682 : i32 to vector<16xi32>
        %shift_right_logical3A_684 = arith.shrui %bitcast_convert_type3A_681, %shift_right_logical3A_683 : vector<16xi32>
        %and3A_685 = arith.constant 1 : i32
        %and3A_686 = vector.broadcast %and3A_685 : i32 to vector<16xi32>
        %and3A_687 = arith.andi %shift_right_logical3A_684, %and3A_686 : vector<16xi32>
        %add3A_688 = arith.constant 32767 : i32
        %add3A_689 = vector.broadcast %add3A_688 : i32 to vector<16xi32>
        %add3A_690 = arith.addi %bitcast_convert_type3A_681, %add3A_689 : vector<16xi32>
        %add3A_691 = arith.addi %add3A_690, %and3A_687 : vector<16xi32>
        %and3A_692 = arith.constant -65536 : i32
        %and3A_693 = vector.broadcast %and3A_692 : i32 to vector<16xi32>
        %and3A_694 = arith.andi %add3A_691, %and3A_693 : vector<16xi32>
        %bitcast_convert_type3A_695 = tpu.bitcast %and3A_694 : vector<16xi32> -> vector<16xf32>
        %mul3A_696 = arith.mulf %bitcast_convert_type3A_695, %get3A_612 : vector<16xf32>
        %add3A_697 = arith.addf %add3A_603, %mul3A_633 : vector<16xf32>
        %add3A_698 = arith.addf %add3A_604, %mul3A_654 : vector<16xf32>
        %add3A_699 = arith.addf %add3A_605, %mul3A_675 : vector<16xf32>
        %add3A_700 = arith.addf %add3A_606, %mul3A_696 : vector<16xf32>
        scf.yield %add3A_697, %add3A_698, %add3A_699, %add3A_700 : vector<16xf32>, vector<16xf32>, vector<16xf32>, vector<16xf32>
      }
      %scan3A_143 = arith.constant 32 : i32
      %swap3A_144 = arith.constant 0 : index
      %swap3A_145 = tpu.vector_load %arg9[%swap3A_144] {strides = array<i32>} : memref<16xf32, #tpu.memory_space<vmem>>, vector<16xf32>,
      tpu.vector_store %arg9[%swap3A_144], %scan3A_142#0 {strides = array<i32>} : memref<16xf32, #tpu.memory_space<vmem>>, vector<16xf32>,
      %add3A_146 = arith.constant 8 : i32
      %add3A_147 = vector.broadcast %add3A_146 : i32 to vector<16xi32>
      %add3A_148 = arith.addi %iota3A, %add3A_147 : vector<16xi32>
      %and3A_149 = arith.constant 15 : i32
      %and3A_150 = vector.broadcast %and3A_149 : i32 to vector<16xi32>
      %and3A_151 = arith.andi %add3A_148, %and3A_150 : vector<16xi32>
      %gather3A = tpu.vector_load_idx %arg9[%and3A_151] : memref<16xf32, #tpu.memory_space<vmem>>[vector<16xi32>], vector<16xf32>,
      %add3A_152 = arith.addf %scan3A_142#0, %gather3A : vector<16xf32>
      %swap3A_153 = arith.constant 0 : index
      %swap3A_154 = tpu.vector_load %arg9[%swap3A_153] {strides = array<i32>} : memref<16xf32, #tpu.memory_space<vmem>>, vector<16xf32>,
      tpu.vector_store %arg9[%swap3A_153], %add3A_152 {strides = array<i32>} : memref<16xf32, #tpu.memory_space<vmem>>, vector<16xf32>,
      %add3A_155 = arith.constant 4 : i32
      %add3A_156 = vector.broadcast %add3A_155 : i32 to vector<16xi32>
      %add3A_157 = arith.addi %iota3A, %add3A_156 : vector<16xi32>
      %and3A_158 = arith.constant 15 : i32
      %and3A_159 = vector.broadcast %and3A_158 : i32 to vector<16xi32>
      %and3A_160 = arith.andi %add3A_157, %and3A_159 : vector<16xi32>
      %gather3A_161 = tpu.vector_load_idx %arg9[%and3A_160] : memref<16xf32, #tpu.memory_space<vmem>>[vector<16xi32>], vector<16xf32>,
      %add3A_162 = arith.addf %add3A_152, %gather3A_161 : vector<16xf32>
      %swap3A_163 = arith.constant 0 : index
      %swap3A_164 = tpu.vector_load %arg9[%swap3A_163] {strides = array<i32>} : memref<16xf32, #tpu.memory_space<vmem>>, vector<16xf32>,
      tpu.vector_store %arg9[%swap3A_163], %add3A_162 {strides = array<i32>} : memref<16xf32, #tpu.memory_space<vmem>>, vector<16xf32>,
      %add3A_165 = arith.constant 2 : i32
      %add3A_166 = vector.broadcast %add3A_165 : i32 to vector<16xi32>
      %add3A_167 = arith.addi %iota3A, %add3A_166 : vector<16xi32>
      %and3A_168 = arith.constant 15 : i32
      %and3A_169 = vector.broadcast %and3A_168 : i32 to vector<16xi32>
      %and3A_170 = arith.andi %add3A_167, %and3A_169 : vector<16xi32>
      %gather3A_171 = tpu.vector_load_idx %arg9[%and3A_170] : memref<16xf32, #tpu.memory_space<vmem>>[vector<16xi32>], vector<16xf32>,
      %add3A_172 = arith.addf %add3A_162, %gather3A_171 : vector<16xf32>
      %swap3A_173 = arith.constant 0 : index
      %swap3A_174 = tpu.vector_load %arg9[%swap3A_173] {strides = array<i32>} : memref<16xf32, #tpu.memory_space<vmem>>, vector<16xf32>,
      tpu.vector_store %arg9[%swap3A_173], %add3A_172 {strides = array<i32>} : memref<16xf32, #tpu.memory_space<vmem>>, vector<16xf32>,
      %add3A_175 = arith.constant 1 : i32
      %add3A_176 = vector.broadcast %add3A_175 : i32 to vector<16xi32>
      %add3A_177 = arith.addi %iota3A, %add3A_176 : vector<16xi32>
      %and3A_178 = arith.constant 15 : i32
      %and3A_179 = vector.broadcast %and3A_178 : i32 to vector<16xi32>
      %and3A_180 = arith.andi %add3A_177, %and3A_179 : vector<16xi32>
      %gather3A_181 = tpu.vector_load_idx %arg9[%and3A_180] : memref<16xf32, #tpu.memory_space<vmem>>[vector<16xi32>], vector<16xf32>,
      %add3A_182 = arith.addf %add3A_172, %gather3A_181 : vector<16xf32>
      %add3A_183 = arith.constant 0 : i32
      %add3A_184 = arith.addi %mul3A_135, %add3A_183 : i32
      %eq3A_185 = vector.broadcast %add3A_184 : i32 to vector<16xi32>
      %eq3A_186 = arith.cmpi eq, %iota3A, %eq3A_185 : vector<16xi32>
      %select_n3A_187 = arith.select %eq3A_186, %add3A_182, %scan3A_133 : vector<16xi1>, vector<16xf32>
      %swap3A_188 = arith.constant 0 : index
      %swap3A_189 = tpu.vector_load %arg9[%swap3A_188] {strides = array<i32>} : memref<16xf32, #tpu.memory_space<vmem>>, vector<16xf32>,
      tpu.vector_store %arg9[%swap3A_188], %scan3A_142#1 {strides = array<i32>} : memref<16xf32, #tpu.memory_space<vmem>>, vector<16xf32>,
      %add3A_190 = arith.constant 8 : i32
      %add3A_191 = vector.broadcast %add3A_190 : i32 to vector<16xi32>
      %add3A_192 = arith.addi %iota3A, %add3A_191 : vector<16xi32>
      %and3A_193 = arith.constant 15 : i32
      %and3A_194 = vector.broadcast %and3A_193 : i32 to vector<16xi32>
      %and3A_195 = arith.andi %add3A_192, %and3A_194 : vector<16xi32>
      %gather3A_196 = tpu.vector_load_idx %arg9[%and3A_195] : memref<16xf32, #tpu.memory_space<vmem>>[vector<16xi32>], vector<16xf32>,
      %add3A_197 = arith.addf %scan3A_142#1, %gather3A_196 : vector<16xf32>
      %swap3A_198 = arith.constant 0 : index
      %swap3A_199 = tpu.vector_load %arg9[%swap3A_198] {strides = array<i32>} : memref<16xf32, #tpu.memory_space<vmem>>, vector<16xf32>,
      tpu.vector_store %arg9[%swap3A_198], %add3A_197 {strides = array<i32>} : memref<16xf32, #tpu.memory_space<vmem>>, vector<16xf32>,
      %add3A_200 = arith.constant 4 : i32
      %add3A_201 = vector.broadcast %add3A_200 : i32 to vector<16xi32>
      %add3A_202 = arith.addi %iota3A, %add3A_201 : vector<16xi32>
      %and3A_203 = arith.constant 15 : i32
      %and3A_204 = vector.broadcast %and3A_203 : i32 to vector<16xi32>
      %and3A_205 = arith.andi %add3A_202, %and3A_204 : vector<16xi32>
      %gather3A_206 = tpu.vector_load_idx %arg9[%and3A_205] : memref<16xf32, #tpu.memory_space<vmem>>[vector<16xi32>], vector<16xf32>,
      %add3A_207 = arith.addf %add3A_197, %gather3A_206 : vector<16xf32>
      %swap3A_208 = arith.constant 0 : index
      %swap3A_209 = tpu.vector_load %arg9[%swap3A_208] {strides = array<i32>} : memref<16xf32, #tpu.memory_space<vmem>>, vector<16xf32>,
      tpu.vector_store %arg9[%swap3A_208], %add3A_207 {strides = array<i32>} : memref<16xf32, #tpu.memory_space<vmem>>, vector<16xf32>,
      %add3A_210 = arith.constant 2 : i32
      %add3A_211 = vector.broadcast %add3A_210 : i32 to vector<16xi32>
      %add3A_212 = arith.addi %iota3A, %add3A_211 : vector<16xi32>
      %and3A_213 = arith.constant 15 : i32
      %and3A_214 = vector.broadcast %and3A_213 : i32 to vector<16xi32>
      %and3A_215 = arith.andi %add3A_212, %and3A_214 : vector<16xi32>
      %gather3A_216 = tpu.vector_load_idx %arg9[%and3A_215] : memref<16xf32, #tpu.memory_space<vmem>>[vector<16xi32>], vector<16xf32>,
      %add3A_217 = arith.addf %add3A_207, %gather3A_216 : vector<16xf32>
      %swap3A_218 = arith.constant 0 : index
      %swap3A_219 = tpu.vector_load %arg9[%swap3A_218] {strides = array<i32>} : memref<16xf32, #tpu.memory_space<vmem>>, vector<16xf32>,
      tpu.vector_store %arg9[%swap3A_218], %add3A_217 {strides = array<i32>} : memref<16xf32, #tpu.memory_space<vmem>>, vector<16xf32>,
      %add3A_220 = arith.constant 1 : i32
      %add3A_221 = vector.broadcast %add3A_220 : i32 to vector<16xi32>
      %add3A_222 = arith.addi %iota3A, %add3A_221 : vector<16xi32>
      %and3A_223 = arith.constant 15 : i32
      %and3A_224 = vector.broadcast %and3A_223 : i32 to vector<16xi32>
      %and3A_225 = arith.andi %add3A_222, %and3A_224 : vector<16xi32>
      %gather3A_226 = tpu.vector_load_idx %arg9[%and3A_225] : memref<16xf32, #tpu.memory_space<vmem>>[vector<16xi32>], vector<16xf32>,
      %add3A_227 = arith.addf %add3A_217, %gather3A_226 : vector<16xf32>
      %add3A_228 = arith.constant 1 : i32
      %add3A_229 = arith.addi %mul3A_135, %add3A_228 : i32
      %eq3A_230 = vector.broadcast %add3A_229 : i32 to vector<16xi32>
      %eq3A_231 = arith.cmpi eq, %iota3A, %eq3A_230 : vector<16xi32>
      %select_n3A_232 = arith.select %eq3A_231, %add3A_227, %select_n3A_187 : vector<16xi1>, vector<16xf32>
      %swap3A_233 = arith.constant 0 : index
      %swap3A_234 = tpu.vector_load %arg9[%swap3A_233] {strides = array<i32>} : memref<16xf32, #tpu.memory_space<vmem>>, vector<16xf32>,
      tpu.vector_store %arg9[%swap3A_233], %scan3A_142#2 {strides = array<i32>} : memref<16xf32, #tpu.memory_space<vmem>>, vector<16xf32>,
      %add3A_235 = arith.constant 8 : i32
      %add3A_236 = vector.broadcast %add3A_235 : i32 to vector<16xi32>
      %add3A_237 = arith.addi %iota3A, %add3A_236 : vector<16xi32>
      %and3A_238 = arith.constant 15 : i32
      %and3A_239 = vector.broadcast %and3A_238 : i32 to vector<16xi32>
      %and3A_240 = arith.andi %add3A_237, %and3A_239 : vector<16xi32>
      %gather3A_241 = tpu.vector_load_idx %arg9[%and3A_240] : memref<16xf32, #tpu.memory_space<vmem>>[vector<16xi32>], vector<16xf32>,
      %add3A_242 = arith.addf %scan3A_142#2, %gather3A_241 : vector<16xf32>
      %swap3A_243 = arith.constant 0 : index
      %swap3A_244 = tpu.vector_load %arg9[%swap3A_243] {strides = array<i32>} : memref<16xf32, #tpu.memory_space<vmem>>, vector<16xf32>,
      tpu.vector_store %arg9[%swap3A_243], %add3A_242 {strides = array<i32>} : memref<16xf32, #tpu.memory_space<vmem>>, vector<16xf32>,
      %add3A_245 = arith.constant 4 : i32
      %add3A_246 = vector.broadcast %add3A_245 : i32 to vector<16xi32>
      %add3A_247 = arith.addi %iota3A, %add3A_246 : vector<16xi32>
      %and3A_248 = arith.constant 15 : i32
      %and3A_249 = vector.broadcast %and3A_248 : i32 to vector<16xi32>
      %and3A_250 = arith.andi %add3A_247, %and3A_249 : vector<16xi32>
      %gather3A_251 = tpu.vector_load_idx %arg9[%and3A_250] : memref<16xf32, #tpu.memory_space<vmem>>[vector<16xi32>], vector<16xf32>,
      %add3A_252 = arith.addf %add3A_242, %gather3A_251 : vector<16xf32>
      %swap3A_253 = arith.constant 0 : index
      %swap3A_254 = tpu.vector_load %arg9[%swap3A_253] {strides = array<i32>} : memref<16xf32, #tpu.memory_space<vmem>>, vector<16xf32>,
      tpu.vector_store %arg9[%swap3A_253], %add3A_252 {strides = array<i32>} : memref<16xf32, #tpu.memory_space<vmem>>, vector<16xf32>,
      %add3A_255 = arith.constant 2 : i32
      %add3A_256 = vector.broadcast %add3A_255 : i32 to vector<16xi32>
      %add3A_257 = arith.addi %iota3A, %add3A_256 : vector<16xi32>
      %and3A_258 = arith.constant 15 : i32
      %and3A_259 = vector.broadcast %and3A_258 : i32 to vector<16xi32>
      %and3A_260 = arith.andi %add3A_257, %and3A_259 : vector<16xi32>
      %gather3A_261 = tpu.vector_load_idx %arg9[%and3A_260] : memref<16xf32, #tpu.memory_space<vmem>>[vector<16xi32>], vector<16xf32>,
      %add3A_262 = arith.addf %add3A_252, %gather3A_261 : vector<16xf32>
      %swap3A_263 = arith.constant 0 : index
      %swap3A_264 = tpu.vector_load %arg9[%swap3A_263] {strides = array<i32>} : memref<16xf32, #tpu.memory_space<vmem>>, vector<16xf32>,
      tpu.vector_store %arg9[%swap3A_263], %add3A_262 {strides = array<i32>} : memref<16xf32, #tpu.memory_space<vmem>>, vector<16xf32>,
      %add3A_265 = arith.constant 1 : i32
      %add3A_266 = vector.broadcast %add3A_265 : i32 to vector<16xi32>
      %add3A_267 = arith.addi %iota3A, %add3A_266 : vector<16xi32>
      %and3A_268 = arith.constant 15 : i32
      %and3A_269 = vector.broadcast %and3A_268 : i32 to vector<16xi32>
      %and3A_270 = arith.andi %add3A_267, %and3A_269 : vector<16xi32>
      %gather3A_271 = tpu.vector_load_idx %arg9[%and3A_270] : memref<16xf32, #tpu.memory_space<vmem>>[vector<16xi32>], vector<16xf32>,
      %add3A_272 = arith.addf %add3A_262, %gather3A_271 : vector<16xf32>
      %add3A_273 = arith.constant 2 : i32
      %add3A_274 = arith.addi %mul3A_135, %add3A_273 : i32
      %eq3A_275 = vector.broadcast %add3A_274 : i32 to vector<16xi32>
      %eq3A_276 = arith.cmpi eq, %iota3A, %eq3A_275 : vector<16xi32>
      %select_n3A_277 = arith.select %eq3A_276, %add3A_272, %select_n3A_232 : vector<16xi1>, vector<16xf32>
      %swap3A_278 = arith.constant 0 : index
      %swap3A_279 = tpu.vector_load %arg9[%swap3A_278] {strides = array<i32>} : memref<16xf32, #tpu.memory_space<vmem>>, vector<16xf32>,
      tpu.vector_store %arg9[%swap3A_278], %scan3A_142#3 {strides = array<i32>} : memref<16xf32, #tpu.memory_space<vmem>>, vector<16xf32>,
      %add3A_280 = arith.constant 8 : i32
      %add3A_281 = vector.broadcast %add3A_280 : i32 to vector<16xi32>
      %add3A_282 = arith.addi %iota3A, %add3A_281 : vector<16xi32>
      %and3A_283 = arith.constant 15 : i32
      %and3A_284 = vector.broadcast %and3A_283 : i32 to vector<16xi32>
      %and3A_285 = arith.andi %add3A_282, %and3A_284 : vector<16xi32>
      %gather3A_286 = tpu.vector_load_idx %arg9[%and3A_285] : memref<16xf32, #tpu.memory_space<vmem>>[vector<16xi32>], vector<16xf32>,
      %add3A_287 = arith.addf %scan3A_142#3, %gather3A_286 : vector<16xf32>
      %swap3A_288 = arith.constant 0 : index
      %swap3A_289 = tpu.vector_load %arg9[%swap3A_288] {strides = array<i32>} : memref<16xf32, #tpu.memory_space<vmem>>, vector<16xf32>,
      tpu.vector_store %arg9[%swap3A_288], %add3A_287 {strides = array<i32>} : memref<16xf32, #tpu.memory_space<vmem>>, vector<16xf32>,
      %add3A_290 = arith.constant 4 : i32
      %add3A_291 = vector.broadcast %add3A_290 : i32 to vector<16xi32>
      %add3A_292 = arith.addi %iota3A, %add3A_291 : vector<16xi32>
      %and3A_293 = arith.constant 15 : i32
      %and3A_294 = vector.broadcast %and3A_293 : i32 to vector<16xi32>
      %and3A_295 = arith.andi %add3A_292, %and3A_294 : vector<16xi32>
      %gather3A_296 = tpu.vector_load_idx %arg9[%and3A_295] : memref<16xf32, #tpu.memory_space<vmem>>[vector<16xi32>], vector<16xf32>,
      %add3A_297 = arith.addf %add3A_287, %gather3A_296 : vector<16xf32>
      %swap3A_298 = arith.constant 0 : index
      %swap3A_299 = tpu.vector_load %arg9[%swap3A_298] {strides = array<i32>} : memref<16xf32, #tpu.memory_space<vmem>>, vector<16xf32>,
      tpu.vector_store %arg9[%swap3A_298], %add3A_297 {strides = array<i32>} : memref<16xf32, #tpu.memory_space<vmem>>, vector<16xf32>,
      %add3A_300 = arith.constant 2 : i32
      %add3A_301 = vector.broadcast %add3A_300 : i32 to vector<16xi32>
      %add3A_302 = arith.addi %iota3A, %add3A_301 : vector<16xi32>
      %and3A_303 = arith.constant 15 : i32
      %and3A_304 = vector.broadcast %and3A_303 : i32 to vector<16xi32>
      %and3A_305 = arith.andi %add3A_302, %and3A_304 : vector<16xi32>
      %gather3A_306 = tpu.vector_load_idx %arg9[%and3A_305] : memref<16xf32, #tpu.memory_space<vmem>>[vector<16xi32>], vector<16xf32>,
      %add3A_307 = arith.addf %add3A_297, %gather3A_306 : vector<16xf32>
      %swap3A_308 = arith.constant 0 : index
      %swap3A_309 = tpu.vector_load %arg9[%swap3A_308] {strides = array<i32>} : memref<16xf32, #tpu.memory_space<vmem>>, vector<16xf32>,
      tpu.vector_store %arg9[%swap3A_308], %add3A_307 {strides = array<i32>} : memref<16xf32, #tpu.memory_space<vmem>>, vector<16xf32>,
      %add3A_310 = arith.constant 1 : i32
      %add3A_311 = vector.broadcast %add3A_310 : i32 to vector<16xi32>
      %add3A_312 = arith.addi %iota3A, %add3A_311 : vector<16xi32>
      %and3A_313 = arith.constant 15 : i32
      %and3A_314 = vector.broadcast %and3A_313 : i32 to vector<16xi32>
      %and3A_315 = arith.andi %add3A_312, %and3A_314 : vector<16xi32>
      %gather3A_316 = tpu.vector_load_idx %arg9[%and3A_315] : memref<16xf32, #tpu.memory_space<vmem>>[vector<16xi32>], vector<16xf32>,
      %add3A_317 = arith.addf %add3A_307, %gather3A_316 : vector<16xf32>
      %add3A_318 = arith.constant 3 : i32
      %add3A_319 = arith.addi %mul3A_135, %add3A_318 : i32
      %eq3A_320 = vector.broadcast %add3A_319 : i32 to vector<16xi32>
      %eq3A_321 = arith.cmpi eq, %iota3A, %eq3A_320 : vector<16xi32>
      %select_n3A_322 = arith.select %eq3A_321, %add3A_317, %select_n3A_277 : vector<16xi1>, vector<16xf32>
      scf.yield %select_n3A_322 : vector<16xf32>
    }
    %scan3A_129 = arith.constant 4 : i32
    %swap3A_130 = arith.constant 48 : index
    %swap3A_131 = tpu.vector_load %arg8[%swap3A_130] {strides = array<i32>} : memref<64xf32, #tpu.memory_space<vmem>>, vector<16xf32>,
    tpu.vector_store %arg8[%swap3A_130], %scan3A_128 {strides = array<i32>} : memref<64xf32, #tpu.memory_space<vmem>>, vector<16xf32>,
    "tpu.region"() ({
      %run_scoped3A = tpu.sem_alloc : memref<!tpu.dma_semaphore, #tpu.memory_space<semaphore_mem>>
      %dma_start3A_132 = tpu.memref_slice %arg4[%add3A_42] : memref<2048xf32, #tpu.memory_space<hbm>> -> memref<64xf32, #tpu.memory_space<hbm>>
      %dma_start3A_133 = tpu.memref_slice %arg4[%add3A_42] : memref<2048xf32, #tpu.memory_space<hbm>> -> memref<64xf32, #tpu.memory_space<hbm>>
      tpu.enqueue_dma source(%arg8 : memref<64xf32, #tpu.memory_space<vmem>>) target(%dma_start3A_133 : memref<64xf32, #tpu.memory_space<hbm>>) target_semaphore(%run_scoped3A : memref<!tpu.dma_semaphore, #tpu.memory_space<semaphore_mem>>)
      %dma_wait3A_134 = tpu.memref_slice %arg4[%add3A_42] : memref<2048xf32, #tpu.memory_space<hbm>> -> memref<64xf32, #tpu.memory_space<hbm>>
      %dma_wait3A_135 = tpu.memref_slice %arg4[%add3A_42] : memref<2048xf32, #tpu.memory_space<hbm>> -> memref<64xf32, #tpu.memory_space<hbm>>
      tpu.wait_dma2 semaphore(%run_scoped3A : memref<!tpu.dma_semaphore, #tpu.memory_space<semaphore_mem>>) src(%arg8 : memref<64xf32, #tpu.memory_space<vmem>>) dst(%dma_wait3A_135 : memref<64xf32, #tpu.memory_space<hbm>>)
      tpu.yield
    }) : () -> ()
    return
  }
}

module attributes {stable_mosaic.version = 14 : i64} {
  func.func @_select_body(%arg0: memref<4x1x3584xf32, #tpu.memory_space<vmem>>, %arg1: memref<4x512xf32, #tpu.memory_space<vmem>>, %arg2: memref<1x1xf32, #tpu.memory_space<vmem>>, %arg3: memref<4x4096xf32, #tpu.memory_space<vmem>>, %arg4: memref<4x4096xf32, #tpu.memory_space<vmem>>, %arg5: memref<4x128xf32, #tpu.memory_space<vmem>>) attributes {dimension_semantics = [], scalar_prefetch = 0 : i64, scratch_operands = 0 : i64, tpu.core_type = #tpu.core_type<tc>} {
    %get3A = arith.constant 0 : index
    %get3A_0 = arith.constant 0 : index
    %get3A_1 = arith.constant 0 : index
    %get3A_2 = vector.load %arg0[%get3A, %get3A_0, %get3A_1] : memref<4x1x3584xf32, #tpu.memory_space<vmem>>, vector<4x1x3584xf32>
    %get3A_3 = vector.shape_cast %get3A_2 : vector<4x1x3584xf32> to vector<4x3584xf32>
    %get3A_4 = arith.constant 0 : index
    %get3A_5 = arith.constant 0 : index
    %get3A_6 = vector.load %arg1[%get3A_4, %get3A_5] : memref<4x512xf32, #tpu.memory_space<vmem>>, vector<4x512xf32>
    %concatenate3A = tpu.concatenate %get3A_3, %get3A_6 in 1 : vector<4x3584xf32>, vector<4x512xf32> -> vector<4x4096xf32>
    %get3A_7 = arith.constant 0 : index
    %get3A_8 = arith.constant 0 : index
    %get3A_9 = vector.load %arg2[%get3A_7, %get3A_8] : memref<1x1xf32, #tpu.memory_space<vmem>>, vector<1x1xf32>
    %get3A_10 = vector.extract %get3A_9[0, 0] : f32 from vector<1x1xf32>
    %add3A = vector.broadcast %get3A_10 : f32 to vector<4x4096xf32>
    %add3A_11 = arith.addf %concatenate3A, %add3A : vector<4x4096xf32>
    %bitcast_convert_type3A = tpu.bitcast %add3A_11 : vector<4x4096xf32> -> vector<4x4096xi32>
    %lt3A = arith.constant 0 : i32
    %lt3A_12 = vector.broadcast %lt3A : i32 to vector<4x4096xi32>
    %lt3A_13 = arith.cmpi slt, %bitcast_convert_type3A, %lt3A_12 : vector<4x4096xi32>
    %xor3A = arith.constant 2147483647 : i32
    %xor3A_14 = vector.broadcast %xor3A : i32 to vector<4x4096xi32>
    %xor3A_15 = arith.xori %bitcast_convert_type3A, %xor3A_14 : vector<4x4096xi32>
    %select_n3A = arith.select %lt3A_13, %xor3A_15, %bitcast_convert_type3A : vector<4x4096xi1>, vector<4x4096xi32>
    %bitcast_convert_type3A_16 = tpu.bitcast %select_n3A : vector<4x4096xi32> -> vector<4x4096xi32>
    %xor3A_17 = arith.constant -2147483648 : i32
    %xor3A_18 = vector.broadcast %xor3A_17 : i32 to vector<4x4096xi32>
    %xor3A_19 = arith.xori %bitcast_convert_type3A_16, %xor3A_18 : vector<4x4096xi32>
    %broadcast_in_dim3A = arith.constant 0 : i32
    %broadcast_in_dim3A_20 = vector.broadcast %broadcast_in_dim3A : i32 to vector<4x1xi32>
    %scan3A = arith.constant 0 : i32
    %scan3A_21 = arith.constant 32 : i32
    %scan3A_22 = arith.addi %scan3A, %scan3A_21 : i32
    %scan3A_23 = arith.constant 1 : i32
    %scan3A_24 = scf.for %scan3A_85 = %scan3A to %scan3A_22 step %scan3A_23 iter_args(%scan3A_86 = %broadcast_in_dim3A_20) -> (vector<4x1xi32>)  : i32 {
      %sub3A_87 = arith.constant 31 : i32
      %sub3A_88 = arith.subi %sub3A_87, %scan3A_85 : i32
      %shift_left3A = arith.constant 1 : i32
      %shift_left3A_89 = arith.shli %shift_left3A, %sub3A_88 : i32
      %or3A_90 = vector.broadcast %shift_left3A_89 : i32 to vector<4x1xi32>
      %or3A_91 = arith.ori %scan3A_86, %or3A_90 : vector<4x1xi32>
      %ge3A = vector.broadcast %or3A_91 : vector<4x1xi32> to vector<4x4096xi32>
      %ge3A_92 = arith.cmpi uge, %xor3A_19, %ge3A : vector<4x4096xi32>
      %convert_element_type3A_93 = arith.extui %ge3A_92 : vector<4x4096xi1> to vector<4x4096xi32>
      %reduce_sum3A_94 = arith.constant dense<0> : vector<4xi32>
      %reduce_sum3A_95 = vector.multi_reduction <add>, %convert_element_type3A_93, %reduce_sum3A_94 [1] : vector<4x4096xi32> to vector<4xi32>
      %broadcast_in_dim3A_96 = vector.shape_cast %reduce_sum3A_95 : vector<4xi32> to vector<4x1xi32>
      %ge3A_97 = arith.constant 2048 : i32
      %ge3A_98 = vector.broadcast %ge3A_97 : i32 to vector<4x1xi32>
      %ge3A_99 = arith.cmpi sge, %broadcast_in_dim3A_96, %ge3A_98 : vector<4x1xi32>
      %select_n3A_100 = arith.select %ge3A_99, %or3A_91, %scan3A_86 : vector<4x1xi1>, vector<4x1xi32>
      scf.yield %select_n3A_100 : vector<4x1xi32>
    }
    %scan3A_25 = arith.constant 32 : i32
    %gt3A = vector.broadcast %scan3A_24 : vector<4x1xi32> to vector<4x4096xi32>
    %gt3A_26 = arith.cmpi ugt, %xor3A_19, %gt3A : vector<4x4096xi32>
    %eq3A = vector.broadcast %scan3A_24 : vector<4x1xi32> to vector<4x4096xi32>
    %eq3A_27 = arith.cmpi eq, %xor3A_19, %eq3A : vector<4x4096xi32>
    %convert_element_type3A = arith.extui %gt3A_26 : vector<4x4096xi1> to vector<4x4096xi32>
    %reduce_sum3A = arith.constant dense<0> : vector<4xi32>
    %reduce_sum3A_28 = vector.multi_reduction <add>, %convert_element_type3A, %reduce_sum3A [1] : vector<4x4096xi32> to vector<4xi32>
    %broadcast_in_dim3A_29 = vector.shape_cast %reduce_sum3A_28 : vector<4xi32> to vector<4x1xi32>
    %sub3A = arith.constant 2048 : i32
    %sub3A_30 = vector.broadcast %sub3A : i32 to vector<4x1xi32>
    %sub3A_31 = arith.subi %sub3A_30, %broadcast_in_dim3A_29 : vector<4x1xi32>
    %iota3A = tpu.iota {dimensions = array<i32: 1>} : vector<4x4096xi32>
    %broadcast_in_dim3A_32 = arith.constant 0 : i32
    %broadcast_in_dim3A_33 = vector.broadcast %broadcast_in_dim3A_32 : i32 to vector<4x1xi32>
    %broadcast_in_dim3A_34 = arith.constant 4096 : i32
    %broadcast_in_dim3A_35 = vector.broadcast %broadcast_in_dim3A_34 : i32 to vector<4x1xi32>
    %scan3A_36 = arith.constant 0 : i32
    %scan3A_37 = arith.constant 13 : i32
    %scan3A_38 = arith.addi %scan3A_36, %scan3A_37 : i32
    %scan3A_39 = arith.constant 1 : i32
    %scan3A_40:2 = scf.for %scan3A_85 = %scan3A_36 to %scan3A_38 step %scan3A_39 iter_args(%scan3A_86 = %broadcast_in_dim3A_33, %scan3A_87 = %broadcast_in_dim3A_35) -> (vector<4x1xi32>, vector<4x1xi32>)  : i32 {
      %add3A_88 = arith.addi %scan3A_86, %scan3A_87 : vector<4x1xi32>
      %jit3A = arith.constant 2 : i32
      %div3A_89 = vector.broadcast %jit3A : i32 to vector<4x1xi32>
      %div3A_90 = arith.divsi %add3A_88, %div3A_89 : vector<4x1xi32>
      %sign3A = arith.constant 0 : i32
      %sign3A_91 = vector.broadcast %sign3A : i32 to vector<4x1xi32>
      %sign3A_92 = arith.cmpi sgt, %add3A_88, %sign3A_91 : vector<4x1xi32>
      %sign3A_93 = arith.extui %sign3A_92 : vector<4x1xi1> to vector<4x1xi32>
      %sign3A_94 = arith.constant 0 : i32
      %sign3A_95 = vector.broadcast %sign3A_94 : i32 to vector<4x1xi32>
      %sign3A_96 = arith.cmpi slt, %add3A_88, %sign3A_95 : vector<4x1xi32>
      %sign3A_97 = arith.extui %sign3A_96 : vector<4x1xi1> to vector<4x1xi32>
      %sign3A_98 = arith.subi %sign3A_93, %sign3A_97 : vector<4x1xi32>
      %sign3A_99 = arith.constant 0 : i32
      %sign3A_100 = arith.cmpi sgt, %jit3A, %sign3A_99 : i32
      %sign3A_101 = arith.extui %sign3A_100 : i1 to i32
      %sign3A_102 = arith.constant 0 : i32
      %sign3A_103 = arith.cmpi slt, %jit3A, %sign3A_102 : i32
      %sign3A_104 = arith.extui %sign3A_103 : i1 to i32
      %sign3A_105 = arith.subi %sign3A_101, %sign3A_104 : i32
      %ne3A = vector.broadcast %sign3A_105 : i32 to vector<4x1xi32>
      %ne3A_106 = arith.cmpi ne, %sign3A_98, %ne3A : vector<4x1xi32>
      %rem3A = vector.broadcast %jit3A : i32 to vector<4x1xi32>
      %rem3A_107 = arith.remsi %add3A_88, %rem3A : vector<4x1xi32>
      %ne3A_108 = arith.constant 0 : i32
      %ne3A_109 = vector.broadcast %ne3A_108 : i32 to vector<4x1xi32>
      %ne3A_110 = arith.cmpi ne, %rem3A_107, %ne3A_109 : vector<4x1xi32>
      %and3A_111 = arith.andi %ne3A_106, %ne3A_110 : vector<4x1xi1>
      %sub3A_112 = arith.constant 1 : i32
      %sub3A_113 = vector.broadcast %sub3A_112 : i32 to vector<4x1xi32>
      %sub3A_114 = arith.subi %div3A_90, %sub3A_113 : vector<4x1xi32>
      %select_n3A_115 = arith.select %and3A_111, %sub3A_114, %div3A_90 : vector<4x1xi1>, vector<4x1xi32>
      %lt3A_116 = vector.broadcast %select_n3A_115 : vector<4x1xi32> to vector<4x4096xi32>
      %lt3A_117 = arith.cmpi slt, %iota3A, %lt3A_116 : vector<4x4096xi32>
      %and3A_118 = arith.andi %eq3A_27, %lt3A_117 : vector<4x4096xi1>
      %convert_element_type3A_119 = arith.extui %and3A_118 : vector<4x4096xi1> to vector<4x4096xi32>
      %reduce_sum3A_120 = arith.constant dense<0> : vector<4xi32>
      %reduce_sum3A_121 = vector.multi_reduction <add>, %convert_element_type3A_119, %reduce_sum3A_120 [1] : vector<4x4096xi32> to vector<4xi32>
      %broadcast_in_dim3A_122 = vector.shape_cast %reduce_sum3A_121 : vector<4xi32> to vector<4x1xi32>
      %ge3A = arith.cmpi sge, %broadcast_in_dim3A_122, %sub3A_31 : vector<4x1xi32>
      %add3A_123 = arith.constant 1 : i32
      %add3A_124 = vector.broadcast %add3A_123 : i32 to vector<4x1xi32>
      %add3A_125 = arith.addi %select_n3A_115, %add3A_124 : vector<4x1xi32>
      %select_n3A_126 = arith.select %ge3A, %scan3A_86, %add3A_125 : vector<4x1xi1>, vector<4x1xi32>
      %select_n3A_127 = arith.select %ge3A, %select_n3A_115, %scan3A_87 : vector<4x1xi1>, vector<4x1xi32>
      scf.yield %select_n3A_126, %select_n3A_127 : vector<4x1xi32>, vector<4x1xi32>
    }
    %lt3A_41 = vector.broadcast %scan3A_40#1 : vector<4x1xi32> to vector<4x4096xi32>
    %lt3A_42 = arith.cmpi slt, %iota3A, %lt3A_41 : vector<4x4096xi32>
    %and3A = arith.andi %eq3A_27, %lt3A_42 : vector<4x4096xi1>
    %or3A = arith.ori %gt3A_26, %and3A : vector<4x4096xi1>
    %convert_element_type3A_43 = arith.extui %or3A : vector<4x4096xi1> to vector<4x4096xi32>
    %convert_element_type3A_44 = arith.sitofp %convert_element_type3A_43 : vector<4x4096xi32> to vector<4x4096xf32>
    %logistic3A = arith.negf %add3A_11 : vector<4x4096xf32>
    %logistic3A_45 = math.exp %logistic3A : vector<4x4096xf32>
    %logistic3A_46 = arith.constant 1.000000e+00 : f32
    %logistic3A_47 = vector.broadcast %logistic3A_46 : f32 to vector<4x4096xf32>
    %logistic3A_48 = arith.addf %logistic3A_47, %logistic3A_45 : vector<4x4096xf32>
    %logistic3A_49 = arith.divf %logistic3A_47, %logistic3A_48 : vector<4x4096xf32>
    %add3A_50 = arith.constant 9.99999971E-10 : f32
    %add3A_51 = vector.broadcast %add3A_50 : f32 to vector<4x4096xf32>
    %add3A_52 = arith.addf %logistic3A_49, %add3A_51 : vector<4x4096xf32>
    %log3A = math.log %add3A_52 : vector<4x4096xf32>
    %mul3A = arith.mulf %convert_element_type3A_44, %log3A : vector<4x4096xf32>
    %sub3A_53 = arith.constant 1.000000e+00 : f32
    %sub3A_54 = vector.broadcast %sub3A_53 : f32 to vector<4x4096xf32>
    %sub3A_55 = arith.subf %sub3A_54, %convert_element_type3A_44 : vector<4x4096xf32>
    %sub3A_56 = arith.constant 1.000000e+00 : f32
    %sub3A_57 = vector.broadcast %sub3A_56 : f32 to vector<4x4096xf32>
    %sub3A_58 = arith.subf %sub3A_57, %logistic3A_49 : vector<4x4096xf32>
    %add3A_59 = arith.constant 9.99999971E-10 : f32
    %add3A_60 = vector.broadcast %add3A_59 : f32 to vector<4x4096xf32>
    %add3A_61 = arith.addf %sub3A_58, %add3A_60 : vector<4x4096xf32>
    %log3A_62 = math.log %add3A_61 : vector<4x4096xf32>
    %mul3A_63 = arith.mulf %sub3A_55, %log3A_62 : vector<4x4096xf32>
    %add3A_64 = arith.addf %mul3A, %mul3A_63 : vector<4x4096xf32>
    %neg3A = arith.constant 0.000000e+00 : f32
    %neg3A_65 = vector.broadcast %neg3A : f32 to vector<4x4096xf32>
    %neg3A_66 = arith.subf %neg3A_65, %add3A_64 : vector<4x4096xf32>
    %reduce_sum3A_67 = arith.constant dense<0.000000e+00> : vector<4xf32>
    %reduce_sum3A_68 = vector.multi_reduction <add>, %neg3A_66, %reduce_sum3A_67 [1] : vector<4x4096xf32> to vector<4xf32>
    %div3A = arith.constant 4.096000e+03 : f32
    %div3A_69 = vector.broadcast %div3A : f32 to vector<4xf32>
    %div3A_70 = arith.divf %reduce_sum3A_68, %div3A_69 : vector<4xf32>
    %mul3A_71 = arith.constant 0.00999999977 : f32
    %mul3A_72 = vector.broadcast %mul3A_71 : f32 to vector<4xf32>
    %mul3A_73 = arith.mulf %mul3A_72, %div3A_70 : vector<4xf32>
    %swap3A = arith.constant 0 : index
    %swap3A_74 = arith.constant 0 : index
    %swap3A_75 = vector.load %arg3[%swap3A, %swap3A_74] : memref<4x4096xf32, #tpu.memory_space<vmem>>, vector<4x4096xf32>
    tpu.vector_store %arg3[%swap3A, %swap3A_74], %logistic3A_49 {strides = array<i32>} : memref<4x4096xf32, #tpu.memory_space<vmem>>, vector<4x4096xf32>,
    %swap3A_76 = arith.constant 0 : index
    %swap3A_77 = arith.constant 0 : index
    %swap3A_78 = vector.load %arg4[%swap3A_76, %swap3A_77] : memref<4x4096xf32, #tpu.memory_space<vmem>>, vector<4x4096xf32>
    tpu.vector_store %arg4[%swap3A_76, %swap3A_77], %convert_element_type3A_44 {strides = array<i32>} : memref<4x4096xf32, #tpu.memory_space<vmem>>, vector<4x4096xf32>,
    %broadcast_in_dim3A_79 = vector.shape_cast %mul3A_73 : vector<4xf32> to vector<4x1xf32>
    %broadcast_in_dim3A_80 = vector.shape_cast %broadcast_in_dim3A_79 : vector<4x1xf32> to vector<4x1xf32>
    %broadcast_in_dim3A_81 = vector.broadcast %broadcast_in_dim3A_80 : vector<4x1xf32> to vector<4x128xf32>
    %swap3A_82 = arith.constant 0 : index
    %swap3A_83 = arith.constant 0 : index
    %swap3A_84 = vector.load %arg5[%swap3A_82, %swap3A_83] : memref<4x128xf32, #tpu.memory_space<vmem>>, vector<4x128xf32>
    tpu.vector_store %arg5[%swap3A_82, %swap3A_83], %broadcast_in_dim3A_81 {strides = array<i32>} : memref<4x128xf32, #tpu.memory_space<vmem>>, vector<4x128xf32>,
    return
  }
}

module attributes {stable_mosaic.version = 14 : i64} {
  func.func @_tc_logits_body(%arg0: i32, %arg1: i32, %arg2: memref<1x1792x2048xf32, #tpu.memory_space<vmem>>, %arg3: memref<1x2048xf32, #tpu.memory_space<vmem>>, %arg4: memref<1x1x1792xf32, #tpu.memory_space<vmem>>) attributes {dimension_semantics = [#tpu.dimension_semantics<arbitrary>, #tpu.dimension_semantics<arbitrary>], iteration_bounds = array<i64: 4, 2>, scalar_prefetch = 0 : i64, scratch_operands = 0 : i64, tpu.core_type = #tpu.core_type<tc>, window_params = [{transform_indices = @transform_0, window_bounds = array<i64: 1, 1792, 2048>}, {pipeline_mode = #tpu.pipeline_mode<synchronous>, transform_indices = @transform_1, window_bounds = array<i64: 1, 2048>}, {transform_indices = @transform_2, window_bounds = array<i64: 1, 1, 1792>}]} {
    %get3A = arith.constant 0 : index
    %get3A_0 = arith.constant 0 : index
    %get3A_1 = arith.constant 0 : index
    %get3A_2 = vector.load %arg2[%get3A, %get3A_0, %get3A_1] : memref<1x1792x2048xf32, #tpu.memory_space<vmem>>, vector<1x1792x2048xf32>
    %get3A_3 = vector.shape_cast %get3A_2 : vector<1x1792x2048xf32> to vector<1792x2048xf32>
    %convert_element_type3A = arith.truncf %get3A_3 : vector<1792x2048xf32> to vector<1792x2048xbf16>
    %convert_element_type3A_4 = arith.extf %convert_element_type3A : vector<1792x2048xbf16> to vector<1792x2048xf32>
    %get3A_5 = arith.constant 0 : index
    %get3A_6 = arith.constant 0 : index
    %get3A_7 = vector.load %arg3[%get3A_5, %get3A_6] : memref<1x2048xf32, #tpu.memory_space<vmem>>, vector<1x2048xf32>
    %convert_element_type3A_8 = arith.truncf %get3A_7 : vector<1x2048xf32> to vector<1x2048xbf16>
    %convert_element_type3A_9 = arith.extf %convert_element_type3A_8 : vector<1x2048xbf16> to vector<1x2048xf32>
    %mul3A = vector.broadcast %convert_element_type3A_9 : vector<1x2048xf32> to vector<1792x2048xf32>
    %mul3A_10 = arith.mulf %convert_element_type3A_4, %mul3A : vector<1792x2048xf32>
    %reduce_sum3A = arith.constant dense<0.000000e+00> : vector<1792xf32>
    %reduce_sum3A_11 = vector.multi_reduction <add>, %mul3A_10, %reduce_sum3A [1] : vector<1792x2048xf32> to vector<1792xf32>
    %swap3A = arith.constant 0 : index
    %swap3A_12 = arith.constant 0 : index
    %swap3A_13 = arith.constant 0 : index
    %swap3A_14 = vector.load %arg4[%swap3A, %swap3A_12, %swap3A_13] : memref<1x1x1792xf32, #tpu.memory_space<vmem>>, vector<1x1x1792xf32>
    %swap3A_15 = vector.shape_cast %swap3A_14 : vector<1x1x1792xf32> to vector<1792xf32>
    %swap3A_16 = vector.shape_cast %reduce_sum3A_11 : vector<1792xf32> to vector<1x1x1792xf32>
    tpu.vector_store %arg4[%swap3A, %swap3A_12, %swap3A_13], %swap3A_16 {strides = array<i32>} : memref<1x1x1792xf32, #tpu.memory_space<vmem>>, vector<1x1x1792xf32>,
    return
  }
  func.func @transform_0(%arg0: i32, %arg1: i32) -> (i32, i32, i32) {
    %c0_i32 = arith.constant 0 : i32
    %c0_i32_0 = arith.constant 0 : i32
    return %arg0, %arg1, %c0_i32 : i32, i32, i32
  }
  func.func @transform_1(%arg0: i32, %arg1: i32) -> (i32, i32) {
    %c0_i32 = arith.constant 0 : i32
    %c0_i32_0 = arith.constant 0 : i32
    %c0_i32_1 = arith.constant 0 : i32
    return %c0_i32, %c0_i32_0 : i32, i32
  }
  func.func @transform_2(%arg0: i32, %arg1: i32) -> (i32, i32, i32) {
    %c0_i32 = arith.constant 0 : i32
    %c0_i32_0 = arith.constant 0 : i32
    return %arg0, %c0_i32, %arg1 : i32, i32, i32
  }
}

</mosaic_0001>

<sc_bundles>
// kernel: kernel.5.cloned.1.call-start
scs
__scs_entry_jumppad:
0x0: {  	(pc) =	sbr.rel $0x88, $3  }
0x1: {  	(tag) =	ssettag $0x0;
	lr =	simm.s32 $0x1  }
0x2: {  	[smem:$0x3F9E] =	sst lr;
	_ =	strace $0xD0000000  }
0x3: {  	_ = 	snop  }
0x4: {  	_ = 	snop  }
0x5: {  	_ = 	snop  }
0x6: {  	_ = 	snop  }
0x7: {  	_ = 	snop  }
__scs_overlays_trampoline_lowered:
0x8: {  	[smem:$0x3FAD] =	sst s0  }
0x9: {  	[smem:$0x3FAE] =	sst s1  }
0xa: {  	[smem:$0x3FAF] =	sst s2  }
0xb: {  	[smem:$0x3FB0] =	sst s3  }
0xc: {  	[smem:$0x3FB1] =	sst s4  }
0xd: {  	[smem:$0x3FB2] =	sst s5  }
0xe: {  	[smem:$0x3FB3] =	sst s6  }
0xf: {  	[smem:$0x3FB4] =	sst s7  }
0x10: {  	[smem:$0x3FB5] =	sst s8  }
0x11: {  	[smem:$0x3FB6] =	sst s9;
	s0 =	simm.s32 @!p0 $0x0  }
0x12: {  	s1 =	sld [smem:$0x3F9C];
	s0 =	simm.s32 @p0 $0x1  }
0x13: {  	[smem:$0x3FB7] =	sst s0;
	s0 =	simm.s32 @!p1 $0x0  }
0x14: {  	s2 =	sld [smem:$0x3F9B];
	s0 =	simm.s32 @p1 $0x1  }
0x15: {  	[smem:$0x3FB8] =	sst s0;
	s0 =	simm.s32 @!p2 $0x0  }
0x16: {  	s3 =	sld [smem:$0x3FDB];
	s0 =	simm.s32 @p2 $0x1  }
0x17: {  	s4 =	simm.s32 $0x1BF5;
	[smem:$0x3FBA] =	sst s0  }
0x18: {  	s0 =	sld [smem:$0x3F9D];
	_ =	swait.ge [sflag:s4], $0x0  }
0x19: {  	s7 =	sld [smem:$0x3F9E]  }
0x1a: {  	s8 =	sadd.s32 $0xFFFFE003, lr  }
0x1b: {  	s9 =	sadd.s32 $0xFFFFFEF7, lr;
	s5 =	simm.s32 $0xFFFFFFFF;
	p2 =	slt.u32 s8, $0xFFFFF086  }
0x1c: {  	p1 =	slt.u32 s9, $0xF7A;
	s5 =	simm.s32 @!p2 $0x0  }
0x1d: {  	s5 =	simm.s32 @p1 $0x1;
	p0 =	seq.s32 s7, s2  }
0x1e: {  	s7 =	smul.u32 @!p0 $0xF7A, s2;
	p2 =	seq.s32 @!p0 s5, $0x0  }
0x1f: {  	s9 =	smul.u32 $0xF7A, s1;
	s8 =	simm.s32 @!p0 $0x1BF5;
	p2 =	por !p2, p0  }
0x20: {  	[sflag:s8] =	ssyncset.s32 @!p0 $0xFFFFF086;
	s6 =	sadd.s32 @!p0 s3, s7;
	s7 =	simm.s32 @!p0 $0x108  }
0x21: {  	s3 =	sadd.s32 s3, s9;
	s6 =	sadd.s32 @!p0 $0x88, s6;
	s7 =	simm.s32 @p2 $0x1082  }
0x22: {  	[simem:s7], [sflag:s8] =	dma.local @!p0 [hbm:s6], $0xF7A  }
0x23: {  	s9 =	sor.u32 $0xD0000000, s2;
	s6 =	simm.s32 $0x108;
	_ =	swait.ge @!p0 [sflag:s8], $0x0  }
0x24: {  	s3 =	sadd.s32 $0x88, s3;
	s6 =	simm.s32 @!p1 $0x1082;
	[sflag:s4] =	ssyncset.s32 $0xFFFFF086  }
0x25: {  	[simem:s6], [sflag:s4] =	dma.local [hbm:s3], $0xF7A  }
0x26: {  	[smem:$0x3F9E] =	sst s1;
	(tag) =	ssettag s2;
	_ =	strace s9  }
0x27: {  	s1 =	sld [smem:$0x3FAE]  }
0x28: {  	s2 =	sld [smem:$0x3FAF]  }
0x29: {  	s4 =	sld [smem:$0x3FB1]  }
0x2a: {  	p0 =	seq.s32 s5, $0x0;
	s5 =	sld [smem:$0x3FB2]  }
0x2b: {  	s6 =	sld [smem:$0x3FB3]  }
0x2c: {  	s7 =	sld [smem:$0x3FB4]  }
0x2d: {  	s3 =	simm.s32 $0x108;
	s8 =	sld [smem:$0x3FB5]  }
0x2e: {  	s3 =	simm.s32 @!p0 $0x1082;
	s9 =	sld [smem:$0x3FB6]  }
0x2f: {  	lr =	sadd.s32 s0, s3;
	s0 =	sld [smem:$0x3FAD]  }
0x30: {  	s3 =	sld [smem:$0x3FB0]  }
0x31: {  	[smem:$0x3FB9] =	sst s10  }
0x32: {  	s10 =	sld [smem:$0x3FB7];
	_ =	sdelay $0x3  }
0x33: {  	p0 =	seq.s32 s10, $0x1;
	s10 =	sld [smem:$0x3FB9];
	_ =	sdelay $0x3  }
0x34: {  	[smem:$0x3FB9] =	sst s10  }
0x35: {  	s10 =	sld [smem:$0x3FB8];
	_ =	sdelay $0x3  }
0x36: {  	p1 =	seq.s32 s10, $0x1;
	s10 =	sld [smem:$0x3FB9];
	_ =	sdelay $0x3  }
0x37: {  	[smem:$0x3FB9] =	sst s10  }
0x38: {  	s10 =	sld [smem:$0x3FBA]  }
0x39: {  	_ = 	snop;
	(pc) =	sbr.ind lr, $3  }
0x3a: {  	_ = 	snop  }
0x3b: {  	_ = 	snop  }
0x3c: {  	p2 =	seq.s32 s10, $0x1;
	s10 =	sld [smem:$0x3FB9]  }
0x3d: {  	_ =	shalt  }
0x3e: {  	_ =	shalt  }
0x3f: {  	_ =	shalt  }
0x40: {  	_ =	shalt  }
0x41: {  	_ =	shalt  }
0x42: {  	_ =	shalt  }
0x43: {  	_ =	shalt  }
0x44: {  	_ =	shalt  }
0x45: {  	_ =	shalt  }
0x46: {  	_ =	shalt  }
0x47: {  	_ =	shalt  }
0x48: {  	_ =	shalt  }
0x49: {  	_ =	shalt  }
0x4a: {  	_ =	shalt  }
0x4b: {  	_ =	shalt  }
0x4c: {  	_ =	shalt  }
0x4d: {  	_ =	shalt  }
0x4e: {  	_ =	shalt  }
0x4f: {  	_ =	shalt  }
0x50: {  	_ =	shalt  }
0x51: {  	_ =	shalt  }
0x52: {  	_ =	shalt  }
0x53: {  	_ =	shalt  }
0x54: {  	_ =	shalt  }
0x55: {  	_ =	shalt  }
0x56: {  	_ =	shalt  }
0x57: {  	_ =	shalt  }
0x58: {  	_ =	shalt  }
0x59: {  	_ =	shalt  }
0x5a: {  	_ =	shalt  }
0x5b: {  	_ =	shalt  }
0x5c: {  	_ =	shalt  }
0x5d: {  	_ =	shalt  }
0x5e: {  	_ =	shalt  }
0x5f: {  	_ =	shalt  }
0x60: {  	_ =	shalt  }
0x61: {  	_ =	shalt  }
0x62: {  	_ =	shalt  }
0x63: {  	_ =	shalt  }
0x64: {  	_ =	shalt  }
0x65: {  	_ =	shalt  }
0x66: {  	_ =	shalt  }
0x67: {  	_ =	shalt  }
0x68: {  	_ =	shalt  }
0x69: {  	_ =	shalt  }
0x6a: {  	_ =	shalt  }
0x6b: {  	_ =	shalt  }
0x6c: {  	_ =	shalt  }
0x6d: {  	_ =	shalt  }
0x6e: {  	_ =	shalt  }
0x6f: {  	_ =	shalt  }
0x70: {  	_ =	shalt  }
0x71: {  	_ =	shalt  }
0x72: {  	_ =	shalt  }
0x73: {  	_ =	shalt  }
0x74: {  	_ =	shalt  }
0x75: {  	_ =	shalt  }
0x76: {  	_ =	shalt  }
0x77: {  	_ =	shalt  }
0x78: {  	_ =	shalt  }
0x79: {  	_ =	shalt  }
0x7a: {  	_ =	shalt  }
0x7b: {  	_ =	shalt  }
0x7c: {  	_ =	shalt  }
0x7d: {  	_ =	shalt  }
0x7e: {  	_ =	shalt  }
0x7f: {  	_ =	shalt  }
0x80: {  	_ =	shalt  }
0x81: {  	_ =	shalt  }
0x82: {  	_ =	shalt  }
0x83: {  	_ =	shalt  }
0x84: {  	_ =	shalt  }
0x85: {  	_ =	shalt  }
0x86: {  	_ =	shalt  }
0x87: {  	_ =	shalt  }
.Lfunc_end0:
.L_simem_size_0:
called_computation_lowered:
.L_overlay_start_0:
0x88: {  	s2 =	sld [smem:$0x3FD9]  }
0x89: {  	s3 =	sld [smem:$0x3FFE];
	_ =	sdelay $0x1  }
0x8a: {  	s1 =	srdreg.scid  }
0x8b: {  	s0 =	sand.u32 $0x1, s1  }
0x8c: {  	s15 =	sshll.u32 s0, $0xA;
	s2 =	sadd.s32 s3, s2  }
0x8d: {  	s2 =	sadd.s32 s2, s15  }
0x8e: {  	[smem:$0x3FC5] =	sst s2  }
0x8f: {  	_ = 	snop  }
0x90: {  	s2 =	sld [smem:$0x3FD0];
	_ =	sdelay $0x1  }
0x91: {  	s16 =	sld [smem:$0x3FC9]  }
0x92: {  	s5 =	simm.s32 $0xA;
	s6 =	simm.s32 $0x10;
	s4 =	sld [smem:$0x3FC8]  }
0x93: {  	[smem:s6], [sflag:s5] =	dma.local [hbm:s2], $0x1  }
0x94: {  	_ =	swait.eq [sflag:s5], $0x1  }
0x95: {  	[sflag:s5] =	ssyncset.done $0x0  }
0x96: {  	[sflag:s5] =	ssyncadd.s32 $0xFFFFFFFF  }
0x97: {  	s17 =	sld [smem:$0x11];
	(tm) =	ssettm $0x1  }
0x98: {  	s18 =	sld [smem:$0x3FFB];
	_ =	sdelay $0x3  }
0x99: {  	_ =	strace s18  }
0x9a: {  	s5 =	sld [smem:$0x3FFC];
	_ =	sdelay $0x3  }
0x9b: {  	_ =	strace s5  }
0x9c: {  	s5 =	sld [smem:$0x3FFD];
	_ =	sdelay $0x3  }
0x9d: {  	_ =	strace s5  }
0x9e: {  	_ =	strace $0x8FFFFFFF  }
0x9f: {  	s19 =	sld [smem:$0x3FDB];
	_ =	sdelay $0x1  }
0xa0: {  	s20 =	simm.s32 $_scs_section_size  }
0xa1: {  	s7 =	simm.s32 $_size__tile_overlayer_lowered;
	s8 =	simm.s32 $_tile_overlayer_lowered  }
0xa2: {  	s23 =	simm.s32 $0x1BFF;
	s22 =	sshll.u32 s8, $0x1;
	s5 =	sadd.s32 s20, s19  }
0xa3: {  	s9 =	simm.s32 $0x0;
	s21 =	sshll.u32 s7, $0x1;
	s7 =	sadd.s32 s22, s5  }
0xa4: {  	[timem:s9], [sflag:s23] =	dma.local [hbm:s7], s21  }
0xa5: {  	_ =	swait.ge [sflag:s23], s21  }
0xa6: {  	s6 =	ssub.s32 $0x0, s21;
	[sflag:s23] =	ssyncset.done $0x0  }
0xa7: {  	[sflag:s23] =	ssyncadd.s32 s6;
	_ =	sdelay $0x1  }
0xa8: {  	s24 =	simm.s32 $0x1B8B  }
0xa9: {  	_ =	swait.ge [sflag:s24], $0x1  }
0xaa: {  	[sflag:s24] =	ssyncset.done $0x0  }
0xab: {  	s25 =	simm.s32 $0x1B8E;
	[sflag:s24] =	ssyncadd.s32 $0xFFFFFFFF  }
0xac: {  	s26 =	simm.s32 $execute0_lowered;
	[smem:$0x3FD2] =	sst s25  }
0xad: {  	s6 =	sshll.u32 s26, $0x1;
	_ =	strace $0x80000046;
	[dreg:$0x1] =	wrdreg $0xFFFFFFFF  }
0xae: {  	s28 =	simm.s32 $_size_execute0_lowered;
	s5 =	sadd.s32 s5, s6;
	[dreg:$0x0] =	wrdreg $0x0  }
0xaf: {  	s6 =	sshll.u32 s28, $0x1;
	[dreg:$0x2] =	wrdreg s5  }
0xb0: {  	[dreg:$0x3] =	wrdreg s6  }
0xb1: {  	[dreg:$0x4] =	wrdreg $0xC0  }
0xb2: {  	_ =	task [dreg:s9], $0x5FFFF  }
0xb3: {  	[dreg:$0x1] =	wrdreg $0xFFFFFFFF  }
0xb4: {  	[dreg:$0x0] =	wrdreg $0x60  }
0xb5: {  	[dreg:$0x2] =	wrdreg s16  }
0xb6: {  	[dreg:$0x3] =	wrdreg s4  }
0xb7: {  	[dreg:$0x4] =	wrdreg s17  }
0xb8: {  	[dreg:$0x5] =	wrdreg $0x9  }
0xb9: {  	_ =	task.clear_ibuf [dreg:s9], $0x6FFFF;
	_ =	strace $0x90000046  }
0xba: {  	s29 =	simm.s32 $0x9;
	_ =	strace $0x80000048  }
0xbb: {  	_ =	swait.ge [sflag:s29], $0x1  }
0xbc: {  	[sflag:s29] =	ssyncadd.s32 $0xFFFFFFFF  }
0xbd: {  	_ =	strace $0x90000048  }
0xbe: {  	_ =	sfence  }
0xbf: {  	s30 =	sld [smem:$0x0];
	_ =	sdelay $0x2  }
0xc0: {  	s31 =	sshll.u32 s1, $0xD;
	s1 =	sshrl.u32 s1, $0x2  }
0xc1: {  	s3 =	sand.u32 $0x4000, s31;
	s1 =	sadd.s32 s1, s30  }
0xc2: {  	s0 =	sor.u32 s3, s0;
	s1 =	sshll.u32 s1, $0x11  }
0xc3: {  	s0 =	sor.u32 s1, s0  }
0xc4: {  	s0 =	sadd.s32 $0x8F2B, s0  }
0xc5: {  	[sflag:s0] =	ssyncadd.remote.s32 $0x1  }
0xc6: {  	_ =	sfence.sel $0xFFFF  }
0xc7: {  	[dreg:$0x0] =	wrdreg $0xFFFFFFFF;
	(pc) =	sbr.abs _section_cstart, $3  }
0xc8: {  	[dreg:$0x1] =	wrdreg $0xFFFFFFFF  }
0xc9: {  	_ =	task.clear_ibuf [dreg:s9], $0x2FFFF;
	_ =	strace $0x9FFFFFFF  }
0xca: {  	(tm) =	ssettm $0x7FFFFFFF  }
0xcb: {  	_ =	shalt  }
tec
execute0_lowered:
.L_overlay_start_1:
0x0: {  	(tag) =	ssettag $0x1  }
0x1: {  	s4 =	rddreg [dreg:$0x0];
	v0 =	vimm.s32 $0xFEDCBA98  }
0x2: {  	s1 =	rddreg [dreg:$0x1];
	s0 =	stileid.u32;
	s2 =	simm.s32 $0x0;
	v1 =	vimm.s32 $0x76543210;
	v2 =	vimm.s32 $0x3210FEDC;
	v3 =	vimm.s32 $0xBA987654  }
0x3: {  	s3 =	srdreg.scid;
	s6 =	rddreg [dreg:$0x2];
	v4 =	vimm.s32 $0x10FEDCBA;
	v5 =	vimm.s32 $0x98765432;
	s12 =	simm.s32 $0x8000  }
0x4: {  	v6 =	vimm.s32 $0xFEDCBA9;
	v7 =	vimm.s32 $0x87654321;
	s13 =	simm.s32 $0x1;
	s14 =	simm.s32 $0x10880;
	s15 =	simm.s32 $0x2  }
0x5: {  	s16 =	simm.s32 $0x10800;
	s17 =	simm.s32 $0x0;
	v0 =	vunpack.c.l.s4.s8 v0;
	s5 =	sshll.u32 s0, $0x1;
	v1 =	vunpack.c.l.s4.s8 v1;
	v2 =	vunpack.c.l.s4.s8 v2  }
0x6: {  	[smem:$0x7FF] =	sst s2;
	s3 =	sand.u32 $0x1, s3;
	s7 =	sshrl.u32 s0, $0x2;
	v3 =	vunpack.c.l.s4.s8 v3;
	v4 =	vunpack.c.l.s4.s8 v4;
	v5 =	vunpack.c.l.s4.s8 v5  }
0x7: {  	v6 =	vunpack.c.l.s4.s8 v6;
	v7 =	vunpack.c.l.s4.s8 v7;
	s5 =	sand.u32 $0x6, s5;
	s8 =	ssub.s32 $0x2, s3;
	s9 =	sshll.u32 s7, $0x14;
	v0 =	vunpack.c.0.s8.s32 v0  }
0x8: {  	_ =	strace $0x80000047;
	s7 =	sshll.u32 s7, $0x6;
	s5 =	sor.u32 s3, s5;
	v2 =	vunpack.c.0.s8.s32 v2;
	v3 =	vunpack.c.0.s8.s32 v3;
	v4 =	vunpack.c.0.s8.s32 v4  }
0x9: {  	s11 =	sshrl.u32 s8, $0x1;
	s31 =	sadd.s32 s6, s7;
	v5 =	vunpack.c.0.s8.s32 v5;
	v6 =	vunpack.c.0.s8.s32 v6;
	v7 =	vunpack.c.0.s8.s32 v7;
	s10 =	sshll.u32 s5, $0xE  }
0xa: {  	v1 =	vunpack.c.0.s8.s32 v1;
	s11 =	ssub.s32 s8, s11;
	s30 =	sshll.u32 s5, $0x3;
	s29 =	sor.u32 s9, s10;
	v2 =	vcombine.low v3, v2  }
0xb: {  	v3 =	vcombine.low v5, v4;
	v4 =	vcombine.low v7, v6;
	s9 =	smax.u32 s11, $0x1;
	s10 =	simm.s32 $0x10000;
	v0 =	vand.u32 $0xF, v0;
	s8 =	sadd.s32 s29, s4  }
0xc: {  	s11 =	simm.s32 $0x3;
	v0 =	vcombine.low v0, v1;
	s4 =	sadd.s32 $0xE0000, s8;
	s5 =	sadd.s32 $0xE1000, s8;
	v1 =	vand.u32 $0xF, v2  }
0xd: {  	s6 =	sadd.s32 $0xE2000, s8;
	s7 =	sadd.s32 $0xE3000, s8;
	s8 =	sadd.s32 s30, s31;
	v2 =	vand.u32 $0xF, v3;
	v3 =	vand.u32 $0xF, v4;
	v4 =	vlaneseq.u32  }
.LBB2_1:
0xe: {  	[tilespmem:s10], [sflag:$0x3] =	stream.linear.gather [hbm4b:s1+s2], $0x800, $0x38;
	[tilespmem:$0x10900] =	vst v63  }
0xf: {  	_ =	swait.ge [sflag:s11], $0x800  }
0x10: {  	[sflag:s11] =	ssyncset.done $0x0  }
0x11: {  	s18 =	simm.s32 $0x0;
	s19 =	simm.s32 $0x40;
	[sflag:s11] =	ssyncadd.s32 $0xFFFFF800  }
.LBB2_2:
0x12: {  	p0 =	sne.s32 s19, $0x1FC0;
	v5 =	vld [tilespmem:s18+$0x10000];
	_ =	sdelay $0x4  }
0x13: {  	v6 =	vshrl.u32 v5, $0x10  }
.Ltmp0:
0x14: {  	v6 =	vand.u32 $0x1, v6;
	(pc) =	sbr.rel @p0 .LBB2_2-.Ltmp0, $4  }
0x15: {  	v5 =	vadd.s32 v6, v5  }
0x16: {  	v5 =	vadd.s32 $0x7FFF, v5  }
0x17: {  	v5 =	vand.u32 $0xFFFF0000, v5  }
0x18: {  	[tilespmem:s18+$0x10000] =	vst v5;
	s18 =	sshra.s32 s19, $0x2;
	s19 =	sadd.s32 $0x40, s19  }
0x19: {  	v5 =	vld [tilespmem:s18+$0x10000];
	_ =	sdelay $0x4  }
0x1a: {  	v6 =	vshrl.u32 v5, $0x10  }
0x1b: {  	v6 =	vand.u32 $0x1, v6  }
0x1c: {  	v5 =	vadd.s32 v6, v5  }
0x1d: {  	v5 =	vadd.s32 $0x7FFF, v5  }
0x1e: {  	v5 =	vand.u32 $0xFFFF0000, v5  }
0x1f: {  	[tilespmem:s18+$0x10000] =	vst v5;
	s18 =	simm.s32 $0x0  }
0x20: {  	[tilespmem:s18], [sflag:$0x1] =	stream.linear.gather [hbm4b:s4+s18], $0x8000, $0x38;
	[tilespmem:$0x10900] =	vst v63  }
0x21: {  	_ = 	snop  }
0x22: {  	[tilespmem:s12], [sflag:$0x2] =	stream.linear.gather [hbm4b:s5+s18], $0x8000, $0x38;
	[tilespmem:$0x10900] =	vst v63  }
0x23: {  	_ =	swait.ge [sflag:s13], $0x8000  }
0x24: {  	[sflag:s13] =	ssyncset.done $0x0  }
0x25: {  	s19 =	simm.s32 $0x0;
	v6 =	vimm.f32 $0.0e+00;
	v5 =	vimm.f32 $0.0e+00;
	[sflag:s13] =	ssyncadd.s32 $0xFFFF8000  }
.LBB2_4:
0x26: {  	s20 =	sshll.u32 s19, $0xD;
	s21 =	sshll.u32 s19, $0x9  }
0x27: {  	s20 =	sand.u32 $0x4000, s20;
	s21 =	sand.u32 $0x200, s21  }
0x28: {  	s20 =	sor.u32 s21, s20  }
0x29: {  	[dreg:$0x4] =	wrdreg s20  }
0x2a: {  	s23 =	sand.u32 $0x40, s18;
	s28 =	sand.u32 $0x3C00, s18;
	s20 =	rddreg [dreg:$0x4]  }
0x2b: {  	s22 =	sor.u32 $0x30, s23;
	s24 =	sadd.s32 s28, s20  }
0x2c: {  	s21 =	sor.u32 $0x20, s23;
	s25 =	sadd.s32 s22, s24  }
0x2d: {  	s20 =	sor.u32 $0x10, s23;
	s26 =	sadd.s32 s21, s24;
	v7 =	vld [tilespmem:s25+$0x0]  }
0x2e: {  	s29 =	sadd.s32 s20, s24;
	v8 =	vld [tilespmem:s26+$0x0]  }
0x2f: {  	s30 =	sadd.s32 s23, s24;
	s28 =	sadd.s32 $0x80, s24;
	v9 =	vld [tilespmem:s29+$0x0]  }
0x30: {  	v10 =	vld [tilespmem:s30+$0x0];
	s31 =	sadd.s32 s22, s28  }
0x31: {  	s25 =	sadd.s32 $0x100, s24;
	s29 =	sadd.s32 s21, s28;
	v11 =	vld [tilespmem:s31+$0x0]  }
0x32: {  	s24 =	sadd.s32 $0x180, s24;
	s0 =	sadd.s32 s22, s25;
	v14 =	vld [tilespmem:s29+$0x0]  }
0x33: {  	s3 =	sadd.s32 s22, s24;
	v12 =	vld [tilespmem:s0+$0x0]  }
0x34: {  	s29 =	sadd.s32 s21, s25;
	v13 =	vld [tilespmem:s3+$0x0]  }
0x35: {  	s30 =	sadd.s32 s21, s24;
	v15 =	vld [tilespmem:s29+$0x0]  }
0x36: {  	s31 =	sadd.s32 s20, s28;
	v16 =	vld [tilespmem:s30+$0x0]  }
0x37: {  	s28 =	sadd.s32 s23, s28;
	v17 =	vld [tilespmem:s31+$0x0]  }
0x38: {  	s0 =	sadd.s32 s20, s25;
	v20 =	vld [tilespmem:s28+$0x0];
	v22 =	vshrl.u32 v9, $0x10  }
0x39: {  	s3 =	sadd.s32 s20, s24;
	v18 =	vld [tilespmem:s0+$0x0];
	v23 =	vshrl.u32 v8, $0x10;
	v24 =	vshrl.u32 v7, $0x10;
	v25 =	vshrl.u32 v10, $0x10  }
0x3a: {  	s25 =	sadd.s32 s23, s25;
	v19 =	vld [tilespmem:s3+$0x0];
	v24 =	vand.u32 $0x1, v24;
	v27 =	vshrl.u32 v11, $0x10;
	v23 =	vand.u32 $0x1, v23  }
0x3b: {  	s23 =	sadd.s32 s23, s24;
	v21 =	vld [tilespmem:s25+$0x0];
	v30 =	vshrl.u32 v14, $0x10;
	v22 =	vand.u32 $0x1, v22;
	v25 =	vand.u32 $0x1, v25  }
0x3c: {  	v26 =	vld [tilespmem:s23+$0x0];
	v28 =	vshrl.u32 v12, $0x10;
	v29 =	vshrl.u32 v13, $0x10;
	v31 =	vshrl.u32 v15, $0x10  }
0x3d: {  	v32 =	vshrl.u32 v16, $0x10;
	v33 =	vshrl.u32 v17, $0x10;
	v35 =	vshrl.u32 v20, $0x10  }
0x3e: {  	v7 =	vadd.s32 v24, v7;
	v24 =	vand.u32 $0x1, v27;
	v8 =	vadd.s32 v23, v8  }
0x3f: {  	v23 =	vand.u32 $0x1, v30;
	v9 =	vadd.s32 v22, v9;
	v10 =	vadd.s32 v25, v10  }
0x40: {  	v34 =	vshrl.u32 v18, $0x10;
	v36 =	vshrl.u32 v19, $0x10;
	v37 =	vshrl.u32 v21, $0x10  }
0x41: {  	v38 =	vshrl.u32 v26, $0x10;
	v27 =	vand.u32 $0x1, v28;
	v28 =	vand.u32 $0x1, v29  }
0x42: {  	v29 =	vand.u32 $0x1, v31;
	v22 =	vand.u32 $0x1, v33;
	v30 =	vand.u32 $0x1, v32  }
0x43: {  	v55 =	vand.u32 $0x1, v35;
	v7 =	vadd.s32 $0x7FFF, v7;
	v11 =	vadd.s32 v24, v11  }
0x44: {  	v8 =	vadd.s32 $0x7FFF, v8;
	v14 =	vadd.s32 v23, v14;
	v9 =	vadd.s32 $0x7FFF, v9  }
0x45: {  	v10 =	vadd.s32 $0x7FFF, v10;
	v25 =	vand.u32 $0x1, v34;
	v31 =	vand.u32 $0x1, v36  }
0x46: {  	v56 =	vand.u32 $0x1, v37;
	v57 =	vand.u32 $0x1, v38;
	v12 =	vadd.s32 v27, v12  }
0x47: {  	v13 =	vadd.s32 v28, v13;
	v15 =	vadd.s32 v29, v15;
	v16 =	vadd.s32 v30, v16  }
0x48: {  	v17 =	vadd.s32 v22, v17;
	v20 =	vadd.s32 v55, v20;
	v7 =	vand.u32 $0xFFFF0000, v7  }
0x49: {  	s26 =	sand.u32 $0x780, s18;
	v11 =	vadd.s32 $0x7FFF, v11;
	v8 =	vand.u32 $0xFFFF0000, v8;
	v14 =	vadd.s32 $0x7FFF, v14  }
0x4a: {  	s23 =	sor.u32 $0x10000, s26;
	v9 =	vand.u32 $0xFFFF0000, v9;
	v10 =	vand.u32 $0xFFFF0000, v10;
	v18 =	vadd.s32 v25, v18  }
0x4b: {  	s22 =	sor.u32 s22, s23;
	v19 =	vadd.s32 v31, v19;
	v21 =	vadd.s32 v56, v21;
	v22 =	vadd.s32 v57, v26  }
0x4c: {  	s28 =	rddreg [dreg:$0x4];
	s21 =	sor.u32 s21, s23;
	v23 =	vld [tilespmem:s22+$0x0];
	v12 =	vadd.s32 $0x7FFF, v12;
	v13 =	vadd.s32 $0x7FFF, v13;
	v15 =	vadd.s32 $0x7FFF, v15  }
0x4d: {  	s29 =	sor.u32 s20, s23;
	v24 =	vld [tilespmem:s21+$0x0];
	s21 =	simm.s32 $0x40;
	s22 =	simm.s32 $0x200;
	v16 =	vadd.s32 $0x7FFF, v16;
	v17 =	vadd.s32 $0x7FFF, v17;
	v20 =	vadd.s32 $0x7FFF, v20  }
0x4e: {  	s20 =	simm.s32 $0x10000;
	s26 =	sand.u32 $0x40, s21;
	s30 =	sand.u32 $0x3C00, s22;
	v25 =	vld [tilespmem:s29+$0x0];
	v11 =	vand.u32 $0xFFFF0000, v11;
	v14 =	vand.u32 $0xFFFF0000, v14;
	v18 =	vadd.s32 $0x7FFF, v18  }
0x4f: {  	v26 =	vld [tilespmem:s20+$0x0];
	s28 =	sadd.s32 s30, s28;
	s23 =	sor.u32 $0x30, s26;
	v19 =	vadd.s32 $0x7FFF, v19;
	v21 =	vadd.s32 $0x7FFF, v21;
	v22 =	vadd.s32 $0x7FFF, v22  }
0x50: {  	s25 =	sor.u32 $0x10, s26;
	s31 =	sadd.s32 s23, s28;
	v12 =	vand.u32 $0xFFFF0000, v12;
	v13 =	vand.u32 $0xFFFF0000, v13;
	v15 =	vand.u32 $0xFFFF0000, v15  }
0x51: {  	s0 =	sadd.s32 s25, s28;
	v17 =	vand.u32 $0xFFFF0000, v17;
	v16 =	vand.u32 $0xFFFF0000, v16;
	v20 =	vand.u32 $0xFFFF0000, v20;
	v27 =	vld [tilespmem:s31+$0x0]  }
0x52: {  	s3 =	sadd.s32 s26, s28;
	s29 =	sadd.s32 $0x100, s28;
	v29 =	vld [tilespmem:s0+$0x0];
	v18 =	vand.u32 $0xFFFF0000, v18;
	v7 =	vmul.f32 v7, v23;
	v8 =	vmul.f32 v8, v24  }
0x53: {  	s24 =	sor.u32 $0x20, s26;
	s31 =	sadd.s32 $0x80, s28;
	v30 =	vld [tilespmem:s3+$0x0];
	v21 =	vand.u32 $0xFFFF0000, v21;
	s3 =	sadd.s32 s23, s29;
	v14 =	vmul.f32 v14, v24;
	v31 =	vmul.f32 v11, v23  }
0x54: {  	v19 =	vand.u32 $0xFFFF0000, v19;
	v59 =	vld [tilespmem:s3+$0x0];
	s3 =	sadd.s32 s24, s31;
	v9 =	vmul.f32 v9, v25;
	v10 =	vmul.f32 v10, v26  }
0x55: {  	s30 =	sadd.s32 s24, s28;
	s28 =	sadd.s32 $0x180, s28;
	s0 =	sadd.s32 s23, s31;
	v61 =	vld [tilespmem:s3+$0x0];
	v11 =	vmul.f32 v20, v26;
	v20 =	vand.u32 $0xFFFF0000, v22;
	v21 =	vmul.f32 v21, v26  }
0x56: {  	v58 =	vld [tilespmem:s0+$0x0];
	s0 =	sadd.s32 s23, s28;
	v17 =	vmul.f32 v17, v25;
	v20 =	vmul.f32 v20, v26;
	v10 =	vadd.f32 v10, v5  }
0x57: {  	v60 =	vld [tilespmem:s0+$0x0];
	v18 =	vmul.f32 v18, v25;
	v22 =	vadd.f32 v11, v5;
	v21 =	vadd.f32 v21, v5  }
0x58: {  	v15 =	vmul.f32 v15, v24;
	v20 =	vadd.f32 v20, v5;
	v9 =	vadd.f32 v9, v10  }
0x59: {  	v19 =	vmul.f32 v19, v25;
	v17 =	vadd.f32 v17, v22;
	v18 =	vadd.f32 v18, v21  }
0x5a: {  	v21 =	vshrl.u32 v27, $0x10;
	v22 =	vshrl.u32 v30, $0x10;
	v26 =	vshrl.u32 v61, $0x10  }
0x5b: {  	v19 =	vadd.f32 v19, v20;
	v20 =	vmul.f32 v16, v24;
	v21 =	vand.u32 $0x1, v21  }
0x5c: {  	v28 =	vld [tilespmem:s30+$0x0];
	s30 =	sadd.s32 s24, s29;
	v24 =	vshrl.u32 v59, $0x10;
	v25 =	vshrl.u32 v60, $0x10;
	v22 =	vand.u32 $0x1, v22  }
0x5d: {  	s3 =	sadd.s32 s24, s28;
	v11 =	vld [tilespmem:s30+$0x0];
	v8 =	vadd.f32 v8, v9;
	v9 =	vadd.f32 v14, v17;
	v17 =	vmul.f32 v12, v23  }
0x5e: {  	s0 =	sadd.s32 s25, s31;
	v10 =	vld [tilespmem:s3+$0x0];
	v15 =	vadd.f32 v15, v18;
	v27 =	vadd.s32 v21, v27;
	v24 =	vand.u32 $0x1, v24  }
0x5f: {  	s30 =	sadd.s32 s25, s29;
	v16 =	vld [tilespmem:s0+$0x0];
	v45 =	vand.u32 $0x1, v25;
	v34 =	vadd.s32 v22, v30;
	v19 =	vadd.f32 v20, v19  }
0x60: {  	s0 =	sadd.s32 s26, s31;
	v14 =	vld [tilespmem:s30+$0x0];
	v20 =	vmul.f32 v13, v23;
	v23 =	vshrl.u32 v58, $0x10;
	v12 =	vadd.f32 v7, v8  }
0x61: {  	v18 =	vld [tilespmem:s0+$0x0];
	v24 =	vadd.s32 v24, v59;
	v9 =	vadd.f32 v31, v9;
	v8 =	vadd.f32 v17, v15  }
0x62: {  	s3 =	sadd.s32 s25, s28;
	v31 =	vshrl.u32 v11, $0x10;
	v44 =	vand.u32 $0x1, v23;
	v7 =	vadd.f32 v20, v19  }
0x63: {  	s30 =	sadd.s32 s26, s29;
	v13 =	vld [tilespmem:s3+$0x0];
	v19 =	vshrl.u32 v29, $0x10;
	v20 =	vshrl.u32 v28, $0x10;
	v62 =	vshrl.u32 v10, $0x10  }
0x64: {  	s31 =	sadd.s32 s26, s28;
	v17 =	vld [tilespmem:s30+$0x0];
	v23 =	vand.u32 $0x1, v31;
	v31 =	vadd.s32 $0x7FFF, v27;
	v27 =	vadd.s32 v44, v58  }
0x65: {  	v15 =	vld [tilespmem:s31+$0x0];
	v20 =	vand.u32 $0x1, v20;
	v19 =	vand.u32 $0x1, v19;
	v63 =	vshrl.u32 v16, $0x10  }
0x66: {  	v39 =	vshrl.u32 v14, $0x10;
	v40 =	vshrl.u32 v18, $0x10;
	v20 =	vadd.s32 v20, v28  }
0x67: {  	v28 =	vand.u32 $0x1, v26;
	v32 =	vadd.s32 v19, v29;
	v29 =	vand.u32 $0x1, v63  }
0x68: {  	v19 =	vand.u32 $0x1, v62;
	v41 =	vshrl.u32 v13, $0x10;
	v25 =	vand.u32 $0x1, v39  }
0x69: {  	v30 =	vand.u32 $0x1, v40;
	v33 =	vadd.s32 $0x7FFF, v20;
	v28 =	vadd.s32 v28, v61  }
0x6a: {  	v20 =	vadd.s32 v45, v60;
	v42 =	vshrl.u32 v17, $0x10;
	v43 =	vshrl.u32 v15, $0x10  }
0x6b: {  	s26 =	simm.s32 $0x80;
	v21 =	vand.u32 $0x1, v41;
	v26 =	vand.u32 $0x1, v42;
	v22 =	vand.u32 $0x1, v43  }
.LBB2_5:
0x6c: {  	v32 =	vadd.s32 $0x7FFF, v32  }
0x6d: {  	v11 =	vadd.s32 v23, v11;
	v10 =	vadd.s32 v19, v10;
	v16 =	vadd.s32 v29, v16  }
0x6e: {  	v14 =	vadd.s32 v25, v14;
	v13 =	vadd.s32 v21, v13;
	v19 =	vadd.s32 $0x7FFF, v34  }
0x6f: {  	v18 =	vadd.s32 v30, v18;
	v17 =	vadd.s32 v26, v17;
	v15 =	vadd.s32 v22, v15  }
0x70: {  	s3 =	sand.u32 $0x780, s21;
	v22 =	vand.u32 $0xFFFF0000, v31;
	v23 =	vadd.s32 $0x7FFF, v27;
	v25 =	vand.u32 $0xFFFF0000, v33  }
0x71: {  	v24 =	vadd.s32 $0x7FFF, v24;
	v20 =	vadd.s32 $0x7FFF, v20;
	v27 =	vadd.s32 $0x7FFF, v28;
	s20 =	sadd.s32 $0x40, s20;
	s3 =	sor.u32 $0x10000, s3  }
0x72: {  	v11 =	vadd.s32 $0x7FFF, v11;
	v10 =	vadd.s32 $0x7FFF, v10;
	v29 =	vand.u32 $0xFFFF0000, v32;
	v30 =	vld [tilespmem:s20+$0x0];
	s23 =	sor.u32 s23, s3  }
0x73: {  	v16 =	vadd.s32 $0x7FFF, v16;
	v14 =	vadd.s32 $0x7FFF, v14;
	v19 =	vand.u32 $0xFFFF0000, v19;
	s29 =	sor.u32 s24, s3;
	v21 =	vld [tilespmem:s23+$0x0]  }
0x74: {  	v18 =	vadd.s32 $0x7FFF, v18;
	v13 =	vadd.s32 $0x7FFF, v13;
	v17 =	vadd.s32 $0x7FFF, v17;
	s3 =	sor.u32 s25, s3;
	v26 =	vld [tilespmem:s29+$0x0]  }
0x75: {  	s22 =	sadd.s32 $0x200, s22;
	v15 =	vadd.s32 $0x7FFF, v15;
	v23 =	vand.u32 $0xFFFF0000, v23;
	v24 =	vand.u32 $0xFFFF0000, v24;
	v28 =	vld [tilespmem:s3+$0x0]  }
0x76: {  	s30 =	rddreg [dreg:$0x4];
	s28 =	sand.u32 $0x40, s26;
	s31 =	sand.u32 $0x3C00, s22;
	v20 =	vand.u32 $0xFFFF0000, v20;
	v27 =	vand.u32 $0xFFFF0000, v27;
	v60 =	vand.u32 $0xFFFF0000, v11  }
0x77: {  	v11 =	vand.u32 $0xFFFF0000, v16;
	v16 =	vand.u32 $0xFFFF0000, v10;
	v18 =	vand.u32 $0xFFFF0000, v18;
	s3 =	sadd.s32 s31, s30;
	s23 =	sor.u32 $0x30, s28  }
0x78: {  	s24 =	sor.u32 $0x20, s28;
	s25 =	sor.u32 $0x10, s28;
	v15 =	vand.u32 $0xFFFF0000, v15;
	s29 =	sadd.s32 s23, s3;
	v10 =	vmul.f32 v19, v30;
	v18 =	vmul.f32 v18, v30  }
0x79: {  	v14 =	vand.u32 $0xFFFF0000, v14;
	s30 =	sadd.s32 s24, s3;
	s0 =	sadd.s32 s28, s3;
	v31 =	vld [tilespmem:s29+$0x0];
	s29 =	sadd.s32 s25, s3;
	v15 =	vmul.f32 v15, v30;
	v22 =	vmul.f32 v22, v21  }
0x7a: {  	v17 =	vand.u32 $0xFFFF0000, v17;
	s31 =	sadd.s32 $0x80, s3;
	v62 =	vld [tilespmem:s29+$0x0];
	s29 =	sadd.s32 $0x100, s3;
	s3 =	sadd.s32 $0x180, s3;
	v25 =	vmul.f32 v25, v26;
	v29 =	vmul.f32 v29, v28  }
0x7b: {  	v13 =	vand.u32 $0xFFFF0000, v13;
	v61 =	vld [tilespmem:s30+$0x0];
	s30 =	sadd.s32 s23, s3;
	v19 =	vmul.f32 v27, v26;
	v23 =	vmul.f32 v23, v21  }
0x7c: {  	v36 =	vmul.f32 v11, v28;
	v11 =	vmul.f32 v17, v30;
	v38 =	vld [tilespmem:s30+$0x0];
	v10 =	vadd.f32 v10, v12  }
0x7d: {  	v35 =	vld [tilespmem:s0+$0x0];
	s0 =	sadd.s32 s23, s31;
	v9 =	vadd.f32 v18, v9;
	v7 =	vadd.f32 v15, v7;
	v13 =	vmul.f32 v13, v28  }
0x7e: {  	v27 =	vld [tilespmem:s0+$0x0];
	s0 =	sadd.s32 s23, s29;
	v12 =	vmul.f32 v14, v28;
	v8 =	vadd.f32 v11, v8;
	v14 =	vadd.f32 v29, v10  }
0x7f: {  	v15 =	vmul.f32 v60, v26;
	v37 =	vld [tilespmem:s0+$0x0];
	s0 =	sadd.s32 s24, s31;
	v9 =	vadd.f32 v36, v9;
	v7 =	vadd.f32 v13, v7  }
0x80: {  	s30 =	sadd.s32 s24, s29;
	v39 =	vld [tilespmem:s0+$0x0];
	v8 =	vadd.f32 v12, v8;
	v12 =	vmul.f32 v16, v26;
	v17 =	vadd.f32 v25, v14  }
0x81: {  	v11 =	vld [tilespmem:s30+$0x0];
	v9 =	vadd.f32 v19, v9;
	v19 =	vmul.f32 v24, v21;
	v25 =	vshrl.u32 v38, $0x10  }
0x82: {  	s0 =	sadd.s32 s24, s3;
	v8 =	vadd.f32 v15, v8;
	v7 =	vadd.f32 v12, v7;
	v15 =	vmul.f32 v20, v21  }
0x83: {  	s30 =	sadd.s32 s25, s31;
	s31 =	sadd.s32 s28, s31;
	v10 =	vld [tilespmem:s0+$0x0];
	v12 =	vadd.f32 v22, v17;
	v9 =	vadd.f32 v23, v9;
	v20 =	vshrl.u32 v61, $0x10  }
0x84: {  	v18 =	vld [tilespmem:s31+$0x0];
	v21 =	vshrl.u32 v31, $0x10;
	v22 =	vshrl.u32 v35, $0x10;
	v23 =	vshrl.u32 v27, $0x10  }
0x85: {  	v24 =	vshrl.u32 v37, $0x10;
	v45 =	vand.u32 $0x1, v25;
	v21 =	vand.u32 $0x1, v21  }
0x86: {  	s0 =	sadd.s32 s25, s3;
	v16 =	vld [tilespmem:s30+$0x0];
	v20 =	vand.u32 $0x1, v20;
	v26 =	vshrl.u32 v39, $0x10;
	v28 =	vshrl.u32 v11, $0x10  }
0x87: {  	v13 =	vld [tilespmem:s0+$0x0];
	v22 =	vand.u32 $0x1, v22;
	v44 =	vand.u32 $0x1, v23;
	v24 =	vand.u32 $0x1, v24  }
0x88: {  	s30 =	sadd.s32 s25, s29;
	v8 =	vadd.f32 v19, v8;
	v7 =	vadd.f32 v15, v7;
	v19 =	vshrl.u32 v62, $0x10  }
0x89: {  	v14 =	vld [tilespmem:s30+$0x0];
	s30 =	sadd.s32 s28, s29;
	v30 =	vshrl.u32 v10, $0x10;
	v40 =	vshrl.u32 v18, $0x10;
	v31 =	vadd.s32 v21, v31  }
0x8a: {  	s31 =	sadd.s32 s28, s3;
	v17 =	vld [tilespmem:s30+$0x0];
	v20 =	vadd.s32 v20, v61;
	v46 =	vand.u32 $0x1, v26;
	v23 =	vand.u32 $0x1, v28  }
0x8b: {  	v15 =	vld [tilespmem:s31+$0x0];
	v34 =	vadd.s32 v22, v35;
	v27 =	vadd.s32 v44, v27;
	v24 =	vadd.s32 v24, v37  }
0x8c: {  	p0 =	sne.s32 s26, $0x7C0;
	v19 =	vand.u32 $0x1, v19;
	v29 =	vshrl.u32 v16, $0x10;
	v41 =	vshrl.u32 v13, $0x10  }
.Ltmp1:
0x8d: {  	v31 =	vadd.s32 $0x7FFF, v31;
	v33 =	vadd.s32 $0x7FFF, v20;
	v28 =	vadd.s32 v46, v39;
	(pc) =	sbr.rel @p0 .LBB2_5-.Ltmp1, $4  }
0x8e: {  	v20 =	vadd.s32 v45, v38;
	v63 =	vshrl.u32 v14, $0x10;
	v32 =	vadd.s32 v19, v62  }
0x8f: {  	v29 =	vand.u32 $0x1, v29;
	v19 =	vand.u32 $0x1, v30;
	v21 =	vand.u32 $0x1, v41  }
0x90: {  	v30 =	vand.u32 $0x1, v40;
	v42 =	vshrl.u32 v17, $0x10;
	v43 =	vshrl.u32 v15, $0x10  }
0x91: {  	s21 =	smov.u32 s26;
	s26 =	sadd.s32 $0x40, s26;
	v25 =	vand.u32 $0x1, v63;
	v26 =	vand.u32 $0x1, v42;
	v22 =	vand.u32 $0x1, v43  }
0x92: {  	s0 =	sand.u32 $0x780, s21;
	s3 =	sadd.s32 $0x40, s20  }
0x93: {  	s0 =	sor.u32 $0x10000, s0;
	v35 =	vld [tilespmem:s3+$0x0]  }
0x94: {  	s26 =	sor.u32 s25, s0  }
0x95: {  	v36 =	vld [tilespmem:s26+$0x0]  }
0x96: {  	v34 =	vadd.s32 $0x7FFF, v34;
	s28 =	sor.u32 s24, s0  }
0x97: {  	v34 =	vand.u32 $0xFFFF0000, v34;
	v37 =	vld [tilespmem:s28+$0x0]  }
0x98: {  	v32 =	vadd.s32 $0x7FFF, v32;
	s0 =	sor.u32 s23, s0;
	v34 =	vmul.f32 v34, v35  }
0x99: {  	v32 =	vand.u32 $0xFFFF0000, v32;
	v38 =	vld [tilespmem:s0+$0x0]  }
0x9a: {  	v12 =	vadd.f32 v34, v12;
	v32 =	vmul.f32 v32, v36  }
0x9b: {  	v33 =	vand.u32 $0xFFFF0000, v33  }
0x9c: {  	v62 =	vmul.f32 v33, v37;
	v12 =	vadd.f32 v32, v12  }
0x9d: {  	v31 =	vand.u32 $0xFFFF0000, v31  }
0x9e: {  	v31 =	vmul.f32 v31, v38;
	v12 =	vadd.f32 v62, v12;
	_ =	sdelay $0x1  }
0x9f: {  	v12 =	vadd.f32 v31, v12;
	_ =	sdelay $0x1  }
0xa0: {  	[tilespmem:$0x10880] =	vst v12  }
0xa1: {  	v63 =	vld.idx.msk [tilespmem:v0+s14+$0x0], $0xffff;
	_ =	sdelay $0x4  }
0xa2: {  	v12 =	vadd.f32 v63, v12;
	_ =	sdelay $0x1  }
0xa3: {  	[tilespmem:$0x10880] =	vst v12  }
0xa4: {  	v33 =	vld.idx.msk [tilespmem:v1+s14+$0x0], $0xffff;
	_ =	sdelay $0x2  }
0xa5: {  	v18 =	vadd.s32 v30, v18  }
0xa6: {  	v18 =	vadd.s32 $0x7FFF, v18  }
0xa7: {  	v16 =	vadd.s32 v29, v16;
	v18 =	vand.u32 $0xFFFF0000, v18;
	v12 =	vadd.f32 v33, v12  }
0xa8: {  	v16 =	vadd.s32 $0x7FFF, v16;
	v18 =	vmul.f32 v18, v35  }
0xa9: {  	v16 =	vand.u32 $0xFFFF0000, v16;
	[tilespmem:$0x10880] =	vst v12  }
0xaa: {  	v28 =	vadd.s32 $0x7FFF, v28;
	v16 =	vmul.f32 v16, v36;
	v9 =	vadd.f32 v18, v9;
	v34 =	vld.idx.msk [tilespmem:v2+s14+$0x0], $0xffff  }
0xab: {  	v39 =	vand.u32 $0xFFFF0000, v28  }
0xac: {  	v27 =	vadd.s32 $0x7FFF, v27;
	v18 =	vmul.f32 v39, v37;
	v9 =	vadd.f32 v16, v9  }
0xad: {  	v40 =	vand.u32 $0xFFFF0000, v27  }
0xae: {  	v16 =	vmul.f32 v40, v38;
	v9 =	vadd.f32 v18, v9  }
0xaf: {  	v12 =	vadd.f32 v34, v12  }
0xb0: {  	v9 =	vadd.f32 v16, v9  }
0xb1: {  	[tilespmem:$0x10880] =	vst v12  }
0xb2: {  	v41 =	vld.idx.msk [tilespmem:v3+s14+$0x0], $0xffff;
	[tilespmem:$0x10880] =	vst v9  }
0xb3: {  	v42 =	vld.idx.msk [tilespmem:v0+s14+$0x0], $0xffff;
	_ =	sdelay $0x4  }
0xb4: {  	v9 =	vadd.f32 v42, v9;
	_ =	sdelay $0x1  }
0xb5: {  	[tilespmem:$0x10880] =	vst v9  }
0xb6: {  	v43 =	vld.idx.msk [tilespmem:v1+s14+$0x0], $0xffff;
	_ =	sdelay $0x2  }
0xb7: {  	v17 =	vadd.s32 v26, v17  }
0xb8: {  	v17 =	vadd.s32 $0x7FFF, v17  }
0xb9: {  	v14 =	vadd.s32 v25, v14;
	v17 =	vand.u32 $0xFFFF0000, v17;
	v9 =	vadd.f32 v43, v9  }
0xba: {  	v14 =	vadd.s32 $0x7FFF, v14;
	v17 =	vmul.f32 v17, v35  }
0xbb: {  	v11 =	vadd.s32 v23, v11;
	v14 =	vand.u32 $0xFFFF0000, v14;
	[tilespmem:$0x10880] =	vst v9  }
0xbc: {  	v11 =	vadd.s32 $0x7FFF, v11;
	v14 =	vmul.f32 v14, v36;
	v8 =	vadd.f32 v17, v8;
	v44 =	vld.idx.msk [tilespmem:v2+s14+$0x0], $0xffff  }
0xbd: {  	v11 =	vand.u32 $0xFFFF0000, v11  }
0xbe: {  	v45 =	vadd.s32 $0x7FFF, v24;
	v11 =	vmul.f32 v11, v37;
	v8 =	vadd.f32 v14, v8  }
0xbf: {  	v46 =	vand.u32 $0xFFFF0000, v45  }
0xc0: {  	v14 =	vmul.f32 v46, v38;
	v8 =	vadd.f32 v11, v8  }
0xc1: {  	v9 =	vadd.f32 v44, v9  }
0xc2: {  	v8 =	vadd.f32 v14, v8  }
0xc3: {  	[tilespmem:$0x10880] =	vst v9  }
0xc4: {  	v47 =	vld.idx.msk [tilespmem:v3+s14+$0x0], $0xffff;
	[tilespmem:$0x10880] =	vst v8  }
0xc5: {  	v48 =	vld.idx.msk [tilespmem:v0+s14+$0x0], $0xffff;
	_ =	sdelay $0x4  }
0xc6: {  	v8 =	vadd.f32 v48, v8;
	_ =	sdelay $0x1  }
0xc7: {  	[tilespmem:$0x10880] =	vst v8  }
0xc8: {  	v49 =	vld.idx.msk [tilespmem:v1+s14+$0x0], $0xffff;
	_ =	sdelay $0x2  }
0xc9: {  	v15 =	vadd.s32 v22, v15  }
0xca: {  	v15 =	vadd.s32 $0x7FFF, v15  }
0xcb: {  	v13 =	vadd.s32 v21, v13;
	v50 =	vand.u32 $0xFFFF0000, v15;
	v8 =	vadd.f32 v49, v8  }
0xcc: {  	v13 =	vadd.s32 $0x7FFF, v13;
	v14 =	vmul.f32 v50, v35  }
0xcd: {  	v10 =	vadd.s32 v19, v10;
	v13 =	vand.u32 $0xFFFF0000, v13;
	[tilespmem:$0x10880] =	vst v8  }
0xce: {  	v10 =	vadd.s32 $0x7FFF, v10;
	v13 =	vmul.f32 v13, v36;
	v7 =	vadd.f32 v14, v7;
	v51 =	vld.idx.msk [tilespmem:v2+s14+$0x0], $0xffff  }
0xcf: {  	v10 =	vand.u32 $0xFFFF0000, v10  }
0xd0: {  	v52 =	vadd.s32 $0x7FFF, v20;
	v10 =	vmul.f32 v10, v37;
	v7 =	vadd.f32 v13, v7  }
0xd1: {  	v53 =	vand.u32 $0xFFFF0000, v52  }
0xd2: {  	v54 =	vmul.f32 v53, v38;
	v7 =	vadd.f32 v10, v7  }
0xd3: {  	v8 =	vadd.f32 v51, v8  }
0xd4: {  	v7 =	vadd.f32 v54, v7  }
0xd5: {  	[tilespmem:$0x10880] =	vst v8  }
0xd6: {  	v55 =	vld.idx.msk [tilespmem:v3+s14+$0x0], $0xffff;
	[tilespmem:$0x10880] =	vst v7  }
0xd7: {  	v56 =	vld.idx.msk [tilespmem:v0+s14+$0x0], $0xffff;
	_ =	sdelay $0x4  }
0xd8: {  	v7 =	vadd.f32 v56, v7;
	_ =	sdelay $0x1  }
0xd9: {  	[tilespmem:$0x10880] =	vst v7  }
0xda: {  	v57 =	vld.idx.msk [tilespmem:v1+s14+$0x0], $0xffff;
	_ =	sdelay $0x4  }
0xdb: {  	v7 =	vadd.f32 v57, v7;
	_ =	sdelay $0x1  }
0xdc: {  	[tilespmem:$0x10880] =	vst v7  }
0xdd: {  	v58 =	vld.idx.msk [tilespmem:v2+s14+$0x0], $0xffff;
	_ =	sdelay $0x4  }
0xde: {  	v7 =	vadd.f32 v58, v7;
	_ =	sdelay $0x1  }
0xdf: {  	[tilespmem:$0x10880] =	vst v7  }
0xe0: {  	s29 =	sshll.u32 s19, $0x2;
	v59 =	vld.idx.msk [tilespmem:v3+s14+$0x0], $0xffff  }
0xe1: {  	s31 =	sshllo.u32 s19, $0x2;
	s19 =	sadd.s32 $0x1, s19;
	v60 =	vmov s29;
	s30 =	sor.u32 $0x1, s29  }
0xe2: {  	p0 =	sne.s32 s19, $0x4;
	vm0 =	veq.s32 v60, v4;
	v61 =	vmov s30;
	s0 =	sor.u32 $0x2, s29;
	v12 =	vadd.f32 v41, v12  }
.Ltmp2:
0xe3: {  	vm13 =	veq.s32 v61, v4;
	v62 =	vmov s0;
	v9 =	vadd.f32 v47, v9;
	(pc) =	sbr.rel @p0 .LBB2_4-.Ltmp2, $4  }
0xe4: {  	vm14 =	veq.s32 v62, v4;
	v6 =	vsel vm0, v12, v6;
	v8 =	vadd.f32 v55, v8  }
0xe5: {  	v63 =	vmov s31;
	v6 =	vsel vm13, v9, v6;
	v7 =	vadd.f32 v59, v7  }
0xe6: {  	vm15 =	veq.s32 v63, v4;
	v6 =	vsel vm14, v8, v6  }
0xe7: {  	v6 =	vsel vm15, v7, v6  }
0xe8: {  	[tilespmem:$0x10800] =	vst v6;
	s18 =	simm.s32 $0x0  }
0xe9: {  	[tilespmem:s18], [sflag:$0x1] =	stream.linear.gather [hbm4b:s6+s18], $0x8000, $0x38;
	[tilespmem:$0x10900] =	vst v63  }
0xea: {  	_ =	swait.ge [sflag:s15], $0x8000  }
0xeb: {  	[sflag:s15] =	ssyncset.done $0x0  }
0xec: {  	v5 =	vimm.f32 $0.0e+00;
	v6 =	vimm.f32 $0.0e+00;
	s19 =	simm.s32 $0x0;
	[sflag:s15] =	ssyncadd.s32 $0xFFFF8000  }
.LBB2_8:
0xed: {  	s0 =	sshll.u32 s19, $0xD;
	s3 =	sshll.u32 s19, $0x9  }
0xee: {  	s0 =	sand.u32 $0x4000, s0;
	s3 =	sand.u32 $0x200, s3  }
0xef: {  	s0 =	sor.u32 s3, s0  }
0xf0: {  	s0 =	sor.u32 $0x8000, s0  }
0xf1: {  	[dreg:$0x5] =	wrdreg s0  }
0xf2: {  	s20 =	sand.u32 $0x3C00, s18;
	s3 =	sand.u32 $0x40, s18;
	s0 =	rddreg [dreg:$0x5]  }
0xf3: {  	s22 =	sor.u32 $0x30, s3;
	s0 =	sadd.s32 s20, s0  }
0xf4: {  	s21 =	sor.u32 $0x20, s3;
	s23 =	sadd.s32 s22, s0  }
0xf5: {  	s20 =	sor.u32 $0x10, s3;
	s24 =	sadd.s32 s21, s0;
	v7 =	vld [tilespmem:s23+$0x0]  }
0xf6: {  	s26 =	sadd.s32 s20, s0;
	v8 =	vld [tilespmem:s24+$0x0]  }
0xf7: {  	s28 =	sadd.s32 s3, s0;
	s25 =	sadd.s32 $0x80, s0;
	v9 =	vld [tilespmem:s26+$0x0]  }
0xf8: {  	v10 =	vld [tilespmem:s28+$0x0];
	s29 =	sadd.s32 s22, s25  }
0xf9: {  	s23 =	sadd.s32 $0x100, s0;
	s26 =	sadd.s32 s21, s25;
	v11 =	vld [tilespmem:s29+$0x0]  }
0xfa: {  	s0 =	sadd.s32 $0x180, s0;
	s30 =	sadd.s32 s22, s23;
	v14 =	vld [tilespmem:s26+$0x0]  }
0xfb: {  	s31 =	sadd.s32 s22, s0;
	v12 =	vld [tilespmem:s30+$0x0]  }
0xfc: {  	s26 =	sadd.s32 s21, s23;
	v13 =	vld [tilespmem:s31+$0x0]  }
0xfd: {  	s28 =	sadd.s32 s21, s0;
	v15 =	vld [tilespmem:s26+$0x0]  }
0xfe: {  	s29 =	sadd.s32 s20, s25;
	v16 =	vld [tilespmem:s28+$0x0]  }
0xff: {  	s25 =	sadd.s32 s3, s25;
	v17 =	vld [tilespmem:s29+$0x0]  }
0x100: {  	s30 =	sadd.s32 s20, s23;
	v20 =	vld [tilespmem:s25+$0x0];
	v22 =	vshrl.u32 v9, $0x10  }
0x101: {  	s31 =	sadd.s32 s20, s0;
	v18 =	vld [tilespmem:s30+$0x0];
	v23 =	vshrl.u32 v8, $0x10;
	v24 =	vshrl.u32 v7, $0x10;
	v25 =	vshrl.u32 v10, $0x10  }
0x102: {  	s23 =	sadd.s32 s3, s23;
	v19 =	vld [tilespmem:s31+$0x0];
	v24 =	vand.u32 $0x1, v24;
	v27 =	vshrl.u32 v11, $0x10;
	v23 =	vand.u32 $0x1, v23  }
0x103: {  	s0 =	sadd.s32 s3, s0;
	v21 =	vld [tilespmem:s23+$0x0];
	v30 =	vshrl.u32 v14, $0x10;
	v22 =	vand.u32 $0x1, v22;
	v25 =	vand.u32 $0x1, v25  }
0x104: {  	v26 =	vld [tilespmem:s0+$0x0];
	v28 =	vshrl.u32 v12, $0x10;
	v29 =	vshrl.u32 v13, $0x10;
	v31 =	vshrl.u32 v15, $0x10  }
0x105: {  	v32 =	vshrl.u32 v16, $0x10;
	v33 =	vshrl.u32 v17, $0x10;
	v35 =	vshrl.u32 v20, $0x10  }
0x106: {  	v7 =	vadd.s32 v24, v7;
	v24 =	vand.u32 $0x1, v27;
	v8 =	vadd.s32 v23, v8  }
0x107: {  	v23 =	vand.u32 $0x1, v30;
	v9 =	vadd.s32 v22, v9;
	v10 =	vadd.s32 v25, v10  }
0x108: {  	v34 =	vshrl.u32 v18, $0x10;
	v36 =	vshrl.u32 v19, $0x10;
	v37 =	vshrl.u32 v21, $0x10  }
0x109: {  	v38 =	vshrl.u32 v26, $0x10;
	v27 =	vand.u32 $0x1, v28;
	v28 =	vand.u32 $0x1, v29  }
0x10a: {  	v29 =	vand.u32 $0x1, v31;
	v22 =	vand.u32 $0x1, v33;
	v30 =	vand.u32 $0x1, v32  }
0x10b: {  	v55 =	vand.u32 $0x1, v35;
	v7 =	vadd.s32 $0x7FFF, v7;
	v11 =	vadd.s32 v24, v11  }
0x10c: {  	v8 =	vadd.s32 $0x7FFF, v8;
	v14 =	vadd.s32 v23, v14;
	v9 =	vadd.s32 $0x7FFF, v9  }
0x10d: {  	v10 =	vadd.s32 $0x7FFF, v10;
	v25 =	vand.u32 $0x1, v34;
	v31 =	vand.u32 $0x1, v36  }
0x10e: {  	v56 =	vand.u32 $0x1, v37;
	v57 =	vand.u32 $0x1, v38;
	v12 =	vadd.s32 v27, v12  }
0x10f: {  	v13 =	vadd.s32 v28, v13;
	v15 =	vadd.s32 v29, v15;
	v16 =	vadd.s32 v30, v16  }
0x110: {  	v17 =	vadd.s32 v22, v17;
	v20 =	vadd.s32 v55, v20;
	v7 =	vand.u32 $0xFFFF0000, v7  }
0x111: {  	s24 =	sand.u32 $0x780, s18;
	v11 =	vadd.s32 $0x7FFF, v11;
	v8 =	vand.u32 $0xFFFF0000, v8;
	v14 =	vadd.s32 $0x7FFF, v14  }
0x112: {  	s0 =	sor.u32 $0x10000, s24;
	v9 =	vand.u32 $0xFFFF0000, v9;
	v10 =	vand.u32 $0xFFFF0000, v10;
	v18 =	vadd.s32 v25, v18  }
0x113: {  	s25 =	sor.u32 s22, s0;
	v19 =	vadd.s32 v31, v19;
	v21 =	vadd.s32 v56, v21;
	v22 =	vadd.s32 v57, v26  }
0x114: {  	s28 =	rddreg [dreg:$0x5];
	s26 =	sor.u32 s21, s0;
	v23 =	vld [tilespmem:s25+$0x0];
	v12 =	vadd.s32 $0x7FFF, v12;
	v13 =	vadd.s32 $0x7FFF, v13;
	v15 =	vadd.s32 $0x7FFF, v15  }
0x115: {  	s0 =	sor.u32 s20, s0;
	s21 =	simm.s32 $0x40;
	s22 =	simm.s32 $0x200;
	v24 =	vld [tilespmem:s26+$0x0];
	v16 =	vadd.s32 $0x7FFF, v16;
	v17 =	vadd.s32 $0x7FFF, v17;
	v20 =	vadd.s32 $0x7FFF, v20  }
0x116: {  	s20 =	simm.s32 $0x10000;
	s29 =	sand.u32 $0x3C00, s22;
	s26 =	sand.u32 $0x40, s21;
	v25 =	vld [tilespmem:s0+$0x0];
	v11 =	vand.u32 $0xFFFF0000, v11;
	v14 =	vand.u32 $0xFFFF0000, v14;
	v18 =	vadd.s32 $0x7FFF, v18  }
0x117: {  	s23 =	sor.u32 $0x30, s26;
	v26 =	vld [tilespmem:s20+$0x0];
	s0 =	sadd.s32 s29, s28;
	v19 =	vadd.s32 $0x7FFF, v19;
	v21 =	vadd.s32 $0x7FFF, v21;
	v22 =	vadd.s32 $0x7FFF, v22  }
0x118: {  	s25 =	sor.u32 $0x10, s26;
	s30 =	sadd.s32 s23, s0;
	v12 =	vand.u32 $0xFFFF0000, v12;
	v13 =	vand.u32 $0xFFFF0000, v13;
	v15 =	vand.u32 $0xFFFF0000, v15  }
0x119: {  	s24 =	sor.u32 $0x20, s26;
	s31 =	sadd.s32 s25, s0;
	v17 =	vand.u32 $0xFFFF0000, v17;
	v16 =	vand.u32 $0xFFFF0000, v16;
	v20 =	vand.u32 $0xFFFF0000, v20;
	v27 =	vld [tilespmem:s30+$0x0]  }
0x11a: {  	s28 =	sadd.s32 s24, s0;
	s29 =	sadd.s32 $0x80, s0;
	s30 =	sadd.s32 s26, s0;
	v29 =	vld [tilespmem:s31+$0x0];
	v18 =	vand.u32 $0xFFFF0000, v18;
	v7 =	vmul.f32 v7, v23;
	v8 =	vmul.f32 v8, v24  }
0x11b: {  	s3 =	sadd.s32 $0x100, s0;
	s31 =	sadd.s32 s23, s29;
	v21 =	vand.u32 $0xFFFF0000, v21;
	s0 =	sadd.s32 $0x180, s0;
	v30 =	vld [tilespmem:s30+$0x0];
	v14 =	vmul.f32 v14, v24;
	v31 =	vmul.f32 v11, v23  }
0x11c: {  	v19 =	vand.u32 $0xFFFF0000, v19;
	v58 =	vld [tilespmem:s31+$0x0];
	s31 =	sadd.s32 s23, s0;
	v9 =	vmul.f32 v9, v25;
	v10 =	vmul.f32 v10, v26  }
0x11d: {  	s30 =	sadd.s32 s23, s3;
	v60 =	vld [tilespmem:s31+$0x0];
	v11 =	vmul.f32 v20, v26;
	v20 =	vand.u32 $0xFFFF0000, v22;
	v21 =	vmul.f32 v21, v26  }
0x11e: {  	v59 =	vld [tilespmem:s30+$0x0];
	s30 =	sadd.s32 s24, s29;
	v17 =	vmul.f32 v17, v25;
	v20 =	vmul.f32 v20, v26;
	v10 =	vadd.f32 v10, v5  }
0x11f: {  	v18 =	vmul.f32 v18, v25;
	v61 =	vld [tilespmem:s30+$0x0];
	v22 =	vadd.f32 v11, v5;
	v21 =	vadd.f32 v21, v5  }
0x120: {  	v15 =	vmul.f32 v15, v24;
	v20 =	vadd.f32 v20, v5;
	v9 =	vadd.f32 v9, v10  }
0x121: {  	v19 =	vmul.f32 v19, v25;
	v17 =	vadd.f32 v17, v22;
	v18 =	vadd.f32 v18, v21  }
0x122: {  	v21 =	vshrl.u32 v27, $0x10;
	v22 =	vshrl.u32 v30, $0x10;
	v25 =	vshrl.u32 v60, $0x10  }
0x123: {  	v19 =	vadd.f32 v19, v20;
	v20 =	vmul.f32 v16, v24;
	v21 =	vand.u32 $0x1, v21  }
0x124: {  	v28 =	vld [tilespmem:s28+$0x0];
	s30 =	sadd.s32 s24, s3;
	v24 =	vshrl.u32 v59, $0x10;
	v26 =	vshrl.u32 v61, $0x10;
	v22 =	vand.u32 $0x1, v22  }
0x125: {  	s28 =	sadd.s32 s24, s0;
	v11 =	vld [tilespmem:s30+$0x0];
	v45 =	vand.u32 $0x1, v25;
	v8 =	vadd.f32 v8, v9;
	v9 =	vadd.f32 v14, v17  }
0x126: {  	s31 =	sadd.s32 s25, s29;
	v10 =	vld [tilespmem:s28+$0x0];
	v17 =	vmul.f32 v12, v23;
	v15 =	vadd.f32 v15, v18;
	v27 =	vadd.s32 v21, v27  }
0x127: {  	s30 =	sadd.s32 s25, s3;
	v16 =	vld [tilespmem:s31+$0x0];
	v24 =	vand.u32 $0x1, v24;
	v34 =	vadd.s32 v22, v30;
	v19 =	vadd.f32 v20, v19  }
0x128: {  	s29 =	sadd.s32 s26, s29;
	v14 =	vld [tilespmem:s30+$0x0];
	v20 =	vmul.f32 v13, v23;
	v23 =	vshrl.u32 v58, $0x10;
	v12 =	vadd.f32 v7, v8  }
0x129: {  	v18 =	vld [tilespmem:s29+$0x0];
	v24 =	vadd.s32 v24, v59;
	v9 =	vadd.f32 v31, v9;
	v8 =	vadd.f32 v17, v15  }
0x12a: {  	s31 =	sadd.s32 s25, s0;
	v31 =	vshrl.u32 v11, $0x10;
	v44 =	vand.u32 $0x1, v23;
	v7 =	vadd.f32 v20, v19  }
0x12b: {  	s3 =	sadd.s32 s26, s3;
	v13 =	vld [tilespmem:s31+$0x0];
	v19 =	vshrl.u32 v29, $0x10;
	v20 =	vshrl.u32 v28, $0x10;
	v62 =	vshrl.u32 v10, $0x10  }
0x12c: {  	s0 =	sadd.s32 s26, s0;
	v17 =	vld [tilespmem:s3+$0x0];
	v23 =	vand.u32 $0x1, v31;
	v31 =	vadd.s32 $0x7FFF, v27;
	v27 =	vadd.s32 v44, v58  }
0x12d: {  	v15 =	vld [tilespmem:s0+$0x0];
	v20 =	vand.u32 $0x1, v20;
	v19 =	vand.u32 $0x1, v19;
	v63 =	vshrl.u32 v16, $0x10  }
0x12e: {  	v39 =	vshrl.u32 v14, $0x10;
	v40 =	vshrl.u32 v18, $0x10;
	v20 =	vadd.s32 v20, v28  }
0x12f: {  	v28 =	vand.u32 $0x1, v26;
	v32 =	vadd.s32 v19, v29;
	v29 =	vand.u32 $0x1, v63  }
0x130: {  	v19 =	vand.u32 $0x1, v62;
	v41 =	vshrl.u32 v13, $0x10;
	v25 =	vand.u32 $0x1, v39  }
0x131: {  	v30 =	vand.u32 $0x1, v40;
	v33 =	vadd.s32 $0x7FFF, v20;
	v28 =	vadd.s32 v28, v61  }
0x132: {  	v20 =	vadd.s32 v45, v60;
	v42 =	vshrl.u32 v17, $0x10;
	v43 =	vshrl.u32 v15, $0x10  }
0x133: {  	s26 =	simm.s32 $0x80;
	v21 =	vand.u32 $0x1, v41;
	v26 =	vand.u32 $0x1, v42;
	v22 =	vand.u32 $0x1, v43  }
.LBB2_9:
0x134: {  	v32 =	vadd.s32 $0x7FFF, v32  }
0x135: {  	v11 =	vadd.s32 v23, v11;
	v10 =	vadd.s32 v19, v10;
	v16 =	vadd.s32 v29, v16  }
0x136: {  	v14 =	vadd.s32 v25, v14;
	v13 =	vadd.s32 v21, v13;
	v19 =	vadd.s32 $0x7FFF, v34  }
0x137: {  	v18 =	vadd.s32 v30, v18;
	v17 =	vadd.s32 v26, v17;
	v15 =	vadd.s32 v22, v15  }
0x138: {  	s0 =	sand.u32 $0x780, s21;
	v22 =	vand.u32 $0xFFFF0000, v31;
	v23 =	vadd.s32 $0x7FFF, v27;
	v25 =	vand.u32 $0xFFFF0000, v33  }
0x139: {  	v24 =	vadd.s32 $0x7FFF, v24;
	v20 =	vadd.s32 $0x7FFF, v20;
	v27 =	vadd.s32 $0x7FFF, v28;
	s20 =	sadd.s32 $0x40, s20;
	s0 =	sor.u32 $0x10000, s0  }
0x13a: {  	v11 =	vadd.s32 $0x7FFF, v11;
	v10 =	vadd.s32 $0x7FFF, v10;
	v29 =	vand.u32 $0xFFFF0000, v32;
	v30 =	vld [tilespmem:s20+$0x0];
	s3 =	sor.u32 s23, s0  }
0x13b: {  	v16 =	vadd.s32 $0x7FFF, v16;
	v14 =	vadd.s32 $0x7FFF, v14;
	v19 =	vand.u32 $0xFFFF0000, v19;
	s23 =	sor.u32 s24, s0;
	v21 =	vld [tilespmem:s3+$0x0]  }
0x13c: {  	v18 =	vadd.s32 $0x7FFF, v18;
	v13 =	vadd.s32 $0x7FFF, v13;
	v17 =	vadd.s32 $0x7FFF, v17;
	s0 =	sor.u32 s25, s0;
	v26 =	vld [tilespmem:s23+$0x0]  }
0x13d: {  	s22 =	sadd.s32 $0x200, s22;
	v15 =	vadd.s32 $0x7FFF, v15;
	v23 =	vand.u32 $0xFFFF0000, v23;
	v24 =	vand.u32 $0xFFFF0000, v24;
	v28 =	vld [tilespmem:s0+$0x0]  }
0x13e: {  	s28 =	sand.u32 $0x40, s26;
	s29 =	sand.u32 $0x3C00, s22;
	v20 =	vand.u32 $0xFFFF0000, v20;
	v27 =	vand.u32 $0xFFFF0000, v27;
	s24 =	rddreg [dreg:$0x5];
	v60 =	vand.u32 $0xFFFF0000, v11  }
0x13f: {  	v11 =	vand.u32 $0xFFFF0000, v16;
	v16 =	vand.u32 $0xFFFF0000, v10;
	v18 =	vand.u32 $0xFFFF0000, v18;
	s0 =	sadd.s32 s29, s24;
	s23 =	sor.u32 $0x30, s28  }
0x140: {  	s25 =	sor.u32 $0x10, s28;
	v15 =	vand.u32 $0xFFFF0000, v15;
	s24 =	sor.u32 $0x20, s28;
	s30 =	sadd.s32 s23, s0;
	v10 =	vmul.f32 v19, v30;
	v18 =	vmul.f32 v18, v30  }
0x141: {  	v14 =	vand.u32 $0xFFFF0000, v14;
	s29 =	sadd.s32 s24, s0;
	s3 =	sadd.s32 s25, s0;
	s31 =	sadd.s32 s28, s0;
	v31 =	vld [tilespmem:s30+$0x0];
	v15 =	vmul.f32 v15, v30;
	v22 =	vmul.f32 v22, v21  }
0x142: {  	v17 =	vand.u32 $0xFFFF0000, v17;
	s30 =	sadd.s32 $0x80, s0;
	v62 =	vld [tilespmem:s3+$0x0];
	s3 =	sadd.s32 $0x100, s0;
	s0 =	sadd.s32 $0x180, s0;
	v25 =	vmul.f32 v25, v26;
	v29 =	vmul.f32 v29, v28  }
0x143: {  	v13 =	vand.u32 $0xFFFF0000, v13;
	v61 =	vld [tilespmem:s29+$0x0];
	s29 =	sadd.s32 s23, s0;
	v19 =	vmul.f32 v27, v26;
	v23 =	vmul.f32 v23, v21  }
0x144: {  	v38 =	vld [tilespmem:s29+$0x0];
	v36 =	vmul.f32 v11, v28;
	v11 =	vmul.f32 v17, v30;
	v10 =	vadd.f32 v10, v12  }
0x145: {  	v35 =	vld [tilespmem:s31+$0x0];
	s31 =	sadd.s32 s23, s30;
	v9 =	vadd.f32 v18, v9;
	v7 =	vadd.f32 v15, v7;
	v13 =	vmul.f32 v13, v28  }
0x146: {  	v27 =	vld [tilespmem:s31+$0x0];
	s31 =	sadd.s32 s23, s3;
	v12 =	vmul.f32 v14, v28;
	v8 =	vadd.f32 v11, v8;
	v14 =	vadd.f32 v29, v10  }
0x147: {  	v15 =	vmul.f32 v60, v26;
	v37 =	vld [tilespmem:s31+$0x0];
	s31 =	sadd.s32 s24, s30;
	v9 =	vadd.f32 v36, v9;
	v7 =	vadd.f32 v13, v7  }
0x148: {  	s29 =	sadd.s32 s24, s0;
	v39 =	vld [tilespmem:s31+$0x0];
	v8 =	vadd.f32 v12, v8;
	v12 =	vmul.f32 v16, v26;
	v17 =	vadd.f32 v25, v14  }
0x149: {  	v10 =	vld [tilespmem:s29+$0x0];
	v9 =	vadd.f32 v19, v9;
	v19 =	vmul.f32 v24, v21;
	v25 =	vshrl.u32 v38, $0x10  }
0x14a: {  	v45 =	vand.u32 $0x1, v25;
	v8 =	vadd.f32 v15, v8;
	v7 =	vadd.f32 v12, v7  }
0x14b: {  	s31 =	sadd.s32 s24, s3;
	v15 =	vmul.f32 v20, v21;
	v12 =	vadd.f32 v22, v17;
	v9 =	vadd.f32 v23, v9  }
0x14c: {  	v11 =	vld [tilespmem:s31+$0x0];
	v20 =	vshrl.u32 v61, $0x10;
	v21 =	vshrl.u32 v31, $0x10;
	v22 =	vshrl.u32 v35, $0x10  }
0x14d: {  	s31 =	sadd.s32 s25, s30;
	v23 =	vshrl.u32 v27, $0x10;
	v24 =	vshrl.u32 v37, $0x10;
	v21 =	vand.u32 $0x1, v21  }
0x14e: {  	s30 =	sadd.s32 s28, s30;
	v16 =	vld [tilespmem:s31+$0x0];
	v20 =	vand.u32 $0x1, v20;
	v26 =	vshrl.u32 v39, $0x10;
	v30 =	vshrl.u32 v10, $0x10  }
0x14f: {  	s31 =	sadd.s32 s25, s3;
	v18 =	vld [tilespmem:s30+$0x0];
	v22 =	vand.u32 $0x1, v22;
	v44 =	vand.u32 $0x1, v23;
	v24 =	vand.u32 $0x1, v24  }
0x150: {  	v14 =	vld [tilespmem:s31+$0x0];
	s31 =	sadd.s32 s25, s0;
	v8 =	vadd.f32 v19, v8;
	v7 =	vadd.f32 v15, v7;
	v19 =	vshrl.u32 v62, $0x10  }
0x151: {  	s3 =	sadd.s32 s28, s3;
	v13 =	vld [tilespmem:s31+$0x0];
	v28 =	vshrl.u32 v11, $0x10;
	v31 =	vadd.s32 v21, v31;
	v20 =	vadd.s32 v20, v61  }
0x152: {  	s0 =	sadd.s32 s28, s0;
	v17 =	vld [tilespmem:s3+$0x0];
	v46 =	vand.u32 $0x1, v26;
	v34 =	vadd.s32 v22, v35;
	v27 =	vadd.s32 v44, v27  }
0x153: {  	v15 =	vld [tilespmem:s0+$0x0];
	v24 =	vadd.s32 v24, v37;
	v19 =	vand.u32 $0x1, v19;
	v29 =	vshrl.u32 v16, $0x10  }
0x154: {  	p0 =	sne.s32 s26, $0x7C0;
	v40 =	vshrl.u32 v18, $0x10;
	v23 =	vand.u32 $0x1, v28;
	v31 =	vadd.s32 $0x7FFF, v31  }
.Ltmp3:
0x155: {  	v33 =	vadd.s32 $0x7FFF, v20;
	v28 =	vadd.s32 v46, v39;
	v20 =	vadd.s32 v45, v38;
	(pc) =	sbr.rel @p0 .LBB2_9-.Ltmp3, $4  }
0x156: {  	v63 =	vshrl.u32 v14, $0x10;
	v32 =	vadd.s32 v19, v62;
	v29 =	vand.u32 $0x1, v29  }
0x157: {  	v19 =	vand.u32 $0x1, v30;
	v30 =	vand.u32 $0x1, v40;
	v41 =	vshrl.u32 v13, $0x10  }
0x158: {  	v42 =	vshrl.u32 v17, $0x10;
	v25 =	vand.u32 $0x1, v63;
	v43 =	vshrl.u32 v15, $0x10  }
0x159: {  	s21 =	smov.u32 s26;
	s26 =	sadd.s32 $0x40, s26;
	v21 =	vand.u32 $0x1, v41;
	v26 =	vand.u32 $0x1, v42;
	v22 =	vand.u32 $0x1, v43  }
0x15a: {  	s0 =	sand.u32 $0x780, s21;
	s3 =	sadd.s32 $0x40, s20  }
0x15b: {  	s0 =	sor.u32 $0x10000, s0;
	v35 =	vld [tilespmem:s3+$0x0]  }
0x15c: {  	s26 =	sor.u32 s25, s0  }
0x15d: {  	v36 =	vld [tilespmem:s26+$0x0]  }
0x15e: {  	v34 =	vadd.s32 $0x7FFF, v34;
	s28 =	sor.u32 s24, s0  }
0x15f: {  	v34 =	vand.u32 $0xFFFF0000, v34;
	v37 =	vld [tilespmem:s28+$0x0]  }
0x160: {  	v32 =	vadd.s32 $0x7FFF, v32;
	s0 =	sor.u32 s23, s0;
	v34 =	vmul.f32 v34, v35  }
0x161: {  	v32 =	vand.u32 $0xFFFF0000, v32;
	v38 =	vld [tilespmem:s0+$0x0]  }
0x162: {  	v12 =	vadd.f32 v34, v12;
	v32 =	vmul.f32 v32, v36  }
0x163: {  	v33 =	vand.u32 $0xFFFF0000, v33  }
0x164: {  	v62 =	vmul.f32 v33, v37;
	v12 =	vadd.f32 v32, v12  }
0x165: {  	v31 =	vand.u32 $0xFFFF0000, v31  }
0x166: {  	v31 =	vmul.f32 v31, v38;
	v12 =	vadd.f32 v62, v12;
	_ =	sdelay $0x1  }
0x167: {  	v12 =	vadd.f32 v31, v12;
	_ =	sdelay $0x1  }
0x168: {  	[tilespmem:$0x10880] =	vst v12  }
0x169: {  	v63 =	vld.idx.msk [tilespmem:v0+s14+$0x0], $0xffff;
	_ =	sdelay $0x4  }
0x16a: {  	v12 =	vadd.f32 v63, v12;
	_ =	sdelay $0x1  }
0x16b: {  	[tilespmem:$0x10880] =	vst v12  }
0x16c: {  	v33 =	vld.idx.msk [tilespmem:v1+s14+$0x0], $0xffff;
	_ =	sdelay $0x2  }
0x16d: {  	v18 =	vadd.s32 v30, v18  }
0x16e: {  	v18 =	vadd.s32 $0x7FFF, v18  }
0x16f: {  	v16 =	vadd.s32 v29, v16;
	v18 =	vand.u32 $0xFFFF0000, v18;
	v12 =	vadd.f32 v33, v12  }
0x170: {  	v16 =	vadd.s32 $0x7FFF, v16;
	v18 =	vmul.f32 v18, v35  }
0x171: {  	v16 =	vand.u32 $0xFFFF0000, v16;
	[tilespmem:$0x10880] =	vst v12  }
0x172: {  	v28 =	vadd.s32 $0x7FFF, v28;
	v16 =	vmul.f32 v16, v36;
	v9 =	vadd.f32 v18, v9;
	v34 =	vld.idx.msk [tilespmem:v2+s14+$0x0], $0xffff  }
0x173: {  	v39 =	vand.u32 $0xFFFF0000, v28  }
0x174: {  	v27 =	vadd.s32 $0x7FFF, v27;
	v18 =	vmul.f32 v39, v37;
	v9 =	vadd.f32 v16, v9  }
0x175: {  	v40 =	vand.u32 $0xFFFF0000, v27  }
0x176: {  	v16 =	vmul.f32 v40, v38;
	v9 =	vadd.f32 v18, v9  }
0x177: {  	v12 =	vadd.f32 v34, v12  }
0x178: {  	v9 =	vadd.f32 v16, v9  }
0x179: {  	[tilespmem:$0x10880] =	vst v12  }
0x17a: {  	v41 =	vld.idx.msk [tilespmem:v3+s14+$0x0], $0xffff;
	[tilespmem:$0x10880] =	vst v9  }
0x17b: {  	v42 =	vld.idx.msk [tilespmem:v0+s14+$0x0], $0xffff;
	_ =	sdelay $0x4  }
0x17c: {  	v9 =	vadd.f32 v42, v9;
	_ =	sdelay $0x1  }
0x17d: {  	[tilespmem:$0x10880] =	vst v9  }
0x17e: {  	v43 =	vld.idx.msk [tilespmem:v1+s14+$0x0], $0xffff;
	_ =	sdelay $0x2  }
0x17f: {  	v17 =	vadd.s32 v26, v17  }
0x180: {  	v17 =	vadd.s32 $0x7FFF, v17  }
0x181: {  	v14 =	vadd.s32 v25, v14;
	v17 =	vand.u32 $0xFFFF0000, v17;
	v9 =	vadd.f32 v43, v9  }
0x182: {  	v14 =	vadd.s32 $0x7FFF, v14;
	v17 =	vmul.f32 v17, v35  }
0x183: {  	v11 =	vadd.s32 v23, v11;
	v14 =	vand.u32 $0xFFFF0000, v14;
	[tilespmem:$0x10880] =	vst v9  }
0x184: {  	v11 =	vadd.s32 $0x7FFF, v11;
	v14 =	vmul.f32 v14, v36;
	v8 =	vadd.f32 v17, v8;
	v44 =	vld.idx.msk [tilespmem:v2+s14+$0x0], $0xffff  }
0x185: {  	v11 =	vand.u32 $0xFFFF0000, v11  }
0x186: {  	v45 =	vadd.s32 $0x7FFF, v24;
	v11 =	vmul.f32 v11, v37;
	v8 =	vadd.f32 v14, v8  }
0x187: {  	v46 =	vand.u32 $0xFFFF0000, v45  }
0x188: {  	v14 =	vmul.f32 v46, v38;
	v8 =	vadd.f32 v11, v8  }
0x189: {  	v9 =	vadd.f32 v44, v9  }
0x18a: {  	v8 =	vadd.f32 v14, v8  }
0x18b: {  	[tilespmem:$0x10880] =	vst v9  }
0x18c: {  	v47 =	vld.idx.msk [tilespmem:v3+s14+$0x0], $0xffff;
	[tilespmem:$0x10880] =	vst v8  }
0x18d: {  	v48 =	vld.idx.msk [tilespmem:v0+s14+$0x0], $0xffff;
	_ =	sdelay $0x4  }
0x18e: {  	v8 =	vadd.f32 v48, v8;
	_ =	sdelay $0x1  }
0x18f: {  	[tilespmem:$0x10880] =	vst v8  }
0x190: {  	v49 =	vld.idx.msk [tilespmem:v1+s14+$0x0], $0xffff;
	_ =	sdelay $0x2  }
0x191: {  	v15 =	vadd.s32 v22, v15  }
0x192: {  	v15 =	vadd.s32 $0x7FFF, v15  }
0x193: {  	v13 =	vadd.s32 v21, v13;
	v50 =	vand.u32 $0xFFFF0000, v15;
	v8 =	vadd.f32 v49, v8  }
0x194: {  	v13 =	vadd.s32 $0x7FFF, v13;
	v14 =	vmul.f32 v50, v35  }
0x195: {  	v10 =	vadd.s32 v19, v10;
	v13 =	vand.u32 $0xFFFF0000, v13;
	[tilespmem:$0x10880] =	vst v8  }
0x196: {  	v10 =	vadd.s32 $0x7FFF, v10;
	v13 =	vmul.f32 v13, v36;
	v7 =	vadd.f32 v14, v7;
	v51 =	vld.idx.msk [tilespmem:v2+s14+$0x0], $0xffff  }
0x197: {  	v10 =	vand.u32 $0xFFFF0000, v10  }
0x198: {  	v52 =	vadd.s32 $0x7FFF, v20;
	v10 =	vmul.f32 v10, v37;
	v7 =	vadd.f32 v13, v7  }
0x199: {  	v53 =	vand.u32 $0xFFFF0000, v52  }
0x19a: {  	v54 =	vmul.f32 v53, v38;
	v7 =	vadd.f32 v10, v7  }
0x19b: {  	v8 =	vadd.f32 v51, v8  }
0x19c: {  	v7 =	vadd.f32 v54, v7  }
0x19d: {  	[tilespmem:$0x10880] =	vst v8  }
0x19e: {  	v55 =	vld.idx.msk [tilespmem:v3+s14+$0x0], $0xffff;
	[tilespmem:$0x10880] =	vst v7  }
0x19f: {  	v56 =	vld.idx.msk [tilespmem:v0+s14+$0x0], $0xffff;
	_ =	sdelay $0x4  }
0x1a0: {  	v7 =	vadd.f32 v56, v7;
	_ =	sdelay $0x1  }
0x1a1: {  	[tilespmem:$0x10880] =	vst v7  }
0x1a2: {  	v57 =	vld.idx.msk [tilespmem:v1+s14+$0x0], $0xffff;
	_ =	sdelay $0x4  }
0x1a3: {  	v7 =	vadd.f32 v57, v7;
	_ =	sdelay $0x1  }
0x1a4: {  	[tilespmem:$0x10880] =	vst v7  }
0x1a5: {  	v58 =	vld.idx.msk [tilespmem:v2+s14+$0x0], $0xffff;
	_ =	sdelay $0x4  }
0x1a6: {  	v7 =	vadd.f32 v58, v7;
	_ =	sdelay $0x1  }
0x1a7: {  	[tilespmem:$0x10880] =	vst v7  }
0x1a8: {  	s29 =	sshll.u32 s19, $0x2;
	v59 =	vld.idx.msk [tilespmem:v3+s14+$0x0], $0xffff  }
0x1a9: {  	s31 =	sshllo.u32 s19, $0x2;
	s19 =	sadd.s32 $0x1, s19;
	v60 =	vmov s29;
	s30 =	sor.u32 $0x1, s29  }
0x1aa: {  	p0 =	sne.s32 s19, $0x4;
	vm0 =	veq.s32 v60, v4;
	v61 =	vmov s30;
	s0 =	sor.u32 $0x2, s29;
	v12 =	vadd.f32 v41, v12  }
.Ltmp4:
0x1ab: {  	vm13 =	veq.s32 v61, v4;
	v62 =	vmov s0;
	v9 =	vadd.f32 v47, v9;
	(pc) =	sbr.rel @p0 .LBB2_8-.Ltmp4, $4  }
0x1ac: {  	vm14 =	veq.s32 v62, v4;
	v6 =	vsel vm0, v12, v6;
	v8 =	vadd.f32 v55, v8  }
0x1ad: {  	v63 =	vmov s31;
	v6 =	vsel vm13, v9, v6;
	v7 =	vadd.f32 v59, v7  }
0x1ae: {  	vm15 =	veq.s32 v63, v4;
	v6 =	vsel vm14, v8, v6  }
0x1af: {  	v6 =	vsel vm15, v7, v6  }
0x1b0: {  	[tilespmem:$0x10810] =	vst v6;
	s18 =	simm.s32 $0x0  }
0x1b1: {  	[tilespmem:s12], [sflag:$0x2] =	stream.linear.gather [hbm4b:s7+s18], $0x8000, $0x38;
	[tilespmem:$0x10900] =	vst v63  }
0x1b2: {  	_ =	swait.ge [sflag:s13], $0x8000  }
0x1b3: {  	[sflag:s13] =	ssyncset.done $0x0  }
0x1b4: {  	v5 =	vimm.f32 $0.0e+00;
	v6 =	vimm.f32 $0.0e+00;
	s19 =	simm.s32 $0x0;
	[sflag:s13] =	ssyncadd.s32 $0xFFFF8000  }
.LBB2_12:
0x1b5: {  	s0 =	sshll.u32 s19, $0xD;
	s3 =	sshll.u32 s19, $0x9  }
0x1b6: {  	s0 =	sand.u32 $0x4000, s0;
	s3 =	sand.u32 $0x200, s3  }
0x1b7: {  	s0 =	sor.u32 s3, s0  }
0x1b8: {  	[dreg:$0x6] =	wrdreg s0  }
0x1b9: {  	s20 =	sand.u32 $0x3C00, s18;
	s3 =	sand.u32 $0x40, s18;
	s0 =	rddreg [dreg:$0x6]  }
0x1ba: {  	s22 =	sor.u32 $0x30, s3;
	s0 =	sadd.s32 s20, s0  }
0x1bb: {  	s21 =	sor.u32 $0x20, s3;
	s23 =	sadd.s32 s22, s0  }
0x1bc: {  	s20 =	sor.u32 $0x10, s3;
	s24 =	sadd.s32 s21, s0;
	v7 =	vld [tilespmem:s23+$0x0]  }
0x1bd: {  	s26 =	sadd.s32 s20, s0;
	v8 =	vld [tilespmem:s24+$0x0]  }
0x1be: {  	s28 =	sadd.s32 s3, s0;
	s25 =	sadd.s32 $0x80, s0;
	v9 =	vld [tilespmem:s26+$0x0]  }
0x1bf: {  	v10 =	vld [tilespmem:s28+$0x0];
	s29 =	sadd.s32 s22, s25  }
0x1c0: {  	s23 =	sadd.s32 $0x100, s0;
	s26 =	sadd.s32 s21, s25;
	v11 =	vld [tilespmem:s29+$0x0]  }
0x1c1: {  	s0 =	sadd.s32 $0x180, s0;
	s30 =	sadd.s32 s22, s23;
	v14 =	vld [tilespmem:s26+$0x0]  }
0x1c2: {  	s31 =	sadd.s32 s22, s0;
	v12 =	vld [tilespmem:s30+$0x0]  }
0x1c3: {  	s26 =	sadd.s32 s21, s23;
	v13 =	vld [tilespmem:s31+$0x0]  }
0x1c4: {  	s28 =	sadd.s32 s21, s0;
	v15 =	vld [tilespmem:s26+$0x0]  }
0x1c5: {  	s29 =	sadd.s32 s20, s25;
	v16 =	vld [tilespmem:s28+$0x0]  }
0x1c6: {  	s25 =	sadd.s32 s3, s25;
	v17 =	vld [tilespmem:s29+$0x0]  }
0x1c7: {  	s30 =	sadd.s32 s20, s23;
	v20 =	vld [tilespmem:s25+$0x0];
	v22 =	vshrl.u32 v9, $0x10  }
0x1c8: {  	s31 =	sadd.s32 s20, s0;
	v18 =	vld [tilespmem:s30+$0x0];
	v23 =	vshrl.u32 v8, $0x10;
	v24 =	vshrl.u32 v7, $0x10;
	v25 =	vshrl.u32 v10, $0x10  }
0x1c9: {  	s23 =	sadd.s32 s3, s23;
	v19 =	vld [tilespmem:s31+$0x0];
	v24 =	vand.u32 $0x1, v24;
	v27 =	vshrl.u32 v11, $0x10;
	v23 =	vand.u32 $0x1, v23  }
0x1ca: {  	s0 =	sadd.s32 s3, s0;
	v21 =	vld [tilespmem:s23+$0x0];
	v30 =	vshrl.u32 v14, $0x10;
	v22 =	vand.u32 $0x1, v22;
	v25 =	vand.u32 $0x1, v25  }
0x1cb: {  	v26 =	vld [tilespmem:s0+$0x0];
	v28 =	vshrl.u32 v12, $0x10;
	v29 =	vshrl.u32 v13, $0x10;
	v31 =	vshrl.u32 v15, $0x10  }
0x1cc: {  	v32 =	vshrl.u32 v16, $0x10;
	v33 =	vshrl.u32 v17, $0x10;
	v35 =	vshrl.u32 v20, $0x10  }
0x1cd: {  	v7 =	vadd.s32 v24, v7;
	v24 =	vand.u32 $0x1, v27;
	v8 =	vadd.s32 v23, v8  }
0x1ce: {  	v23 =	vand.u32 $0x1, v30;
	v9 =	vadd.s32 v22, v9;
	v10 =	vadd.s32 v25, v10  }
0x1cf: {  	v34 =	vshrl.u32 v18, $0x10;
	v36 =	vshrl.u32 v19, $0x10;
	v37 =	vshrl.u32 v21, $0x10  }
0x1d0: {  	v38 =	vshrl.u32 v26, $0x10;
	v27 =	vand.u32 $0x1, v28;
	v28 =	vand.u32 $0x1, v29  }
0x1d1: {  	v29 =	vand.u32 $0x1, v31;
	v22 =	vand.u32 $0x1, v33;
	v30 =	vand.u32 $0x1, v32  }
0x1d2: {  	v55 =	vand.u32 $0x1, v35;
	v7 =	vadd.s32 $0x7FFF, v7;
	v11 =	vadd.s32 v24, v11  }
0x1d3: {  	v8 =	vadd.s32 $0x7FFF, v8;
	v14 =	vadd.s32 v23, v14;
	v9 =	vadd.s32 $0x7FFF, v9  }
0x1d4: {  	v10 =	vadd.s32 $0x7FFF, v10;
	v25 =	vand.u32 $0x1, v34;
	v31 =	vand.u32 $0x1, v36  }
0x1d5: {  	v56 =	vand.u32 $0x1, v37;
	v57 =	vand.u32 $0x1, v38;
	v12 =	vadd.s32 v27, v12  }
0x1d6: {  	v13 =	vadd.s32 v28, v13;
	v15 =	vadd.s32 v29, v15;
	v16 =	vadd.s32 v30, v16  }
0x1d7: {  	v17 =	vadd.s32 v22, v17;
	v20 =	vadd.s32 v55, v20;
	v7 =	vand.u32 $0xFFFF0000, v7  }
0x1d8: {  	s24 =	sand.u32 $0x780, s18;
	v11 =	vadd.s32 $0x7FFF, v11;
	v8 =	vand.u32 $0xFFFF0000, v8;
	v14 =	vadd.s32 $0x7FFF, v14  }
0x1d9: {  	s0 =	sor.u32 $0x10000, s24;
	v9 =	vand.u32 $0xFFFF0000, v9;
	v10 =	vand.u32 $0xFFFF0000, v10;
	v18 =	vadd.s32 v25, v18  }
0x1da: {  	s25 =	sor.u32 s22, s0;
	v19 =	vadd.s32 v31, v19;
	v21 =	vadd.s32 v56, v21;
	v22 =	vadd.s32 v57, v26  }
0x1db: {  	s28 =	rddreg [dreg:$0x6];
	s26 =	sor.u32 s21, s0;
	v23 =	vld [tilespmem:s25+$0x0];
	v12 =	vadd.s32 $0x7FFF, v12;
	v13 =	vadd.s32 $0x7FFF, v13;
	v15 =	vadd.s32 $0x7FFF, v15  }
0x1dc: {  	s0 =	sor.u32 s20, s0;
	s21 =	simm.s32 $0x40;
	s22 =	simm.s32 $0x200;
	v24 =	vld [tilespmem:s26+$0x0];
	v16 =	vadd.s32 $0x7FFF, v16;
	v17 =	vadd.s32 $0x7FFF, v17;
	v20 =	vadd.s32 $0x7FFF, v20  }
0x1dd: {  	s20 =	simm.s32 $0x10000;
	s29 =	sand.u32 $0x3C00, s22;
	s26 =	sand.u32 $0x40, s21;
	v25 =	vld [tilespmem:s0+$0x0];
	v11 =	vand.u32 $0xFFFF0000, v11;
	v14 =	vand.u32 $0xFFFF0000, v14;
	v18 =	vadd.s32 $0x7FFF, v18  }
0x1de: {  	s23 =	sor.u32 $0x30, s26;
	v26 =	vld [tilespmem:s20+$0x0];
	s0 =	sadd.s32 s29, s28;
	v19 =	vadd.s32 $0x7FFF, v19;
	v21 =	vadd.s32 $0x7FFF, v21;
	v22 =	vadd.s32 $0x7FFF, v22  }
0x1df: {  	s25 =	sor.u32 $0x10, s26;
	s30 =	sadd.s32 s23, s0;
	v12 =	vand.u32 $0xFFFF0000, v12;
	v13 =	vand.u32 $0xFFFF0000, v13;
	v15 =	vand.u32 $0xFFFF0000, v15  }
0x1e0: {  	s24 =	sor.u32 $0x20, s26;
	s31 =	sadd.s32 s25, s0;
	v17 =	vand.u32 $0xFFFF0000, v17;
	v16 =	vand.u32 $0xFFFF0000, v16;
	v20 =	vand.u32 $0xFFFF0000, v20;
	v27 =	vld [tilespmem:s30+$0x0]  }
0x1e1: {  	s28 =	sadd.s32 s24, s0;
	s29 =	sadd.s32 $0x80, s0;
	s30 =	sadd.s32 s26, s0;
	v29 =	vld [tilespmem:s31+$0x0];
	v18 =	vand.u32 $0xFFFF0000, v18;
	v7 =	vmul.f32 v7, v23;
	v8 =	vmul.f32 v8, v24  }
0x1e2: {  	s3 =	sadd.s32 $0x100, s0;
	s31 =	sadd.s32 s23, s29;
	v21 =	vand.u32 $0xFFFF0000, v21;
	s0 =	sadd.s32 $0x180, s0;
	v30 =	vld [tilespmem:s30+$0x0];
	v14 =	vmul.f32 v14, v24;
	v31 =	vmul.f32 v11, v23  }
0x1e3: {  	v19 =	vand.u32 $0xFFFF0000, v19;
	v58 =	vld [tilespmem:s31+$0x0];
	s31 =	sadd.s32 s23, s0;
	v9 =	vmul.f32 v9, v25;
	v10 =	vmul.f32 v10, v26  }
0x1e4: {  	s30 =	sadd.s32 s23, s3;
	v60 =	vld [tilespmem:s31+$0x0];
	v11 =	vmul.f32 v20, v26;
	v20 =	vand.u32 $0xFFFF0000, v22;
	v21 =	vmul.f32 v21, v26  }
0x1e5: {  	v59 =	vld [tilespmem:s30+$0x0];
	s30 =	sadd.s32 s24, s29;
	v17 =	vmul.f32 v17, v25;
	v20 =	vmul.f32 v20, v26;
	v10 =	vadd.f32 v10, v5  }
0x1e6: {  	v18 =	vmul.f32 v18, v25;
	v61 =	vld [tilespmem:s30+$0x0];
	v22 =	vadd.f32 v11, v5;
	v21 =	vadd.f32 v21, v5  }
0x1e7: {  	v15 =	vmul.f32 v15, v24;
	v20 =	vadd.f32 v20, v5;
	v9 =	vadd.f32 v9, v10  }
0x1e8: {  	v19 =	vmul.f32 v19, v25;
	v17 =	vadd.f32 v17, v22;
	v18 =	vadd.f32 v18, v21  }
0x1e9: {  	v21 =	vshrl.u32 v27, $0x10;
	v22 =	vshrl.u32 v30, $0x10;
	v25 =	vshrl.u32 v60, $0x10  }
0x1ea: {  	v19 =	vadd.f32 v19, v20;
	v20 =	vmul.f32 v16, v24;
	v21 =	vand.u32 $0x1, v21  }
0x1eb: {  	v28 =	vld [tilespmem:s28+$0x0];
	s30 =	sadd.s32 s24, s3;
	v24 =	vshrl.u32 v59, $0x10;
	v26 =	vshrl.u32 v61, $0x10;
	v22 =	vand.u32 $0x1, v22  }
0x1ec: {  	s28 =	sadd.s32 s24, s0;
	v11 =	vld [tilespmem:s30+$0x0];
	v45 =	vand.u32 $0x1, v25;
	v8 =	vadd.f32 v8, v9;
	v9 =	vadd.f32 v14, v17  }
0x1ed: {  	s31 =	sadd.s32 s25, s29;
	v10 =	vld [tilespmem:s28+$0x0];
	v17 =	vmul.f32 v12, v23;
	v15 =	vadd.f32 v15, v18;
	v27 =	vadd.s32 v21, v27  }
0x1ee: {  	s30 =	sadd.s32 s25, s3;
	v16 =	vld [tilespmem:s31+$0x0];
	v24 =	vand.u32 $0x1, v24;
	v34 =	vadd.s32 v22, v30;
	v19 =	vadd.f32 v20, v19  }
0x1ef: {  	s29 =	sadd.s32 s26, s29;
	v14 =	vld [tilespmem:s30+$0x0];
	v20 =	vmul.f32 v13, v23;
	v23 =	vshrl.u32 v58, $0x10;
	v12 =	vadd.f32 v7, v8  }
0x1f0: {  	v18 =	vld [tilespmem:s29+$0x0];
	v24 =	vadd.s32 v24, v59;
	v9 =	vadd.f32 v31, v9;
	v8 =	vadd.f32 v17, v15  }
0x1f1: {  	s31 =	sadd.s32 s25, s0;
	v31 =	vshrl.u32 v11, $0x10;
	v44 =	vand.u32 $0x1, v23;
	v7 =	vadd.f32 v20, v19  }
0x1f2: {  	s3 =	sadd.s32 s26, s3;
	v13 =	vld [tilespmem:s31+$0x0];
	v19 =	vshrl.u32 v29, $0x10;
	v20 =	vshrl.u32 v28, $0x10;
	v62 =	vshrl.u32 v10, $0x10  }
0x1f3: {  	s0 =	sadd.s32 s26, s0;
	v17 =	vld [tilespmem:s3+$0x0];
	v23 =	vand.u32 $0x1, v31;
	v31 =	vadd.s32 $0x7FFF, v27;
	v27 =	vadd.s32 v44, v58  }
0x1f4: {  	v15 =	vld [tilespmem:s0+$0x0];
	v20 =	vand.u32 $0x1, v20;
	v19 =	vand.u32 $0x1, v19;
	v63 =	vshrl.u32 v16, $0x10  }
0x1f5: {  	v39 =	vshrl.u32 v14, $0x10;
	v40 =	vshrl.u32 v18, $0x10;
	v20 =	vadd.s32 v20, v28  }
0x1f6: {  	v28 =	vand.u32 $0x1, v26;
	v32 =	vadd.s32 v19, v29;
	v29 =	vand.u32 $0x1, v63  }
0x1f7: {  	v19 =	vand.u32 $0x1, v62;
	v41 =	vshrl.u32 v13, $0x10;
	v25 =	vand.u32 $0x1, v39  }
0x1f8: {  	v30 =	vand.u32 $0x1, v40;
	v33 =	vadd.s32 $0x7FFF, v20;
	v28 =	vadd.s32 v28, v61  }
0x1f9: {  	v20 =	vadd.s32 v45, v60;
	v42 =	vshrl.u32 v17, $0x10;
	v43 =	vshrl.u32 v15, $0x10  }
0x1fa: {  	s26 =	simm.s32 $0x80;
	v21 =	vand.u32 $0x1, v41;
	v26 =	vand.u32 $0x1, v42;
	v22 =	vand.u32 $0x1, v43  }
.LBB2_13:
0x1fb: {  	v32 =	vadd.s32 $0x7FFF, v32  }
0x1fc: {  	v11 =	vadd.s32 v23, v11;
	v10 =	vadd.s32 v19, v10;
	v16 =	vadd.s32 v29, v16  }
0x1fd: {  	v14 =	vadd.s32 v25, v14;
	v13 =	vadd.s32 v21, v13;
	v19 =	vadd.s32 $0x7FFF, v34  }
0x1fe: {  	v18 =	vadd.s32 v30, v18;
	v17 =	vadd.s32 v26, v17;
	v15 =	vadd.s32 v22, v15  }
0x1ff: {  	s0 =	sand.u32 $0x780, s21;
	v22 =	vand.u32 $0xFFFF0000, v31;
	v23 =	vadd.s32 $0x7FFF, v27;
	v25 =	vand.u32 $0xFFFF0000, v33  }
0x200: {  	v24 =	vadd.s32 $0x7FFF, v24;
	v20 =	vadd.s32 $0x7FFF, v20;
	v27 =	vadd.s32 $0x7FFF, v28;
	s20 =	sadd.s32 $0x40, s20;
	s0 =	sor.u32 $0x10000, s0  }
0x201: {  	v11 =	vadd.s32 $0x7FFF, v11;
	v10 =	vadd.s32 $0x7FFF, v10;
	v29 =	vand.u32 $0xFFFF0000, v32;
	v30 =	vld [tilespmem:s20+$0x0];
	s3 =	sor.u32 s23, s0  }
0x202: {  	v16 =	vadd.s32 $0x7FFF, v16;
	v14 =	vadd.s32 $0x7FFF, v14;
	v19 =	vand.u32 $0xFFFF0000, v19;
	s23 =	sor.u32 s24, s0;
	v21 =	vld [tilespmem:s3+$0x0]  }
0x203: {  	v18 =	vadd.s32 $0x7FFF, v18;
	v13 =	vadd.s32 $0x7FFF, v13;
	v17 =	vadd.s32 $0x7FFF, v17;
	s0 =	sor.u32 s25, s0;
	v26 =	vld [tilespmem:s23+$0x0]  }
0x204: {  	s22 =	sadd.s32 $0x200, s22;
	v15 =	vadd.s32 $0x7FFF, v15;
	v23 =	vand.u32 $0xFFFF0000, v23;
	v24 =	vand.u32 $0xFFFF0000, v24;
	v28 =	vld [tilespmem:s0+$0x0]  }
0x205: {  	s28 =	sand.u32 $0x40, s26;
	s29 =	sand.u32 $0x3C00, s22;
	v20 =	vand.u32 $0xFFFF0000, v20;
	v27 =	vand.u32 $0xFFFF0000, v27;
	s24 =	rddreg [dreg:$0x6];
	v60 =	vand.u32 $0xFFFF0000, v11  }
0x206: {  	v11 =	vand.u32 $0xFFFF0000, v16;
	v16 =	vand.u32 $0xFFFF0000, v10;
	v18 =	vand.u32 $0xFFFF0000, v18;
	s0 =	sadd.s32 s29, s24;
	s23 =	sor.u32 $0x30, s28  }
0x207: {  	s25 =	sor.u32 $0x10, s28;
	v15 =	vand.u32 $0xFFFF0000, v15;
	s24 =	sor.u32 $0x20, s28;
	s30 =	sadd.s32 s23, s0;
	v10 =	vmul.f32 v19, v30;
	v18 =	vmul.f32 v18, v30  }
0x208: {  	v14 =	vand.u32 $0xFFFF0000, v14;
	s29 =	sadd.s32 s24, s0;
	s3 =	sadd.s32 s25, s0;
	s31 =	sadd.s32 s28, s0;
	v31 =	vld [tilespmem:s30+$0x0];
	v15 =	vmul.f32 v15, v30;
	v22 =	vmul.f32 v22, v21  }
0x209: {  	v17 =	vand.u32 $0xFFFF0000, v17;
	s30 =	sadd.s32 $0x80, s0;
	v62 =	vld [tilespmem:s3+$0x0];
	s3 =	sadd.s32 $0x100, s0;
	s0 =	sadd.s32 $0x180, s0;
	v25 =	vmul.f32 v25, v26;
	v29 =	vmul.f32 v29, v28  }
0x20a: {  	v13 =	vand.u32 $0xFFFF0000, v13;
	v61 =	vld [tilespmem:s29+$0x0];
	s29 =	sadd.s32 s23, s0;
	v19 =	vmul.f32 v27, v26;
	v23 =	vmul.f32 v23, v21  }
0x20b: {  	v38 =	vld [tilespmem:s29+$0x0];
	v36 =	vmul.f32 v11, v28;
	v11 =	vmul.f32 v17, v30;
	v10 =	vadd.f32 v10, v12  }
0x20c: {  	v35 =	vld [tilespmem:s31+$0x0];
	s31 =	sadd.s32 s23, s30;
	v9 =	vadd.f32 v18, v9;
	v7 =	vadd.f32 v15, v7;
	v13 =	vmul.f32 v13, v28  }
0x20d: {  	v27 =	vld [tilespmem:s31+$0x0];
	s31 =	sadd.s32 s23, s3;
	v12 =	vmul.f32 v14, v28;
	v8 =	vadd.f32 v11, v8;
	v14 =	vadd.f32 v29, v10  }
0x20e: {  	v15 =	vmul.f32 v60, v26;
	v37 =	vld [tilespmem:s31+$0x0];
	s31 =	sadd.s32 s24, s30;
	v9 =	vadd.f32 v36, v9;
	v7 =	vadd.f32 v13, v7  }
0x20f: {  	s29 =	sadd.s32 s24, s0;
	v39 =	vld [tilespmem:s31+$0x0];
	v8 =	vadd.f32 v12, v8;
	v12 =	vmul.f32 v16, v26;
	v17 =	vadd.f32 v25, v14  }
0x210: {  	v10 =	vld [tilespmem:s29+$0x0];
	v9 =	vadd.f32 v19, v9;
	v19 =	vmul.f32 v24, v21;
	v25 =	vshrl.u32 v38, $0x10  }
0x211: {  	v45 =	vand.u32 $0x1, v25;
	v8 =	vadd.f32 v15, v8;
	v7 =	vadd.f32 v12, v7  }
0x212: {  	s31 =	sadd.s32 s24, s3;
	v15 =	vmul.f32 v20, v21;
	v12 =	vadd.f32 v22, v17;
	v9 =	vadd.f32 v23, v9  }
0x213: {  	v11 =	vld [tilespmem:s31+$0x0];
	v20 =	vshrl.u32 v61, $0x10;
	v21 =	vshrl.u32 v31, $0x10;
	v22 =	vshrl.u32 v35, $0x10  }
0x214: {  	s31 =	sadd.s32 s25, s30;
	v23 =	vshrl.u32 v27, $0x10;
	v24 =	vshrl.u32 v37, $0x10;
	v21 =	vand.u32 $0x1, v21  }
0x215: {  	s30 =	sadd.s32 s28, s30;
	v16 =	vld [tilespmem:s31+$0x0];
	v20 =	vand.u32 $0x1, v20;
	v26 =	vshrl.u32 v39, $0x10;
	v30 =	vshrl.u32 v10, $0x10  }
0x216: {  	s31 =	sadd.s32 s25, s3;
	v18 =	vld [tilespmem:s30+$0x0];
	v22 =	vand.u32 $0x1, v22;
	v44 =	vand.u32 $0x1, v23;
	v24 =	vand.u32 $0x1, v24  }
0x217: {  	v14 =	vld [tilespmem:s31+$0x0];
	s31 =	sadd.s32 s25, s0;
	v8 =	vadd.f32 v19, v8;
	v7 =	vadd.f32 v15, v7;
	v19 =	vshrl.u32 v62, $0x10  }
0x218: {  	s3 =	sadd.s32 s28, s3;
	v13 =	vld [tilespmem:s31+$0x0];
	v28 =	vshrl.u32 v11, $0x10;
	v31 =	vadd.s32 v21, v31;
	v20 =	vadd.s32 v20, v61  }
0x219: {  	s0 =	sadd.s32 s28, s0;
	v17 =	vld [tilespmem:s3+$0x0];
	v46 =	vand.u32 $0x1, v26;
	v34 =	vadd.s32 v22, v35;
	v27 =	vadd.s32 v44, v27  }
0x21a: {  	v15 =	vld [tilespmem:s0+$0x0];
	v24 =	vadd.s32 v24, v37;
	v19 =	vand.u32 $0x1, v19;
	v29 =	vshrl.u32 v16, $0x10  }
0x21b: {  	p0 =	sne.s32 s26, $0x7C0;
	v40 =	vshrl.u32 v18, $0x10;
	v23 =	vand.u32 $0x1, v28;
	v31 =	vadd.s32 $0x7FFF, v31  }
.Ltmp5:
0x21c: {  	v33 =	vadd.s32 $0x7FFF, v20;
	v28 =	vadd.s32 v46, v39;
	v20 =	vadd.s32 v45, v38;
	(pc) =	sbr.rel @p0 .LBB2_13-.Ltmp5, $4  }
0x21d: {  	v63 =	vshrl.u32 v14, $0x10;
	v32 =	vadd.s32 v19, v62;
	v29 =	vand.u32 $0x1, v29  }
0x21e: {  	v19 =	vand.u32 $0x1, v30;
	v30 =	vand.u32 $0x1, v40;
	v41 =	vshrl.u32 v13, $0x10  }
0x21f: {  	v42 =	vshrl.u32 v17, $0x10;
	v25 =	vand.u32 $0x1, v63;
	v43 =	vshrl.u32 v15, $0x10  }
0x220: {  	s21 =	smov.u32 s26;
	s26 =	sadd.s32 $0x40, s26;
	v21 =	vand.u32 $0x1, v41;
	v26 =	vand.u32 $0x1, v42;
	v22 =	vand.u32 $0x1, v43  }
0x221: {  	s0 =	sand.u32 $0x780, s21;
	s3 =	sadd.s32 $0x40, s20  }
0x222: {  	s0 =	sor.u32 $0x10000, s0;
	v35 =	vld [tilespmem:s3+$0x0]  }
0x223: {  	s26 =	sor.u32 s25, s0  }
0x224: {  	v36 =	vld [tilespmem:s26+$0x0]  }
0x225: {  	v34 =	vadd.s32 $0x7FFF, v34;
	s28 =	sor.u32 s24, s0  }
0x226: {  	v34 =	vand.u32 $0xFFFF0000, v34;
	v37 =	vld [tilespmem:s28+$0x0]  }
0x227: {  	v32 =	vadd.s32 $0x7FFF, v32;
	s0 =	sor.u32 s23, s0;
	v34 =	vmul.f32 v34, v35  }
0x228: {  	v32 =	vand.u32 $0xFFFF0000, v32;
	v38 =	vld [tilespmem:s0+$0x0]  }
0x229: {  	v12 =	vadd.f32 v34, v12;
	v32 =	vmul.f32 v32, v36  }
0x22a: {  	v33 =	vand.u32 $0xFFFF0000, v33  }
0x22b: {  	v62 =	vmul.f32 v33, v37;
	v12 =	vadd.f32 v32, v12  }
0x22c: {  	v31 =	vand.u32 $0xFFFF0000, v31  }
0x22d: {  	v31 =	vmul.f32 v31, v38;
	v12 =	vadd.f32 v62, v12;
	_ =	sdelay $0x1  }
0x22e: {  	v12 =	vadd.f32 v31, v12;
	_ =	sdelay $0x1  }
0x22f: {  	[tilespmem:$0x10880] =	vst v12  }
0x230: {  	v63 =	vld.idx.msk [tilespmem:v0+s14+$0x0], $0xffff;
	_ =	sdelay $0x4  }
0x231: {  	v12 =	vadd.f32 v63, v12;
	_ =	sdelay $0x1  }
0x232: {  	[tilespmem:$0x10880] =	vst v12  }
0x233: {  	v33 =	vld.idx.msk [tilespmem:v1+s14+$0x0], $0xffff;
	_ =	sdelay $0x2  }
0x234: {  	v18 =	vadd.s32 v30, v18  }
0x235: {  	v18 =	vadd.s32 $0x7FFF, v18  }
0x236: {  	v16 =	vadd.s32 v29, v16;
	v18 =	vand.u32 $0xFFFF0000, v18;
	v12 =	vadd.f32 v33, v12  }
0x237: {  	v16 =	vadd.s32 $0x7FFF, v16;
	v18 =	vmul.f32 v18, v35  }
0x238: {  	v16 =	vand.u32 $0xFFFF0000, v16;
	[tilespmem:$0x10880] =	vst v12  }
0x239: {  	v28 =	vadd.s32 $0x7FFF, v28;
	v16 =	vmul.f32 v16, v36;
	v9 =	vadd.f32 v18, v9;
	v34 =	vld.idx.msk [tilespmem:v2+s14+$0x0], $0xffff  }
0x23a: {  	v39 =	vand.u32 $0xFFFF0000, v28  }
0x23b: {  	v27 =	vadd.s32 $0x7FFF, v27;
	v18 =	vmul.f32 v39, v37;
	v9 =	vadd.f32 v16, v9  }
0x23c: {  	v40 =	vand.u32 $0xFFFF0000, v27  }
0x23d: {  	v16 =	vmul.f32 v40, v38;
	v9 =	vadd.f32 v18, v9  }
0x23e: {  	v12 =	vadd.f32 v34, v12  }
0x23f: {  	v9 =	vadd.f32 v16, v9  }
0x240: {  	[tilespmem:$0x10880] =	vst v12  }
0x241: {  	v41 =	vld.idx.msk [tilespmem:v3+s14+$0x0], $0xffff;
	[tilespmem:$0x10880] =	vst v9  }
0x242: {  	v42 =	vld.idx.msk [tilespmem:v0+s14+$0x0], $0xffff;
	_ =	sdelay $0x4  }
0x243: {  	v9 =	vadd.f32 v42, v9;
	_ =	sdelay $0x1  }
0x244: {  	[tilespmem:$0x10880] =	vst v9  }
0x245: {  	v43 =	vld.idx.msk [tilespmem:v1+s14+$0x0], $0xffff;
	_ =	sdelay $0x2  }
0x246: {  	v17 =	vadd.s32 v26, v17  }
0x247: {  	v17 =	vadd.s32 $0x7FFF, v17  }
0x248: {  	v14 =	vadd.s32 v25, v14;
	v17 =	vand.u32 $0xFFFF0000, v17;
	v9 =	vadd.f32 v43, v9  }
0x249: {  	v14 =	vadd.s32 $0x7FFF, v14;
	v17 =	vmul.f32 v17, v35  }
0x24a: {  	v11 =	vadd.s32 v23, v11;
	v14 =	vand.u32 $0xFFFF0000, v14;
	[tilespmem:$0x10880] =	vst v9  }
0x24b: {  	v11 =	vadd.s32 $0x7FFF, v11;
	v14 =	vmul.f32 v14, v36;
	v8 =	vadd.f32 v17, v8;
	v44 =	vld.idx.msk [tilespmem:v2+s14+$0x0], $0xffff  }
0x24c: {  	v11 =	vand.u32 $0xFFFF0000, v11  }
0x24d: {  	v45 =	vadd.s32 $0x7FFF, v24;
	v11 =	vmul.f32 v11, v37;
	v8 =	vadd.f32 v14, v8  }
0x24e: {  	v46 =	vand.u32 $0xFFFF0000, v45  }
0x24f: {  	v14 =	vmul.f32 v46, v38;
	v8 =	vadd.f32 v11, v8  }
0x250: {  	v9 =	vadd.f32 v44, v9  }
0x251: {  	v8 =	vadd.f32 v14, v8  }
0x252: {  	[tilespmem:$0x10880] =	vst v9  }
0x253: {  	v47 =	vld.idx.msk [tilespmem:v3+s14+$0x0], $0xffff;
	[tilespmem:$0x10880] =	vst v8  }
0x254: {  	v48 =	vld.idx.msk [tilespmem:v0+s14+$0x0], $0xffff;
	_ =	sdelay $0x4  }
0x255: {  	v8 =	vadd.f32 v48, v8;
	_ =	sdelay $0x1  }
0x256: {  	[tilespmem:$0x10880] =	vst v8  }
0x257: {  	v49 =	vld.idx.msk [tilespmem:v1+s14+$0x0], $0xffff;
	_ =	sdelay $0x2  }
0x258: {  	v15 =	vadd.s32 v22, v15  }
0x259: {  	v15 =	vadd.s32 $0x7FFF, v15  }
0x25a: {  	v13 =	vadd.s32 v21, v13;
	v50 =	vand.u32 $0xFFFF0000, v15;
	v8 =	vadd.f32 v49, v8  }
0x25b: {  	v13 =	vadd.s32 $0x7FFF, v13;
	v14 =	vmul.f32 v50, v35  }
0x25c: {  	v10 =	vadd.s32 v19, v10;
	v13 =	vand.u32 $0xFFFF0000, v13;
	[tilespmem:$0x10880] =	vst v8  }
0x25d: {  	v10 =	vadd.s32 $0x7FFF, v10;
	v13 =	vmul.f32 v13, v36;
	v7 =	vadd.f32 v14, v7;
	v51 =	vld.idx.msk [tilespmem:v2+s14+$0x0], $0xffff  }
0x25e: {  	v10 =	vand.u32 $0xFFFF0000, v10  }
0x25f: {  	v52 =	vadd.s32 $0x7FFF, v20;
	v10 =	vmul.f32 v10, v37;
	v7 =	vadd.f32 v13, v7  }
0x260: {  	v53 =	vand.u32 $0xFFFF0000, v52  }
0x261: {  	v54 =	vmul.f32 v53, v38;
	v7 =	vadd.f32 v10, v7  }
0x262: {  	v8 =	vadd.f32 v51, v8  }
0x263: {  	v7 =	vadd.f32 v54, v7  }
0x264: {  	[tilespmem:$0x10880] =	vst v8  }
0x265: {  	v55 =	vld.idx.msk [tilespmem:v3+s14+$0x0], $0xffff;
	[tilespmem:$0x10880] =	vst v7  }
0x266: {  	v56 =	vld.idx.msk [tilespmem:v0+s14+$0x0], $0xffff;
	_ =	sdelay $0x4  }
0x267: {  	v7 =	vadd.f32 v56, v7;
	_ =	sdelay $0x1  }
0x268: {  	[tilespmem:$0x10880] =	vst v7  }
0x269: {  	v57 =	vld.idx.msk [tilespmem:v1+s14+$0x0], $0xffff;
	_ =	sdelay $0x4  }
0x26a: {  	v7 =	vadd.f32 v57, v7;
	_ =	sdelay $0x1  }
0x26b: {  	[tilespmem:$0x10880] =	vst v7  }
0x26c: {  	v58 =	vld.idx.msk [tilespmem:v2+s14+$0x0], $0xffff;
	_ =	sdelay $0x4  }
0x26d: {  	v7 =	vadd.f32 v58, v7;
	_ =	sdelay $0x1  }
0x26e: {  	[tilespmem:$0x10880] =	vst v7  }
0x26f: {  	s29 =	sshll.u32 s19, $0x2;
	v59 =	vld.idx.msk [tilespmem:v3+s14+$0x0], $0xffff  }
0x270: {  	s31 =	sshllo.u32 s19, $0x2;
	s19 =	sadd.s32 $0x1, s19;
	v60 =	vmov s29;
	s30 =	sor.u32 $0x1, s29  }
0x271: {  	p0 =	sne.s32 s19, $0x4;
	vm0 =	veq.s32 v60, v4;
	v61 =	vmov s30;
	s0 =	sor.u32 $0x2, s29;
	v12 =	vadd.f32 v41, v12  }
.Ltmp6:
0x272: {  	vm13 =	veq.s32 v61, v4;
	v62 =	vmov s0;
	v9 =	vadd.f32 v47, v9;
	(pc) =	sbr.rel @p0 .LBB2_12-.Ltmp6, $4  }
0x273: {  	vm14 =	veq.s32 v62, v4;
	v6 =	vsel vm0, v12, v6;
	v8 =	vadd.f32 v55, v8  }
0x274: {  	v63 =	vmov s31;
	v6 =	vsel vm13, v9, v6;
	v7 =	vadd.f32 v59, v7  }
0x275: {  	vm15 =	veq.s32 v63, v4;
	v6 =	vsel vm14, v8, v6  }
0x276: {  	v6 =	vsel vm15, v7, v6  }
0x277: {  	[tilespmem:$0x10820] =	vst v6  }
0x278: {  	_ =	swait.ge [sflag:s15], $0x8000  }
0x279: {  	[sflag:s15] =	ssyncset.done $0x0  }
0x27a: {  	s18 =	simm.s32 $0x0;
	v5 =	vimm.f32 $0.0e+00;
	v6 =	vimm.f32 $0.0e+00;
	s19 =	simm.s32 $0x0;
	[sflag:s15] =	ssyncadd.s32 $0xFFFF8000  }
.LBB2_16:
0x27b: {  	s0 =	sshll.u32 s19, $0xD;
	s3 =	sshll.u32 s19, $0x9  }
0x27c: {  	s0 =	sand.u32 $0x4000, s0;
	s3 =	sand.u32 $0x200, s3  }
0x27d: {  	s0 =	sor.u32 s3, s0  }
0x27e: {  	s0 =	sor.u32 $0x8000, s0  }
0x27f: {  	[dreg:$0x7] =	wrdreg s0  }
0x280: {  	s20 =	sand.u32 $0x3C00, s18;
	s3 =	sand.u32 $0x40, s18;
	s0 =	rddreg [dreg:$0x7]  }
0x281: {  	s22 =	sor.u32 $0x30, s3;
	s0 =	sadd.s32 s20, s0  }
0x282: {  	s21 =	sor.u32 $0x20, s3;
	s23 =	sadd.s32 s22, s0  }
0x283: {  	s20 =	sor.u32 $0x10, s3;
	s24 =	sadd.s32 s21, s0;
	v7 =	vld [tilespmem:s23+$0x0]  }
0x284: {  	s26 =	sadd.s32 s20, s0;
	v8 =	vld [tilespmem:s24+$0x0]  }
0x285: {  	s28 =	sadd.s32 s3, s0;
	s25 =	sadd.s32 $0x80, s0;
	v9 =	vld [tilespmem:s26+$0x0]  }
0x286: {  	v10 =	vld [tilespmem:s28+$0x0];
	s29 =	sadd.s32 s22, s25  }
0x287: {  	s23 =	sadd.s32 $0x100, s0;
	s26 =	sadd.s32 s21, s25;
	v11 =	vld [tilespmem:s29+$0x0]  }
0x288: {  	s0 =	sadd.s32 $0x180, s0;
	s30 =	sadd.s32 s22, s23;
	v14 =	vld [tilespmem:s26+$0x0]  }
0x289: {  	s31 =	sadd.s32 s22, s0;
	v12 =	vld [tilespmem:s30+$0x0]  }
0x28a: {  	s26 =	sadd.s32 s21, s23;
	v13 =	vld [tilespmem:s31+$0x0]  }
0x28b: {  	s28 =	sadd.s32 s21, s0;
	v15 =	vld [tilespmem:s26+$0x0]  }
0x28c: {  	s29 =	sadd.s32 s20, s25;
	v16 =	vld [tilespmem:s28+$0x0]  }
0x28d: {  	s25 =	sadd.s32 s3, s25;
	v17 =	vld [tilespmem:s29+$0x0]  }
0x28e: {  	s30 =	sadd.s32 s20, s23;
	v20 =	vld [tilespmem:s25+$0x0];
	v22 =	vshrl.u32 v9, $0x10  }
0x28f: {  	s31 =	sadd.s32 s20, s0;
	v18 =	vld [tilespmem:s30+$0x0];
	v23 =	vshrl.u32 v8, $0x10;
	v24 =	vshrl.u32 v7, $0x10;
	v25 =	vshrl.u32 v10, $0x10  }
0x290: {  	s23 =	sadd.s32 s3, s23;
	v19 =	vld [tilespmem:s31+$0x0];
	v24 =	vand.u32 $0x1, v24;
	v27 =	vshrl.u32 v11, $0x10;
	v23 =	vand.u32 $0x1, v23  }
0x291: {  	s0 =	sadd.s32 s3, s0;
	v21 =	vld [tilespmem:s23+$0x0];
	v30 =	vshrl.u32 v14, $0x10;
	v22 =	vand.u32 $0x1, v22;
	v25 =	vand.u32 $0x1, v25  }
0x292: {  	v26 =	vld [tilespmem:s0+$0x0];
	v28 =	vshrl.u32 v12, $0x10;
	v29 =	vshrl.u32 v13, $0x10;
	v31 =	vshrl.u32 v15, $0x10  }
0x293: {  	v32 =	vshrl.u32 v16, $0x10;
	v33 =	vshrl.u32 v17, $0x10;
	v35 =	vshrl.u32 v20, $0x10  }
0x294: {  	v7 =	vadd.s32 v24, v7;
	v24 =	vand.u32 $0x1, v27;
	v8 =	vadd.s32 v23, v8  }
0x295: {  	v23 =	vand.u32 $0x1, v30;
	v9 =	vadd.s32 v22, v9;
	v10 =	vadd.s32 v25, v10  }
0x296: {  	v34 =	vshrl.u32 v18, $0x10;
	v36 =	vshrl.u32 v19, $0x10;
	v37 =	vshrl.u32 v21, $0x10  }
0x297: {  	v38 =	vshrl.u32 v26, $0x10;
	v27 =	vand.u32 $0x1, v28;
	v28 =	vand.u32 $0x1, v29  }
0x298: {  	v29 =	vand.u32 $0x1, v31;
	v22 =	vand.u32 $0x1, v33;
	v30 =	vand.u32 $0x1, v32  }
0x299: {  	v55 =	vand.u32 $0x1, v35;
	v7 =	vadd.s32 $0x7FFF, v7;
	v11 =	vadd.s32 v24, v11  }
0x29a: {  	v8 =	vadd.s32 $0x7FFF, v8;
	v14 =	vadd.s32 v23, v14;
	v9 =	vadd.s32 $0x7FFF, v9  }
0x29b: {  	v10 =	vadd.s32 $0x7FFF, v10;
	v25 =	vand.u32 $0x1, v34;
	v31 =	vand.u32 $0x1, v36  }
0x29c: {  	v56 =	vand.u32 $0x1, v37;
	v57 =	vand.u32 $0x1, v38;
	v12 =	vadd.s32 v27, v12  }
0x29d: {  	v13 =	vadd.s32 v28, v13;
	v15 =	vadd.s32 v29, v15;
	v16 =	vadd.s32 v30, v16  }
0x29e: {  	v17 =	vadd.s32 v22, v17;
	v20 =	vadd.s32 v55, v20;
	v7 =	vand.u32 $0xFFFF0000, v7  }
0x29f: {  	s24 =	sand.u32 $0x780, s18;
	v11 =	vadd.s32 $0x7FFF, v11;
	v8 =	vand.u32 $0xFFFF0000, v8;
	v14 =	vadd.s32 $0x7FFF, v14  }
0x2a0: {  	s0 =	sor.u32 $0x10000, s24;
	v9 =	vand.u32 $0xFFFF0000, v9;
	v10 =	vand.u32 $0xFFFF0000, v10;
	v18 =	vadd.s32 v25, v18  }
0x2a1: {  	s25 =	sor.u32 s22, s0;
	v19 =	vadd.s32 v31, v19;
	v21 =	vadd.s32 v56, v21;
	v22 =	vadd.s32 v57, v26  }
0x2a2: {  	s28 =	rddreg [dreg:$0x7];
	s26 =	sor.u32 s21, s0;
	v23 =	vld [tilespmem:s25+$0x0];
	v12 =	vadd.s32 $0x7FFF, v12;
	v13 =	vadd.s32 $0x7FFF, v13;
	v15 =	vadd.s32 $0x7FFF, v15  }
0x2a3: {  	s0 =	sor.u32 s20, s0;
	s21 =	simm.s32 $0x40;
	s22 =	simm.s32 $0x200;
	v24 =	vld [tilespmem:s26+$0x0];
	v16 =	vadd.s32 $0x7FFF, v16;
	v17 =	vadd.s32 $0x7FFF, v17;
	v20 =	vadd.s32 $0x7FFF, v20  }
0x2a4: {  	s20 =	simm.s32 $0x10000;
	s29 =	sand.u32 $0x3C00, s22;
	s26 =	sand.u32 $0x40, s21;
	v25 =	vld [tilespmem:s0+$0x0];
	v11 =	vand.u32 $0xFFFF0000, v11;
	v14 =	vand.u32 $0xFFFF0000, v14;
	v18 =	vadd.s32 $0x7FFF, v18  }
0x2a5: {  	s23 =	sor.u32 $0x30, s26;
	v26 =	vld [tilespmem:s20+$0x0];
	s0 =	sadd.s32 s29, s28;
	v19 =	vadd.s32 $0x7FFF, v19;
	v21 =	vadd.s32 $0x7FFF, v21;
	v22 =	vadd.s32 $0x7FFF, v22  }
0x2a6: {  	s25 =	sor.u32 $0x10, s26;
	s30 =	sadd.s32 s23, s0;
	v12 =	vand.u32 $0xFFFF0000, v12;
	v13 =	vand.u32 $0xFFFF0000, v13;
	v15 =	vand.u32 $0xFFFF0000, v15  }
0x2a7: {  	s24 =	sor.u32 $0x20, s26;
	s31 =	sadd.s32 s25, s0;
	v17 =	vand.u32 $0xFFFF0000, v17;
	v16 =	vand.u32 $0xFFFF0000, v16;
	v20 =	vand.u32 $0xFFFF0000, v20;
	v27 =	vld [tilespmem:s30+$0x0]  }
0x2a8: {  	s28 =	sadd.s32 s24, s0;
	s29 =	sadd.s32 $0x80, s0;
	s30 =	sadd.s32 s26, s0;
	v29 =	vld [tilespmem:s31+$0x0];
	v18 =	vand.u32 $0xFFFF0000, v18;
	v7 =	vmul.f32 v7, v23;
	v8 =	vmul.f32 v8, v24  }
0x2a9: {  	s3 =	sadd.s32 $0x100, s0;
	s31 =	sadd.s32 s23, s29;
	v21 =	vand.u32 $0xFFFF0000, v21;
	s0 =	sadd.s32 $0x180, s0;
	v30 =	vld [tilespmem:s30+$0x0];
	v14 =	vmul.f32 v14, v24;
	v31 =	vmul.f32 v11, v23  }
0x2aa: {  	v19 =	vand.u32 $0xFFFF0000, v19;
	v58 =	vld [tilespmem:s31+$0x0];
	s31 =	sadd.s32 s23, s0;
	v9 =	vmul.f32 v9, v25;
	v10 =	vmul.f32 v10, v26  }
0x2ab: {  	s30 =	sadd.s32 s23, s3;
	v60 =	vld [tilespmem:s31+$0x0];
	v11 =	vmul.f32 v20, v26;
	v20 =	vand.u32 $0xFFFF0000, v22;
	v21 =	vmul.f32 v21, v26  }
0x2ac: {  	v59 =	vld [tilespmem:s30+$0x0];
	s30 =	sadd.s32 s24, s29;
	v17 =	vmul.f32 v17, v25;
	v20 =	vmul.f32 v20, v26;
	v10 =	vadd.f32 v10, v5  }
0x2ad: {  	v18 =	vmul.f32 v18, v25;
	v61 =	vld [tilespmem:s30+$0x0];
	v22 =	vadd.f32 v11, v5;
	v21 =	vadd.f32 v21, v5  }
0x2ae: {  	v15 =	vmul.f32 v15, v24;
	v20 =	vadd.f32 v20, v5;
	v9 =	vadd.f32 v9, v10  }
0x2af: {  	v19 =	vmul.f32 v19, v25;
	v17 =	vadd.f32 v17, v22;
	v18 =	vadd.f32 v18, v21  }
0x2b0: {  	v21 =	vshrl.u32 v27, $0x10;
	v22 =	vshrl.u32 v30, $0x10;
	v25 =	vshrl.u32 v60, $0x10  }
0x2b1: {  	v19 =	vadd.f32 v19, v20;
	v20 =	vmul.f32 v16, v24;
	v21 =	vand.u32 $0x1, v21  }
0x2b2: {  	v28 =	vld [tilespmem:s28+$0x0];
	s30 =	sadd.s32 s24, s3;
	v24 =	vshrl.u32 v59, $0x10;
	v26 =	vshrl.u32 v61, $0x10;
	v22 =	vand.u32 $0x1, v22  }
0x2b3: {  	s28 =	sadd.s32 s24, s0;
	v11 =	vld [tilespmem:s30+$0x0];
	v45 =	vand.u32 $0x1, v25;
	v8 =	vadd.f32 v8, v9;
	v9 =	vadd.f32 v14, v17  }
0x2b4: {  	s31 =	sadd.s32 s25, s29;
	v10 =	vld [tilespmem:s28+$0x0];
	v17 =	vmul.f32 v12, v23;
	v15 =	vadd.f32 v15, v18;
	v27 =	vadd.s32 v21, v27  }
0x2b5: {  	s30 =	sadd.s32 s25, s3;
	v16 =	vld [tilespmem:s31+$0x0];
	v24 =	vand.u32 $0x1, v24;
	v34 =	vadd.s32 v22, v30;
	v19 =	vadd.f32 v20, v19  }
0x2b6: {  	s29 =	sadd.s32 s26, s29;
	v14 =	vld [tilespmem:s30+$0x0];
	v20 =	vmul.f32 v13, v23;
	v23 =	vshrl.u32 v58, $0x10;
	v12 =	vadd.f32 v7, v8  }
0x2b7: {  	v18 =	vld [tilespmem:s29+$0x0];
	v24 =	vadd.s32 v24, v59;
	v9 =	vadd.f32 v31, v9;
	v8 =	vadd.f32 v17, v15  }
0x2b8: {  	s31 =	sadd.s32 s25, s0;
	v31 =	vshrl.u32 v11, $0x10;
	v44 =	vand.u32 $0x1, v23;
	v7 =	vadd.f32 v20, v19  }
0x2b9: {  	s3 =	sadd.s32 s26, s3;
	v13 =	vld [tilespmem:s31+$0x0];
	v19 =	vshrl.u32 v29, $0x10;
	v20 =	vshrl.u32 v28, $0x10;
	v62 =	vshrl.u32 v10, $0x10  }
0x2ba: {  	s0 =	sadd.s32 s26, s0;
	v17 =	vld [tilespmem:s3+$0x0];
	v23 =	vand.u32 $0x1, v31;
	v31 =	vadd.s32 $0x7FFF, v27;
	v27 =	vadd.s32 v44, v58  }
0x2bb: {  	v15 =	vld [tilespmem:s0+$0x0];
	v20 =	vand.u32 $0x1, v20;
	v19 =	vand.u32 $0x1, v19;
	v63 =	vshrl.u32 v16, $0x10  }
0x2bc: {  	v39 =	vshrl.u32 v14, $0x10;
	v40 =	vshrl.u32 v18, $0x10;
	v20 =	vadd.s32 v20, v28  }
0x2bd: {  	v28 =	vand.u32 $0x1, v26;
	v32 =	vadd.s32 v19, v29;
	v29 =	vand.u32 $0x1, v63  }
0x2be: {  	v19 =	vand.u32 $0x1, v62;
	v41 =	vshrl.u32 v13, $0x10;
	v25 =	vand.u32 $0x1, v39  }
0x2bf: {  	v30 =	vand.u32 $0x1, v40;
	v33 =	vadd.s32 $0x7FFF, v20;
	v28 =	vadd.s32 v28, v61  }
0x2c0: {  	v20 =	vadd.s32 v45, v60;
	v42 =	vshrl.u32 v17, $0x10;
	v43 =	vshrl.u32 v15, $0x10  }
0x2c1: {  	s26 =	simm.s32 $0x80;
	v21 =	vand.u32 $0x1, v41;
	v26 =	vand.u32 $0x1, v42;
	v22 =	vand.u32 $0x1, v43  }
.LBB2_17:
0x2c2: {  	v32 =	vadd.s32 $0x7FFF, v32  }
0x2c3: {  	v11 =	vadd.s32 v23, v11;
	v10 =	vadd.s32 v19, v10;
	v16 =	vadd.s32 v29, v16  }
0x2c4: {  	v14 =	vadd.s32 v25, v14;
	v13 =	vadd.s32 v21, v13;
	v19 =	vadd.s32 $0x7FFF, v34  }
0x2c5: {  	v18 =	vadd.s32 v30, v18;
	v17 =	vadd.s32 v26, v17;
	v15 =	vadd.s32 v22, v15  }
0x2c6: {  	s0 =	sand.u32 $0x780, s21;
	v22 =	vand.u32 $0xFFFF0000, v31;
	v23 =	vadd.s32 $0x7FFF, v27;
	v25 =	vand.u32 $0xFFFF0000, v33  }
0x2c7: {  	v24 =	vadd.s32 $0x7FFF, v24;
	v20 =	vadd.s32 $0x7FFF, v20;
	v27 =	vadd.s32 $0x7FFF, v28;
	s20 =	sadd.s32 $0x40, s20;
	s0 =	sor.u32 $0x10000, s0  }
0x2c8: {  	v11 =	vadd.s32 $0x7FFF, v11;
	v10 =	vadd.s32 $0x7FFF, v10;
	v29 =	vand.u32 $0xFFFF0000, v32;
	v30 =	vld [tilespmem:s20+$0x0];
	s3 =	sor.u32 s23, s0  }
0x2c9: {  	v16 =	vadd.s32 $0x7FFF, v16;
	v14 =	vadd.s32 $0x7FFF, v14;
	v19 =	vand.u32 $0xFFFF0000, v19;
	s23 =	sor.u32 s24, s0;
	v21 =	vld [tilespmem:s3+$0x0]  }
0x2ca: {  	v18 =	vadd.s32 $0x7FFF, v18;
	v13 =	vadd.s32 $0x7FFF, v13;
	v17 =	vadd.s32 $0x7FFF, v17;
	s0 =	sor.u32 s25, s0;
	v26 =	vld [tilespmem:s23+$0x0]  }
0x2cb: {  	s22 =	sadd.s32 $0x200, s22;
	v15 =	vadd.s32 $0x7FFF, v15;
	v23 =	vand.u32 $0xFFFF0000, v23;
	v24 =	vand.u32 $0xFFFF0000, v24;
	v28 =	vld [tilespmem:s0+$0x0]  }
0x2cc: {  	s28 =	sand.u32 $0x40, s26;
	s29 =	sand.u32 $0x3C00, s22;
	v20 =	vand.u32 $0xFFFF0000, v20;
	v27 =	vand.u32 $0xFFFF0000, v27;
	s24 =	rddreg [dreg:$0x7];
	v60 =	vand.u32 $0xFFFF0000, v11  }
0x2cd: {  	v11 =	vand.u32 $0xFFFF0000, v16;
	v16 =	vand.u32 $0xFFFF0000, v10;
	v18 =	vand.u32 $0xFFFF0000, v18;
	s0 =	sadd.s32 s29, s24;
	s23 =	sor.u32 $0x30, s28  }
0x2ce: {  	s25 =	sor.u32 $0x10, s28;
	v15 =	vand.u32 $0xFFFF0000, v15;
	s24 =	sor.u32 $0x20, s28;
	s30 =	sadd.s32 s23, s0;
	v10 =	vmul.f32 v19, v30;
	v18 =	vmul.f32 v18, v30  }
0x2cf: {  	v14 =	vand.u32 $0xFFFF0000, v14;
	s29 =	sadd.s32 s24, s0;
	s3 =	sadd.s32 s25, s0;
	s31 =	sadd.s32 s28, s0;
	v31 =	vld [tilespmem:s30+$0x0];
	v15 =	vmul.f32 v15, v30;
	v22 =	vmul.f32 v22, v21  }
0x2d0: {  	v17 =	vand.u32 $0xFFFF0000, v17;
	s30 =	sadd.s32 $0x80, s0;
	v62 =	vld [tilespmem:s3+$0x0];
	s3 =	sadd.s32 $0x100, s0;
	s0 =	sadd.s32 $0x180, s0;
	v25 =	vmul.f32 v25, v26;
	v29 =	vmul.f32 v29, v28  }
0x2d1: {  	v13 =	vand.u32 $0xFFFF0000, v13;
	v61 =	vld [tilespmem:s29+$0x0];
	s29 =	sadd.s32 s23, s0;
	v19 =	vmul.f32 v27, v26;
	v23 =	vmul.f32 v23, v21  }
0x2d2: {  	v38 =	vld [tilespmem:s29+$0x0];
	v36 =	vmul.f32 v11, v28;
	v11 =	vmul.f32 v17, v30;
	v10 =	vadd.f32 v10, v12  }
0x2d3: {  	v35 =	vld [tilespmem:s31+$0x0];
	s31 =	sadd.s32 s23, s30;
	v9 =	vadd.f32 v18, v9;
	v7 =	vadd.f32 v15, v7;
	v13 =	vmul.f32 v13, v28  }
0x2d4: {  	v27 =	vld [tilespmem:s31+$0x0];
	s31 =	sadd.s32 s23, s3;
	v12 =	vmul.f32 v14, v28;
	v8 =	vadd.f32 v11, v8;
	v14 =	vadd.f32 v29, v10  }
0x2d5: {  	v15 =	vmul.f32 v60, v26;
	v37 =	vld [tilespmem:s31+$0x0];
	s31 =	sadd.s32 s24, s30;
	v9 =	vadd.f32 v36, v9;
	v7 =	vadd.f32 v13, v7  }
0x2d6: {  	s29 =	sadd.s32 s24, s0;
	v39 =	vld [tilespmem:s31+$0x0];
	v8 =	vadd.f32 v12, v8;
	v12 =	vmul.f32 v16, v26;
	v17 =	vadd.f32 v25, v14  }
0x2d7: {  	v10 =	vld [tilespmem:s29+$0x0];
	v9 =	vadd.f32 v19, v9;
	v19 =	vmul.f32 v24, v21;
	v25 =	vshrl.u32 v38, $0x10  }
0x2d8: {  	v45 =	vand.u32 $0x1, v25;
	v8 =	vadd.f32 v15, v8;
	v7 =	vadd.f32 v12, v7  }
0x2d9: {  	s31 =	sadd.s32 s24, s3;
	v15 =	vmul.f32 v20, v21;
	v12 =	vadd.f32 v22, v17;
	v9 =	vadd.f32 v23, v9  }
0x2da: {  	v11 =	vld [tilespmem:s31+$0x0];
	v20 =	vshrl.u32 v61, $0x10;
	v21 =	vshrl.u32 v31, $0x10;
	v22 =	vshrl.u32 v35, $0x10  }
0x2db: {  	s31 =	sadd.s32 s25, s30;
	v23 =	vshrl.u32 v27, $0x10;
	v24 =	vshrl.u32 v37, $0x10;
	v21 =	vand.u32 $0x1, v21  }
0x2dc: {  	s30 =	sadd.s32 s28, s30;
	v16 =	vld [tilespmem:s31+$0x0];
	v20 =	vand.u32 $0x1, v20;
	v26 =	vshrl.u32 v39, $0x10;
	v30 =	vshrl.u32 v10, $0x10  }
0x2dd: {  	s31 =	sadd.s32 s25, s3;
	v18 =	vld [tilespmem:s30+$0x0];
	v22 =	vand.u32 $0x1, v22;
	v44 =	vand.u32 $0x1, v23;
	v24 =	vand.u32 $0x1, v24  }
0x2de: {  	v14 =	vld [tilespmem:s31+$0x0];
	s31 =	sadd.s32 s25, s0;
	v8 =	vadd.f32 v19, v8;
	v7 =	vadd.f32 v15, v7;
	v19 =	vshrl.u32 v62, $0x10  }
0x2df: {  	s3 =	sadd.s32 s28, s3;
	v13 =	vld [tilespmem:s31+$0x0];
	v28 =	vshrl.u32 v11, $0x10;
	v31 =	vadd.s32 v21, v31;
	v20 =	vadd.s32 v20, v61  }
0x2e0: {  	s0 =	sadd.s32 s28, s0;
	v17 =	vld [tilespmem:s3+$0x0];
	v46 =	vand.u32 $0x1, v26;
	v34 =	vadd.s32 v22, v35;
	v27 =	vadd.s32 v44, v27  }
0x2e1: {  	v15 =	vld [tilespmem:s0+$0x0];
	v24 =	vadd.s32 v24, v37;
	v19 =	vand.u32 $0x1, v19;
	v29 =	vshrl.u32 v16, $0x10  }
0x2e2: {  	p0 =	sne.s32 s26, $0x7C0;
	v40 =	vshrl.u32 v18, $0x10;
	v23 =	vand.u32 $0x1, v28;
	v31 =	vadd.s32 $0x7FFF, v31  }
.Ltmp7:
0x2e3: {  	v33 =	vadd.s32 $0x7FFF, v20;
	v28 =	vadd.s32 v46, v39;
	v20 =	vadd.s32 v45, v38;
	(pc) =	sbr.rel @p0 .LBB2_17-.Ltmp7, $4  }
0x2e4: {  	v63 =	vshrl.u32 v14, $0x10;
	v32 =	vadd.s32 v19, v62;
	v29 =	vand.u32 $0x1, v29  }
0x2e5: {  	v19 =	vand.u32 $0x1, v30;
	v30 =	vand.u32 $0x1, v40;
	v41 =	vshrl.u32 v13, $0x10  }
0x2e6: {  	v42 =	vshrl.u32 v17, $0x10;
	v25 =	vand.u32 $0x1, v63;
	v43 =	vshrl.u32 v15, $0x10  }
0x2e7: {  	s21 =	smov.u32 s26;
	s26 =	sadd.s32 $0x40, s26;
	v21 =	vand.u32 $0x1, v41;
	v26 =	vand.u32 $0x1, v42;
	v22 =	vand.u32 $0x1, v43  }
0x2e8: {  	s0 =	sand.u32 $0x780, s21;
	s3 =	sadd.s32 $0x40, s20  }
0x2e9: {  	s0 =	sor.u32 $0x10000, s0;
	v35 =	vld [tilespmem:s3+$0x0]  }
0x2ea: {  	s26 =	sor.u32 s25, s0  }
0x2eb: {  	v36 =	vld [tilespmem:s26+$0x0]  }
0x2ec: {  	v34 =	vadd.s32 $0x7FFF, v34;
	s28 =	sor.u32 s24, s0  }
0x2ed: {  	v34 =	vand.u32 $0xFFFF0000, v34;
	v37 =	vld [tilespmem:s28+$0x0]  }
0x2ee: {  	v32 =	vadd.s32 $0x7FFF, v32;
	s0 =	sor.u32 s23, s0;
	v34 =	vmul.f32 v34, v35  }
0x2ef: {  	v32 =	vand.u32 $0xFFFF0000, v32;
	v38 =	vld [tilespmem:s0+$0x0]  }
0x2f0: {  	v12 =	vadd.f32 v34, v12;
	v32 =	vmul.f32 v32, v36  }
0x2f1: {  	v33 =	vand.u32 $0xFFFF0000, v33  }
0x2f2: {  	v62 =	vmul.f32 v33, v37;
	v12 =	vadd.f32 v32, v12  }
0x2f3: {  	v31 =	vand.u32 $0xFFFF0000, v31  }
0x2f4: {  	v31 =	vmul.f32 v31, v38;
	v12 =	vadd.f32 v62, v12;
	_ =	sdelay $0x1  }
0x2f5: {  	v12 =	vadd.f32 v31, v12;
	_ =	sdelay $0x1  }
0x2f6: {  	[tilespmem:$0x10880] =	vst v12  }
0x2f7: {  	v63 =	vld.idx.msk [tilespmem:v0+s14+$0x0], $0xffff;
	_ =	sdelay $0x4  }
0x2f8: {  	v12 =	vadd.f32 v63, v12;
	_ =	sdelay $0x1  }
0x2f9: {  	[tilespmem:$0x10880] =	vst v12  }
0x2fa: {  	v33 =	vld.idx.msk [tilespmem:v1+s14+$0x0], $0xffff;
	_ =	sdelay $0x2  }
0x2fb: {  	v18 =	vadd.s32 v30, v18  }
0x2fc: {  	v18 =	vadd.s32 $0x7FFF, v18  }
0x2fd: {  	v16 =	vadd.s32 v29, v16;
	v18 =	vand.u32 $0xFFFF0000, v18;
	v12 =	vadd.f32 v33, v12  }
0x2fe: {  	v16 =	vadd.s32 $0x7FFF, v16;
	v18 =	vmul.f32 v18, v35  }
0x2ff: {  	v16 =	vand.u32 $0xFFFF0000, v16;
	[tilespmem:$0x10880] =	vst v12  }
0x300: {  	v28 =	vadd.s32 $0x7FFF, v28;
	v16 =	vmul.f32 v16, v36;
	v9 =	vadd.f32 v18, v9;
	v34 =	vld.idx.msk [tilespmem:v2+s14+$0x0], $0xffff  }
0x301: {  	v39 =	vand.u32 $0xFFFF0000, v28  }
0x302: {  	v27 =	vadd.s32 $0x7FFF, v27;
	v18 =	vmul.f32 v39, v37;
	v9 =	vadd.f32 v16, v9  }
0x303: {  	v40 =	vand.u32 $0xFFFF0000, v27  }
0x304: {  	v16 =	vmul.f32 v40, v38;
	v9 =	vadd.f32 v18, v9  }
0x305: {  	v12 =	vadd.f32 v34, v12  }
0x306: {  	v9 =	vadd.f32 v16, v9  }
0x307: {  	[tilespmem:$0x10880] =	vst v12  }
0x308: {  	v41 =	vld.idx.msk [tilespmem:v3+s14+$0x0], $0xffff;
	[tilespmem:$0x10880] =	vst v9  }
0x309: {  	v42 =	vld.idx.msk [tilespmem:v0+s14+$0x0], $0xffff;
	_ =	sdelay $0x4  }
0x30a: {  	v9 =	vadd.f32 v42, v9;
	_ =	sdelay $0x1  }
0x30b: {  	[tilespmem:$0x10880] =	vst v9  }
0x30c: {  	v43 =	vld.idx.msk [tilespmem:v1+s14+$0x0], $0xffff;
	_ =	sdelay $0x2  }
0x30d: {  	v17 =	vadd.s32 v26, v17  }
0x30e: {  	v17 =	vadd.s32 $0x7FFF, v17  }
0x30f: {  	v14 =	vadd.s32 v25, v14;
	v17 =	vand.u32 $0xFFFF0000, v17;
	v9 =	vadd.f32 v43, v9  }
0x310: {  	v14 =	vadd.s32 $0x7FFF, v14;
	v17 =	vmul.f32 v17, v35  }
0x311: {  	v11 =	vadd.s32 v23, v11;
	v14 =	vand.u32 $0xFFFF0000, v14;
	[tilespmem:$0x10880] =	vst v9  }
0x312: {  	v11 =	vadd.s32 $0x7FFF, v11;
	v14 =	vmul.f32 v14, v36;
	v8 =	vadd.f32 v17, v8;
	v44 =	vld.idx.msk [tilespmem:v2+s14+$0x0], $0xffff  }
0x313: {  	v11 =	vand.u32 $0xFFFF0000, v11  }
0x314: {  	v45 =	vadd.s32 $0x7FFF, v24;
	v11 =	vmul.f32 v11, v37;
	v8 =	vadd.f32 v14, v8  }
0x315: {  	v46 =	vand.u32 $0xFFFF0000, v45  }
0x316: {  	v14 =	vmul.f32 v46, v38;
	v8 =	vadd.f32 v11, v8  }
0x317: {  	v9 =	vadd.f32 v44, v9  }
0x318: {  	v8 =	vadd.f32 v14, v8  }
0x319: {  	[tilespmem:$0x10880] =	vst v9  }
0x31a: {  	v47 =	vld.idx.msk [tilespmem:v3+s14+$0x0], $0xffff;
	[tilespmem:$0x10880] =	vst v8  }
0x31b: {  	v48 =	vld.idx.msk [tilespmem:v0+s14+$0x0], $0xffff;
	_ =	sdelay $0x4  }
0x31c: {  	v8 =	vadd.f32 v48, v8;
	_ =	sdelay $0x1  }
0x31d: {  	[tilespmem:$0x10880] =	vst v8  }
0x31e: {  	v49 =	vld.idx.msk [tilespmem:v1+s14+$0x0], $0xffff;
	_ =	sdelay $0x2  }
0x31f: {  	v15 =	vadd.s32 v22, v15  }
0x320: {  	v15 =	vadd.s32 $0x7FFF, v15  }
0x321: {  	v13 =	vadd.s32 v21, v13;
	v50 =	vand.u32 $0xFFFF0000, v15;
	v8 =	vadd.f32 v49, v8  }
0x322: {  	v13 =	vadd.s32 $0x7FFF, v13;
	v14 =	vmul.f32 v50, v35  }
0x323: {  	v10 =	vadd.s32 v19, v10;
	v13 =	vand.u32 $0xFFFF0000, v13;
	[tilespmem:$0x10880] =	vst v8  }
0x324: {  	v10 =	vadd.s32 $0x7FFF, v10;
	v13 =	vmul.f32 v13, v36;
	v7 =	vadd.f32 v14, v7;
	v51 =	vld.idx.msk [tilespmem:v2+s14+$0x0], $0xffff  }
0x325: {  	v10 =	vand.u32 $0xFFFF0000, v10  }
0x326: {  	v52 =	vadd.s32 $0x7FFF, v20;
	v10 =	vmul.f32 v10, v37;
	v7 =	vadd.f32 v13, v7  }
0x327: {  	v53 =	vand.u32 $0xFFFF0000, v52  }
0x328: {  	v54 =	vmul.f32 v53, v38;
	v7 =	vadd.f32 v10, v7  }
0x329: {  	v8 =	vadd.f32 v51, v8  }
0x32a: {  	v7 =	vadd.f32 v54, v7  }
0x32b: {  	[tilespmem:$0x10880] =	vst v8  }
0x32c: {  	v55 =	vld.idx.msk [tilespmem:v3+s14+$0x0], $0xffff;
	[tilespmem:$0x10880] =	vst v7  }
0x32d: {  	v56 =	vld.idx.msk [tilespmem:v0+s14+$0x0], $0xffff;
	_ =	sdelay $0x4  }
0x32e: {  	v7 =	vadd.f32 v56, v7;
	_ =	sdelay $0x1  }
0x32f: {  	[tilespmem:$0x10880] =	vst v7  }
0x330: {  	v57 =	vld.idx.msk [tilespmem:v1+s14+$0x0], $0xffff;
	_ =	sdelay $0x4  }
0x331: {  	v7 =	vadd.f32 v57, v7;
	_ =	sdelay $0x1  }
0x332: {  	[tilespmem:$0x10880] =	vst v7  }
0x333: {  	v58 =	vld.idx.msk [tilespmem:v2+s14+$0x0], $0xffff;
	_ =	sdelay $0x4  }
0x334: {  	v7 =	vadd.f32 v58, v7;
	_ =	sdelay $0x1  }
0x335: {  	[tilespmem:$0x10880] =	vst v7  }
0x336: {  	s29 =	sshll.u32 s19, $0x2;
	v59 =	vld.idx.msk [tilespmem:v3+s14+$0x0], $0xffff  }
0x337: {  	s31 =	sshllo.u32 s19, $0x2;
	s19 =	sadd.s32 $0x1, s19;
	v60 =	vmov s29;
	s30 =	sor.u32 $0x1, s29  }
0x338: {  	p0 =	sne.s32 s19, $0x4;
	vm0 =	veq.s32 v60, v4;
	v61 =	vmov s30;
	s0 =	sor.u32 $0x2, s29;
	v12 =	vadd.f32 v41, v12  }
.Ltmp8:
0x339: {  	vm13 =	veq.s32 v61, v4;
	v62 =	vmov s0;
	v9 =	vadd.f32 v47, v9;
	(pc) =	sbr.rel @p0 .LBB2_16-.Ltmp8, $4  }
0x33a: {  	vm14 =	veq.s32 v62, v4;
	v6 =	vsel vm0, v12, v6;
	v8 =	vadd.f32 v55, v8  }
0x33b: {  	v63 =	vmov s31;
	v6 =	vsel vm13, v9, v6;
	v7 =	vadd.f32 v59, v7  }
0x33c: {  	vm15 =	veq.s32 v63, v4;
	v6 =	vsel vm14, v8, v6  }
0x33d: {  	v6 =	vsel vm15, v7, v6  }
0x33e: {  	s17 =	sadd.s32 $0x1, s17  }
0x33f: {  	p0 =	sne.s32 s17, s9  }
.Ltmp9:
0x340: {  	[tilespmem:$0x10830] =	vst v6;
	(pc) =	sbr.rel @p0 .LBB2_1-.Ltmp9, $4  }
0x341: {  	[hbm4b:s8+s2] =	stream.linear.scatter [tilespmem:s16], [sflag:$0x3], $0x40, $0x38;
	[tilespmem:$0x10900] =	vst v63  }
0x342: {  	_ =	swait.ge [sflag:s11], $0x40  }
0x343: {  	[sflag:s11] =	ssyncset.done $0x0  }
0x344: {  	[sflag:s11] =	ssyncadd.s32 $0xFFFFFFC0  }
0x345: {  	_ =	sfence.sel $0x180000  }
0x346: {  	[bflag:$0x0] =	sbarrier.arrive $0xFFFF  }
0x347: {  	_ =	strace $0x90000047  }
0x348: {  	s0 =	stileid.u32;
	[bflag:$0x2] =	sbarrier.arrive $0xFFFF  }
0x349: {  	p0 =	sne.s32 s0, $0x0;
	s0 =	rddreg [dreg:$0x3]  }
0x34a: {  	s0 =	sadd.s32 @!p0 $0x100000, s0  }
0x34b: {  	[sflag:s0] =	ssyncadd.tile.s32 @!p0 $0x1;
	_ =	shalt  }
.Lfunc_end2:
_tile_overlayer_lowered:
.L_overlay_start_2:
0x34c: {  	(tag) =	ssettag $0x2  }
0x34d: {  	s0 =	rddreg [dreg:$0x0];
	s2 =	stileid.u32  }
0x34e: {  	s1 =	rddreg [dreg:$0x1];
	p0 =	sne.s32 s2, $0x0  }
0x34f: {  	s3 =	rddreg [dreg:$0x2];
	[bflag:$0x3] =	sbarrier.arrive $0xFFFF;
	s2 =	simm.s32 @!p0 $0x1C03  }
0x350: {  	[timem:s3], [sflag:s2] =	dma.local @!p0 [hbm:s0], s1  }
0x351: {  	s0 =	simm.s32 @!p0 $0x3  }
0x352: {  	_ =	swait.ge @!p0 [sflag:s0], s1  }
0x353: {  	s1 =	ssub.s32 @!p0 $0x0, s1;
	[sflag:s0] =	ssyncset.done @!p0 $0x0  }
0x354: {  	[sflag:s0] =	ssyncadd.s32 @!p0 s1  }
0x355: {  	[bflag:$0x3] =	sbarrier.arrive $0xFFFF  }
0x356: {  	_ =	shalt  }

</sc_bundles>
